<compile_context>
chip_gen: v7x
topology: tpu7x:2x2x1
jax: 0.10.2.dev20260603
libtpu: 0.0.44.dev20260713+nightly
codegen_flags: <defaults>
</compile_context>

<pallas_src>
import jax
import jax.numpy as jnp
from jax import lax
from jax.experimental import pallas as pl
from jax.experimental.pallas import tpu as pltpu
from jax.experimental.pallas import tpu_sc as plsc

N = 10000
NS = 16
NPAD = 10240
RPT = NPAD // NS
CH = 128
CZ = 128
D = 128
E = 320000
EPAD = 327680
EH = EPAD // 2
E_TILE_COL = EPAD // NS
E_TILE_EDG = EH // NS
NSLOT = 1
RB = 400
SIG = 0.5



def _seg_sum_sc(table, src, dst, column_split):
    ept = E_TILE_COL if column_split else E_TILE_EDG
    nr = ept // (CH * NSLOT)
    nz = RPT // CZ
    mesh = plsc.VectorSubcoreMesh(core_axis_name="c", subcore_axis_name="s")

    def body(table_r, src_r, dst_r, out_r, acc,
             isx0, isx1, idx0, idx1, rows, *sems):
        isx = (isx0, isx1)
        idx = (idx0, idx1)
        gsem = sems[0:NSLOT]
        ssem = sems[NSLOT:2 * NSLOT]
        c = lax.axis_index("c")
        s = lax.axis_index("s")
        if column_split:
            sbase = c * EPAD + s * ept
            dbase = s * ept
        else:
            sbase = c * EH + s * ept
            dbase = sbase

        def rslot(k):
            return rows.at[pl.ds(k * CH, CH)]

        def stage_fire(b, k):
            e0 = b * CH
            pltpu.sync_copy(src_r.at[pl.ds(sbase + e0, CH)], isx[k])
            pltpu.sync_copy(dst_r.at[pl.ds(dbase + e0, CH)], idx[k])
            pltpu.async_copy(table_r.at[isx[k]], rslot(k), gsem[k])

        def wait_gather(k):
            pltpu.make_async_copy(table_r.at[isx[k]], rslot(k),
                                  gsem[k]).wait()

        def fire_scatter(k):
            pltpu.async_copy(rslot(k), acc.at[idx[k]], ssem[k], add=True)

        def wait_scatter(k):
            pltpu.make_async_copy(rslot(k), acc.at[idx[k]], ssem[k]).wait()

        zero16 = jnp.zeros((16,), jnp.float32)

        def zrow(i, _):
            for k in range(D // 16):
                rows[i, pl.ds(k * 16, 16)] = zero16
            return 0

        lax.fori_loop(0, CZ, zrow, 0)
        for j in range(nz):
            pltpu.sync_copy(rows.at[pl.ds(0, CZ)],
                            acc.at[pl.ds(s * RPT + j * CZ, CZ)])
        plsc.subcore_barrier()

        nit = ept // CH

        def step(i, _):
            e0 = i * CH
            pltpu.sync_copy(src_r.at[pl.ds(sbase + e0, CH)], isx0)
            pltpu.sync_copy(dst_r.at[pl.ds(dbase + e0, CH)], idx0)
            pltpu.async_copy(table_r.at[isx0], rows, gsem[0]).wait()
            pltpu.sync_copy(rows, acc.at[idx0], add=True)
            return 0

        lax.fori_loop(0, nit, step, 0)
        plsc.subcore_barrier()

        for j in range(nz):
            r0 = s * RPT + j * CZ
            pltpu.sync_copy(acc.at[pl.ds(r0, CZ)], rows.at[pl.ds(0, CZ)])
            pltpu.sync_copy(rows.at[pl.ds(0, CZ)],
                            out_r.at[pl.ds(c * NPAD + r0, CZ)])

    f = pl.kernel(
        body,
        out_type=jax.ShapeDtypeStruct((2 * NPAD, D), jnp.float32),
        mesh=mesh,
        scratch_types=[
            pltpu.VMEM_SHARED((NPAD, D), jnp.float32),
            pltpu.VMEM((CH,), jnp.int32),
            pltpu.VMEM((CH,), jnp.int32),
            pltpu.VMEM((CH,), jnp.int32),
            pltpu.VMEM((CH,), jnp.int32),
            pltpu.VMEM((NSLOT * CH, D), jnp.float32),
        ] + [pltpu.SemaphoreType.DMA] * (2 * NSLOT),
    )
    return f(table, src, dst).reshape(2, NPAD, D)



def _spec_part(part):
    return pl.BlockSpec((1, RB, D), lambda i, _p=part: (_p, i, 0))


def _tc_layer1(g0, tra1, W1, W2):

    def body(a, b, tr, w1, w2, out):
        g = a[0] + b[0]
        t = jnp.dot(g, w1[...], preferred_element_type=jnp.float32)
        h = SIG * (jnp.maximum(t, 0.0) + tr[...])
        s2 = jnp.dot(h, w2[...], preferred_element_type=jnp.float32)
        out[0] = s2[:, 0:128]
        out[1] = s2[:, 128:256]

    return pl.pallas_call(
        body,
        grid=(N // RB,),
        in_specs=[
            _spec_part(0),
            _spec_part(1),
            pl.BlockSpec((RB, 256), lambda i: (i, 0)),
            pl.BlockSpec((128, 256), lambda i: (0, 0)),
            pl.BlockSpec((256, 256), lambda i: (0, 0)),
        ],
        out_specs=pl.BlockSpec((2, RB, 128), lambda i: (0, i, 0)),
        out_shape=jax.ShapeDtypeStruct((2, N, 128), jnp.float32),
    )(g0, g0, tra1, W1, W2)


def _tc_layer2(o2, tra2, W3):

    def body(a, b, tr, w, out):
        ha = SIG * (jnp.maximum(a[0], 0.0) + tr[:, 0:128])
        hb = SIG * (jnp.maximum(b[0], 0.0) + tr[:, 128:256])
        s = jnp.dot(ha, w[0:128, :], preferred_element_type=jnp.float32)
        s = s + jnp.dot(hb, w[128:256, :], preferred_element_type=jnp.float32)
        out[...] = s

    return pl.pallas_call(
        body,
        grid=(N // RB,),
        in_specs=[
            _spec_part(0),
            _spec_part(1),
            pl.BlockSpec((RB, 256), lambda i: (i, 0)),
            pl.BlockSpec((256, 128), lambda i: (0, 0)),
        ],
        out_specs=pl.BlockSpec((RB, 128), lambda i: (i, 0)),
        out_shape=jax.ShapeDtypeStruct((N, 128), jnp.float32),
    )(o2, o2, tra2, W3)


def _tc_layer3(o3, tra3, W4):

    def body(a, b, tr, w, out):
        g = a[0] + b[0]
        h = SIG * (jnp.maximum(g, 0.0) + tr[...])
        s = jnp.dot(h, w[...], preferred_element_type=jnp.float32)
        out[...] = jnp.zeros((RB, D), jnp.float32)
        out[:, 0:32] = s

    return pl.pallas_call(
        body,
        grid=(N // RB,),
        in_specs=[
            _spec_part(0),
            _spec_part(1),
            pl.BlockSpec((RB, 128), lambda i: (i, 0)),
            pl.BlockSpec((128, 32), lambda i: (0, 0)),
        ],
        out_specs=pl.BlockSpec((RB, D), lambda i: (i, 0)),
        out_shape=jax.ShapeDtypeStruct((N, D), jnp.float32),
    )(o3, o3, tra3, W4)


def _tc_layer4(o4, z):

    def body(a, b, zr, out):
        g = a[0] + b[0]
        h = SIG * (jnp.maximum(g[:, 0:32], 0.0) + zr[...])
        out[...] = jnp.zeros((RB, D), jnp.float32)
        out[:, 0:32] = h

    return pl.pallas_call(
        body,
        grid=(N // RB,),
        in_specs=[
            _spec_part(0),
            _spec_part(1),
            pl.BlockSpec((RB, 32), lambda i: (i, 0)),
        ],
        out_specs=pl.BlockSpec((RB, D), lambda i: (i, 0)),
        out_shape=jax.ShapeDtypeStruct((N, D), jnp.float32),
    )(o4, o4, z)


def _tc_final(g5, W5):

    def body(a, b, w, out):
        g = a[0] + b[0]
        s = jnp.dot(g[:, 0:32], w[...], preferred_element_type=jnp.float32)
        out[...] = s

    return pl.pallas_call(
        body,
        grid=(N // RB,),
        in_specs=[
            _spec_part(0),
            _spec_part(1),
            pl.BlockSpec((32, 16), lambda i: (0, 0)),
        ],
        out_specs=pl.BlockSpec((RB, 16), lambda i: (i, 0)),
        out_shape=jax.ShapeDtypeStruct((N, 16), jnp.float32),
    )(g5, g5, W5)



def kernel(x, adj, tra1, tra2, tra3, z, W1, W2, W3, W4, W5):
    src = adj[0]
    dst = adj[1]
    pad_e = EPAD - E
    srcp = jnp.concatenate([src, jnp.zeros((pad_e,), jnp.int32)])
    dstp = jnp.concatenate([dst, jnp.full((pad_e,), NPAD - 1, jnp.int32)])
    srcb = jnp.concatenate([srcp, srcp + N])

    g0 = _seg_sum_sc(x, srcp, dstp, column_split=False)
    s2 = _tc_layer1(g0, tra1, W1, W2)
    o2 = _seg_sum_sc(s2.reshape(2 * N, D), srcb, dstp, column_split=True)
    s3 = _tc_layer2(o2, tra2, W3)
    o3 = _seg_sum_sc(s3, srcp, dstp, column_split=False)
    s4 = _tc_layer3(o3, tra3, W4)
    o4 = _seg_sum_sc(s4, srcp, dstp, column_split=False)
    h5 = _tc_layer4(o4, z)
    g5 = _seg_sum_sc(h5, srcp, dstp, column_split=False)
    return _tc_final(g5, W5)

# --- scband reference (transcript-rebuilt; emitter-appended) ---
"""Pipeline reference for scband-gnn-60120952209835 (READ-ONLY COPY).

The authoritative reference and input builder live on the scoring server;
editing this copy changes nothing except your own understanding.
"""

import jax, jax.numpy as jnp
import numpy as np

N = 10000
E = 320000


def _gnn_layer(h, adj, W, activation=True):
    # support = h @ W ; out = spmm(adj, support) with binary adjacency in COO form
    support = h @ W
    src = adj[0]
    dst = adj[1]
    out = jax.ops.segment_sum(support[src], dst, num_segments=N)
    if activation:
        out = jax.nn.relu(out)
    return out


def setup_inputs(seed: int = 0) -> dict:
    key = jax.random.key(seed)
    ks = jax.random.split(key, 11)
    x = jax.random.normal(ks[0], (N, 128), dtype=jnp.float32)
    adj = jax.random.randint(ks[1], (2, E), 0, N, dtype=jnp.int32)
    tra1 = jax.random.normal(ks[2], (N, 256), dtype=jnp.float32)
    tra2 = jax.random.normal(ks[3], (N, 256), dtype=jnp.float32)
    tra3 = jax.random.normal(ks[4], (N, 128), dtype=jnp.float32)
    z = jax.random.normal(ks[5], (N, 32), dtype=jnp.float32)
    # learned parameters (Xavier-ish scaling)
    W1 = jax.random.normal(ks[6], (128, 256), dtype=jnp.float32) * (1.0 / np.sqrt(128))
    W2 = jax.random.normal(ks[7], (256, 256), dtype=jnp.float32) * (1.0 / np.sqrt(256))
    W3 = jax.random.normal(ks[8], (256, 128), dtype=jnp.float32) * (1.0 / np.sqrt(256))
    W4 = jax.random.normal(ks[9], (128, 32), dtype=jnp.float32) * (1.0 / np.sqrt(128))
    W5 = jax.random.normal(ks[10], (32, 16), dtype=jnp.float32) * (1.0 / np.sqrt(32))
    return {"x": x, "adj": adj, "tra1": tra1, "tra2": tra2, "tra3": tra3, "z": z,
            "W1": W1, "W2": W2, "W3": W3, "W4": W4, "W5": W5}


def reference(x, adj, tra1, tra2, tra3, z, W1, W2, W3, W4, W5):
    sigma = 0.5
    h = _gnn_layer(x, adj, W1, activation=True)
    h = _gnn_layer((1 - sigma) * h + sigma * tra1, adj, W2, activation=True)
    h = _gnn_layer((1 - sigma) * h + sigma * tra2, adj, W3, activation=True)
    h = _gnn_layer((1 - sigma) * h + sigma * tra3, adj, W4, activation=True)
    h = _gnn_layer((1 - sigma) * h + sigma * z, adj, W5, activation=False)
    return h

if __name__ == "__main__":
    import jax
    _d = setup_inputs()
    print(jax.jit(kernel)(*tuple(_d.values())))

</pallas_src>

<mosaic_0001>
#map = affine_map<(d0, d1) -> (0, 0)>
#map1 = affine_map<(d0, d1) -> (0)>
module attributes {stable_mosaic.version = 14 : i64} {
  func.func @body(%arg0: i32, %arg1: i32, %arg2: memref<10000x128xf32, #tpu.memory_space<hbm>>, %arg3: memref<327680xi32, #tpu.memory_space<hbm>>, %arg4: memref<327680xi32, #tpu.memory_space<hbm>>, %arg5: memref<20480x128xf32, #tpu.memory_space<hbm>>, %arg6: memref<10240x128xf32, #tpu.memory_space<vmem_shared>>, %arg7: memref<128xi32, #tpu.memory_space<vmem>>, %arg8: memref<128xi32, #tpu.memory_space<vmem>>, %arg9: memref<128xi32, #tpu.memory_space<vmem>>, %arg10: memref<128xi32, #tpu.memory_space<vmem>>, %arg11: memref<128x128xf32, #tpu.memory_space<vmem>>, %arg12: memref<!tpu.dma_semaphore, #tpu.memory_space<semaphore_mem>>, %arg13: memref<!tpu.dma_semaphore, #tpu.memory_space<semaphore_mem>>) attributes {dimension_semantics = [#tpu.dimension_semantics<core_parallel>, #tpu.dimension_semantics<subcore_parallel>], iteration_bounds = array<i64: 2, 16>, scalar_prefetch = 0 : i64, scratch_operands = 8 : i64, tpu.core_type = #tpu.core_type<sc_vector_subcore>, window_params = [{transform_indices = #map}, {transform_indices = #map1}, {transform_indices = #map1}, {transform_indices = #map}]} {
    %mul3A = arith.constant 163840 : i32
    %mul3A_0 = arith.muli %arg0, %mul3A : i32
    %mul3A_1 = arith.constant 10240 : i32
    %mul3A_2 = arith.muli %arg1, %mul3A_1 : i32
    %add3A = arith.addi %mul3A_0, %mul3A_2 : i32
    %broadcast_in_dim3A = arith.constant 0.000000e+00 : f32
    %broadcast_in_dim3A_3 = vector.broadcast %broadcast_in_dim3A : f32 to vector<16xf32>
    %scan3A = arith.constant 0 : i32
    %scan3A_4 = arith.constant 0 : i32
    %scan3A_5 = arith.constant 128 : i32
    %scan3A_6 = arith.addi %scan3A_4, %scan3A_5 : i32
    %scan3A_7 = arith.constant 1 : i32
    %scan3A_8 = scf.for %scan3A_73 = %scan3A_4 to %scan3A_6 step %scan3A_7 iter_args(%scan3A_74 = %scan3A) -> (i32)  : i32 {
      %swap3A = arith.index_cast %scan3A_73 : i32 to index
      %swap3A_75 = arith.constant 0 : index
      %swap3A_76 = tpu.vector_load %arg11[%swap3A, %swap3A_75] {strides = array<i32>} : memref<128x128xf32, #tpu.memory_space<vmem>>, vector<1x16xf32>,
      %swap3A_77 = vector.shape_cast %swap3A_76 : vector<1x16xf32> to vector<16xf32>
      %swap3A_78 = vector.shape_cast %broadcast_in_dim3A_3 : vector<16xf32> to vector<1x16xf32>
      tpu.vector_store %arg11[%swap3A, %swap3A_75], %swap3A_78 {strides = array<i32>} : memref<128x128xf32, #tpu.memory_space<vmem>>, vector<1x16xf32>,
      %swap3A_79 = arith.index_cast %scan3A_73 : i32 to index
      %swap3A_80 = arith.constant 16 : index
      %swap3A_81 = tpu.vector_load %arg11[%swap3A_79, %swap3A_80] {strides = array<i32>} : memref<128x128xf32, #tpu.memory_space<vmem>>, vector<1x16xf32>,
      %swap3A_82 = vector.shape_cast %swap3A_81 : vector<1x16xf32> to vector<16xf32>
      %swap3A_83 = vector.shape_cast %broadcast_in_dim3A_3 : vector<16xf32> to vector<1x16xf32>
      tpu.vector_store %arg11[%swap3A_79, %swap3A_80], %swap3A_83 {strides = array<i32>} : memref<128x128xf32, #tpu.memory_space<vmem>>, vector<1x16xf32>,
      %swap3A_84 = arith.index_cast %scan3A_73 : i32 to index
      %swap3A_85 = arith.constant 32 : index
      %swap3A_86 = tpu.vector_load %arg11[%swap3A_84, %swap3A_85] {strides = array<i32>} : memref<128x128xf32, #tpu.memory_space<vmem>>, vector<1x16xf32>,
      %swap3A_87 = vector.shape_cast %swap3A_86 : vector<1x16xf32> to vector<16xf32>
      %swap3A_88 = vector.shape_cast %broadcast_in_dim3A_3 : vector<16xf32> to vector<1x16xf32>
      tpu.vector_store %arg11[%swap3A_84, %swap3A_85], %swap3A_88 {strides = array<i32>} : memref<128x128xf32, #tpu.memory_space<vmem>>, vector<1x16xf32>,
      %swap3A_89 = arith.index_cast %scan3A_73 : i32 to index
      %swap3A_90 = arith.constant 48 : index
      %swap3A_91 = tpu.vector_load %arg11[%swap3A_89, %swap3A_90] {strides = array<i32>} : memref<128x128xf32, #tpu.memory_space<vmem>>, vector<1x16xf32>,
      %swap3A_92 = vector.shape_cast %swap3A_91 : vector<1x16xf32> to vector<16xf32>
      %swap3A_93 = vector.shape_cast %broadcast_in_dim3A_3 : vector<16xf32> to vector<1x16xf32>
      tpu.vector_store %arg11[%swap3A_89, %swap3A_90], %swap3A_93 {strides = array<i32>} : memref<128x128xf32, #tpu.memory_space<vmem>>, vector<1x16xf32>,
      %swap3A_94 = arith.index_cast %scan3A_73 : i32 to index
      %swap3A_95 = arith.constant 64 : index
      %swap3A_96 = tpu.vector_load %arg11[%swap3A_94, %swap3A_95] {strides = array<i32>} : memref<128x128xf32, #tpu.memory_space<vmem>>, vector<1x16xf32>,
      %swap3A_97 = vector.shape_cast %swap3A_96 : vector<1x16xf32> to vector<16xf32>
      %swap3A_98 = vector.shape_cast %broadcast_in_dim3A_3 : vector<16xf32> to vector<1x16xf32>
      tpu.vector_store %arg11[%swap3A_94, %swap3A_95], %swap3A_98 {strides = array<i32>} : memref<128x128xf32, #tpu.memory_space<vmem>>, vector<1x16xf32>,
      %swap3A_99 = arith.index_cast %scan3A_73 : i32 to index
      %swap3A_100 = arith.constant 80 : index
      %swap3A_101 = tpu.vector_load %arg11[%swap3A_99, %swap3A_100] {strides = array<i32>} : memref<128x128xf32, #tpu.memory_space<vmem>>, vector<1x16xf32>,
      %swap3A_102 = vector.shape_cast %swap3A_101 : vector<1x16xf32> to vector<16xf32>
      %swap3A_103 = vector.shape_cast %broadcast_in_dim3A_3 : vector<16xf32> to vector<1x16xf32>
      tpu.vector_store %arg11[%swap3A_99, %swap3A_100], %swap3A_103 {strides = array<i32>} : memref<128x128xf32, #tpu.memory_space<vmem>>, vector<1x16xf32>,
      %swap3A_104 = arith.index_cast %scan3A_73 : i32 to index
      %swap3A_105 = arith.constant 96 : index
      %swap3A_106 = tpu.vector_load %arg11[%swap3A_104, %swap3A_105] {strides = array<i32>} : memref<128x128xf32, #tpu.memory_space<vmem>>, vector<1x16xf32>,
      %swap3A_107 = vector.shape_cast %swap3A_106 : vector<1x16xf32> to vector<16xf32>
      %swap3A_108 = vector.shape_cast %broadcast_in_dim3A_3 : vector<16xf32> to vector<1x16xf32>
      tpu.vector_store %arg11[%swap3A_104, %swap3A_105], %swap3A_108 {strides = array<i32>} : memref<128x128xf32, #tpu.memory_space<vmem>>, vector<1x16xf32>,
      %swap3A_109 = arith.index_cast %scan3A_73 : i32 to index
      %swap3A_110 = arith.constant 112 : index
      %swap3A_111 = tpu.vector_load %arg11[%swap3A_109, %swap3A_110] {strides = array<i32>} : memref<128x128xf32, #tpu.memory_space<vmem>>, vector<1x16xf32>,
      %swap3A_112 = vector.shape_cast %swap3A_111 : vector<1x16xf32> to vector<16xf32>
      %swap3A_113 = vector.shape_cast %broadcast_in_dim3A_3 : vector<16xf32> to vector<1x16xf32>
      tpu.vector_store %arg11[%swap3A_109, %swap3A_110], %swap3A_113 {strides = array<i32>} : memref<128x128xf32, #tpu.memory_space<vmem>>, vector<1x16xf32>,
      %scan3A_114 = arith.constant 0 : i32
      scf.yield %scan3A_114 : i32
    }
    %scan3A_9 = arith.constant 128 : i32
    %mul3A_10 = arith.constant 640 : i32
    %mul3A_11 = arith.muli %arg1, %mul3A_10 : i32
    %add3A_12 = arith.constant 0 : i32
    %add3A_13 = arith.addi %mul3A_11, %add3A_12 : i32
    "tpu.region"() ({
      %run_scoped3A = tpu.sem_alloc : memref<!tpu.dma_semaphore, #tpu.memory_space<semaphore_mem>>
      %dma_start3A = arith.constant 0 : i32
      %dma_start3A_73 = arith.constant 0 : i32
      %dma_start3A_74 = tpu.memref_slice %arg11[%dma_start3A, %dma_start3A_73] : memref<128x128xf32, #tpu.memory_space<vmem>> -> memref<128x128xf32, #tpu.memory_space<vmem>>
      %dma_start3A_75 = arith.constant 0 : i32
      %dma_start3A_76 = tpu.memref_slice %arg6[%add3A_13, %dma_start3A_75] : memref<10240x128xf32, #tpu.memory_space<vmem_shared>> -> memref<128x128xf32, #tpu.memory_space<vmem_shared>>
      %dma_start3A_77 = arith.constant 0 : i32
      %dma_start3A_78 = tpu.memref_slice %arg6[%add3A_13, %dma_start3A_77] : memref<10240x128xf32, #tpu.memory_space<vmem_shared>> -> memref<128x128xf32, #tpu.memory_space<vmem_shared>>
      %dma_start3A_79 = arith.constant 0 : i32
      %dma_start3A_80 = arith.constant 0 : i32
      %dma_start3A_81 = tpu.memref_slice %arg11[%dma_start3A_79, %dma_start3A_80] : memref<128x128xf32, #tpu.memory_space<vmem>> -> memref<128x128xf32, #tpu.memory_space<vmem>>
      tpu.enqueue_dma source(%dma_start3A_81 : memref<128x128xf32, #tpu.memory_space<vmem>>) target(%dma_start3A_78 : memref<128x128xf32, #tpu.memory_space<vmem_shared>>) target_semaphore(%run_scoped3A : memref<!tpu.dma_semaphore, #tpu.memory_space<semaphore_mem>>)
      %dma_wait3A = arith.constant 0 : i32
      %dma_wait3A_82 = arith.constant 0 : i32
      %dma_wait3A_83 = tpu.memref_slice %arg11[%dma_wait3A, %dma_wait3A_82] : memref<128x128xf32, #tpu.memory_space<vmem>> -> memref<128x128xf32, #tpu.memory_space<vmem>>
      %dma_wait3A_84 = arith.constant 0 : i32
      %dma_wait3A_85 = tpu.memref_slice %arg6[%add3A_13, %dma_wait3A_84] : memref<10240x128xf32, #tpu.memory_space<vmem_shared>> -> memref<128x128xf32, #tpu.memory_space<vmem_shared>>
      %dma_wait3A_86 = arith.constant 0 : i32
      %dma_wait3A_87 = tpu.memref_slice %arg6[%add3A_13, %dma_wait3A_86] : memref<10240x128xf32, #tpu.memory_space<vmem_shared>> -> memref<128x128xf32, #tpu.memory_space<vmem_shared>>
      %dma_wait3A_88 = arith.constant 0 : i32
      %dma_wait3A_89 = arith.constant 0 : i32
      %dma_wait3A_90 = tpu.memref_slice %arg11[%dma_wait3A_88, %dma_wait3A_89] : memref<128x128xf32, #tpu.memory_space<vmem>> -> memref<128x128xf32, #tpu.memory_space<vmem>>
      tpu.wait_dma2 semaphore(%run_scoped3A : memref<!tpu.dma_semaphore, #tpu.memory_space<semaphore_mem>>) src(%dma_wait3A_90 : memref<128x128xf32, #tpu.memory_space<vmem>>) dst(%dma_wait3A_87 : memref<128x128xf32, #tpu.memory_space<vmem_shared>>)
      tpu.yield
    }) : () -> ()
    %mul3A_14 = arith.constant 640 : i32
    %mul3A_15 = arith.muli %arg1, %mul3A_14 : i32
    %add3A_16 = arith.constant 128 : i32
    %add3A_17 = arith.addi %mul3A_15, %add3A_16 : i32
    "tpu.region"() ({
      %run_scoped3A = tpu.sem_alloc : memref<!tpu.dma_semaphore, #tpu.memory_space<semaphore_mem>>
      %dma_start3A = arith.constant 0 : i32
      %dma_start3A_73 = arith.constant 0 : i32
      %dma_start3A_74 = tpu.memref_slice %arg11[%dma_start3A, %dma_start3A_73] : memref<128x128xf32, #tpu.memory_space<vmem>> -> memref<128x128xf32, #tpu.memory_space<vmem>>
      %dma_start3A_75 = arith.constant 0 : i32
      %dma_start3A_76 = tpu.memref_slice %arg6[%add3A_17, %dma_start3A_75] : memref<10240x128xf32, #tpu.memory_space<vmem_shared>> -> memref<128x128xf32, #tpu.memory_space<vmem_shared>>
      %dma_start3A_77 = arith.constant 0 : i32
      %dma_start3A_78 = tpu.memref_slice %arg6[%add3A_17, %dma_start3A_77] : memref<10240x128xf32, #tpu.memory_space<vmem_shared>> -> memref<128x128xf32, #tpu.memory_space<vmem_shared>>
      %dma_start3A_79 = arith.constant 0 : i32
      %dma_start3A_80 = arith.constant 0 : i32
      %dma_start3A_81 = tpu.memref_slice %arg11[%dma_start3A_79, %dma_start3A_80] : memref<128x128xf32, #tpu.memory_space<vmem>> -> memref<128x128xf32, #tpu.memory_space<vmem>>
      tpu.enqueue_dma source(%dma_start3A_81 : memref<128x128xf32, #tpu.memory_space<vmem>>) target(%dma_start3A_78 : memref<128x128xf32, #tpu.memory_space<vmem_shared>>) target_semaphore(%run_scoped3A : memref<!tpu.dma_semaphore, #tpu.memory_space<semaphore_mem>>)
      %dma_wait3A = arith.constant 0 : i32
      %dma_wait3A_82 = arith.constant 0 : i32
      %dma_wait3A_83 = tpu.memref_slice %arg11[%dma_wait3A, %dma_wait3A_82] : memref<128x128xf32, #tpu.memory_space<vmem>> -> memref<128x128xf32, #tpu.memory_space<vmem>>
      %dma_wait3A_84 = arith.constant 0 : i32
      %dma_wait3A_85 = tpu.memref_slice %arg6[%add3A_17, %dma_wait3A_84] : memref<10240x128xf32, #tpu.memory_space<vmem_shared>> -> memref<128x128xf32, #tpu.memory_space<vmem_shared>>
      %dma_wait3A_86 = arith.constant 0 : i32
      %dma_wait3A_87 = tpu.memref_slice %arg6[%add3A_17, %dma_wait3A_86] : memref<10240x128xf32, #tpu.memory_space<vmem_shared>> -> memref<128x128xf32, #tpu.memory_space<vmem_shared>>
      %dma_wait3A_88 = arith.constant 0 : i32
      %dma_wait3A_89 = arith.constant 0 : i32
      %dma_wait3A_90 = tpu.memref_slice %arg11[%dma_wait3A_88, %dma_wait3A_89] : memref<128x128xf32, #tpu.memory_space<vmem>> -> memref<128x128xf32, #tpu.memory_space<vmem>>
      tpu.wait_dma2 semaphore(%run_scoped3A : memref<!tpu.dma_semaphore, #tpu.memory_space<semaphore_mem>>) src(%dma_wait3A_90 : memref<128x128xf32, #tpu.memory_space<vmem>>) dst(%dma_wait3A_87 : memref<128x128xf32, #tpu.memory_space<vmem_shared>>)
      tpu.yield
    }) : () -> ()
    %mul3A_18 = arith.constant 640 : i32
    %mul3A_19 = arith.muli %arg1, %mul3A_18 : i32
    %add3A_20 = arith.constant 256 : i32
    %add3A_21 = arith.addi %mul3A_19, %add3A_20 : i32
    "tpu.region"() ({
      %run_scoped3A = tpu.sem_alloc : memref<!tpu.dma_semaphore, #tpu.memory_space<semaphore_mem>>
      %dma_start3A = arith.constant 0 : i32
      %dma_start3A_73 = arith.constant 0 : i32
      %dma_start3A_74 = tpu.memref_slice %arg11[%dma_start3A, %dma_start3A_73] : memref<128x128xf32, #tpu.memory_space<vmem>> -> memref<128x128xf32, #tpu.memory_space<vmem>>
      %dma_start3A_75 = arith.constant 0 : i32
      %dma_start3A_76 = tpu.memref_slice %arg6[%add3A_21, %dma_start3A_75] : memref<10240x128xf32, #tpu.memory_space<vmem_shared>> -> memref<128x128xf32, #tpu.memory_space<vmem_shared>>
      %dma_start3A_77 = arith.constant 0 : i32
      %dma_start3A_78 = tpu.memref_slice %arg6[%add3A_21, %dma_start3A_77] : memref<10240x128xf32, #tpu.memory_space<vmem_shared>> -> memref<128x128xf32, #tpu.memory_space<vmem_shared>>
      %dma_start3A_79 = arith.constant 0 : i32
      %dma_start3A_80 = arith.constant 0 : i32
      %dma_start3A_81 = tpu.memref_slice %arg11[%dma_start3A_79, %dma_start3A_80] : memref<128x128xf32, #tpu.memory_space<vmem>> -> memref<128x128xf32, #tpu.memory_space<vmem>>
      tpu.enqueue_dma source(%dma_start3A_81 : memref<128x128xf32, #tpu.memory_space<vmem>>) target(%dma_start3A_78 : memref<128x128xf32, #tpu.memory_space<vmem_shared>>) target_semaphore(%run_scoped3A : memref<!tpu.dma_semaphore, #tpu.memory_space<semaphore_mem>>)
      %dma_wait3A = arith.constant 0 : i32
      %dma_wait3A_82 = arith.constant 0 : i32
      %dma_wait3A_83 = tpu.memref_slice %arg11[%dma_wait3A, %dma_wait3A_82] : memref<128x128xf32, #tpu.memory_space<vmem>> -> memref<128x128xf32, #tpu.memory_space<vmem>>
      %dma_wait3A_84 = arith.constant 0 : i32
      %dma_wait3A_85 = tpu.memref_slice %arg6[%add3A_21, %dma_wait3A_84] : memref<10240x128xf32, #tpu.memory_space<vmem_shared>> -> memref<128x128xf32, #tpu.memory_space<vmem_shared>>
      %dma_wait3A_86 = arith.constant 0 : i32
      %dma_wait3A_87 = tpu.memref_slice %arg6[%add3A_21, %dma_wait3A_86] : memref<10240x128xf32, #tpu.memory_space<vmem_shared>> -> memref<128x128xf32, #tpu.memory_space<vmem_shared>>
      %dma_wait3A_88 = arith.constant 0 : i32
      %dma_wait3A_89 = arith.constant 0 : i32
      %dma_wait3A_90 = tpu.memref_slice %arg11[%dma_wait3A_88, %dma_wait3A_89] : memref<128x128xf32, #tpu.memory_space<vmem>> -> memref<128x128xf32, #tpu.memory_space<vmem>>
      tpu.wait_dma2 semaphore(%run_scoped3A : memref<!tpu.dma_semaphore, #tpu.memory_space<semaphore_mem>>) src(%dma_wait3A_90 : memref<128x128xf32, #tpu.memory_space<vmem>>) dst(%dma_wait3A_87 : memref<128x128xf32, #tpu.memory_space<vmem_shared>>)
      tpu.yield
    }) : () -> ()
    %mul3A_22 = arith.constant 640 : i32
    %mul3A_23 = arith.muli %arg1, %mul3A_22 : i32
    %add3A_24 = arith.constant 384 : i32
    %add3A_25 = arith.addi %mul3A_23, %add3A_24 : i32
    "tpu.region"() ({
      %run_scoped3A = tpu.sem_alloc : memref<!tpu.dma_semaphore, #tpu.memory_space<semaphore_mem>>
      %dma_start3A = arith.constant 0 : i32
      %dma_start3A_73 = arith.constant 0 : i32
      %dma_start3A_74 = tpu.memref_slice %arg11[%dma_start3A, %dma_start3A_73] : memref<128x128xf32, #tpu.memory_space<vmem>> -> memref<128x128xf32, #tpu.memory_space<vmem>>
      %dma_start3A_75 = arith.constant 0 : i32
      %dma_start3A_76 = tpu.memref_slice %arg6[%add3A_25, %dma_start3A_75] : memref<10240x128xf32, #tpu.memory_space<vmem_shared>> -> memref<128x128xf32, #tpu.memory_space<vmem_shared>>
      %dma_start3A_77 = arith.constant 0 : i32
      %dma_start3A_78 = tpu.memref_slice %arg6[%add3A_25, %dma_start3A_77] : memref<10240x128xf32, #tpu.memory_space<vmem_shared>> -> memref<128x128xf32, #tpu.memory_space<vmem_shared>>
      %dma_start3A_79 = arith.constant 0 : i32
      %dma_start3A_80 = arith.constant 0 : i32
      %dma_start3A_81 = tpu.memref_slice %arg11[%dma_start3A_79, %dma_start3A_80] : memref<128x128xf32, #tpu.memory_space<vmem>> -> memref<128x128xf32, #tpu.memory_space<vmem>>
      tpu.enqueue_dma source(%dma_start3A_81 : memref<128x128xf32, #tpu.memory_space<vmem>>) target(%dma_start3A_78 : memref<128x128xf32, #tpu.memory_space<vmem_shared>>) target_semaphore(%run_scoped3A : memref<!tpu.dma_semaphore, #tpu.memory_space<semaphore_mem>>)
      %dma_wait3A = arith.constant 0 : i32
      %dma_wait3A_82 = arith.constant 0 : i32
      %dma_wait3A_83 = tpu.memref_slice %arg11[%dma_wait3A, %dma_wait3A_82] : memref<128x128xf32, #tpu.memory_space<vmem>> -> memref<128x128xf32, #tpu.memory_space<vmem>>
      %dma_wait3A_84 = arith.constant 0 : i32
      %dma_wait3A_85 = tpu.memref_slice %arg6[%add3A_25, %dma_wait3A_84] : memref<10240x128xf32, #tpu.memory_space<vmem_shared>> -> memref<128x128xf32, #tpu.memory_space<vmem_shared>>
      %dma_wait3A_86 = arith.constant 0 : i32
      %dma_wait3A_87 = tpu.memref_slice %arg6[%add3A_25, %dma_wait3A_86] : memref<10240x128xf32, #tpu.memory_space<vmem_shared>> -> memref<128x128xf32, #tpu.memory_space<vmem_shared>>
      %dma_wait3A_88 = arith.constant 0 : i32
      %dma_wait3A_89 = arith.constant 0 : i32
      %dma_wait3A_90 = tpu.memref_slice %arg11[%dma_wait3A_88, %dma_wait3A_89] : memref<128x128xf32, #tpu.memory_space<vmem>> -> memref<128x128xf32, #tpu.memory_space<vmem>>
      tpu.wait_dma2 semaphore(%run_scoped3A : memref<!tpu.dma_semaphore, #tpu.memory_space<semaphore_mem>>) src(%dma_wait3A_90 : memref<128x128xf32, #tpu.memory_space<vmem>>) dst(%dma_wait3A_87 : memref<128x128xf32, #tpu.memory_space<vmem_shared>>)
      tpu.yield
    }) : () -> ()
    %mul3A_26 = arith.constant 640 : i32
    %mul3A_27 = arith.muli %arg1, %mul3A_26 : i32
    %add3A_28 = arith.constant 512 : i32
    %add3A_29 = arith.addi %mul3A_27, %add3A_28 : i32
    "tpu.region"() ({
      %run_scoped3A = tpu.sem_alloc : memref<!tpu.dma_semaphore, #tpu.memory_space<semaphore_mem>>
      %dma_start3A = arith.constant 0 : i32
      %dma_start3A_73 = arith.constant 0 : i32
      %dma_start3A_74 = tpu.memref_slice %arg11[%dma_start3A, %dma_start3A_73] : memref<128x128xf32, #tpu.memory_space<vmem>> -> memref<128x128xf32, #tpu.memory_space<vmem>>
      %dma_start3A_75 = arith.constant 0 : i32
      %dma_start3A_76 = tpu.memref_slice %arg6[%add3A_29, %dma_start3A_75] : memref<10240x128xf32, #tpu.memory_space<vmem_shared>> -> memref<128x128xf32, #tpu.memory_space<vmem_shared>>
      %dma_start3A_77 = arith.constant 0 : i32
      %dma_start3A_78 = tpu.memref_slice %arg6[%add3A_29, %dma_start3A_77] : memref<10240x128xf32, #tpu.memory_space<vmem_shared>> -> memref<128x128xf32, #tpu.memory_space<vmem_shared>>
      %dma_start3A_79 = arith.constant 0 : i32
      %dma_start3A_80 = arith.constant 0 : i32
      %dma_start3A_81 = tpu.memref_slice %arg11[%dma_start3A_79, %dma_start3A_80] : memref<128x128xf32, #tpu.memory_space<vmem>> -> memref<128x128xf32, #tpu.memory_space<vmem>>
      tpu.enqueue_dma source(%dma_start3A_81 : memref<128x128xf32, #tpu.memory_space<vmem>>) target(%dma_start3A_78 : memref<128x128xf32, #tpu.memory_space<vmem_shared>>) target_semaphore(%run_scoped3A : memref<!tpu.dma_semaphore, #tpu.memory_space<semaphore_mem>>)
      %dma_wait3A = arith.constant 0 : i32
      %dma_wait3A_82 = arith.constant 0 : i32
      %dma_wait3A_83 = tpu.memref_slice %arg11[%dma_wait3A, %dma_wait3A_82] : memref<128x128xf32, #tpu.memory_space<vmem>> -> memref<128x128xf32, #tpu.memory_space<vmem>>
      %dma_wait3A_84 = arith.constant 0 : i32
      %dma_wait3A_85 = tpu.memref_slice %arg6[%add3A_29, %dma_wait3A_84] : memref<10240x128xf32, #tpu.memory_space<vmem_shared>> -> memref<128x128xf32, #tpu.memory_space<vmem_shared>>
      %dma_wait3A_86 = arith.constant 0 : i32
      %dma_wait3A_87 = tpu.memref_slice %arg6[%add3A_29, %dma_wait3A_86] : memref<10240x128xf32, #tpu.memory_space<vmem_shared>> -> memref<128x128xf32, #tpu.memory_space<vmem_shared>>
      %dma_wait3A_88 = arith.constant 0 : i32
      %dma_wait3A_89 = arith.constant 0 : i32
      %dma_wait3A_90 = tpu.memref_slice %arg11[%dma_wait3A_88, %dma_wait3A_89] : memref<128x128xf32, #tpu.memory_space<vmem>> -> memref<128x128xf32, #tpu.memory_space<vmem>>
      tpu.wait_dma2 semaphore(%run_scoped3A : memref<!tpu.dma_semaphore, #tpu.memory_space<semaphore_mem>>) src(%dma_wait3A_90 : memref<128x128xf32, #tpu.memory_space<vmem>>) dst(%dma_wait3A_87 : memref<128x128xf32, #tpu.memory_space<vmem_shared>>)
      tpu.yield
    }) : () -> ()
    %barrier3A = arith.constant 0 : index
    tpu.barrier barrier_id(%barrier3A)
    %scan3A_30 = arith.constant 0 : i32
    %scan3A_31 = arith.constant 0 : i32
    %scan3A_32 = arith.constant 80 : i32
    %scan3A_33 = arith.addi %scan3A_31, %scan3A_32 : i32
    %scan3A_34 = arith.constant 1 : i32
    %scan3A_35 = scf.for %scan3A_73 = %scan3A_31 to %scan3A_33 step %scan3A_34 iter_args(%scan3A_74 = %scan3A_30) -> (i32)  : i32 {
      %mul3A_75 = arith.constant 128 : i32
      %mul3A_76 = arith.muli %scan3A_73, %mul3A_75 : i32
      %add3A_77 = arith.addi %add3A, %mul3A_76 : i32
      "tpu.region"() ({
        %run_scoped3A = tpu.sem_alloc : memref<!tpu.dma_semaphore, #tpu.memory_space<semaphore_mem>>
        %dma_start3A_84 = tpu.memref_slice %arg3[%add3A_77] : memref<327680xi32, #tpu.memory_space<hbm>> -> memref<128xi32, #tpu.memory_space<hbm>>
        %dma_start3A_85 = tpu.memref_slice %arg3[%add3A_77] : memref<327680xi32, #tpu.memory_space<hbm>> -> memref<128xi32, #tpu.memory_space<hbm>>
        tpu.enqueue_dma source(%dma_start3A_85 : memref<128xi32, #tpu.memory_space<hbm>>) target(%arg7 : memref<128xi32, #tpu.memory_space<vmem>>) target_semaphore(%run_scoped3A : memref<!tpu.dma_semaphore, #tpu.memory_space<semaphore_mem>>)
        %dma_wait3A_86 = tpu.memref_slice %arg3[%add3A_77] : memref<327680xi32, #tpu.memory_space<hbm>> -> memref<128xi32, #tpu.memory_space<hbm>>
        %dma_wait3A_87 = tpu.memref_slice %arg3[%add3A_77] : memref<327680xi32, #tpu.memory_space<hbm>> -> memref<128xi32, #tpu.memory_space<hbm>>
        tpu.wait_dma2 semaphore(%run_scoped3A : memref<!tpu.dma_semaphore, #tpu.memory_space<semaphore_mem>>) src(%dma_wait3A_87 : memref<128xi32, #tpu.memory_space<hbm>>) dst(%arg7 : memref<128xi32, #tpu.memory_space<vmem>>)
        tpu.yield
      }) : () -> ()
      %add3A_78 = arith.addi %add3A, %mul3A_76 : i32
      "tpu.region"() ({
        %run_scoped3A = tpu.sem_alloc : memref<!tpu.dma_semaphore, #tpu.memory_space<semaphore_mem>>
        %dma_start3A_84 = tpu.memref_slice %arg4[%add3A_78] : memref<327680xi32, #tpu.memory_space<hbm>> -> memref<128xi32, #tpu.memory_space<hbm>>
        %dma_start3A_85 = tpu.memref_slice %arg4[%add3A_78] : memref<327680xi32, #tpu.memory_space<hbm>> -> memref<128xi32, #tpu.memory_space<hbm>>
        tpu.enqueue_dma source(%dma_start3A_85 : memref<128xi32, #tpu.memory_space<hbm>>) target(%arg9 : memref<128xi32, #tpu.memory_space<vmem>>) target_semaphore(%run_scoped3A : memref<!tpu.dma_semaphore, #tpu.memory_space<semaphore_mem>>)
        %dma_wait3A_86 = tpu.memref_slice %arg4[%add3A_78] : memref<327680xi32, #tpu.memory_space<hbm>> -> memref<128xi32, #tpu.memory_space<hbm>>
        %dma_wait3A_87 = tpu.memref_slice %arg4[%add3A_78] : memref<327680xi32, #tpu.memory_space<hbm>> -> memref<128xi32, #tpu.memory_space<hbm>>
        tpu.wait_dma2 semaphore(%run_scoped3A : memref<!tpu.dma_semaphore, #tpu.memory_space<semaphore_mem>>) src(%dma_wait3A_87 : memref<128xi32, #tpu.memory_space<hbm>>) dst(%arg9 : memref<128xi32, #tpu.memory_space<vmem>>)
        tpu.yield
      }) : () -> ()
      %dma_start3A = arith.constant 0 : i32
      %dma_start3A_79 = arith.constant 0 : i32
      %dma_start3A_80 = tpu.memref_slice %arg2[%dma_start3A, %dma_start3A_79] : memref<10000x128xf32, #tpu.memory_space<hbm>> -> memref<10000x128xf32, #tpu.memory_space<hbm>>
      tpu.enqueue_indirect_dma source(%dma_start3A_80 : memref<10000x128xf32, #tpu.memory_space<hbm>>) target(%arg11 : memref<128x128xf32, #tpu.memory_space<vmem>>) offsets(%arg7 : memref<128xi32, #tpu.memory_space<vmem>>) semaphore(%arg12 : memref<!tpu.dma_semaphore, #tpu.memory_space<semaphore_mem>>)
      %dma_wait3A = arith.constant 0 : i32
      %dma_wait3A_81 = arith.constant 0 : i32
      %dma_wait3A_82 = tpu.memref_slice %arg2[%dma_wait3A, %dma_wait3A_81] : memref<10000x128xf32, #tpu.memory_space<hbm>> -> memref<10000x128xf32, #tpu.memory_space<hbm>>
      tpu.wait_indirect_dma semaphore(%arg12 : memref<!tpu.dma_semaphore, #tpu.memory_space<semaphore_mem>>) src(%dma_wait3A_82 : memref<10000x128xf32, #tpu.memory_space<hbm>>) dst(%arg11 : memref<128x128xf32, #tpu.memory_space<vmem>>)
      "tpu.region"() ({
        %run_scoped3A = tpu.sem_alloc : memref<!tpu.dma_semaphore, #tpu.memory_space<semaphore_mem>>
        %dma_start3A_84 = arith.constant 0 : i32
        %dma_start3A_85 = arith.constant 0 : i32
        %dma_start3A_86 = tpu.memref_slice %arg6[%dma_start3A_84, %dma_start3A_85] : memref<10240x128xf32, #tpu.memory_space<vmem_shared>> -> memref<10240x128xf32, #tpu.memory_space<vmem_shared>>
        tpu.enqueue_indirect_dma source(%arg11 : memref<128x128xf32, #tpu.memory_space<vmem>>) target(%dma_start3A_86 : memref<10240x128xf32, #tpu.memory_space<vmem_shared>>) offsets(%arg9 : memref<128xi32, #tpu.memory_space<vmem>>) semaphore(%run_scoped3A : memref<!tpu.dma_semaphore, #tpu.memory_space<semaphore_mem>>) {add = true}
        %dma_wait3A_87 = arith.constant 0 : i32
        %dma_wait3A_88 = arith.constant 0 : i32
        %dma_wait3A_89 = tpu.memref_slice %arg6[%dma_wait3A_87, %dma_wait3A_88] : memref<10240x128xf32, #tpu.memory_space<vmem_shared>> -> memref<10240x128xf32, #tpu.memory_space<vmem_shared>>
        tpu.wait_indirect_dma semaphore(%run_scoped3A : memref<!tpu.dma_semaphore, #tpu.memory_space<semaphore_mem>>) src(%arg11 : memref<128x128xf32, #tpu.memory_space<vmem>>) dst(%dma_wait3A_89 : memref<10240x128xf32, #tpu.memory_space<vmem_shared>>)
        tpu.yield
      }) : () -> ()
      %scan3A_83 = arith.constant 0 : i32
      scf.yield %scan3A_83 : i32
    }
    %scan3A_36 = arith.constant 80 : i32
    %barrier3A_37 = arith.constant 0 : index
    tpu.barrier barrier_id(%barrier3A_37)
    %mul3A_38 = arith.constant 640 : i32
    %mul3A_39 = arith.muli %arg1, %mul3A_38 : i32
    %add3A_40 = arith.constant 0 : i32
    %add3A_41 = arith.addi %mul3A_39, %add3A_40 : i32
    "tpu.region"() ({
      %run_scoped3A = tpu.sem_alloc : memref<!tpu.dma_semaphore, #tpu.memory_space<semaphore_mem>>
      %dma_start3A = arith.constant 0 : i32
      %dma_start3A_73 = arith.constant 0 : i32
      %dma_start3A_74 = tpu.memref_slice %arg11[%dma_start3A, %dma_start3A_73] : memref<128x128xf32, #tpu.memory_space<vmem>> -> memref<128x128xf32, #tpu.memory_space<vmem>>
      %dma_start3A_75 = arith.constant 0 : i32
      %dma_start3A_76 = tpu.memref_slice %arg6[%add3A_41, %dma_start3A_75] : memref<10240x128xf32, #tpu.memory_space<vmem_shared>> -> memref<128x128xf32, #tpu.memory_space<vmem_shared>>
      %dma_start3A_77 = arith.constant 0 : i32
      %dma_start3A_78 = arith.constant 0 : i32
      %dma_start3A_79 = tpu.memref_slice %arg11[%dma_start3A_77, %dma_start3A_78] : memref<128x128xf32, #tpu.memory_space<vmem>> -> memref<128x128xf32, #tpu.memory_space<vmem>>
      %dma_start3A_80 = arith.constant 0 : i32
      %dma_start3A_81 = tpu.memref_slice %arg6[%add3A_41, %dma_start3A_80] : memref<10240x128xf32, #tpu.memory_space<vmem_shared>> -> memref<128x128xf32, #tpu.memory_space<vmem_shared>>
      tpu.enqueue_dma source(%dma_start3A_81 : memref<128x128xf32, #tpu.memory_space<vmem_shared>>) target(%dma_start3A_79 : memref<128x128xf32, #tpu.memory_space<vmem>>) target_semaphore(%run_scoped3A : memref<!tpu.dma_semaphore, #tpu.memory_space<semaphore_mem>>)
      %dma_wait3A = arith.constant 0 : i32
      %dma_wait3A_82 = arith.constant 0 : i32
      %dma_wait3A_83 = tpu.memref_slice %arg11[%dma_wait3A, %dma_wait3A_82] : memref<128x128xf32, #tpu.memory_space<vmem>> -> memref<128x128xf32, #tpu.memory_space<vmem>>
      %dma_wait3A_84 = arith.constant 0 : i32
      %dma_wait3A_85 = tpu.memref_slice %arg6[%add3A_41, %dma_wait3A_84] : memref<10240x128xf32, #tpu.memory_space<vmem_shared>> -> memref<128x128xf32, #tpu.memory_space<vmem_shared>>
      %dma_wait3A_86 = arith.constant 0 : i32
      %dma_wait3A_87 = arith.constant 0 : i32
      %dma_wait3A_88 = tpu.memref_slice %arg11[%dma_wait3A_86, %dma_wait3A_87] : memref<128x128xf32, #tpu.memory_space<vmem>> -> memref<128x128xf32, #tpu.memory_space<vmem>>
      %dma_wait3A_89 = arith.constant 0 : i32
      %dma_wait3A_90 = tpu.memref_slice %arg6[%add3A_41, %dma_wait3A_89] : memref<10240x128xf32, #tpu.memory_space<vmem_shared>> -> memref<128x128xf32, #tpu.memory_space<vmem_shared>>
      tpu.wait_dma2 semaphore(%run_scoped3A : memref<!tpu.dma_semaphore, #tpu.memory_space<semaphore_mem>>) src(%dma_wait3A_90 : memref<128x128xf32, #tpu.memory_space<vmem_shared>>) dst(%dma_wait3A_88 : memref<128x128xf32, #tpu.memory_space<vmem>>)
      tpu.yield
    }) : () -> ()
    %mul3A_42 = arith.constant 10240 : i32
    %mul3A_43 = arith.muli %arg0, %mul3A_42 : i32
    %add3A_44 = arith.addi %mul3A_43, %add3A_41 : i32
    "tpu.region"() ({
      %run_scoped3A = tpu.sem_alloc : memref<!tpu.dma_semaphore, #tpu.memory_space<semaphore_mem>>
      %dma_start3A = arith.constant 0 : i32
      %dma_start3A_73 = arith.constant 0 : i32
      %dma_start3A_74 = tpu.memref_slice %arg11[%dma_start3A, %dma_start3A_73] : memref<128x128xf32, #tpu.memory_space<vmem>> -> memref<128x128xf32, #tpu.memory_space<vmem>>
      %dma_start3A_75 = arith.constant 0 : i32
      %dma_start3A_76 = tpu.memref_slice %arg5[%add3A_44, %dma_start3A_75] : memref<20480x128xf32, #tpu.memory_space<hbm>> -> memref<128x128xf32, #tpu.memory_space<hbm>>
      %dma_start3A_77 = arith.constant 0 : i32
      %dma_start3A_78 = tpu.memref_slice %arg5[%add3A_44, %dma_start3A_77] : memref<20480x128xf32, #tpu.memory_space<hbm>> -> memref<128x128xf32, #tpu.memory_space<hbm>>
      %dma_start3A_79 = arith.constant 0 : i32
      %dma_start3A_80 = arith.constant 0 : i32
      %dma_start3A_81 = tpu.memref_slice %arg11[%dma_start3A_79, %dma_start3A_80] : memref<128x128xf32, #tpu.memory_space<vmem>> -> memref<128x128xf32, #tpu.memory_space<vmem>>
      tpu.enqueue_dma source(%dma_start3A_81 : memref<128x128xf32, #tpu.memory_space<vmem>>) target(%dma_start3A_78 : memref<128x128xf32, #tpu.memory_space<hbm>>) target_semaphore(%run_scoped3A : memref<!tpu.dma_semaphore, #tpu.memory_space<semaphore_mem>>)
      %dma_wait3A = arith.constant 0 : i32
      %dma_wait3A_82 = arith.constant 0 : i32
      %dma_wait3A_83 = tpu.memref_slice %arg11[%dma_wait3A, %dma_wait3A_82] : memref<128x128xf32, #tpu.memory_space<vmem>> -> memref<128x128xf32, #tpu.memory_space<vmem>>
      %dma_wait3A_84 = arith.constant 0 : i32
      %dma_wait3A_85 = tpu.memref_slice %arg5[%add3A_44, %dma_wait3A_84] : memref<20480x128xf32, #tpu.memory_space<hbm>> -> memref<128x128xf32, #tpu.memory_space<hbm>>
      %dma_wait3A_86 = arith.constant 0 : i32
      %dma_wait3A_87 = tpu.memref_slice %arg5[%add3A_44, %dma_wait3A_86] : memref<20480x128xf32, #tpu.memory_space<hbm>> -> memref<128x128xf32, #tpu.memory_space<hbm>>
      %dma_wait3A_88 = arith.constant 0 : i32
      %dma_wait3A_89 = arith.constant 0 : i32
      %dma_wait3A_90 = tpu.memref_slice %arg11[%dma_wait3A_88, %dma_wait3A_89] : memref<128x128xf32, #tpu.memory_space<vmem>> -> memref<128x128xf32, #tpu.memory_space<vmem>>
      tpu.wait_dma2 semaphore(%run_scoped3A : memref<!tpu.dma_semaphore, #tpu.memory_space<semaphore_mem>>) src(%dma_wait3A_90 : memref<128x128xf32, #tpu.memory_space<vmem>>) dst(%dma_wait3A_87 : memref<128x128xf32, #tpu.memory_space<hbm>>)
      tpu.yield
    }) : () -> ()
    %mul3A_45 = arith.constant 640 : i32
    %mul3A_46 = arith.muli %arg1, %mul3A_45 : i32
    %add3A_47 = arith.constant 128 : i32
    %add3A_48 = arith.addi %mul3A_46, %add3A_47 : i32
    "tpu.region"() ({
      %run_scoped3A = tpu.sem_alloc : memref<!tpu.dma_semaphore, #tpu.memory_space<semaphore_mem>>
      %dma_start3A = arith.constant 0 : i32
      %dma_start3A_73 = arith.constant 0 : i32
      %dma_start3A_74 = tpu.memref_slice %arg11[%dma_start3A, %dma_start3A_73] : memref<128x128xf32, #tpu.memory_space<vmem>> -> memref<128x128xf32, #tpu.memory_space<vmem>>
      %dma_start3A_75 = arith.constant 0 : i32
      %dma_start3A_76 = tpu.memref_slice %arg6[%add3A_48, %dma_start3A_75] : memref<10240x128xf32, #tpu.memory_space<vmem_shared>> -> memref<128x128xf32, #tpu.memory_space<vmem_shared>>
      %dma_start3A_77 = arith.constant 0 : i32
      %dma_start3A_78 = arith.constant 0 : i32
      %dma_start3A_79 = tpu.memref_slice %arg11[%dma_start3A_77, %dma_start3A_78] : memref<128x128xf32, #tpu.memory_space<vmem>> -> memref<128x128xf32, #tpu.memory_space<vmem>>
      %dma_start3A_80 = arith.constant 0 : i32
      %dma_start3A_81 = tpu.memref_slice %arg6[%add3A_48, %dma_start3A_80] : memref<10240x128xf32, #tpu.memory_space<vmem_shared>> -> memref<128x128xf32, #tpu.memory_space<vmem_shared>>
      tpu.enqueue_dma source(%dma_start3A_81 : memref<128x128xf32, #tpu.memory_space<vmem_shared>>) target(%dma_start3A_79 : memref<128x128xf32, #tpu.memory_space<vmem>>) target_semaphore(%run_scoped3A : memref<!tpu.dma_semaphore, #tpu.memory_space<semaphore_mem>>)
      %dma_wait3A = arith.constant 0 : i32
      %dma_wait3A_82 = arith.constant 0 : i32
      %dma_wait3A_83 = tpu.memref_slice %arg11[%dma_wait3A, %dma_wait3A_82] : memref<128x128xf32, #tpu.memory_space<vmem>> -> memref<128x128xf32, #tpu.memory_space<vmem>>
      %dma_wait3A_84 = arith.constant 0 : i32
      %dma_wait3A_85 = tpu.memref_slice %arg6[%add3A_48, %dma_wait3A_84] : memref<10240x128xf32, #tpu.memory_space<vmem_shared>> -> memref<128x128xf32, #tpu.memory_space<vmem_shared>>
      %dma_wait3A_86 = arith.constant 0 : i32
      %dma_wait3A_87 = arith.constant 0 : i32
      %dma_wait3A_88 = tpu.memref_slice %arg11[%dma_wait3A_86, %dma_wait3A_87] : memref<128x128xf32, #tpu.memory_space<vmem>> -> memref<128x128xf32, #tpu.memory_space<vmem>>
      %dma_wait3A_89 = arith.constant 0 : i32
      %dma_wait3A_90 = tpu.memref_slice %arg6[%add3A_48, %dma_wait3A_89] : memref<10240x128xf32, #tpu.memory_space<vmem_shared>> -> memref<128x128xf32, #tpu.memory_space<vmem_shared>>
      tpu.wait_dma2 semaphore(%run_scoped3A : memref<!tpu.dma_semaphore, #tpu.memory_space<semaphore_mem>>) src(%dma_wait3A_90 : memref<128x128xf32, #tpu.memory_space<vmem_shared>>) dst(%dma_wait3A_88 : memref<128x128xf32, #tpu.memory_space<vmem>>)
      tpu.yield
    }) : () -> ()
    %mul3A_49 = arith.constant 10240 : i32
    %mul3A_50 = arith.muli %arg0, %mul3A_49 : i32
    %add3A_51 = arith.addi %mul3A_50, %add3A_48 : i32
    "tpu.region"() ({
      %run_scoped3A = tpu.sem_alloc : memref<!tpu.dma_semaphore, #tpu.memory_space<semaphore_mem>>
      %dma_start3A = arith.constant 0 : i32
      %dma_start3A_73 = arith.constant 0 : i32
      %dma_start3A_74 = tpu.memref_slice %arg11[%dma_start3A, %dma_start3A_73] : memref<128x128xf32, #tpu.memory_space<vmem>> -> memref<128x128xf32, #tpu.memory_space<vmem>>
      %dma_start3A_75 = arith.constant 0 : i32
      %dma_start3A_76 = tpu.memref_slice %arg5[%add3A_51, %dma_start3A_75] : memref<20480x128xf32, #tpu.memory_space<hbm>> -> memref<128x128xf32, #tpu.memory_space<hbm>>
      %dma_start3A_77 = arith.constant 0 : i32
      %dma_start3A_78 = tpu.memref_slice %arg5[%add3A_51, %dma_start3A_77] : memref<20480x128xf32, #tpu.memory_space<hbm>> -> memref<128x128xf32, #tpu.memory_space<hbm>>
      %dma_start3A_79 = arith.constant 0 : i32
      %dma_start3A_80 = arith.constant 0 : i32
      %dma_start3A_81 = tpu.memref_slice %arg11[%dma_start3A_79, %dma_start3A_80] : memref<128x128xf32, #tpu.memory_space<vmem>> -> memref<128x128xf32, #tpu.memory_space<vmem>>
      tpu.enqueue_dma source(%dma_start3A_81 : memref<128x128xf32, #tpu.memory_space<vmem>>) target(%dma_start3A_78 : memref<128x128xf32, #tpu.memory_space<hbm>>) target_semaphore(%run_scoped3A : memref<!tpu.dma_semaphore, #tpu.memory_space<semaphore_mem>>)
      %dma_wait3A = arith.constant 0 : i32
      %dma_wait3A_82 = arith.constant 0 : i32
      %dma_wait3A_83 = tpu.memref_slice %arg11[%dma_wait3A, %dma_wait3A_82] : memref<128x128xf32, #tpu.memory_space<vmem>> -> memref<128x128xf32, #tpu.memory_space<vmem>>
      %dma_wait3A_84 = arith.constant 0 : i32
      %dma_wait3A_85 = tpu.memref_slice %arg5[%add3A_51, %dma_wait3A_84] : memref<20480x128xf32, #tpu.memory_space<hbm>> -> memref<128x128xf32, #tpu.memory_space<hbm>>
      %dma_wait3A_86 = arith.constant 0 : i32
      %dma_wait3A_87 = tpu.memref_slice %arg5[%add3A_51, %dma_wait3A_86] : memref<20480x128xf32, #tpu.memory_space<hbm>> -> memref<128x128xf32, #tpu.memory_space<hbm>>
      %dma_wait3A_88 = arith.constant 0 : i32
      %dma_wait3A_89 = arith.constant 0 : i32
      %dma_wait3A_90 = tpu.memref_slice %arg11[%dma_wait3A_88, %dma_wait3A_89] : memref<128x128xf32, #tpu.memory_space<vmem>> -> memref<128x128xf32, #tpu.memory_space<vmem>>
      tpu.wait_dma2 semaphore(%run_scoped3A : memref<!tpu.dma_semaphore, #tpu.memory_space<semaphore_mem>>) src(%dma_wait3A_90 : memref<128x128xf32, #tpu.memory_space<vmem>>) dst(%dma_wait3A_87 : memref<128x128xf32, #tpu.memory_space<hbm>>)
      tpu.yield
    }) : () -> ()
    %mul3A_52 = arith.constant 640 : i32
    %mul3A_53 = arith.muli %arg1, %mul3A_52 : i32
    %add3A_54 = arith.constant 256 : i32
    %add3A_55 = arith.addi %mul3A_53, %add3A_54 : i32
    "tpu.region"() ({
      %run_scoped3A = tpu.sem_alloc : memref<!tpu.dma_semaphore, #tpu.memory_space<semaphore_mem>>
      %dma_start3A = arith.constant 0 : i32
      %dma_start3A_73 = arith.constant 0 : i32
      %dma_start3A_74 = tpu.memref_slice %arg11[%dma_start3A, %dma_start3A_73] : memref<128x128xf32, #tpu.memory_space<vmem>> -> memref<128x128xf32, #tpu.memory_space<vmem>>
      %dma_start3A_75 = arith.constant 0 : i32
      %dma_start3A_76 = tpu.memref_slice %arg6[%add3A_55, %dma_start3A_75] : memref<10240x128xf32, #tpu.memory_space<vmem_shared>> -> memref<128x128xf32, #tpu.memory_space<vmem_shared>>
      %dma_start3A_77 = arith.constant 0 : i32
      %dma_start3A_78 = arith.constant 0 : i32
      %dma_start3A_79 = tpu.memref_slice %arg11[%dma_start3A_77, %dma_start3A_78] : memref<128x128xf32, #tpu.memory_space<vmem>> -> memref<128x128xf32, #tpu.memory_space<vmem>>
      %dma_start3A_80 = arith.constant 0 : i32
      %dma_start3A_81 = tpu.memref_slice %arg6[%add3A_55, %dma_start3A_80] : memref<10240x128xf32, #tpu.memory_space<vmem_shared>> -> memref<128x128xf32, #tpu.memory_space<vmem_shared>>
      tpu.enqueue_dma source(%dma_start3A_81 : memref<128x128xf32, #tpu.memory_space<vmem_shared>>) target(%dma_start3A_79 : memref<128x128xf32, #tpu.memory_space<vmem>>) target_semaphore(%run_scoped3A : memref<!tpu.dma_semaphore, #tpu.memory_space<semaphore_mem>>)
      %dma_wait3A = arith.constant 0 : i32
      %dma_wait3A_82 = arith.constant 0 : i32
      %dma_wait3A_83 = tpu.memref_slice %arg11[%dma_wait3A, %dma_wait3A_82] : memref<128x128xf32, #tpu.memory_space<vmem>> -> memref<128x128xf32, #tpu.memory_space<vmem>>
      %dma_wait3A_84 = arith.constant 0 : i32
      %dma_wait3A_85 = tpu.memref_slice %arg6[%add3A_55, %dma_wait3A_84] : memref<10240x128xf32, #tpu.memory_space<vmem_shared>> -> memref<128x128xf32, #tpu.memory_space<vmem_shared>>
      %dma_wait3A_86 = arith.constant 0 : i32
      %dma_wait3A_87 = arith.constant 0 : i32
      %dma_wait3A_88 = tpu.memref_slice %arg11[%dma_wait3A_86, %dma_wait3A_87] : memref<128x128xf32, #tpu.memory_space<vmem>> -> memref<128x128xf32, #tpu.memory_space<vmem>>
      %dma_wait3A_89 = arith.constant 0 : i32
      %dma_wait3A_90 = tpu.memref_slice %arg6[%add3A_55, %dma_wait3A_89] : memref<10240x128xf32, #tpu.memory_space<vmem_shared>> -> memref<128x128xf32, #tpu.memory_space<vmem_shared>>
      tpu.wait_dma2 semaphore(%run_scoped3A : memref<!tpu.dma_semaphore, #tpu.memory_space<semaphore_mem>>) src(%dma_wait3A_90 : memref<128x128xf32, #tpu.memory_space<vmem_shared>>) dst(%dma_wait3A_88 : memref<128x128xf32, #tpu.memory_space<vmem>>)
      tpu.yield
    }) : () -> ()
    %mul3A_56 = arith.constant 10240 : i32
    %mul3A_57 = arith.muli %arg0, %mul3A_56 : i32
    %add3A_58 = arith.addi %mul3A_57, %add3A_55 : i32
    "tpu.region"() ({
      %run_scoped3A = tpu.sem_alloc : memref<!tpu.dma_semaphore, #tpu.memory_space<semaphore_mem>>
      %dma_start3A = arith.constant 0 : i32
      %dma_start3A_73 = arith.constant 0 : i32
      %dma_start3A_74 = tpu.memref_slice %arg11[%dma_start3A, %dma_start3A_73] : memref<128x128xf32, #tpu.memory_space<vmem>> -> memref<128x128xf32, #tpu.memory_space<vmem>>
      %dma_start3A_75 = arith.constant 0 : i32
      %dma_start3A_76 = tpu.memref_slice %arg5[%add3A_58, %dma_start3A_75] : memref<20480x128xf32, #tpu.memory_space<hbm>> -> memref<128x128xf32, #tpu.memory_space<hbm>>
      %dma_start3A_77 = arith.constant 0 : i32
      %dma_start3A_78 = tpu.memref_slice %arg5[%add3A_58, %dma_start3A_77] : memref<20480x128xf32, #tpu.memory_space<hbm>> -> memref<128x128xf32, #tpu.memory_space<hbm>>
      %dma_start3A_79 = arith.constant 0 : i32
      %dma_start3A_80 = arith.constant 0 : i32
      %dma_start3A_81 = tpu.memref_slice %arg11[%dma_start3A_79, %dma_start3A_80] : memref<128x128xf32, #tpu.memory_space<vmem>> -> memref<128x128xf32, #tpu.memory_space<vmem>>
      tpu.enqueue_dma source(%dma_start3A_81 : memref<128x128xf32, #tpu.memory_space<vmem>>) target(%dma_start3A_78 : memref<128x128xf32, #tpu.memory_space<hbm>>) target_semaphore(%run_scoped3A : memref<!tpu.dma_semaphore, #tpu.memory_space<semaphore_mem>>)
      %dma_wait3A = arith.constant 0 : i32
      %dma_wait3A_82 = arith.constant 0 : i32
      %dma_wait3A_83 = tpu.memref_slice %arg11[%dma_wait3A, %dma_wait3A_82] : memref<128x128xf32, #tpu.memory_space<vmem>> -> memref<128x128xf32, #tpu.memory_space<vmem>>
      %dma_wait3A_84 = arith.constant 0 : i32
      %dma_wait3A_85 = tpu.memref_slice %arg5[%add3A_58, %dma_wait3A_84] : memref<20480x128xf32, #tpu.memory_space<hbm>> -> memref<128x128xf32, #tpu.memory_space<hbm>>
      %dma_wait3A_86 = arith.constant 0 : i32
      %dma_wait3A_87 = tpu.memref_slice %arg5[%add3A_58, %dma_wait3A_86] : memref<20480x128xf32, #tpu.memory_space<hbm>> -> memref<128x128xf32, #tpu.memory_space<hbm>>
      %dma_wait3A_88 = arith.constant 0 : i32
      %dma_wait3A_89 = arith.constant 0 : i32
      %dma_wait3A_90 = tpu.memref_slice %arg11[%dma_wait3A_88, %dma_wait3A_89] : memref<128x128xf32, #tpu.memory_space<vmem>> -> memref<128x128xf32, #tpu.memory_space<vmem>>
      tpu.wait_dma2 semaphore(%run_scoped3A : memref<!tpu.dma_semaphore, #tpu.memory_space<semaphore_mem>>) src(%dma_wait3A_90 : memref<128x128xf32, #tpu.memory_space<vmem>>) dst(%dma_wait3A_87 : memref<128x128xf32, #tpu.memory_space<hbm>>)
      tpu.yield
    }) : () -> ()
    %mul3A_59 = arith.constant 640 : i32
    %mul3A_60 = arith.muli %arg1, %mul3A_59 : i32
    %add3A_61 = arith.constant 384 : i32
    %add3A_62 = arith.addi %mul3A_60, %add3A_61 : i32
    "tpu.region"() ({
      %run_scoped3A = tpu.sem_alloc : memref<!tpu.dma_semaphore, #tpu.memory_space<semaphore_mem>>
      %dma_start3A = arith.constant 0 : i32
      %dma_start3A_73 = arith.constant 0 : i32
      %dma_start3A_74 = tpu.memref_slice %arg11[%dma_start3A, %dma_start3A_73] : memref<128x128xf32, #tpu.memory_space<vmem>> -> memref<128x128xf32, #tpu.memory_space<vmem>>
      %dma_start3A_75 = arith.constant 0 : i32
      %dma_start3A_76 = tpu.memref_slice %arg6[%add3A_62, %dma_start3A_75] : memref<10240x128xf32, #tpu.memory_space<vmem_shared>> -> memref<128x128xf32, #tpu.memory_space<vmem_shared>>
      %dma_start3A_77 = arith.constant 0 : i32
      %dma_start3A_78 = arith.constant 0 : i32
      %dma_start3A_79 = tpu.memref_slice %arg11[%dma_start3A_77, %dma_start3A_78] : memref<128x128xf32, #tpu.memory_space<vmem>> -> memref<128x128xf32, #tpu.memory_space<vmem>>
      %dma_start3A_80 = arith.constant 0 : i32
      %dma_start3A_81 = tpu.memref_slice %arg6[%add3A_62, %dma_start3A_80] : memref<10240x128xf32, #tpu.memory_space<vmem_shared>> -> memref<128x128xf32, #tpu.memory_space<vmem_shared>>
      tpu.enqueue_dma source(%dma_start3A_81 : memref<128x128xf32, #tpu.memory_space<vmem_shared>>) target(%dma_start3A_79 : memref<128x128xf32, #tpu.memory_space<vmem>>) target_semaphore(%run_scoped3A : memref<!tpu.dma_semaphore, #tpu.memory_space<semaphore_mem>>)
      %dma_wait3A = arith.constant 0 : i32
      %dma_wait3A_82 = arith.constant 0 : i32
      %dma_wait3A_83 = tpu.memref_slice %arg11[%dma_wait3A, %dma_wait3A_82] : memref<128x128xf32, #tpu.memory_space<vmem>> -> memref<128x128xf32, #tpu.memory_space<vmem>>
      %dma_wait3A_84 = arith.constant 0 : i32
      %dma_wait3A_85 = tpu.memref_slice %arg6[%add3A_62, %dma_wait3A_84] : memref<10240x128xf32, #tpu.memory_space<vmem_shared>> -> memref<128x128xf32, #tpu.memory_space<vmem_shared>>
      %dma_wait3A_86 = arith.constant 0 : i32
      %dma_wait3A_87 = arith.constant 0 : i32
      %dma_wait3A_88 = tpu.memref_slice %arg11[%dma_wait3A_86, %dma_wait3A_87] : memref<128x128xf32, #tpu.memory_space<vmem>> -> memref<128x128xf32, #tpu.memory_space<vmem>>
      %dma_wait3A_89 = arith.constant 0 : i32
      %dma_wait3A_90 = tpu.memref_slice %arg6[%add3A_62, %dma_wait3A_89] : memref<10240x128xf32, #tpu.memory_space<vmem_shared>> -> memref<128x128xf32, #tpu.memory_space<vmem_shared>>
      tpu.wait_dma2 semaphore(%run_scoped3A : memref<!tpu.dma_semaphore, #tpu.memory_space<semaphore_mem>>) src(%dma_wait3A_90 : memref<128x128xf32, #tpu.memory_space<vmem_shared>>) dst(%dma_wait3A_88 : memref<128x128xf32, #tpu.memory_space<vmem>>)
      tpu.yield
    }) : () -> ()
    %mul3A_63 = arith.constant 10240 : i32
    %mul3A_64 = arith.muli %arg0, %mul3A_63 : i32
    %add3A_65 = arith.addi %mul3A_64, %add3A_62 : i32
    "tpu.region"() ({
      %run_scoped3A = tpu.sem_alloc : memref<!tpu.dma_semaphore, #tpu.memory_space<semaphore_mem>>
      %dma_start3A = arith.constant 0 : i32
      %dma_start3A_73 = arith.constant 0 : i32
      %dma_start3A_74 = tpu.memref_slice %arg11[%dma_start3A, %dma_start3A_73] : memref<128x128xf32, #tpu.memory_space<vmem>> -> memref<128x128xf32, #tpu.memory_space<vmem>>
      %dma_start3A_75 = arith.constant 0 : i32
      %dma_start3A_76 = tpu.memref_slice %arg5[%add3A_65, %dma_start3A_75] : memref<20480x128xf32, #tpu.memory_space<hbm>> -> memref<128x128xf32, #tpu.memory_space<hbm>>
      %dma_start3A_77 = arith.constant 0 : i32
      %dma_start3A_78 = tpu.memref_slice %arg5[%add3A_65, %dma_start3A_77] : memref<20480x128xf32, #tpu.memory_space<hbm>> -> memref<128x128xf32, #tpu.memory_space<hbm>>
      %dma_start3A_79 = arith.constant 0 : i32
      %dma_start3A_80 = arith.constant 0 : i32
      %dma_start3A_81 = tpu.memref_slice %arg11[%dma_start3A_79, %dma_start3A_80] : memref<128x128xf32, #tpu.memory_space<vmem>> -> memref<128x128xf32, #tpu.memory_space<vmem>>
      tpu.enqueue_dma source(%dma_start3A_81 : memref<128x128xf32, #tpu.memory_space<vmem>>) target(%dma_start3A_78 : memref<128x128xf32, #tpu.memory_space<hbm>>) target_semaphore(%run_scoped3A : memref<!tpu.dma_semaphore, #tpu.memory_space<semaphore_mem>>)
      %dma_wait3A = arith.constant 0 : i32
      %dma_wait3A_82 = arith.constant 0 : i32
      %dma_wait3A_83 = tpu.memref_slice %arg11[%dma_wait3A, %dma_wait3A_82] : memref<128x128xf32, #tpu.memory_space<vmem>> -> memref<128x128xf32, #tpu.memory_space<vmem>>
      %dma_wait3A_84 = arith.constant 0 : i32
      %dma_wait3A_85 = tpu.memref_slice %arg5[%add3A_65, %dma_wait3A_84] : memref<20480x128xf32, #tpu.memory_space<hbm>> -> memref<128x128xf32, #tpu.memory_space<hbm>>
      %dma_wait3A_86 = arith.constant 0 : i32
      %dma_wait3A_87 = tpu.memref_slice %arg5[%add3A_65, %dma_wait3A_86] : memref<20480x128xf32, #tpu.memory_space<hbm>> -> memref<128x128xf32, #tpu.memory_space<hbm>>
      %dma_wait3A_88 = arith.constant 0 : i32
      %dma_wait3A_89 = arith.constant 0 : i32
      %dma_wait3A_90 = tpu.memref_slice %arg11[%dma_wait3A_88, %dma_wait3A_89] : memref<128x128xf32, #tpu.memory_space<vmem>> -> memref<128x128xf32, #tpu.memory_space<vmem>>
      tpu.wait_dma2 semaphore(%run_scoped3A : memref<!tpu.dma_semaphore, #tpu.memory_space<semaphore_mem>>) src(%dma_wait3A_90 : memref<128x128xf32, #tpu.memory_space<vmem>>) dst(%dma_wait3A_87 : memref<128x128xf32, #tpu.memory_space<hbm>>)
      tpu.yield
    }) : () -> ()
    %mul3A_66 = arith.constant 640 : i32
    %mul3A_67 = arith.muli %arg1, %mul3A_66 : i32
    %add3A_68 = arith.constant 512 : i32
    %add3A_69 = arith.addi %mul3A_67, %add3A_68 : i32
    "tpu.region"() ({
      %run_scoped3A = tpu.sem_alloc : memref<!tpu.dma_semaphore, #tpu.memory_space<semaphore_mem>>
      %dma_start3A = arith.constant 0 : i32
      %dma_start3A_73 = arith.constant 0 : i32
      %dma_start3A_74 = tpu.memref_slice %arg11[%dma_start3A, %dma_start3A_73] : memref<128x128xf32, #tpu.memory_space<vmem>> -> memref<128x128xf32, #tpu.memory_space<vmem>>
      %dma_start3A_75 = arith.constant 0 : i32
      %dma_start3A_76 = tpu.memref_slice %arg6[%add3A_69, %dma_start3A_75] : memref<10240x128xf32, #tpu.memory_space<vmem_shared>> -> memref<128x128xf32, #tpu.memory_space<vmem_shared>>
      %dma_start3A_77 = arith.constant 0 : i32
      %dma_start3A_78 = arith.constant 0 : i32
      %dma_start3A_79 = tpu.memref_slice %arg11[%dma_start3A_77, %dma_start3A_78] : memref<128x128xf32, #tpu.memory_space<vmem>> -> memref<128x128xf32, #tpu.memory_space<vmem>>
      %dma_start3A_80 = arith.constant 0 : i32
      %dma_start3A_81 = tpu.memref_slice %arg6[%add3A_69, %dma_start3A_80] : memref<10240x128xf32, #tpu.memory_space<vmem_shared>> -> memref<128x128xf32, #tpu.memory_space<vmem_shared>>
      tpu.enqueue_dma source(%dma_start3A_81 : memref<128x128xf32, #tpu.memory_space<vmem_shared>>) target(%dma_start3A_79 : memref<128x128xf32, #tpu.memory_space<vmem>>) target_semaphore(%run_scoped3A : memref<!tpu.dma_semaphore, #tpu.memory_space<semaphore_mem>>)
      %dma_wait3A = arith.constant 0 : i32
      %dma_wait3A_82 = arith.constant 0 : i32
      %dma_wait3A_83 = tpu.memref_slice %arg11[%dma_wait3A, %dma_wait3A_82] : memref<128x128xf32, #tpu.memory_space<vmem>> -> memref<128x128xf32, #tpu.memory_space<vmem>>
      %dma_wait3A_84 = arith.constant 0 : i32
      %dma_wait3A_85 = tpu.memref_slice %arg6[%add3A_69, %dma_wait3A_84] : memref<10240x128xf32, #tpu.memory_space<vmem_shared>> -> memref<128x128xf32, #tpu.memory_space<vmem_shared>>
      %dma_wait3A_86 = arith.constant 0 : i32
      %dma_wait3A_87 = arith.constant 0 : i32
      %dma_wait3A_88 = tpu.memref_slice %arg11[%dma_wait3A_86, %dma_wait3A_87] : memref<128x128xf32, #tpu.memory_space<vmem>> -> memref<128x128xf32, #tpu.memory_space<vmem>>
      %dma_wait3A_89 = arith.constant 0 : i32
      %dma_wait3A_90 = tpu.memref_slice %arg6[%add3A_69, %dma_wait3A_89] : memref<10240x128xf32, #tpu.memory_space<vmem_shared>> -> memref<128x128xf32, #tpu.memory_space<vmem_shared>>
      tpu.wait_dma2 semaphore(%run_scoped3A : memref<!tpu.dma_semaphore, #tpu.memory_space<semaphore_mem>>) src(%dma_wait3A_90 : memref<128x128xf32, #tpu.memory_space<vmem_shared>>) dst(%dma_wait3A_88 : memref<128x128xf32, #tpu.memory_space<vmem>>)
      tpu.yield
    }) : () -> ()
    %mul3A_70 = arith.constant 10240 : i32
    %mul3A_71 = arith.muli %arg0, %mul3A_70 : i32
    %add3A_72 = arith.addi %mul3A_71, %add3A_69 : i32
    "tpu.region"() ({
      %run_scoped3A = tpu.sem_alloc : memref<!tpu.dma_semaphore, #tpu.memory_space<semaphore_mem>>
      %dma_start3A = arith.constant 0 : i32
      %dma_start3A_73 = arith.constant 0 : i32
      %dma_start3A_74 = tpu.memref_slice %arg11[%dma_start3A, %dma_start3A_73] : memref<128x128xf32, #tpu.memory_space<vmem>> -> memref<128x128xf32, #tpu.memory_space<vmem>>
      %dma_start3A_75 = arith.constant 0 : i32
      %dma_start3A_76 = tpu.memref_slice %arg5[%add3A_72, %dma_start3A_75] : memref<20480x128xf32, #tpu.memory_space<hbm>> -> memref<128x128xf32, #tpu.memory_space<hbm>>
      %dma_start3A_77 = arith.constant 0 : i32
      %dma_start3A_78 = tpu.memref_slice %arg5[%add3A_72, %dma_start3A_77] : memref<20480x128xf32, #tpu.memory_space<hbm>> -> memref<128x128xf32, #tpu.memory_space<hbm>>
      %dma_start3A_79 = arith.constant 0 : i32
      %dma_start3A_80 = arith.constant 0 : i32
      %dma_start3A_81 = tpu.memref_slice %arg11[%dma_start3A_79, %dma_start3A_80] : memref<128x128xf32, #tpu.memory_space<vmem>> -> memref<128x128xf32, #tpu.memory_space<vmem>>
      tpu.enqueue_dma source(%dma_start3A_81 : memref<128x128xf32, #tpu.memory_space<vmem>>) target(%dma_start3A_78 : memref<128x128xf32, #tpu.memory_space<hbm>>) target_semaphore(%run_scoped3A : memref<!tpu.dma_semaphore, #tpu.memory_space<semaphore_mem>>)
      %dma_wait3A = arith.constant 0 : i32
      %dma_wait3A_82 = arith.constant 0 : i32
      %dma_wait3A_83 = tpu.memref_slice %arg11[%dma_wait3A, %dma_wait3A_82] : memref<128x128xf32, #tpu.memory_space<vmem>> -> memref<128x128xf32, #tpu.memory_space<vmem>>
      %dma_wait3A_84 = arith.constant 0 : i32
      %dma_wait3A_85 = tpu.memref_slice %arg5[%add3A_72, %dma_wait3A_84] : memref<20480x128xf32, #tpu.memory_space<hbm>> -> memref<128x128xf32, #tpu.memory_space<hbm>>
      %dma_wait3A_86 = arith.constant 0 : i32
      %dma_wait3A_87 = tpu.memref_slice %arg5[%add3A_72, %dma_wait3A_86] : memref<20480x128xf32, #tpu.memory_space<hbm>> -> memref<128x128xf32, #tpu.memory_space<hbm>>
      %dma_wait3A_88 = arith.constant 0 : i32
      %dma_wait3A_89 = arith.constant 0 : i32
      %dma_wait3A_90 = tpu.memref_slice %arg11[%dma_wait3A_88, %dma_wait3A_89] : memref<128x128xf32, #tpu.memory_space<vmem>> -> memref<128x128xf32, #tpu.memory_space<vmem>>
      tpu.wait_dma2 semaphore(%run_scoped3A : memref<!tpu.dma_semaphore, #tpu.memory_space<semaphore_mem>>) src(%dma_wait3A_90 : memref<128x128xf32, #tpu.memory_space<vmem>>) dst(%dma_wait3A_87 : memref<128x128xf32, #tpu.memory_space<hbm>>)
      tpu.yield
    }) : () -> ()
    return
  }
}

#map = affine_map<(d0, d1) -> (0, 0)>
#map1 = affine_map<(d0, d1) -> (0)>
module attributes {stable_mosaic.version = 14 : i64} {
  func.func @body(%arg0: i32, %arg1: i32, %arg2: memref<20000x128xf32, #tpu.memory_space<hbm>>, %arg3: memref<655360xi32, #tpu.memory_space<hbm>>, %arg4: memref<327680xi32, #tpu.memory_space<hbm>>, %arg5: memref<20480x128xf32, #tpu.memory_space<hbm>>, %arg6: memref<10240x128xf32, #tpu.memory_space<vmem_shared>>, %arg7: memref<128xi32, #tpu.memory_space<vmem>>, %arg8: memref<128xi32, #tpu.memory_space<vmem>>, %arg9: memref<128xi32, #tpu.memory_space<vmem>>, %arg10: memref<128xi32, #tpu.memory_space<vmem>>, %arg11: memref<128x128xf32, #tpu.memory_space<vmem>>, %arg12: memref<!tpu.dma_semaphore, #tpu.memory_space<semaphore_mem>>, %arg13: memref<!tpu.dma_semaphore, #tpu.memory_space<semaphore_mem>>) attributes {dimension_semantics = [#tpu.dimension_semantics<core_parallel>, #tpu.dimension_semantics<subcore_parallel>], iteration_bounds = array<i64: 2, 16>, scalar_prefetch = 0 : i64, scratch_operands = 8 : i64, tpu.core_type = #tpu.core_type<sc_vector_subcore>, window_params = [{transform_indices = #map}, {transform_indices = #map1}, {transform_indices = #map1}, {transform_indices = #map}]} {
    %mul3A = arith.constant 327680 : i32
    %mul3A_0 = arith.muli %arg0, %mul3A : i32
    %mul3A_1 = arith.constant 20480 : i32
    %mul3A_2 = arith.muli %arg1, %mul3A_1 : i32
    %add3A = arith.addi %mul3A_0, %mul3A_2 : i32
    %mul3A_3 = arith.constant 20480 : i32
    %mul3A_4 = arith.muli %arg1, %mul3A_3 : i32
    %broadcast_in_dim3A = arith.constant 0.000000e+00 : f32
    %broadcast_in_dim3A_5 = vector.broadcast %broadcast_in_dim3A : f32 to vector<16xf32>
    %scan3A = arith.constant 0 : i32
    %scan3A_6 = arith.constant 0 : i32
    %scan3A_7 = arith.constant 128 : i32
    %scan3A_8 = arith.addi %scan3A_6, %scan3A_7 : i32
    %scan3A_9 = arith.constant 1 : i32
    %scan3A_10 = scf.for %scan3A_75 = %scan3A_6 to %scan3A_8 step %scan3A_9 iter_args(%scan3A_76 = %scan3A) -> (i32)  : i32 {
      %swap3A = arith.index_cast %scan3A_75 : i32 to index
      %swap3A_77 = arith.constant 0 : index
      %swap3A_78 = tpu.vector_load %arg11[%swap3A, %swap3A_77] {strides = array<i32>} : memref<128x128xf32, #tpu.memory_space<vmem>>, vector<1x16xf32>,
      %swap3A_79 = vector.shape_cast %swap3A_78 : vector<1x16xf32> to vector<16xf32>
      %swap3A_80 = vector.shape_cast %broadcast_in_dim3A_5 : vector<16xf32> to vector<1x16xf32>
      tpu.vector_store %arg11[%swap3A, %swap3A_77], %swap3A_80 {strides = array<i32>} : memref<128x128xf32, #tpu.memory_space<vmem>>, vector<1x16xf32>,
      %swap3A_81 = arith.index_cast %scan3A_75 : i32 to index
      %swap3A_82 = arith.constant 16 : index
      %swap3A_83 = tpu.vector_load %arg11[%swap3A_81, %swap3A_82] {strides = array<i32>} : memref<128x128xf32, #tpu.memory_space<vmem>>, vector<1x16xf32>,
      %swap3A_84 = vector.shape_cast %swap3A_83 : vector<1x16xf32> to vector<16xf32>
      %swap3A_85 = vector.shape_cast %broadcast_in_dim3A_5 : vector<16xf32> to vector<1x16xf32>
      tpu.vector_store %arg11[%swap3A_81, %swap3A_82], %swap3A_85 {strides = array<i32>} : memref<128x128xf32, #tpu.memory_space<vmem>>, vector<1x16xf32>,
      %swap3A_86 = arith.index_cast %scan3A_75 : i32 to index
      %swap3A_87 = arith.constant 32 : index
      %swap3A_88 = tpu.vector_load %arg11[%swap3A_86, %swap3A_87] {strides = array<i32>} : memref<128x128xf32, #tpu.memory_space<vmem>>, vector<1x16xf32>,
      %swap3A_89 = vector.shape_cast %swap3A_88 : vector<1x16xf32> to vector<16xf32>
      %swap3A_90 = vector.shape_cast %broadcast_in_dim3A_5 : vector<16xf32> to vector<1x16xf32>
      tpu.vector_store %arg11[%swap3A_86, %swap3A_87], %swap3A_90 {strides = array<i32>} : memref<128x128xf32, #tpu.memory_space<vmem>>, vector<1x16xf32>,
      %swap3A_91 = arith.index_cast %scan3A_75 : i32 to index
      %swap3A_92 = arith.constant 48 : index
      %swap3A_93 = tpu.vector_load %arg11[%swap3A_91, %swap3A_92] {strides = array<i32>} : memref<128x128xf32, #tpu.memory_space<vmem>>, vector<1x16xf32>,
      %swap3A_94 = vector.shape_cast %swap3A_93 : vector<1x16xf32> to vector<16xf32>
      %swap3A_95 = vector.shape_cast %broadcast_in_dim3A_5 : vector<16xf32> to vector<1x16xf32>
      tpu.vector_store %arg11[%swap3A_91, %swap3A_92], %swap3A_95 {strides = array<i32>} : memref<128x128xf32, #tpu.memory_space<vmem>>, vector<1x16xf32>,
      %swap3A_96 = arith.index_cast %scan3A_75 : i32 to index
      %swap3A_97 = arith.constant 64 : index
      %swap3A_98 = tpu.vector_load %arg11[%swap3A_96, %swap3A_97] {strides = array<i32>} : memref<128x128xf32, #tpu.memory_space<vmem>>, vector<1x16xf32>,
      %swap3A_99 = vector.shape_cast %swap3A_98 : vector<1x16xf32> to vector<16xf32>
      %swap3A_100 = vector.shape_cast %broadcast_in_dim3A_5 : vector<16xf32> to vector<1x16xf32>
      tpu.vector_store %arg11[%swap3A_96, %swap3A_97], %swap3A_100 {strides = array<i32>} : memref<128x128xf32, #tpu.memory_space<vmem>>, vector<1x16xf32>,
      %swap3A_101 = arith.index_cast %scan3A_75 : i32 to index
      %swap3A_102 = arith.constant 80 : index
      %swap3A_103 = tpu.vector_load %arg11[%swap3A_101, %swap3A_102] {strides = array<i32>} : memref<128x128xf32, #tpu.memory_space<vmem>>, vector<1x16xf32>,
      %swap3A_104 = vector.shape_cast %swap3A_103 : vector<1x16xf32> to vector<16xf32>
      %swap3A_105 = vector.shape_cast %broadcast_in_dim3A_5 : vector<16xf32> to vector<1x16xf32>
      tpu.vector_store %arg11[%swap3A_101, %swap3A_102], %swap3A_105 {strides = array<i32>} : memref<128x128xf32, #tpu.memory_space<vmem>>, vector<1x16xf32>,
      %swap3A_106 = arith.index_cast %scan3A_75 : i32 to index
      %swap3A_107 = arith.constant 96 : index
      %swap3A_108 = tpu.vector_load %arg11[%swap3A_106, %swap3A_107] {strides = array<i32>} : memref<128x128xf32, #tpu.memory_space<vmem>>, vector<1x16xf32>,
      %swap3A_109 = vector.shape_cast %swap3A_108 : vector<1x16xf32> to vector<16xf32>
      %swap3A_110 = vector.shape_cast %broadcast_in_dim3A_5 : vector<16xf32> to vector<1x16xf32>
      tpu.vector_store %arg11[%swap3A_106, %swap3A_107], %swap3A_110 {strides = array<i32>} : memref<128x128xf32, #tpu.memory_space<vmem>>, vector<1x16xf32>,
      %swap3A_111 = arith.index_cast %scan3A_75 : i32 to index
      %swap3A_112 = arith.constant 112 : index
      %swap3A_113 = tpu.vector_load %arg11[%swap3A_111, %swap3A_112] {strides = array<i32>} : memref<128x128xf32, #tpu.memory_space<vmem>>, vector<1x16xf32>,
      %swap3A_114 = vector.shape_cast %swap3A_113 : vector<1x16xf32> to vector<16xf32>
      %swap3A_115 = vector.shape_cast %broadcast_in_dim3A_5 : vector<16xf32> to vector<1x16xf32>
      tpu.vector_store %arg11[%swap3A_111, %swap3A_112], %swap3A_115 {strides = array<i32>} : memref<128x128xf32, #tpu.memory_space<vmem>>, vector<1x16xf32>,
      %scan3A_116 = arith.constant 0 : i32
      scf.yield %scan3A_116 : i32
    }
    %scan3A_11 = arith.constant 128 : i32
    %mul3A_12 = arith.constant 640 : i32
    %mul3A_13 = arith.muli %arg1, %mul3A_12 : i32
    %add3A_14 = arith.constant 0 : i32
    %add3A_15 = arith.addi %mul3A_13, %add3A_14 : i32
    "tpu.region"() ({
      %run_scoped3A = tpu.sem_alloc : memref<!tpu.dma_semaphore, #tpu.memory_space<semaphore_mem>>
      %dma_start3A = arith.constant 0 : i32
      %dma_start3A_75 = arith.constant 0 : i32
      %dma_start3A_76 = tpu.memref_slice %arg11[%dma_start3A, %dma_start3A_75] : memref<128x128xf32, #tpu.memory_space<vmem>> -> memref<128x128xf32, #tpu.memory_space<vmem>>
      %dma_start3A_77 = arith.constant 0 : i32
      %dma_start3A_78 = tpu.memref_slice %arg6[%add3A_15, %dma_start3A_77] : memref<10240x128xf32, #tpu.memory_space<vmem_shared>> -> memref<128x128xf32, #tpu.memory_space<vmem_shared>>
      %dma_start3A_79 = arith.constant 0 : i32
      %dma_start3A_80 = tpu.memref_slice %arg6[%add3A_15, %dma_start3A_79] : memref<10240x128xf32, #tpu.memory_space<vmem_shared>> -> memref<128x128xf32, #tpu.memory_space<vmem_shared>>
      %dma_start3A_81 = arith.constant 0 : i32
      %dma_start3A_82 = arith.constant 0 : i32
      %dma_start3A_83 = tpu.memref_slice %arg11[%dma_start3A_81, %dma_start3A_82] : memref<128x128xf32, #tpu.memory_space<vmem>> -> memref<128x128xf32, #tpu.memory_space<vmem>>
      tpu.enqueue_dma source(%dma_start3A_83 : memref<128x128xf32, #tpu.memory_space<vmem>>) target(%dma_start3A_80 : memref<128x128xf32, #tpu.memory_space<vmem_shared>>) target_semaphore(%run_scoped3A : memref<!tpu.dma_semaphore, #tpu.memory_space<semaphore_mem>>)
      %dma_wait3A = arith.constant 0 : i32
      %dma_wait3A_84 = arith.constant 0 : i32
      %dma_wait3A_85 = tpu.memref_slice %arg11[%dma_wait3A, %dma_wait3A_84] : memref<128x128xf32, #tpu.memory_space<vmem>> -> memref<128x128xf32, #tpu.memory_space<vmem>>
      %dma_wait3A_86 = arith.constant 0 : i32
      %dma_wait3A_87 = tpu.memref_slice %arg6[%add3A_15, %dma_wait3A_86] : memref<10240x128xf32, #tpu.memory_space<vmem_shared>> -> memref<128x128xf32, #tpu.memory_space<vmem_shared>>
      %dma_wait3A_88 = arith.constant 0 : i32
      %dma_wait3A_89 = tpu.memref_slice %arg6[%add3A_15, %dma_wait3A_88] : memref<10240x128xf32, #tpu.memory_space<vmem_shared>> -> memref<128x128xf32, #tpu.memory_space<vmem_shared>>
      %dma_wait3A_90 = arith.constant 0 : i32
      %dma_wait3A_91 = arith.constant 0 : i32
      %dma_wait3A_92 = tpu.memref_slice %arg11[%dma_wait3A_90, %dma_wait3A_91] : memref<128x128xf32, #tpu.memory_space<vmem>> -> memref<128x128xf32, #tpu.memory_space<vmem>>
      tpu.wait_dma2 semaphore(%run_scoped3A : memref<!tpu.dma_semaphore, #tpu.memory_space<semaphore_mem>>) src(%dma_wait3A_92 : memref<128x128xf32, #tpu.memory_space<vmem>>) dst(%dma_wait3A_89 : memref<128x128xf32, #tpu.memory_space<vmem_shared>>)
      tpu.yield
    }) : () -> ()
    %mul3A_16 = arith.constant 640 : i32
    %mul3A_17 = arith.muli %arg1, %mul3A_16 : i32
    %add3A_18 = arith.constant 128 : i32
    %add3A_19 = arith.addi %mul3A_17, %add3A_18 : i32
    "tpu.region"() ({
      %run_scoped3A = tpu.sem_alloc : memref<!tpu.dma_semaphore, #tpu.memory_space<semaphore_mem>>
      %dma_start3A = arith.constant 0 : i32
      %dma_start3A_75 = arith.constant 0 : i32
      %dma_start3A_76 = tpu.memref_slice %arg11[%dma_start3A, %dma_start3A_75] : memref<128x128xf32, #tpu.memory_space<vmem>> -> memref<128x128xf32, #tpu.memory_space<vmem>>
      %dma_start3A_77 = arith.constant 0 : i32
      %dma_start3A_78 = tpu.memref_slice %arg6[%add3A_19, %dma_start3A_77] : memref<10240x128xf32, #tpu.memory_space<vmem_shared>> -> memref<128x128xf32, #tpu.memory_space<vmem_shared>>
      %dma_start3A_79 = arith.constant 0 : i32
      %dma_start3A_80 = tpu.memref_slice %arg6[%add3A_19, %dma_start3A_79] : memref<10240x128xf32, #tpu.memory_space<vmem_shared>> -> memref<128x128xf32, #tpu.memory_space<vmem_shared>>
      %dma_start3A_81 = arith.constant 0 : i32
      %dma_start3A_82 = arith.constant 0 : i32
      %dma_start3A_83 = tpu.memref_slice %arg11[%dma_start3A_81, %dma_start3A_82] : memref<128x128xf32, #tpu.memory_space<vmem>> -> memref<128x128xf32, #tpu.memory_space<vmem>>
      tpu.enqueue_dma source(%dma_start3A_83 : memref<128x128xf32, #tpu.memory_space<vmem>>) target(%dma_start3A_80 : memref<128x128xf32, #tpu.memory_space<vmem_shared>>) target_semaphore(%run_scoped3A : memref<!tpu.dma_semaphore, #tpu.memory_space<semaphore_mem>>)
      %dma_wait3A = arith.constant 0 : i32
      %dma_wait3A_84 = arith.constant 0 : i32
      %dma_wait3A_85 = tpu.memref_slice %arg11[%dma_wait3A, %dma_wait3A_84] : memref<128x128xf32, #tpu.memory_space<vmem>> -> memref<128x128xf32, #tpu.memory_space<vmem>>
      %dma_wait3A_86 = arith.constant 0 : i32
      %dma_wait3A_87 = tpu.memref_slice %arg6[%add3A_19, %dma_wait3A_86] : memref<10240x128xf32, #tpu.memory_space<vmem_shared>> -> memref<128x128xf32, #tpu.memory_space<vmem_shared>>
      %dma_wait3A_88 = arith.constant 0 : i32
      %dma_wait3A_89 = tpu.memref_slice %arg6[%add3A_19, %dma_wait3A_88] : memref<10240x128xf32, #tpu.memory_space<vmem_shared>> -> memref<128x128xf32, #tpu.memory_space<vmem_shared>>
      %dma_wait3A_90 = arith.constant 0 : i32
      %dma_wait3A_91 = arith.constant 0 : i32
      %dma_wait3A_92 = tpu.memref_slice %arg11[%dma_wait3A_90, %dma_wait3A_91] : memref<128x128xf32, #tpu.memory_space<vmem>> -> memref<128x128xf32, #tpu.memory_space<vmem>>
      tpu.wait_dma2 semaphore(%run_scoped3A : memref<!tpu.dma_semaphore, #tpu.memory_space<semaphore_mem>>) src(%dma_wait3A_92 : memref<128x128xf32, #tpu.memory_space<vmem>>) dst(%dma_wait3A_89 : memref<128x128xf32, #tpu.memory_space<vmem_shared>>)
      tpu.yield
    }) : () -> ()
    %mul3A_20 = arith.constant 640 : i32
    %mul3A_21 = arith.muli %arg1, %mul3A_20 : i32
    %add3A_22 = arith.constant 256 : i32
    %add3A_23 = arith.addi %mul3A_21, %add3A_22 : i32
    "tpu.region"() ({
      %run_scoped3A = tpu.sem_alloc : memref<!tpu.dma_semaphore, #tpu.memory_space<semaphore_mem>>
      %dma_start3A = arith.constant 0 : i32
      %dma_start3A_75 = arith.constant 0 : i32
      %dma_start3A_76 = tpu.memref_slice %arg11[%dma_start3A, %dma_start3A_75] : memref<128x128xf32, #tpu.memory_space<vmem>> -> memref<128x128xf32, #tpu.memory_space<vmem>>
      %dma_start3A_77 = arith.constant 0 : i32
      %dma_start3A_78 = tpu.memref_slice %arg6[%add3A_23, %dma_start3A_77] : memref<10240x128xf32, #tpu.memory_space<vmem_shared>> -> memref<128x128xf32, #tpu.memory_space<vmem_shared>>
      %dma_start3A_79 = arith.constant 0 : i32
      %dma_start3A_80 = tpu.memref_slice %arg6[%add3A_23, %dma_start3A_79] : memref<10240x128xf32, #tpu.memory_space<vmem_shared>> -> memref<128x128xf32, #tpu.memory_space<vmem_shared>>
      %dma_start3A_81 = arith.constant 0 : i32
      %dma_start3A_82 = arith.constant 0 : i32
      %dma_start3A_83 = tpu.memref_slice %arg11[%dma_start3A_81, %dma_start3A_82] : memref<128x128xf32, #tpu.memory_space<vmem>> -> memref<128x128xf32, #tpu.memory_space<vmem>>
      tpu.enqueue_dma source(%dma_start3A_83 : memref<128x128xf32, #tpu.memory_space<vmem>>) target(%dma_start3A_80 : memref<128x128xf32, #tpu.memory_space<vmem_shared>>) target_semaphore(%run_scoped3A : memref<!tpu.dma_semaphore, #tpu.memory_space<semaphore_mem>>)
      %dma_wait3A = arith.constant 0 : i32
      %dma_wait3A_84 = arith.constant 0 : i32
      %dma_wait3A_85 = tpu.memref_slice %arg11[%dma_wait3A, %dma_wait3A_84] : memref<128x128xf32, #tpu.memory_space<vmem>> -> memref<128x128xf32, #tpu.memory_space<vmem>>
      %dma_wait3A_86 = arith.constant 0 : i32
      %dma_wait3A_87 = tpu.memref_slice %arg6[%add3A_23, %dma_wait3A_86] : memref<10240x128xf32, #tpu.memory_space<vmem_shared>> -> memref<128x128xf32, #tpu.memory_space<vmem_shared>>
      %dma_wait3A_88 = arith.constant 0 : i32
      %dma_wait3A_89 = tpu.memref_slice %arg6[%add3A_23, %dma_wait3A_88] : memref<10240x128xf32, #tpu.memory_space<vmem_shared>> -> memref<128x128xf32, #tpu.memory_space<vmem_shared>>
      %dma_wait3A_90 = arith.constant 0 : i32
      %dma_wait3A_91 = arith.constant 0 : i32
      %dma_wait3A_92 = tpu.memref_slice %arg11[%dma_wait3A_90, %dma_wait3A_91] : memref<128x128xf32, #tpu.memory_space<vmem>> -> memref<128x128xf32, #tpu.memory_space<vmem>>
      tpu.wait_dma2 semaphore(%run_scoped3A : memref<!tpu.dma_semaphore, #tpu.memory_space<semaphore_mem>>) src(%dma_wait3A_92 : memref<128x128xf32, #tpu.memory_space<vmem>>) dst(%dma_wait3A_89 : memref<128x128xf32, #tpu.memory_space<vmem_shared>>)
      tpu.yield
    }) : () -> ()
    %mul3A_24 = arith.constant 640 : i32
    %mul3A_25 = arith.muli %arg1, %mul3A_24 : i32
    %add3A_26 = arith.constant 384 : i32
    %add3A_27 = arith.addi %mul3A_25, %add3A_26 : i32
    "tpu.region"() ({
      %run_scoped3A = tpu.sem_alloc : memref<!tpu.dma_semaphore, #tpu.memory_space<semaphore_mem>>
      %dma_start3A = arith.constant 0 : i32
      %dma_start3A_75 = arith.constant 0 : i32
      %dma_start3A_76 = tpu.memref_slice %arg11[%dma_start3A, %dma_start3A_75] : memref<128x128xf32, #tpu.memory_space<vmem>> -> memref<128x128xf32, #tpu.memory_space<vmem>>
      %dma_start3A_77 = arith.constant 0 : i32
      %dma_start3A_78 = tpu.memref_slice %arg6[%add3A_27, %dma_start3A_77] : memref<10240x128xf32, #tpu.memory_space<vmem_shared>> -> memref<128x128xf32, #tpu.memory_space<vmem_shared>>
      %dma_start3A_79 = arith.constant 0 : i32
      %dma_start3A_80 = tpu.memref_slice %arg6[%add3A_27, %dma_start3A_79] : memref<10240x128xf32, #tpu.memory_space<vmem_shared>> -> memref<128x128xf32, #tpu.memory_space<vmem_shared>>
      %dma_start3A_81 = arith.constant 0 : i32
      %dma_start3A_82 = arith.constant 0 : i32
      %dma_start3A_83 = tpu.memref_slice %arg11[%dma_start3A_81, %dma_start3A_82] : memref<128x128xf32, #tpu.memory_space<vmem>> -> memref<128x128xf32, #tpu.memory_space<vmem>>
      tpu.enqueue_dma source(%dma_start3A_83 : memref<128x128xf32, #tpu.memory_space<vmem>>) target(%dma_start3A_80 : memref<128x128xf32, #tpu.memory_space<vmem_shared>>) target_semaphore(%run_scoped3A : memref<!tpu.dma_semaphore, #tpu.memory_space<semaphore_mem>>)
      %dma_wait3A = arith.constant 0 : i32
      %dma_wait3A_84 = arith.constant 0 : i32
      %dma_wait3A_85 = tpu.memref_slice %arg11[%dma_wait3A, %dma_wait3A_84] : memref<128x128xf32, #tpu.memory_space<vmem>> -> memref<128x128xf32, #tpu.memory_space<vmem>>
      %dma_wait3A_86 = arith.constant 0 : i32
      %dma_wait3A_87 = tpu.memref_slice %arg6[%add3A_27, %dma_wait3A_86] : memref<10240x128xf32, #tpu.memory_space<vmem_shared>> -> memref<128x128xf32, #tpu.memory_space<vmem_shared>>
      %dma_wait3A_88 = arith.constant 0 : i32
      %dma_wait3A_89 = tpu.memref_slice %arg6[%add3A_27, %dma_wait3A_88] : memref<10240x128xf32, #tpu.memory_space<vmem_shared>> -> memref<128x128xf32, #tpu.memory_space<vmem_shared>>
      %dma_wait3A_90 = arith.constant 0 : i32
      %dma_wait3A_91 = arith.constant 0 : i32
      %dma_wait3A_92 = tpu.memref_slice %arg11[%dma_wait3A_90, %dma_wait3A_91] : memref<128x128xf32, #tpu.memory_space<vmem>> -> memref<128x128xf32, #tpu.memory_space<vmem>>
      tpu.wait_dma2 semaphore(%run_scoped3A : memref<!tpu.dma_semaphore, #tpu.memory_space<semaphore_mem>>) src(%dma_wait3A_92 : memref<128x128xf32, #tpu.memory_space<vmem>>) dst(%dma_wait3A_89 : memref<128x128xf32, #tpu.memory_space<vmem_shared>>)
      tpu.yield
    }) : () -> ()
    %mul3A_28 = arith.constant 640 : i32
    %mul3A_29 = arith.muli %arg1, %mul3A_28 : i32
    %add3A_30 = arith.constant 512 : i32
    %add3A_31 = arith.addi %mul3A_29, %add3A_30 : i32
    "tpu.region"() ({
      %run_scoped3A = tpu.sem_alloc : memref<!tpu.dma_semaphore, #tpu.memory_space<semaphore_mem>>
      %dma_start3A = arith.constant 0 : i32
      %dma_start3A_75 = arith.constant 0 : i32
      %dma_start3A_76 = tpu.memref_slice %arg11[%dma_start3A, %dma_start3A_75] : memref<128x128xf32, #tpu.memory_space<vmem>> -> memref<128x128xf32, #tpu.memory_space<vmem>>
      %dma_start3A_77 = arith.constant 0 : i32
      %dma_start3A_78 = tpu.memref_slice %arg6[%add3A_31, %dma_start3A_77] : memref<10240x128xf32, #tpu.memory_space<vmem_shared>> -> memref<128x128xf32, #tpu.memory_space<vmem_shared>>
      %dma_start3A_79 = arith.constant 0 : i32
      %dma_start3A_80 = tpu.memref_slice %arg6[%add3A_31, %dma_start3A_79] : memref<10240x128xf32, #tpu.memory_space<vmem_shared>> -> memref<128x128xf32, #tpu.memory_space<vmem_shared>>
      %dma_start3A_81 = arith.constant 0 : i32
      %dma_start3A_82 = arith.constant 0 : i32
      %dma_start3A_83 = tpu.memref_slice %arg11[%dma_start3A_81, %dma_start3A_82] : memref<128x128xf32, #tpu.memory_space<vmem>> -> memref<128x128xf32, #tpu.memory_space<vmem>>
      tpu.enqueue_dma source(%dma_start3A_83 : memref<128x128xf32, #tpu.memory_space<vmem>>) target(%dma_start3A_80 : memref<128x128xf32, #tpu.memory_space<vmem_shared>>) target_semaphore(%run_scoped3A : memref<!tpu.dma_semaphore, #tpu.memory_space<semaphore_mem>>)
      %dma_wait3A = arith.constant 0 : i32
      %dma_wait3A_84 = arith.constant 0 : i32
      %dma_wait3A_85 = tpu.memref_slice %arg11[%dma_wait3A, %dma_wait3A_84] : memref<128x128xf32, #tpu.memory_space<vmem>> -> memref<128x128xf32, #tpu.memory_space<vmem>>
      %dma_wait3A_86 = arith.constant 0 : i32
      %dma_wait3A_87 = tpu.memref_slice %arg6[%add3A_31, %dma_wait3A_86] : memref<10240x128xf32, #tpu.memory_space<vmem_shared>> -> memref<128x128xf32, #tpu.memory_space<vmem_shared>>
      %dma_wait3A_88 = arith.constant 0 : i32
      %dma_wait3A_89 = tpu.memref_slice %arg6[%add3A_31, %dma_wait3A_88] : memref<10240x128xf32, #tpu.memory_space<vmem_shared>> -> memref<128x128xf32, #tpu.memory_space<vmem_shared>>
      %dma_wait3A_90 = arith.constant 0 : i32
      %dma_wait3A_91 = arith.constant 0 : i32
      %dma_wait3A_92 = tpu.memref_slice %arg11[%dma_wait3A_90, %dma_wait3A_91] : memref<128x128xf32, #tpu.memory_space<vmem>> -> memref<128x128xf32, #tpu.memory_space<vmem>>
      tpu.wait_dma2 semaphore(%run_scoped3A : memref<!tpu.dma_semaphore, #tpu.memory_space<semaphore_mem>>) src(%dma_wait3A_92 : memref<128x128xf32, #tpu.memory_space<vmem>>) dst(%dma_wait3A_89 : memref<128x128xf32, #tpu.memory_space<vmem_shared>>)
      tpu.yield
    }) : () -> ()
    %barrier3A = arith.constant 0 : index
    tpu.barrier barrier_id(%barrier3A)
    %scan3A_32 = arith.constant 0 : i32
    %scan3A_33 = arith.constant 0 : i32
    %scan3A_34 = arith.constant 160 : i32
    %scan3A_35 = arith.addi %scan3A_33, %scan3A_34 : i32
    %scan3A_36 = arith.constant 1 : i32
    %scan3A_37 = scf.for %scan3A_75 = %scan3A_33 to %scan3A_35 step %scan3A_36 iter_args(%scan3A_76 = %scan3A_32) -> (i32)  : i32 {
      %mul3A_77 = arith.constant 128 : i32
      %mul3A_78 = arith.muli %scan3A_75, %mul3A_77 : i32
      %add3A_79 = arith.addi %add3A, %mul3A_78 : i32
      "tpu.region"() ({
        %run_scoped3A = tpu.sem_alloc : memref<!tpu.dma_semaphore, #tpu.memory_space<semaphore_mem>>
        %dma_start3A_86 = tpu.memref_slice %arg3[%add3A_79] : memref<655360xi32, #tpu.memory_space<hbm>> -> memref<128xi32, #tpu.memory_space<hbm>>
        %dma_start3A_87 = tpu.memref_slice %arg3[%add3A_79] : memref<655360xi32, #tpu.memory_space<hbm>> -> memref<128xi32, #tpu.memory_space<hbm>>
        tpu.enqueue_dma source(%dma_start3A_87 : memref<128xi32, #tpu.memory_space<hbm>>) target(%arg7 : memref<128xi32, #tpu.memory_space<vmem>>) target_semaphore(%run_scoped3A : memref<!tpu.dma_semaphore, #tpu.memory_space<semaphore_mem>>)
        %dma_wait3A_88 = tpu.memref_slice %arg3[%add3A_79] : memref<655360xi32, #tpu.memory_space<hbm>> -> memref<128xi32, #tpu.memory_space<hbm>>
        %dma_wait3A_89 = tpu.memref_slice %arg3[%add3A_79] : memref<655360xi32, #tpu.memory_space<hbm>> -> memref<128xi32, #tpu.memory_space<hbm>>
        tpu.wait_dma2 semaphore(%run_scoped3A : memref<!tpu.dma_semaphore, #tpu.memory_space<semaphore_mem>>) src(%dma_wait3A_89 : memref<128xi32, #tpu.memory_space<hbm>>) dst(%arg7 : memref<128xi32, #tpu.memory_space<vmem>>)
        tpu.yield
      }) : () -> ()
      %add3A_80 = arith.addi %mul3A_4, %mul3A_78 : i32
      "tpu.region"() ({
        %run_scoped3A = tpu.sem_alloc : memref<!tpu.dma_semaphore, #tpu.memory_space<semaphore_mem>>
        %dma_start3A_86 = tpu.memref_slice %arg4[%add3A_80] : memref<327680xi32, #tpu.memory_space<hbm>> -> memref<128xi32, #tpu.memory_space<hbm>>
        %dma_start3A_87 = tpu.memref_slice %arg4[%add3A_80] : memref<327680xi32, #tpu.memory_space<hbm>> -> memref<128xi32, #tpu.memory_space<hbm>>
        tpu.enqueue_dma source(%dma_start3A_87 : memref<128xi32, #tpu.memory_space<hbm>>) target(%arg9 : memref<128xi32, #tpu.memory_space<vmem>>) target_semaphore(%run_scoped3A : memref<!tpu.dma_semaphore, #tpu.memory_space<semaphore_mem>>)
        %dma_wait3A_88 = tpu.memref_slice %arg4[%add3A_80] : memref<327680xi32, #tpu.memory_space<hbm>> -> memref<128xi32, #tpu.memory_space<hbm>>
        %dma_wait3A_89 = tpu.memref_slice %arg4[%add3A_80] : memref<327680xi32, #tpu.memory_space<hbm>> -> memref<128xi32, #tpu.memory_space<hbm>>
        tpu.wait_dma2 semaphore(%run_scoped3A : memref<!tpu.dma_semaphore, #tpu.memory_space<semaphore_mem>>) src(%dma_wait3A_89 : memref<128xi32, #tpu.memory_space<hbm>>) dst(%arg9 : memref<128xi32, #tpu.memory_space<vmem>>)
        tpu.yield
      }) : () -> ()
      %dma_start3A = arith.constant 0 : i32
      %dma_start3A_81 = arith.constant 0 : i32
      %dma_start3A_82 = tpu.memref_slice %arg2[%dma_start3A, %dma_start3A_81] : memref<20000x128xf32, #tpu.memory_space<hbm>> -> memref<20000x128xf32, #tpu.memory_space<hbm>>
      tpu.enqueue_indirect_dma source(%dma_start3A_82 : memref<20000x128xf32, #tpu.memory_space<hbm>>) target(%arg11 : memref<128x128xf32, #tpu.memory_space<vmem>>) offsets(%arg7 : memref<128xi32, #tpu.memory_space<vmem>>) semaphore(%arg12 : memref<!tpu.dma_semaphore, #tpu.memory_space<semaphore_mem>>)
      %dma_wait3A = arith.constant 0 : i32
      %dma_wait3A_83 = arith.constant 0 : i32
      %dma_wait3A_84 = tpu.memref_slice %arg2[%dma_wait3A, %dma_wait3A_83] : memref<20000x128xf32, #tpu.memory_space<hbm>> -> memref<20000x128xf32, #tpu.memory_space<hbm>>
      tpu.wait_indirect_dma semaphore(%arg12 : memref<!tpu.dma_semaphore, #tpu.memory_space<semaphore_mem>>) src(%dma_wait3A_84 : memref<20000x128xf32, #tpu.memory_space<hbm>>) dst(%arg11 : memref<128x128xf32, #tpu.memory_space<vmem>>)
      "tpu.region"() ({
        %run_scoped3A = tpu.sem_alloc : memref<!tpu.dma_semaphore, #tpu.memory_space<semaphore_mem>>
        %dma_start3A_86 = arith.constant 0 : i32
        %dma_start3A_87 = arith.constant 0 : i32
        %dma_start3A_88 = tpu.memref_slice %arg6[%dma_start3A_86, %dma_start3A_87] : memref<10240x128xf32, #tpu.memory_space<vmem_shared>> -> memref<10240x128xf32, #tpu.memory_space<vmem_shared>>
        tpu.enqueue_indirect_dma source(%arg11 : memref<128x128xf32, #tpu.memory_space<vmem>>) target(%dma_start3A_88 : memref<10240x128xf32, #tpu.memory_space<vmem_shared>>) offsets(%arg9 : memref<128xi32, #tpu.memory_space<vmem>>) semaphore(%run_scoped3A : memref<!tpu.dma_semaphore, #tpu.memory_space<semaphore_mem>>) {add = true}
        %dma_wait3A_89 = arith.constant 0 : i32
        %dma_wait3A_90 = arith.constant 0 : i32
        %dma_wait3A_91 = tpu.memref_slice %arg6[%dma_wait3A_89, %dma_wait3A_90] : memref<10240x128xf32, #tpu.memory_space<vmem_shared>> -> memref<10240x128xf32, #tpu.memory_space<vmem_shared>>
        tpu.wait_indirect_dma semaphore(%run_scoped3A : memref<!tpu.dma_semaphore, #tpu.memory_space<semaphore_mem>>) src(%arg11 : memref<128x128xf32, #tpu.memory_space<vmem>>) dst(%dma_wait3A_91 : memref<10240x128xf32, #tpu.memory_space<vmem_shared>>)
        tpu.yield
      }) : () -> ()
      %scan3A_85 = arith.constant 0 : i32
      scf.yield %scan3A_85 : i32
    }
    %scan3A_38 = arith.constant 160 : i32
    %barrier3A_39 = arith.constant 0 : index
    tpu.barrier barrier_id(%barrier3A_39)
    %mul3A_40 = arith.constant 640 : i32
    %mul3A_41 = arith.muli %arg1, %mul3A_40 : i32
    %add3A_42 = arith.constant 0 : i32
    %add3A_43 = arith.addi %mul3A_41, %add3A_42 : i32
    "tpu.region"() ({
      %run_scoped3A = tpu.sem_alloc : memref<!tpu.dma_semaphore, #tpu.memory_space<semaphore_mem>>
      %dma_start3A = arith.constant 0 : i32
      %dma_start3A_75 = arith.constant 0 : i32
      %dma_start3A_76 = tpu.memref_slice %arg11[%dma_start3A, %dma_start3A_75] : memref<128x128xf32, #tpu.memory_space<vmem>> -> memref<128x128xf32, #tpu.memory_space<vmem>>
      %dma_start3A_77 = arith.constant 0 : i32
      %dma_start3A_78 = tpu.memref_slice %arg6[%add3A_43, %dma_start3A_77] : memref<10240x128xf32, #tpu.memory_space<vmem_shared>> -> memref<128x128xf32, #tpu.memory_space<vmem_shared>>
      %dma_start3A_79 = arith.constant 0 : i32
      %dma_start3A_80 = arith.constant 0 : i32
      %dma_start3A_81 = tpu.memref_slice %arg11[%dma_start3A_79, %dma_start3A_80] : memref<128x128xf32, #tpu.memory_space<vmem>> -> memref<128x128xf32, #tpu.memory_space<vmem>>
      %dma_start3A_82 = arith.constant 0 : i32
      %dma_start3A_83 = tpu.memref_slice %arg6[%add3A_43, %dma_start3A_82] : memref<10240x128xf32, #tpu.memory_space<vmem_shared>> -> memref<128x128xf32, #tpu.memory_space<vmem_shared>>
      tpu.enqueue_dma source(%dma_start3A_83 : memref<128x128xf32, #tpu.memory_space<vmem_shared>>) target(%dma_start3A_81 : memref<128x128xf32, #tpu.memory_space<vmem>>) target_semaphore(%run_scoped3A : memref<!tpu.dma_semaphore, #tpu.memory_space<semaphore_mem>>)
      %dma_wait3A = arith.constant 0 : i32
      %dma_wait3A_84 = arith.constant 0 : i32
      %dma_wait3A_85 = tpu.memref_slice %arg11[%dma_wait3A, %dma_wait3A_84] : memref<128x128xf32, #tpu.memory_space<vmem>> -> memref<128x128xf32, #tpu.memory_space<vmem>>
      %dma_wait3A_86 = arith.constant 0 : i32
      %dma_wait3A_87 = tpu.memref_slice %arg6[%add3A_43, %dma_wait3A_86] : memref<10240x128xf32, #tpu.memory_space<vmem_shared>> -> memref<128x128xf32, #tpu.memory_space<vmem_shared>>
      %dma_wait3A_88 = arith.constant 0 : i32
      %dma_wait3A_89 = arith.constant 0 : i32
      %dma_wait3A_90 = tpu.memref_slice %arg11[%dma_wait3A_88, %dma_wait3A_89] : memref<128x128xf32, #tpu.memory_space<vmem>> -> memref<128x128xf32, #tpu.memory_space<vmem>>
      %dma_wait3A_91 = arith.constant 0 : i32
      %dma_wait3A_92 = tpu.memref_slice %arg6[%add3A_43, %dma_wait3A_91] : memref<10240x128xf32, #tpu.memory_space<vmem_shared>> -> memref<128x128xf32, #tpu.memory_space<vmem_shared>>
      tpu.wait_dma2 semaphore(%run_scoped3A : memref<!tpu.dma_semaphore, #tpu.memory_space<semaphore_mem>>) src(%dma_wait3A_92 : memref<128x128xf32, #tpu.memory_space<vmem_shared>>) dst(%dma_wait3A_90 : memref<128x128xf32, #tpu.memory_space<vmem>>)
      tpu.yield
    }) : () -> ()
    %mul3A_44 = arith.constant 10240 : i32
    %mul3A_45 = arith.muli %arg0, %mul3A_44 : i32
    %add3A_46 = arith.addi %mul3A_45, %add3A_43 : i32
    "tpu.region"() ({
      %run_scoped3A = tpu.sem_alloc : memref<!tpu.dma_semaphore, #tpu.memory_space<semaphore_mem>>
      %dma_start3A = arith.constant 0 : i32
      %dma_start3A_75 = arith.constant 0 : i32
      %dma_start3A_76 = tpu.memref_slice %arg11[%dma_start3A, %dma_start3A_75] : memref<128x128xf32, #tpu.memory_space<vmem>> -> memref<128x128xf32, #tpu.memory_space<vmem>>
      %dma_start3A_77 = arith.constant 0 : i32
      %dma_start3A_78 = tpu.memref_slice %arg5[%add3A_46, %dma_start3A_77] : memref<20480x128xf32, #tpu.memory_space<hbm>> -> memref<128x128xf32, #tpu.memory_space<hbm>>
      %dma_start3A_79 = arith.constant 0 : i32
      %dma_start3A_80 = tpu.memref_slice %arg5[%add3A_46, %dma_start3A_79] : memref<20480x128xf32, #tpu.memory_space<hbm>> -> memref<128x128xf32, #tpu.memory_space<hbm>>
      %dma_start3A_81 = arith.constant 0 : i32
      %dma_start3A_82 = arith.constant 0 : i32
      %dma_start3A_83 = tpu.memref_slice %arg11[%dma_start3A_81, %dma_start3A_82] : memref<128x128xf32, #tpu.memory_space<vmem>> -> memref<128x128xf32, #tpu.memory_space<vmem>>
      tpu.enqueue_dma source(%dma_start3A_83 : memref<128x128xf32, #tpu.memory_space<vmem>>) target(%dma_start3A_80 : memref<128x128xf32, #tpu.memory_space<hbm>>) target_semaphore(%run_scoped3A : memref<!tpu.dma_semaphore, #tpu.memory_space<semaphore_mem>>)
      %dma_wait3A = arith.constant 0 : i32
      %dma_wait3A_84 = arith.constant 0 : i32
      %dma_wait3A_85 = tpu.memref_slice %arg11[%dma_wait3A, %dma_wait3A_84] : memref<128x128xf32, #tpu.memory_space<vmem>> -> memref<128x128xf32, #tpu.memory_space<vmem>>
      %dma_wait3A_86 = arith.constant 0 : i32
      %dma_wait3A_87 = tpu.memref_slice %arg5[%add3A_46, %dma_wait3A_86] : memref<20480x128xf32, #tpu.memory_space<hbm>> -> memref<128x128xf32, #tpu.memory_space<hbm>>
      %dma_wait3A_88 = arith.constant 0 : i32
      %dma_wait3A_89 = tpu.memref_slice %arg5[%add3A_46, %dma_wait3A_88] : memref<20480x128xf32, #tpu.memory_space<hbm>> -> memref<128x128xf32, #tpu.memory_space<hbm>>
      %dma_wait3A_90 = arith.constant 0 : i32
      %dma_wait3A_91 = arith.constant 0 : i32
      %dma_wait3A_92 = tpu.memref_slice %arg11[%dma_wait3A_90, %dma_wait3A_91] : memref<128x128xf32, #tpu.memory_space<vmem>> -> memref<128x128xf32, #tpu.memory_space<vmem>>
      tpu.wait_dma2 semaphore(%run_scoped3A : memref<!tpu.dma_semaphore, #tpu.memory_space<semaphore_mem>>) src(%dma_wait3A_92 : memref<128x128xf32, #tpu.memory_space<vmem>>) dst(%dma_wait3A_89 : memref<128x128xf32, #tpu.memory_space<hbm>>)
      tpu.yield
    }) : () -> ()
    %mul3A_47 = arith.constant 640 : i32
    %mul3A_48 = arith.muli %arg1, %mul3A_47 : i32
    %add3A_49 = arith.constant 128 : i32
    %add3A_50 = arith.addi %mul3A_48, %add3A_49 : i32
    "tpu.region"() ({
      %run_scoped3A = tpu.sem_alloc : memref<!tpu.dma_semaphore, #tpu.memory_space<semaphore_mem>>
      %dma_start3A = arith.constant 0 : i32
      %dma_start3A_75 = arith.constant 0 : i32
      %dma_start3A_76 = tpu.memref_slice %arg11[%dma_start3A, %dma_start3A_75] : memref<128x128xf32, #tpu.memory_space<vmem>> -> memref<128x128xf32, #tpu.memory_space<vmem>>
      %dma_start3A_77 = arith.constant 0 : i32
      %dma_start3A_78 = tpu.memref_slice %arg6[%add3A_50, %dma_start3A_77] : memref<10240x128xf32, #tpu.memory_space<vmem_shared>> -> memref<128x128xf32, #tpu.memory_space<vmem_shared>>
      %dma_start3A_79 = arith.constant 0 : i32
      %dma_start3A_80 = arith.constant 0 : i32
      %dma_start3A_81 = tpu.memref_slice %arg11[%dma_start3A_79, %dma_start3A_80] : memref<128x128xf32, #tpu.memory_space<vmem>> -> memref<128x128xf32, #tpu.memory_space<vmem>>
      %dma_start3A_82 = arith.constant 0 : i32
      %dma_start3A_83 = tpu.memref_slice %arg6[%add3A_50, %dma_start3A_82] : memref<10240x128xf32, #tpu.memory_space<vmem_shared>> -> memref<128x128xf32, #tpu.memory_space<vmem_shared>>
      tpu.enqueue_dma source(%dma_start3A_83 : memref<128x128xf32, #tpu.memory_space<vmem_shared>>) target(%dma_start3A_81 : memref<128x128xf32, #tpu.memory_space<vmem>>) target_semaphore(%run_scoped3A : memref<!tpu.dma_semaphore, #tpu.memory_space<semaphore_mem>>)
      %dma_wait3A = arith.constant 0 : i32
      %dma_wait3A_84 = arith.constant 0 : i32
      %dma_wait3A_85 = tpu.memref_slice %arg11[%dma_wait3A, %dma_wait3A_84] : memref<128x128xf32, #tpu.memory_space<vmem>> -> memref<128x128xf32, #tpu.memory_space<vmem>>
      %dma_wait3A_86 = arith.constant 0 : i32
      %dma_wait3A_87 = tpu.memref_slice %arg6[%add3A_50, %dma_wait3A_86] : memref<10240x128xf32, #tpu.memory_space<vmem_shared>> -> memref<128x128xf32, #tpu.memory_space<vmem_shared>>
      %dma_wait3A_88 = arith.constant 0 : i32
      %dma_wait3A_89 = arith.constant 0 : i32
      %dma_wait3A_90 = tpu.memref_slice %arg11[%dma_wait3A_88, %dma_wait3A_89] : memref<128x128xf32, #tpu.memory_space<vmem>> -> memref<128x128xf32, #tpu.memory_space<vmem>>
      %dma_wait3A_91 = arith.constant 0 : i32
      %dma_wait3A_92 = tpu.memref_slice %arg6[%add3A_50, %dma_wait3A_91] : memref<10240x128xf32, #tpu.memory_space<vmem_shared>> -> memref<128x128xf32, #tpu.memory_space<vmem_shared>>
      tpu.wait_dma2 semaphore(%run_scoped3A : memref<!tpu.dma_semaphore, #tpu.memory_space<semaphore_mem>>) src(%dma_wait3A_92 : memref<128x128xf32, #tpu.memory_space<vmem_shared>>) dst(%dma_wait3A_90 : memref<128x128xf32, #tpu.memory_space<vmem>>)
      tpu.yield
    }) : () -> ()
    %mul3A_51 = arith.constant 10240 : i32
    %mul3A_52 = arith.muli %arg0, %mul3A_51 : i32
    %add3A_53 = arith.addi %mul3A_52, %add3A_50 : i32
    "tpu.region"() ({
      %run_scoped3A = tpu.sem_alloc : memref<!tpu.dma_semaphore, #tpu.memory_space<semaphore_mem>>
      %dma_start3A = arith.constant 0 : i32
      %dma_start3A_75 = arith.constant 0 : i32
      %dma_start3A_76 = tpu.memref_slice %arg11[%dma_start3A, %dma_start3A_75] : memref<128x128xf32, #tpu.memory_space<vmem>> -> memref<128x128xf32, #tpu.memory_space<vmem>>
      %dma_start3A_77 = arith.constant 0 : i32
      %dma_start3A_78 = tpu.memref_slice %arg5[%add3A_53, %dma_start3A_77] : memref<20480x128xf32, #tpu.memory_space<hbm>> -> memref<128x128xf32, #tpu.memory_space<hbm>>
      %dma_start3A_79 = arith.constant 0 : i32
      %dma_start3A_80 = tpu.memref_slice %arg5[%add3A_53, %dma_start3A_79] : memref<20480x128xf32, #tpu.memory_space<hbm>> -> memref<128x128xf32, #tpu.memory_space<hbm>>
      %dma_start3A_81 = arith.constant 0 : i32
      %dma_start3A_82 = arith.constant 0 : i32
      %dma_start3A_83 = tpu.memref_slice %arg11[%dma_start3A_81, %dma_start3A_82] : memref<128x128xf32, #tpu.memory_space<vmem>> -> memref<128x128xf32, #tpu.memory_space<vmem>>
      tpu.enqueue_dma source(%dma_start3A_83 : memref<128x128xf32, #tpu.memory_space<vmem>>) target(%dma_start3A_80 : memref<128x128xf32, #tpu.memory_space<hbm>>) target_semaphore(%run_scoped3A : memref<!tpu.dma_semaphore, #tpu.memory_space<semaphore_mem>>)
      %dma_wait3A = arith.constant 0 : i32
      %dma_wait3A_84 = arith.constant 0 : i32
      %dma_wait3A_85 = tpu.memref_slice %arg11[%dma_wait3A, %dma_wait3A_84] : memref<128x128xf32, #tpu.memory_space<vmem>> -> memref<128x128xf32, #tpu.memory_space<vmem>>
      %dma_wait3A_86 = arith.constant 0 : i32
      %dma_wait3A_87 = tpu.memref_slice %arg5[%add3A_53, %dma_wait3A_86] : memref<20480x128xf32, #tpu.memory_space<hbm>> -> memref<128x128xf32, #tpu.memory_space<hbm>>
      %dma_wait3A_88 = arith.constant 0 : i32
      %dma_wait3A_89 = tpu.memref_slice %arg5[%add3A_53, %dma_wait3A_88] : memref<20480x128xf32, #tpu.memory_space<hbm>> -> memref<128x128xf32, #tpu.memory_space<hbm>>
      %dma_wait3A_90 = arith.constant 0 : i32
      %dma_wait3A_91 = arith.constant 0 : i32
      %dma_wait3A_92 = tpu.memref_slice %arg11[%dma_wait3A_90, %dma_wait3A_91] : memref<128x128xf32, #tpu.memory_space<vmem>> -> memref<128x128xf32, #tpu.memory_space<vmem>>
      tpu.wait_dma2 semaphore(%run_scoped3A : memref<!tpu.dma_semaphore, #tpu.memory_space<semaphore_mem>>) src(%dma_wait3A_92 : memref<128x128xf32, #tpu.memory_space<vmem>>) dst(%dma_wait3A_89 : memref<128x128xf32, #tpu.memory_space<hbm>>)
      tpu.yield
    }) : () -> ()
    %mul3A_54 = arith.constant 640 : i32
    %mul3A_55 = arith.muli %arg1, %mul3A_54 : i32
    %add3A_56 = arith.constant 256 : i32
    %add3A_57 = arith.addi %mul3A_55, %add3A_56 : i32
    "tpu.region"() ({
      %run_scoped3A = tpu.sem_alloc : memref<!tpu.dma_semaphore, #tpu.memory_space<semaphore_mem>>
      %dma_start3A = arith.constant 0 : i32
      %dma_start3A_75 = arith.constant 0 : i32
      %dma_start3A_76 = tpu.memref_slice %arg11[%dma_start3A, %dma_start3A_75] : memref<128x128xf32, #tpu.memory_space<vmem>> -> memref<128x128xf32, #tpu.memory_space<vmem>>
      %dma_start3A_77 = arith.constant 0 : i32
      %dma_start3A_78 = tpu.memref_slice %arg6[%add3A_57, %dma_start3A_77] : memref<10240x128xf32, #tpu.memory_space<vmem_shared>> -> memref<128x128xf32, #tpu.memory_space<vmem_shared>>
      %dma_start3A_79 = arith.constant 0 : i32
      %dma_start3A_80 = arith.constant 0 : i32
      %dma_start3A_81 = tpu.memref_slice %arg11[%dma_start3A_79, %dma_start3A_80] : memref<128x128xf32, #tpu.memory_space<vmem>> -> memref<128x128xf32, #tpu.memory_space<vmem>>
      %dma_start3A_82 = arith.constant 0 : i32
      %dma_start3A_83 = tpu.memref_slice %arg6[%add3A_57, %dma_start3A_82] : memref<10240x128xf32, #tpu.memory_space<vmem_shared>> -> memref<128x128xf32, #tpu.memory_space<vmem_shared>>
      tpu.enqueue_dma source(%dma_start3A_83 : memref<128x128xf32, #tpu.memory_space<vmem_shared>>) target(%dma_start3A_81 : memref<128x128xf32, #tpu.memory_space<vmem>>) target_semaphore(%run_scoped3A : memref<!tpu.dma_semaphore, #tpu.memory_space<semaphore_mem>>)
      %dma_wait3A = arith.constant 0 : i32
      %dma_wait3A_84 = arith.constant 0 : i32
      %dma_wait3A_85 = tpu.memref_slice %arg11[%dma_wait3A, %dma_wait3A_84] : memref<128x128xf32, #tpu.memory_space<vmem>> -> memref<128x128xf32, #tpu.memory_space<vmem>>
      %dma_wait3A_86 = arith.constant 0 : i32
      %dma_wait3A_87 = tpu.memref_slice %arg6[%add3A_57, %dma_wait3A_86] : memref<10240x128xf32, #tpu.memory_space<vmem_shared>> -> memref<128x128xf32, #tpu.memory_space<vmem_shared>>
      %dma_wait3A_88 = arith.constant 0 : i32
      %dma_wait3A_89 = arith.constant 0 : i32
      %dma_wait3A_90 = tpu.memref_slice %arg11[%dma_wait3A_88, %dma_wait3A_89] : memref<128x128xf32, #tpu.memory_space<vmem>> -> memref<128x128xf32, #tpu.memory_space<vmem>>
      %dma_wait3A_91 = arith.constant 0 : i32
      %dma_wait3A_92 = tpu.memref_slice %arg6[%add3A_57, %dma_wait3A_91] : memref<10240x128xf32, #tpu.memory_space<vmem_shared>> -> memref<128x128xf32, #tpu.memory_space<vmem_shared>>
      tpu.wait_dma2 semaphore(%run_scoped3A : memref<!tpu.dma_semaphore, #tpu.memory_space<semaphore_mem>>) src(%dma_wait3A_92 : memref<128x128xf32, #tpu.memory_space<vmem_shared>>) dst(%dma_wait3A_90 : memref<128x128xf32, #tpu.memory_space<vmem>>)
      tpu.yield
    }) : () -> ()
    %mul3A_58 = arith.constant 10240 : i32
    %mul3A_59 = arith.muli %arg0, %mul3A_58 : i32
    %add3A_60 = arith.addi %mul3A_59, %add3A_57 : i32
    "tpu.region"() ({
      %run_scoped3A = tpu.sem_alloc : memref<!tpu.dma_semaphore, #tpu.memory_space<semaphore_mem>>
      %dma_start3A = arith.constant 0 : i32
      %dma_start3A_75 = arith.constant 0 : i32
      %dma_start3A_76 = tpu.memref_slice %arg11[%dma_start3A, %dma_start3A_75] : memref<128x128xf32, #tpu.memory_space<vmem>> -> memref<128x128xf32, #tpu.memory_space<vmem>>
      %dma_start3A_77 = arith.constant 0 : i32
      %dma_start3A_78 = tpu.memref_slice %arg5[%add3A_60, %dma_start3A_77] : memref<20480x128xf32, #tpu.memory_space<hbm>> -> memref<128x128xf32, #tpu.memory_space<hbm>>
      %dma_start3A_79 = arith.constant 0 : i32
      %dma_start3A_80 = tpu.memref_slice %arg5[%add3A_60, %dma_start3A_79] : memref<20480x128xf32, #tpu.memory_space<hbm>> -> memref<128x128xf32, #tpu.memory_space<hbm>>
      %dma_start3A_81 = arith.constant 0 : i32
      %dma_start3A_82 = arith.constant 0 : i32
      %dma_start3A_83 = tpu.memref_slice %arg11[%dma_start3A_81, %dma_start3A_82] : memref<128x128xf32, #tpu.memory_space<vmem>> -> memref<128x128xf32, #tpu.memory_space<vmem>>
      tpu.enqueue_dma source(%dma_start3A_83 : memref<128x128xf32, #tpu.memory_space<vmem>>) target(%dma_start3A_80 : memref<128x128xf32, #tpu.memory_space<hbm>>) target_semaphore(%run_scoped3A : memref<!tpu.dma_semaphore, #tpu.memory_space<semaphore_mem>>)
      %dma_wait3A = arith.constant 0 : i32
      %dma_wait3A_84 = arith.constant 0 : i32
      %dma_wait3A_85 = tpu.memref_slice %arg11[%dma_wait3A, %dma_wait3A_84] : memref<128x128xf32, #tpu.memory_space<vmem>> -> memref<128x128xf32, #tpu.memory_space<vmem>>
      %dma_wait3A_86 = arith.constant 0 : i32
      %dma_wait3A_87 = tpu.memref_slice %arg5[%add3A_60, %dma_wait3A_86] : memref<20480x128xf32, #tpu.memory_space<hbm>> -> memref<128x128xf32, #tpu.memory_space<hbm>>
      %dma_wait3A_88 = arith.constant 0 : i32
      %dma_wait3A_89 = tpu.memref_slice %arg5[%add3A_60, %dma_wait3A_88] : memref<20480x128xf32, #tpu.memory_space<hbm>> -> memref<128x128xf32, #tpu.memory_space<hbm>>
      %dma_wait3A_90 = arith.constant 0 : i32
      %dma_wait3A_91 = arith.constant 0 : i32
      %dma_wait3A_92 = tpu.memref_slice %arg11[%dma_wait3A_90, %dma_wait3A_91] : memref<128x128xf32, #tpu.memory_space<vmem>> -> memref<128x128xf32, #tpu.memory_space<vmem>>
      tpu.wait_dma2 semaphore(%run_scoped3A : memref<!tpu.dma_semaphore, #tpu.memory_space<semaphore_mem>>) src(%dma_wait3A_92 : memref<128x128xf32, #tpu.memory_space<vmem>>) dst(%dma_wait3A_89 : memref<128x128xf32, #tpu.memory_space<hbm>>)
      tpu.yield
    }) : () -> ()
    %mul3A_61 = arith.constant 640 : i32
    %mul3A_62 = arith.muli %arg1, %mul3A_61 : i32
    %add3A_63 = arith.constant 384 : i32
    %add3A_64 = arith.addi %mul3A_62, %add3A_63 : i32
    "tpu.region"() ({
      %run_scoped3A = tpu.sem_alloc : memref<!tpu.dma_semaphore, #tpu.memory_space<semaphore_mem>>
      %dma_start3A = arith.constant 0 : i32
      %dma_start3A_75 = arith.constant 0 : i32
      %dma_start3A_76 = tpu.memref_slice %arg11[%dma_start3A, %dma_start3A_75] : memref<128x128xf32, #tpu.memory_space<vmem>> -> memref<128x128xf32, #tpu.memory_space<vmem>>
      %dma_start3A_77 = arith.constant 0 : i32
      %dma_start3A_78 = tpu.memref_slice %arg6[%add3A_64, %dma_start3A_77] : memref<10240x128xf32, #tpu.memory_space<vmem_shared>> -> memref<128x128xf32, #tpu.memory_space<vmem_shared>>
      %dma_start3A_79 = arith.constant 0 : i32
      %dma_start3A_80 = arith.constant 0 : i32
      %dma_start3A_81 = tpu.memref_slice %arg11[%dma_start3A_79, %dma_start3A_80] : memref<128x128xf32, #tpu.memory_space<vmem>> -> memref<128x128xf32, #tpu.memory_space<vmem>>
      %dma_start3A_82 = arith.constant 0 : i32
      %dma_start3A_83 = tpu.memref_slice %arg6[%add3A_64, %dma_start3A_82] : memref<10240x128xf32, #tpu.memory_space<vmem_shared>> -> memref<128x128xf32, #tpu.memory_space<vmem_shared>>
      tpu.enqueue_dma source(%dma_start3A_83 : memref<128x128xf32, #tpu.memory_space<vmem_shared>>) target(%dma_start3A_81 : memref<128x128xf32, #tpu.memory_space<vmem>>) target_semaphore(%run_scoped3A : memref<!tpu.dma_semaphore, #tpu.memory_space<semaphore_mem>>)
      %dma_wait3A = arith.constant 0 : i32
      %dma_wait3A_84 = arith.constant 0 : i32
      %dma_wait3A_85 = tpu.memref_slice %arg11[%dma_wait3A, %dma_wait3A_84] : memref<128x128xf32, #tpu.memory_space<vmem>> -> memref<128x128xf32, #tpu.memory_space<vmem>>
      %dma_wait3A_86 = arith.constant 0 : i32
      %dma_wait3A_87 = tpu.memref_slice %arg6[%add3A_64, %dma_wait3A_86] : memref<10240x128xf32, #tpu.memory_space<vmem_shared>> -> memref<128x128xf32, #tpu.memory_space<vmem_shared>>
      %dma_wait3A_88 = arith.constant 0 : i32
      %dma_wait3A_89 = arith.constant 0 : i32
      %dma_wait3A_90 = tpu.memref_slice %arg11[%dma_wait3A_88, %dma_wait3A_89] : memref<128x128xf32, #tpu.memory_space<vmem>> -> memref<128x128xf32, #tpu.memory_space<vmem>>
      %dma_wait3A_91 = arith.constant 0 : i32
      %dma_wait3A_92 = tpu.memref_slice %arg6[%add3A_64, %dma_wait3A_91] : memref<10240x128xf32, #tpu.memory_space<vmem_shared>> -> memref<128x128xf32, #tpu.memory_space<vmem_shared>>
      tpu.wait_dma2 semaphore(%run_scoped3A : memref<!tpu.dma_semaphore, #tpu.memory_space<semaphore_mem>>) src(%dma_wait3A_92 : memref<128x128xf32, #tpu.memory_space<vmem_shared>>) dst(%dma_wait3A_90 : memref<128x128xf32, #tpu.memory_space<vmem>>)
      tpu.yield
    }) : () -> ()
    %mul3A_65 = arith.constant 10240 : i32
    %mul3A_66 = arith.muli %arg0, %mul3A_65 : i32
    %add3A_67 = arith.addi %mul3A_66, %add3A_64 : i32
    "tpu.region"() ({
      %run_scoped3A = tpu.sem_alloc : memref<!tpu.dma_semaphore, #tpu.memory_space<semaphore_mem>>
      %dma_start3A = arith.constant 0 : i32
      %dma_start3A_75 = arith.constant 0 : i32
      %dma_start3A_76 = tpu.memref_slice %arg11[%dma_start3A, %dma_start3A_75] : memref<128x128xf32, #tpu.memory_space<vmem>> -> memref<128x128xf32, #tpu.memory_space<vmem>>
      %dma_start3A_77 = arith.constant 0 : i32
      %dma_start3A_78 = tpu.memref_slice %arg5[%add3A_67, %dma_start3A_77] : memref<20480x128xf32, #tpu.memory_space<hbm>> -> memref<128x128xf32, #tpu.memory_space<hbm>>
      %dma_start3A_79 = arith.constant 0 : i32
      %dma_start3A_80 = tpu.memref_slice %arg5[%add3A_67, %dma_start3A_79] : memref<20480x128xf32, #tpu.memory_space<hbm>> -> memref<128x128xf32, #tpu.memory_space<hbm>>
      %dma_start3A_81 = arith.constant 0 : i32
      %dma_start3A_82 = arith.constant 0 : i32
      %dma_start3A_83 = tpu.memref_slice %arg11[%dma_start3A_81, %dma_start3A_82] : memref<128x128xf32, #tpu.memory_space<vmem>> -> memref<128x128xf32, #tpu.memory_space<vmem>>
      tpu.enqueue_dma source(%dma_start3A_83 : memref<128x128xf32, #tpu.memory_space<vmem>>) target(%dma_start3A_80 : memref<128x128xf32, #tpu.memory_space<hbm>>) target_semaphore(%run_scoped3A : memref<!tpu.dma_semaphore, #tpu.memory_space<semaphore_mem>>)
      %dma_wait3A = arith.constant 0 : i32
      %dma_wait3A_84 = arith.constant 0 : i32
      %dma_wait3A_85 = tpu.memref_slice %arg11[%dma_wait3A, %dma_wait3A_84] : memref<128x128xf32, #tpu.memory_space<vmem>> -> memref<128x128xf32, #tpu.memory_space<vmem>>
      %dma_wait3A_86 = arith.constant 0 : i32
      %dma_wait3A_87 = tpu.memref_slice %arg5[%add3A_67, %dma_wait3A_86] : memref<20480x128xf32, #tpu.memory_space<hbm>> -> memref<128x128xf32, #tpu.memory_space<hbm>>
      %dma_wait3A_88 = arith.constant 0 : i32
      %dma_wait3A_89 = tpu.memref_slice %arg5[%add3A_67, %dma_wait3A_88] : memref<20480x128xf32, #tpu.memory_space<hbm>> -> memref<128x128xf32, #tpu.memory_space<hbm>>
      %dma_wait3A_90 = arith.constant 0 : i32
      %dma_wait3A_91 = arith.constant 0 : i32
      %dma_wait3A_92 = tpu.memref_slice %arg11[%dma_wait3A_90, %dma_wait3A_91] : memref<128x128xf32, #tpu.memory_space<vmem>> -> memref<128x128xf32, #tpu.memory_space<vmem>>
      tpu.wait_dma2 semaphore(%run_scoped3A : memref<!tpu.dma_semaphore, #tpu.memory_space<semaphore_mem>>) src(%dma_wait3A_92 : memref<128x128xf32, #tpu.memory_space<vmem>>) dst(%dma_wait3A_89 : memref<128x128xf32, #tpu.memory_space<hbm>>)
      tpu.yield
    }) : () -> ()
    %mul3A_68 = arith.constant 640 : i32
    %mul3A_69 = arith.muli %arg1, %mul3A_68 : i32
    %add3A_70 = arith.constant 512 : i32
    %add3A_71 = arith.addi %mul3A_69, %add3A_70 : i32
    "tpu.region"() ({
      %run_scoped3A = tpu.sem_alloc : memref<!tpu.dma_semaphore, #tpu.memory_space<semaphore_mem>>
      %dma_start3A = arith.constant 0 : i32
      %dma_start3A_75 = arith.constant 0 : i32
      %dma_start3A_76 = tpu.memref_slice %arg11[%dma_start3A, %dma_start3A_75] : memref<128x128xf32, #tpu.memory_space<vmem>> -> memref<128x128xf32, #tpu.memory_space<vmem>>
      %dma_start3A_77 = arith.constant 0 : i32
      %dma_start3A_78 = tpu.memref_slice %arg6[%add3A_71, %dma_start3A_77] : memref<10240x128xf32, #tpu.memory_space<vmem_shared>> -> memref<128x128xf32, #tpu.memory_space<vmem_shared>>
      %dma_start3A_79 = arith.constant 0 : i32
      %dma_start3A_80 = arith.constant 0 : i32
      %dma_start3A_81 = tpu.memref_slice %arg11[%dma_start3A_79, %dma_start3A_80] : memref<128x128xf32, #tpu.memory_space<vmem>> -> memref<128x128xf32, #tpu.memory_space<vmem>>
      %dma_start3A_82 = arith.constant 0 : i32
      %dma_start3A_83 = tpu.memref_slice %arg6[%add3A_71, %dma_start3A_82] : memref<10240x128xf32, #tpu.memory_space<vmem_shared>> -> memref<128x128xf32, #tpu.memory_space<vmem_shared>>
      tpu.enqueue_dma source(%dma_start3A_83 : memref<128x128xf32, #tpu.memory_space<vmem_shared>>) target(%dma_start3A_81 : memref<128x128xf32, #tpu.memory_space<vmem>>) target_semaphore(%run_scoped3A : memref<!tpu.dma_semaphore, #tpu.memory_space<semaphore_mem>>)
      %dma_wait3A = arith.constant 0 : i32
      %dma_wait3A_84 = arith.constant 0 : i32
      %dma_wait3A_85 = tpu.memref_slice %arg11[%dma_wait3A, %dma_wait3A_84] : memref<128x128xf32, #tpu.memory_space<vmem>> -> memref<128x128xf32, #tpu.memory_space<vmem>>
      %dma_wait3A_86 = arith.constant 0 : i32
      %dma_wait3A_87 = tpu.memref_slice %arg6[%add3A_71, %dma_wait3A_86] : memref<10240x128xf32, #tpu.memory_space<vmem_shared>> -> memref<128x128xf32, #tpu.memory_space<vmem_shared>>
      %dma_wait3A_88 = arith.constant 0 : i32
      %dma_wait3A_89 = arith.constant 0 : i32
      %dma_wait3A_90 = tpu.memref_slice %arg11[%dma_wait3A_88, %dma_wait3A_89] : memref<128x128xf32, #tpu.memory_space<vmem>> -> memref<128x128xf32, #tpu.memory_space<vmem>>
      %dma_wait3A_91 = arith.constant 0 : i32
      %dma_wait3A_92 = tpu.memref_slice %arg6[%add3A_71, %dma_wait3A_91] : memref<10240x128xf32, #tpu.memory_space<vmem_shared>> -> memref<128x128xf32, #tpu.memory_space<vmem_shared>>
      tpu.wait_dma2 semaphore(%run_scoped3A : memref<!tpu.dma_semaphore, #tpu.memory_space<semaphore_mem>>) src(%dma_wait3A_92 : memref<128x128xf32, #tpu.memory_space<vmem_shared>>) dst(%dma_wait3A_90 : memref<128x128xf32, #tpu.memory_space<vmem>>)
      tpu.yield
    }) : () -> ()
    %mul3A_72 = arith.constant 10240 : i32
    %mul3A_73 = arith.muli %arg0, %mul3A_72 : i32
    %add3A_74 = arith.addi %mul3A_73, %add3A_71 : i32
    "tpu.region"() ({
      %run_scoped3A = tpu.sem_alloc : memref<!tpu.dma_semaphore, #tpu.memory_space<semaphore_mem>>
      %dma_start3A = arith.constant 0 : i32
      %dma_start3A_75 = arith.constant 0 : i32
      %dma_start3A_76 = tpu.memref_slice %arg11[%dma_start3A, %dma_start3A_75] : memref<128x128xf32, #tpu.memory_space<vmem>> -> memref<128x128xf32, #tpu.memory_space<vmem>>
      %dma_start3A_77 = arith.constant 0 : i32
      %dma_start3A_78 = tpu.memref_slice %arg5[%add3A_74, %dma_start3A_77] : memref<20480x128xf32, #tpu.memory_space<hbm>> -> memref<128x128xf32, #tpu.memory_space<hbm>>
      %dma_start3A_79 = arith.constant 0 : i32
      %dma_start3A_80 = tpu.memref_slice %arg5[%add3A_74, %dma_start3A_79] : memref<20480x128xf32, #tpu.memory_space<hbm>> -> memref<128x128xf32, #tpu.memory_space<hbm>>
      %dma_start3A_81 = arith.constant 0 : i32
      %dma_start3A_82 = arith.constant 0 : i32
      %dma_start3A_83 = tpu.memref_slice %arg11[%dma_start3A_81, %dma_start3A_82] : memref<128x128xf32, #tpu.memory_space<vmem>> -> memref<128x128xf32, #tpu.memory_space<vmem>>
      tpu.enqueue_dma source(%dma_start3A_83 : memref<128x128xf32, #tpu.memory_space<vmem>>) target(%dma_start3A_80 : memref<128x128xf32, #tpu.memory_space<hbm>>) target_semaphore(%run_scoped3A : memref<!tpu.dma_semaphore, #tpu.memory_space<semaphore_mem>>)
      %dma_wait3A = arith.constant 0 : i32
      %dma_wait3A_84 = arith.constant 0 : i32
      %dma_wait3A_85 = tpu.memref_slice %arg11[%dma_wait3A, %dma_wait3A_84] : memref<128x128xf32, #tpu.memory_space<vmem>> -> memref<128x128xf32, #tpu.memory_space<vmem>>
      %dma_wait3A_86 = arith.constant 0 : i32
      %dma_wait3A_87 = tpu.memref_slice %arg5[%add3A_74, %dma_wait3A_86] : memref<20480x128xf32, #tpu.memory_space<hbm>> -> memref<128x128xf32, #tpu.memory_space<hbm>>
      %dma_wait3A_88 = arith.constant 0 : i32
      %dma_wait3A_89 = tpu.memref_slice %arg5[%add3A_74, %dma_wait3A_88] : memref<20480x128xf32, #tpu.memory_space<hbm>> -> memref<128x128xf32, #tpu.memory_space<hbm>>
      %dma_wait3A_90 = arith.constant 0 : i32
      %dma_wait3A_91 = arith.constant 0 : i32
      %dma_wait3A_92 = tpu.memref_slice %arg11[%dma_wait3A_90, %dma_wait3A_91] : memref<128x128xf32, #tpu.memory_space<vmem>> -> memref<128x128xf32, #tpu.memory_space<vmem>>
      tpu.wait_dma2 semaphore(%run_scoped3A : memref<!tpu.dma_semaphore, #tpu.memory_space<semaphore_mem>>) src(%dma_wait3A_92 : memref<128x128xf32, #tpu.memory_space<vmem>>) dst(%dma_wait3A_89 : memref<128x128xf32, #tpu.memory_space<hbm>>)
      tpu.yield
    }) : () -> ()
    return
  }
}

#map = affine_map<(d0, d1) -> (0, 0)>
#map1 = affine_map<(d0, d1) -> (0)>
module attributes {stable_mosaic.version = 14 : i64} {
  func.func @body(%arg0: i32, %arg1: i32, %arg2: memref<10000x128xf32, #tpu.memory_space<hbm>>, %arg3: memref<327680xi32, #tpu.memory_space<hbm>>, %arg4: memref<327680xi32, #tpu.memory_space<hbm>>, %arg5: memref<20480x128xf32, #tpu.memory_space<hbm>>, %arg6: memref<10240x128xf32, #tpu.memory_space<vmem_shared>>, %arg7: memref<128xi32, #tpu.memory_space<vmem>>, %arg8: memref<128xi32, #tpu.memory_space<vmem>>, %arg9: memref<128xi32, #tpu.memory_space<vmem>>, %arg10: memref<128xi32, #tpu.memory_space<vmem>>, %arg11: memref<128x128xf32, #tpu.memory_space<vmem>>, %arg12: memref<!tpu.dma_semaphore, #tpu.memory_space<semaphore_mem>>, %arg13: memref<!tpu.dma_semaphore, #tpu.memory_space<semaphore_mem>>) attributes {dimension_semantics = [#tpu.dimension_semantics<core_parallel>, #tpu.dimension_semantics<subcore_parallel>], iteration_bounds = array<i64: 2, 16>, scalar_prefetch = 0 : i64, scratch_operands = 8 : i64, tpu.core_type = #tpu.core_type<sc_vector_subcore>, window_params = [{transform_indices = #map}, {transform_indices = #map1}, {transform_indices = #map1}, {transform_indices = #map}]} {
    %mul3A = arith.constant 163840 : i32
    %mul3A_0 = arith.muli %arg0, %mul3A : i32
    %mul3A_1 = arith.constant 10240 : i32
    %mul3A_2 = arith.muli %arg1, %mul3A_1 : i32
    %add3A = arith.addi %mul3A_0, %mul3A_2 : i32
    %broadcast_in_dim3A = arith.constant 0.000000e+00 : f32
    %broadcast_in_dim3A_3 = vector.broadcast %broadcast_in_dim3A : f32 to vector<16xf32>
    %scan3A = arith.constant 0 : i32
    %scan3A_4 = arith.constant 0 : i32
    %scan3A_5 = arith.constant 128 : i32
    %scan3A_6 = arith.addi %scan3A_4, %scan3A_5 : i32
    %scan3A_7 = arith.constant 1 : i32
    %scan3A_8 = scf.for %scan3A_73 = %scan3A_4 to %scan3A_6 step %scan3A_7 iter_args(%scan3A_74 = %scan3A) -> (i32)  : i32 {
      %swap3A = arith.index_cast %scan3A_73 : i32 to index
      %swap3A_75 = arith.constant 0 : index
      %swap3A_76 = tpu.vector_load %arg11[%swap3A, %swap3A_75] {strides = array<i32>} : memref<128x128xf32, #tpu.memory_space<vmem>>, vector<1x16xf32>,
      %swap3A_77 = vector.shape_cast %swap3A_76 : vector<1x16xf32> to vector<16xf32>
      %swap3A_78 = vector.shape_cast %broadcast_in_dim3A_3 : vector<16xf32> to vector<1x16xf32>
      tpu.vector_store %arg11[%swap3A, %swap3A_75], %swap3A_78 {strides = array<i32>} : memref<128x128xf32, #tpu.memory_space<vmem>>, vector<1x16xf32>,
      %swap3A_79 = arith.index_cast %scan3A_73 : i32 to index
      %swap3A_80 = arith.constant 16 : index
      %swap3A_81 = tpu.vector_load %arg11[%swap3A_79, %swap3A_80] {strides = array<i32>} : memref<128x128xf32, #tpu.memory_space<vmem>>, vector<1x16xf32>,
      %swap3A_82 = vector.shape_cast %swap3A_81 : vector<1x16xf32> to vector<16xf32>
      %swap3A_83 = vector.shape_cast %broadcast_in_dim3A_3 : vector<16xf32> to vector<1x16xf32>
      tpu.vector_store %arg11[%swap3A_79, %swap3A_80], %swap3A_83 {strides = array<i32>} : memref<128x128xf32, #tpu.memory_space<vmem>>, vector<1x16xf32>,
      %swap3A_84 = arith.index_cast %scan3A_73 : i32 to index
      %swap3A_85 = arith.constant 32 : index
      %swap3A_86 = tpu.vector_load %arg11[%swap3A_84, %swap3A_85] {strides = array<i32>} : memref<128x128xf32, #tpu.memory_space<vmem>>, vector<1x16xf32>,
      %swap3A_87 = vector.shape_cast %swap3A_86 : vector<1x16xf32> to vector<16xf32>
      %swap3A_88 = vector.shape_cast %broadcast_in_dim3A_3 : vector<16xf32> to vector<1x16xf32>
      tpu.vector_store %arg11[%swap3A_84, %swap3A_85], %swap3A_88 {strides = array<i32>} : memref<128x128xf32, #tpu.memory_space<vmem>>, vector<1x16xf32>,
      %swap3A_89 = arith.index_cast %scan3A_73 : i32 to index
      %swap3A_90 = arith.constant 48 : index
      %swap3A_91 = tpu.vector_load %arg11[%swap3A_89, %swap3A_90] {strides = array<i32>} : memref<128x128xf32, #tpu.memory_space<vmem>>, vector<1x16xf32>,
      %swap3A_92 = vector.shape_cast %swap3A_91 : vector<1x16xf32> to vector<16xf32>
      %swap3A_93 = vector.shape_cast %broadcast_in_dim3A_3 : vector<16xf32> to vector<1x16xf32>
      tpu.vector_store %arg11[%swap3A_89, %swap3A_90], %swap3A_93 {strides = array<i32>} : memref<128x128xf32, #tpu.memory_space<vmem>>, vector<1x16xf32>,
      %swap3A_94 = arith.index_cast %scan3A_73 : i32 to index
      %swap3A_95 = arith.constant 64 : index
      %swap3A_96 = tpu.vector_load %arg11[%swap3A_94, %swap3A_95] {strides = array<i32>} : memref<128x128xf32, #tpu.memory_space<vmem>>, vector<1x16xf32>,
      %swap3A_97 = vector.shape_cast %swap3A_96 : vector<1x16xf32> to vector<16xf32>
      %swap3A_98 = vector.shape_cast %broadcast_in_dim3A_3 : vector<16xf32> to vector<1x16xf32>
      tpu.vector_store %arg11[%swap3A_94, %swap3A_95], %swap3A_98 {strides = array<i32>} : memref<128x128xf32, #tpu.memory_space<vmem>>, vector<1x16xf32>,
      %swap3A_99 = arith.index_cast %scan3A_73 : i32 to index
      %swap3A_100 = arith.constant 80 : index
      %swap3A_101 = tpu.vector_load %arg11[%swap3A_99, %swap3A_100] {strides = array<i32>} : memref<128x128xf32, #tpu.memory_space<vmem>>, vector<1x16xf32>,
      %swap3A_102 = vector.shape_cast %swap3A_101 : vector<1x16xf32> to vector<16xf32>
      %swap3A_103 = vector.shape_cast %broadcast_in_dim3A_3 : vector<16xf32> to vector<1x16xf32>
      tpu.vector_store %arg11[%swap3A_99, %swap3A_100], %swap3A_103 {strides = array<i32>} : memref<128x128xf32, #tpu.memory_space<vmem>>, vector<1x16xf32>,
      %swap3A_104 = arith.index_cast %scan3A_73 : i32 to index
      %swap3A_105 = arith.constant 96 : index
      %swap3A_106 = tpu.vector_load %arg11[%swap3A_104, %swap3A_105] {strides = array<i32>} : memref<128x128xf32, #tpu.memory_space<vmem>>, vector<1x16xf32>,
      %swap3A_107 = vector.shape_cast %swap3A_106 : vector<1x16xf32> to vector<16xf32>
      %swap3A_108 = vector.shape_cast %broadcast_in_dim3A_3 : vector<16xf32> to vector<1x16xf32>
      tpu.vector_store %arg11[%swap3A_104, %swap3A_105], %swap3A_108 {strides = array<i32>} : memref<128x128xf32, #tpu.memory_space<vmem>>, vector<1x16xf32>,
      %swap3A_109 = arith.index_cast %scan3A_73 : i32 to index
      %swap3A_110 = arith.constant 112 : index
      %swap3A_111 = tpu.vector_load %arg11[%swap3A_109, %swap3A_110] {strides = array<i32>} : memref<128x128xf32, #tpu.memory_space<vmem>>, vector<1x16xf32>,
      %swap3A_112 = vector.shape_cast %swap3A_111 : vector<1x16xf32> to vector<16xf32>
      %swap3A_113 = vector.shape_cast %broadcast_in_dim3A_3 : vector<16xf32> to vector<1x16xf32>
      tpu.vector_store %arg11[%swap3A_109, %swap3A_110], %swap3A_113 {strides = array<i32>} : memref<128x128xf32, #tpu.memory_space<vmem>>, vector<1x16xf32>,
      %scan3A_114 = arith.constant 0 : i32
      scf.yield %scan3A_114 : i32
    }
    %scan3A_9 = arith.constant 128 : i32
    %mul3A_10 = arith.constant 640 : i32
    %mul3A_11 = arith.muli %arg1, %mul3A_10 : i32
    %add3A_12 = arith.constant 0 : i32
    %add3A_13 = arith.addi %mul3A_11, %add3A_12 : i32
    "tpu.region"() ({
      %run_scoped3A = tpu.sem_alloc : memref<!tpu.dma_semaphore, #tpu.memory_space<semaphore_mem>>
      %dma_start3A = arith.constant 0 : i32
      %dma_start3A_73 = arith.constant 0 : i32
      %dma_start3A_74 = tpu.memref_slice %arg11[%dma_start3A, %dma_start3A_73] : memref<128x128xf32, #tpu.memory_space<vmem>> -> memref<128x128xf32, #tpu.memory_space<vmem>>
      %dma_start3A_75 = arith.constant 0 : i32
      %dma_start3A_76 = tpu.memref_slice %arg6[%add3A_13, %dma_start3A_75] : memref<10240x128xf32, #tpu.memory_space<vmem_shared>> -> memref<128x128xf32, #tpu.memory_space<vmem_shared>>
      %dma_start3A_77 = arith.constant 0 : i32
      %dma_start3A_78 = tpu.memref_slice %arg6[%add3A_13, %dma_start3A_77] : memref<10240x128xf32, #tpu.memory_space<vmem_shared>> -> memref<128x128xf32, #tpu.memory_space<vmem_shared>>
      %dma_start3A_79 = arith.constant 0 : i32
      %dma_start3A_80 = arith.constant 0 : i32
      %dma_start3A_81 = tpu.memref_slice %arg11[%dma_start3A_79, %dma_start3A_80] : memref<128x128xf32, #tpu.memory_space<vmem>> -> memref<128x128xf32, #tpu.memory_space<vmem>>
      tpu.enqueue_dma source(%dma_start3A_81 : memref<128x128xf32, #tpu.memory_space<vmem>>) target(%dma_start3A_78 : memref<128x128xf32, #tpu.memory_space<vmem_shared>>) target_semaphore(%run_scoped3A : memref<!tpu.dma_semaphore, #tpu.memory_space<semaphore_mem>>)
      %dma_wait3A = arith.constant 0 : i32
      %dma_wait3A_82 = arith.constant 0 : i32
      %dma_wait3A_83 = tpu.memref_slice %arg11[%dma_wait3A, %dma_wait3A_82] : memref<128x128xf32, #tpu.memory_space<vmem>> -> memref<128x128xf32, #tpu.memory_space<vmem>>
      %dma_wait3A_84 = arith.constant 0 : i32
      %dma_wait3A_85 = tpu.memref_slice %arg6[%add3A_13, %dma_wait3A_84] : memref<10240x128xf32, #tpu.memory_space<vmem_shared>> -> memref<128x128xf32, #tpu.memory_space<vmem_shared>>
      %dma_wait3A_86 = arith.constant 0 : i32
      %dma_wait3A_87 = tpu.memref_slice %arg6[%add3A_13, %dma_wait3A_86] : memref<10240x128xf32, #tpu.memory_space<vmem_shared>> -> memref<128x128xf32, #tpu.memory_space<vmem_shared>>
      %dma_wait3A_88 = arith.constant 0 : i32
      %dma_wait3A_89 = arith.constant 0 : i32
      %dma_wait3A_90 = tpu.memref_slice %arg11[%dma_wait3A_88, %dma_wait3A_89] : memref<128x128xf32, #tpu.memory_space<vmem>> -> memref<128x128xf32, #tpu.memory_space<vmem>>
      tpu.wait_dma2 semaphore(%run_scoped3A : memref<!tpu.dma_semaphore, #tpu.memory_space<semaphore_mem>>) src(%dma_wait3A_90 : memref<128x128xf32, #tpu.memory_space<vmem>>) dst(%dma_wait3A_87 : memref<128x128xf32, #tpu.memory_space<vmem_shared>>)
      tpu.yield
    }) : () -> ()
    %mul3A_14 = arith.constant 640 : i32
    %mul3A_15 = arith.muli %arg1, %mul3A_14 : i32
    %add3A_16 = arith.constant 128 : i32
    %add3A_17 = arith.addi %mul3A_15, %add3A_16 : i32
    "tpu.region"() ({
      %run_scoped3A = tpu.sem_alloc : memref<!tpu.dma_semaphore, #tpu.memory_space<semaphore_mem>>
      %dma_start3A = arith.constant 0 : i32
      %dma_start3A_73 = arith.constant 0 : i32
      %dma_start3A_74 = tpu.memref_slice %arg11[%dma_start3A, %dma_start3A_73] : memref<128x128xf32, #tpu.memory_space<vmem>> -> memref<128x128xf32, #tpu.memory_space<vmem>>
      %dma_start3A_75 = arith.constant 0 : i32
      %dma_start3A_76 = tpu.memref_slice %arg6[%add3A_17, %dma_start3A_75] : memref<10240x128xf32, #tpu.memory_space<vmem_shared>> -> memref<128x128xf32, #tpu.memory_space<vmem_shared>>
      %dma_start3A_77 = arith.constant 0 : i32
      %dma_start3A_78 = tpu.memref_slice %arg6[%add3A_17, %dma_start3A_77] : memref<10240x128xf32, #tpu.memory_space<vmem_shared>> -> memref<128x128xf32, #tpu.memory_space<vmem_shared>>
      %dma_start3A_79 = arith.constant 0 : i32
      %dma_start3A_80 = arith.constant 0 : i32
      %dma_start3A_81 = tpu.memref_slice %arg11[%dma_start3A_79, %dma_start3A_80] : memref<128x128xf32, #tpu.memory_space<vmem>> -> memref<128x128xf32, #tpu.memory_space<vmem>>
      tpu.enqueue_dma source(%dma_start3A_81 : memref<128x128xf32, #tpu.memory_space<vmem>>) target(%dma_start3A_78 : memref<128x128xf32, #tpu.memory_space<vmem_shared>>) target_semaphore(%run_scoped3A : memref<!tpu.dma_semaphore, #tpu.memory_space<semaphore_mem>>)
      %dma_wait3A = arith.constant 0 : i32
      %dma_wait3A_82 = arith.constant 0 : i32
      %dma_wait3A_83 = tpu.memref_slice %arg11[%dma_wait3A, %dma_wait3A_82] : memref<128x128xf32, #tpu.memory_space<vmem>> -> memref<128x128xf32, #tpu.memory_space<vmem>>
      %dma_wait3A_84 = arith.constant 0 : i32
      %dma_wait3A_85 = tpu.memref_slice %arg6[%add3A_17, %dma_wait3A_84] : memref<10240x128xf32, #tpu.memory_space<vmem_shared>> -> memref<128x128xf32, #tpu.memory_space<vmem_shared>>
      %dma_wait3A_86 = arith.constant 0 : i32
      %dma_wait3A_87 = tpu.memref_slice %arg6[%add3A_17, %dma_wait3A_86] : memref<10240x128xf32, #tpu.memory_space<vmem_shared>> -> memref<128x128xf32, #tpu.memory_space<vmem_shared>>
      %dma_wait3A_88 = arith.constant 0 : i32
      %dma_wait3A_89 = arith.constant 0 : i32
      %dma_wait3A_90 = tpu.memref_slice %arg11[%dma_wait3A_88, %dma_wait3A_89] : memref<128x128xf32, #tpu.memory_space<vmem>> -> memref<128x128xf32, #tpu.memory_space<vmem>>
      tpu.wait_dma2 semaphore(%run_scoped3A : memref<!tpu.dma_semaphore, #tpu.memory_space<semaphore_mem>>) src(%dma_wait3A_90 : memref<128x128xf32, #tpu.memory_space<vmem>>) dst(%dma_wait3A_87 : memref<128x128xf32, #tpu.memory_space<vmem_shared>>)
      tpu.yield
    }) : () -> ()
    %mul3A_18 = arith.constant 640 : i32
    %mul3A_19 = arith.muli %arg1, %mul3A_18 : i32
    %add3A_20 = arith.constant 256 : i32
    %add3A_21 = arith.addi %mul3A_19, %add3A_20 : i32
    "tpu.region"() ({
      %run_scoped3A = tpu.sem_alloc : memref<!tpu.dma_semaphore, #tpu.memory_space<semaphore_mem>>
      %dma_start3A = arith.constant 0 : i32
      %dma_start3A_73 = arith.constant 0 : i32
      %dma_start3A_74 = tpu.memref_slice %arg11[%dma_start3A, %dma_start3A_73] : memref<128x128xf32, #tpu.memory_space<vmem>> -> memref<128x128xf32, #tpu.memory_space<vmem>>
      %dma_start3A_75 = arith.constant 0 : i32
      %dma_start3A_76 = tpu.memref_slice %arg6[%add3A_21, %dma_start3A_75] : memref<10240x128xf32, #tpu.memory_space<vmem_shared>> -> memref<128x128xf32, #tpu.memory_space<vmem_shared>>
      %dma_start3A_77 = arith.constant 0 : i32
      %dma_start3A_78 = tpu.memref_slice %arg6[%add3A_21, %dma_start3A_77] : memref<10240x128xf32, #tpu.memory_space<vmem_shared>> -> memref<128x128xf32, #tpu.memory_space<vmem_shared>>
      %dma_start3A_79 = arith.constant 0 : i32
      %dma_start3A_80 = arith.constant 0 : i32
      %dma_start3A_81 = tpu.memref_slice %arg11[%dma_start3A_79, %dma_start3A_80] : memref<128x128xf32, #tpu.memory_space<vmem>> -> memref<128x128xf32, #tpu.memory_space<vmem>>
      tpu.enqueue_dma source(%dma_start3A_81 : memref<128x128xf32, #tpu.memory_space<vmem>>) target(%dma_start3A_78 : memref<128x128xf32, #tpu.memory_space<vmem_shared>>) target_semaphore(%run_scoped3A : memref<!tpu.dma_semaphore, #tpu.memory_space<semaphore_mem>>)
      %dma_wait3A = arith.constant 0 : i32
      %dma_wait3A_82 = arith.constant 0 : i32
      %dma_wait3A_83 = tpu.memref_slice %arg11[%dma_wait3A, %dma_wait3A_82] : memref<128x128xf32, #tpu.memory_space<vmem>> -> memref<128x128xf32, #tpu.memory_space<vmem>>
      %dma_wait3A_84 = arith.constant 0 : i32
      %dma_wait3A_85 = tpu.memref_slice %arg6[%add3A_21, %dma_wait3A_84] : memref<10240x128xf32, #tpu.memory_space<vmem_shared>> -> memref<128x128xf32, #tpu.memory_space<vmem_shared>>
      %dma_wait3A_86 = arith.constant 0 : i32
      %dma_wait3A_87 = tpu.memref_slice %arg6[%add3A_21, %dma_wait3A_86] : memref<10240x128xf32, #tpu.memory_space<vmem_shared>> -> memref<128x128xf32, #tpu.memory_space<vmem_shared>>
      %dma_wait3A_88 = arith.constant 0 : i32
      %dma_wait3A_89 = arith.constant 0 : i32
      %dma_wait3A_90 = tpu.memref_slice %arg11[%dma_wait3A_88, %dma_wait3A_89] : memref<128x128xf32, #tpu.memory_space<vmem>> -> memref<128x128xf32, #tpu.memory_space<vmem>>
      tpu.wait_dma2 semaphore(%run_scoped3A : memref<!tpu.dma_semaphore, #tpu.memory_space<semaphore_mem>>) src(%dma_wait3A_90 : memref<128x128xf32, #tpu.memory_space<vmem>>) dst(%dma_wait3A_87 : memref<128x128xf32, #tpu.memory_space<vmem_shared>>)
      tpu.yield
    }) : () -> ()
    %mul3A_22 = arith.constant 640 : i32
    %mul3A_23 = arith.muli %arg1, %mul3A_22 : i32
    %add3A_24 = arith.constant 384 : i32
    %add3A_25 = arith.addi %mul3A_23, %add3A_24 : i32
    "tpu.region"() ({
      %run_scoped3A = tpu.sem_alloc : memref<!tpu.dma_semaphore, #tpu.memory_space<semaphore_mem>>
      %dma_start3A = arith.constant 0 : i32
      %dma_start3A_73 = arith.constant 0 : i32
      %dma_start3A_74 = tpu.memref_slice %arg11[%dma_start3A, %dma_start3A_73] : memref<128x128xf32, #tpu.memory_space<vmem>> -> memref<128x128xf32, #tpu.memory_space<vmem>>
      %dma_start3A_75 = arith.constant 0 : i32
      %dma_start3A_76 = tpu.memref_slice %arg6[%add3A_25, %dma_start3A_75] : memref<10240x128xf32, #tpu.memory_space<vmem_shared>> -> memref<128x128xf32, #tpu.memory_space<vmem_shared>>
      %dma_start3A_77 = arith.constant 0 : i32
      %dma_start3A_78 = tpu.memref_slice %arg6[%add3A_25, %dma_start3A_77] : memref<10240x128xf32, #tpu.memory_space<vmem_shared>> -> memref<128x128xf32, #tpu.memory_space<vmem_shared>>
      %dma_start3A_79 = arith.constant 0 : i32
      %dma_start3A_80 = arith.constant 0 : i32
      %dma_start3A_81 = tpu.memref_slice %arg11[%dma_start3A_79, %dma_start3A_80] : memref<128x128xf32, #tpu.memory_space<vmem>> -> memref<128x128xf32, #tpu.memory_space<vmem>>
      tpu.enqueue_dma source(%dma_start3A_81 : memref<128x128xf32, #tpu.memory_space<vmem>>) target(%dma_start3A_78 : memref<128x128xf32, #tpu.memory_space<vmem_shared>>) target_semaphore(%run_scoped3A : memref<!tpu.dma_semaphore, #tpu.memory_space<semaphore_mem>>)
      %dma_wait3A = arith.constant 0 : i32
      %dma_wait3A_82 = arith.constant 0 : i32
      %dma_wait3A_83 = tpu.memref_slice %arg11[%dma_wait3A, %dma_wait3A_82] : memref<128x128xf32, #tpu.memory_space<vmem>> -> memref<128x128xf32, #tpu.memory_space<vmem>>
      %dma_wait3A_84 = arith.constant 0 : i32
      %dma_wait3A_85 = tpu.memref_slice %arg6[%add3A_25, %dma_wait3A_84] : memref<10240x128xf32, #tpu.memory_space<vmem_shared>> -> memref<128x128xf32, #tpu.memory_space<vmem_shared>>
      %dma_wait3A_86 = arith.constant 0 : i32
      %dma_wait3A_87 = tpu.memref_slice %arg6[%add3A_25, %dma_wait3A_86] : memref<10240x128xf32, #tpu.memory_space<vmem_shared>> -> memref<128x128xf32, #tpu.memory_space<vmem_shared>>
      %dma_wait3A_88 = arith.constant 0 : i32
      %dma_wait3A_89 = arith.constant 0 : i32
      %dma_wait3A_90 = tpu.memref_slice %arg11[%dma_wait3A_88, %dma_wait3A_89] : memref<128x128xf32, #tpu.memory_space<vmem>> -> memref<128x128xf32, #tpu.memory_space<vmem>>
      tpu.wait_dma2 semaphore(%run_scoped3A : memref<!tpu.dma_semaphore, #tpu.memory_space<semaphore_mem>>) src(%dma_wait3A_90 : memref<128x128xf32, #tpu.memory_space<vmem>>) dst(%dma_wait3A_87 : memref<128x128xf32, #tpu.memory_space<vmem_shared>>)
      tpu.yield
    }) : () -> ()
    %mul3A_26 = arith.constant 640 : i32
    %mul3A_27 = arith.muli %arg1, %mul3A_26 : i32
    %add3A_28 = arith.constant 512 : i32
    %add3A_29 = arith.addi %mul3A_27, %add3A_28 : i32
    "tpu.region"() ({
      %run_scoped3A = tpu.sem_alloc : memref<!tpu.dma_semaphore, #tpu.memory_space<semaphore_mem>>
      %dma_start3A = arith.constant 0 : i32
      %dma_start3A_73 = arith.constant 0 : i32
      %dma_start3A_74 = tpu.memref_slice %arg11[%dma_start3A, %dma_start3A_73] : memref<128x128xf32, #tpu.memory_space<vmem>> -> memref<128x128xf32, #tpu.memory_space<vmem>>
      %dma_start3A_75 = arith.constant 0 : i32
      %dma_start3A_76 = tpu.memref_slice %arg6[%add3A_29, %dma_start3A_75] : memref<10240x128xf32, #tpu.memory_space<vmem_shared>> -> memref<128x128xf32, #tpu.memory_space<vmem_shared>>
      %dma_start3A_77 = arith.constant 0 : i32
      %dma_start3A_78 = tpu.memref_slice %arg6[%add3A_29, %dma_start3A_77] : memref<10240x128xf32, #tpu.memory_space<vmem_shared>> -> memref<128x128xf32, #tpu.memory_space<vmem_shared>>
      %dma_start3A_79 = arith.constant 0 : i32
      %dma_start3A_80 = arith.constant 0 : i32
      %dma_start3A_81 = tpu.memref_slice %arg11[%dma_start3A_79, %dma_start3A_80] : memref<128x128xf32, #tpu.memory_space<vmem>> -> memref<128x128xf32, #tpu.memory_space<vmem>>
      tpu.enqueue_dma source(%dma_start3A_81 : memref<128x128xf32, #tpu.memory_space<vmem>>) target(%dma_start3A_78 : memref<128x128xf32, #tpu.memory_space<vmem_shared>>) target_semaphore(%run_scoped3A : memref<!tpu.dma_semaphore, #tpu.memory_space<semaphore_mem>>)
      %dma_wait3A = arith.constant 0 : i32
      %dma_wait3A_82 = arith.constant 0 : i32
      %dma_wait3A_83 = tpu.memref_slice %arg11[%dma_wait3A, %dma_wait3A_82] : memref<128x128xf32, #tpu.memory_space<vmem>> -> memref<128x128xf32, #tpu.memory_space<vmem>>
      %dma_wait3A_84 = arith.constant 0 : i32
      %dma_wait3A_85 = tpu.memref_slice %arg6[%add3A_29, %dma_wait3A_84] : memref<10240x128xf32, #tpu.memory_space<vmem_shared>> -> memref<128x128xf32, #tpu.memory_space<vmem_shared>>
      %dma_wait3A_86 = arith.constant 0 : i32
      %dma_wait3A_87 = tpu.memref_slice %arg6[%add3A_29, %dma_wait3A_86] : memref<10240x128xf32, #tpu.memory_space<vmem_shared>> -> memref<128x128xf32, #tpu.memory_space<vmem_shared>>
      %dma_wait3A_88 = arith.constant 0 : i32
      %dma_wait3A_89 = arith.constant 0 : i32
      %dma_wait3A_90 = tpu.memref_slice %arg11[%dma_wait3A_88, %dma_wait3A_89] : memref<128x128xf32, #tpu.memory_space<vmem>> -> memref<128x128xf32, #tpu.memory_space<vmem>>
      tpu.wait_dma2 semaphore(%run_scoped3A : memref<!tpu.dma_semaphore, #tpu.memory_space<semaphore_mem>>) src(%dma_wait3A_90 : memref<128x128xf32, #tpu.memory_space<vmem>>) dst(%dma_wait3A_87 : memref<128x128xf32, #tpu.memory_space<vmem_shared>>)
      tpu.yield
    }) : () -> ()
    %barrier3A = arith.constant 0 : index
    tpu.barrier barrier_id(%barrier3A)
    %scan3A_30 = arith.constant 0 : i32
    %scan3A_31 = arith.constant 0 : i32
    %scan3A_32 = arith.constant 80 : i32
    %scan3A_33 = arith.addi %scan3A_31, %scan3A_32 : i32
    %scan3A_34 = arith.constant 1 : i32
    %scan3A_35 = scf.for %scan3A_73 = %scan3A_31 to %scan3A_33 step %scan3A_34 iter_args(%scan3A_74 = %scan3A_30) -> (i32)  : i32 {
      %mul3A_75 = arith.constant 128 : i32
      %mul3A_76 = arith.muli %scan3A_73, %mul3A_75 : i32
      %add3A_77 = arith.addi %add3A, %mul3A_76 : i32
      "tpu.region"() ({
        %run_scoped3A = tpu.sem_alloc : memref<!tpu.dma_semaphore, #tpu.memory_space<semaphore_mem>>
        %dma_start3A_84 = tpu.memref_slice %arg3[%add3A_77] : memref<327680xi32, #tpu.memory_space<hbm>> -> memref<128xi32, #tpu.memory_space<hbm>>
        %dma_start3A_85 = tpu.memref_slice %arg3[%add3A_77] : memref<327680xi32, #tpu.memory_space<hbm>> -> memref<128xi32, #tpu.memory_space<hbm>>
        tpu.enqueue_dma source(%dma_start3A_85 : memref<128xi32, #tpu.memory_space<hbm>>) target(%arg7 : memref<128xi32, #tpu.memory_space<vmem>>) target_semaphore(%run_scoped3A : memref<!tpu.dma_semaphore, #tpu.memory_space<semaphore_mem>>)
        %dma_wait3A_86 = tpu.memref_slice %arg3[%add3A_77] : memref<327680xi32, #tpu.memory_space<hbm>> -> memref<128xi32, #tpu.memory_space<hbm>>
        %dma_wait3A_87 = tpu.memref_slice %arg3[%add3A_77] : memref<327680xi32, #tpu.memory_space<hbm>> -> memref<128xi32, #tpu.memory_space<hbm>>
        tpu.wait_dma2 semaphore(%run_scoped3A : memref<!tpu.dma_semaphore, #tpu.memory_space<semaphore_mem>>) src(%dma_wait3A_87 : memref<128xi32, #tpu.memory_space<hbm>>) dst(%arg7 : memref<128xi32, #tpu.memory_space<vmem>>)
        tpu.yield
      }) : () -> ()
      %add3A_78 = arith.addi %add3A, %mul3A_76 : i32
      "tpu.region"() ({
        %run_scoped3A = tpu.sem_alloc : memref<!tpu.dma_semaphore, #tpu.memory_space<semaphore_mem>>
        %dma_start3A_84 = tpu.memref_slice %arg4[%add3A_78] : memref<327680xi32, #tpu.memory_space<hbm>> -> memref<128xi32, #tpu.memory_space<hbm>>
        %dma_start3A_85 = tpu.memref_slice %arg4[%add3A_78] : memref<327680xi32, #tpu.memory_space<hbm>> -> memref<128xi32, #tpu.memory_space<hbm>>
        tpu.enqueue_dma source(%dma_start3A_85 : memref<128xi32, #tpu.memory_space<hbm>>) target(%arg9 : memref<128xi32, #tpu.memory_space<vmem>>) target_semaphore(%run_scoped3A : memref<!tpu.dma_semaphore, #tpu.memory_space<semaphore_mem>>)
        %dma_wait3A_86 = tpu.memref_slice %arg4[%add3A_78] : memref<327680xi32, #tpu.memory_space<hbm>> -> memref<128xi32, #tpu.memory_space<hbm>>
        %dma_wait3A_87 = tpu.memref_slice %arg4[%add3A_78] : memref<327680xi32, #tpu.memory_space<hbm>> -> memref<128xi32, #tpu.memory_space<hbm>>
        tpu.wait_dma2 semaphore(%run_scoped3A : memref<!tpu.dma_semaphore, #tpu.memory_space<semaphore_mem>>) src(%dma_wait3A_87 : memref<128xi32, #tpu.memory_space<hbm>>) dst(%arg9 : memref<128xi32, #tpu.memory_space<vmem>>)
        tpu.yield
      }) : () -> ()
      %dma_start3A = arith.constant 0 : i32
      %dma_start3A_79 = arith.constant 0 : i32
      %dma_start3A_80 = tpu.memref_slice %arg2[%dma_start3A, %dma_start3A_79] : memref<10000x128xf32, #tpu.memory_space<hbm>> -> memref<10000x128xf32, #tpu.memory_space<hbm>>
      tpu.enqueue_indirect_dma source(%dma_start3A_80 : memref<10000x128xf32, #tpu.memory_space<hbm>>) target(%arg11 : memref<128x128xf32, #tpu.memory_space<vmem>>) offsets(%arg7 : memref<128xi32, #tpu.memory_space<vmem>>) semaphore(%arg12 : memref<!tpu.dma_semaphore, #tpu.memory_space<semaphore_mem>>)
      %dma_wait3A = arith.constant 0 : i32
      %dma_wait3A_81 = arith.constant 0 : i32
      %dma_wait3A_82 = tpu.memref_slice %arg2[%dma_wait3A, %dma_wait3A_81] : memref<10000x128xf32, #tpu.memory_space<hbm>> -> memref<10000x128xf32, #tpu.memory_space<hbm>>
      tpu.wait_indirect_dma semaphore(%arg12 : memref<!tpu.dma_semaphore, #tpu.memory_space<semaphore_mem>>) src(%dma_wait3A_82 : memref<10000x128xf32, #tpu.memory_space<hbm>>) dst(%arg11 : memref<128x128xf32, #tpu.memory_space<vmem>>)
      "tpu.region"() ({
        %run_scoped3A = tpu.sem_alloc : memref<!tpu.dma_semaphore, #tpu.memory_space<semaphore_mem>>
        %dma_start3A_84 = arith.constant 0 : i32
        %dma_start3A_85 = arith.constant 0 : i32
        %dma_start3A_86 = tpu.memref_slice %arg6[%dma_start3A_84, %dma_start3A_85] : memref<10240x128xf32, #tpu.memory_space<vmem_shared>> -> memref<10240x128xf32, #tpu.memory_space<vmem_shared>>
        tpu.enqueue_indirect_dma source(%arg11 : memref<128x128xf32, #tpu.memory_space<vmem>>) target(%dma_start3A_86 : memref<10240x128xf32, #tpu.memory_space<vmem_shared>>) offsets(%arg9 : memref<128xi32, #tpu.memory_space<vmem>>) semaphore(%run_scoped3A : memref<!tpu.dma_semaphore, #tpu.memory_space<semaphore_mem>>) {add = true}
        %dma_wait3A_87 = arith.constant 0 : i32
        %dma_wait3A_88 = arith.constant 0 : i32
        %dma_wait3A_89 = tpu.memref_slice %arg6[%dma_wait3A_87, %dma_wait3A_88] : memref<10240x128xf32, #tpu.memory_space<vmem_shared>> -> memref<10240x128xf32, #tpu.memory_space<vmem_shared>>
        tpu.wait_indirect_dma semaphore(%run_scoped3A : memref<!tpu.dma_semaphore, #tpu.memory_space<semaphore_mem>>) src(%arg11 : memref<128x128xf32, #tpu.memory_space<vmem>>) dst(%dma_wait3A_89 : memref<10240x128xf32, #tpu.memory_space<vmem_shared>>)
        tpu.yield
      }) : () -> ()
      %scan3A_83 = arith.constant 0 : i32
      scf.yield %scan3A_83 : i32
    }
    %scan3A_36 = arith.constant 80 : i32
    %barrier3A_37 = arith.constant 0 : index
    tpu.barrier barrier_id(%barrier3A_37)
    %mul3A_38 = arith.constant 640 : i32
    %mul3A_39 = arith.muli %arg1, %mul3A_38 : i32
    %add3A_40 = arith.constant 0 : i32
    %add3A_41 = arith.addi %mul3A_39, %add3A_40 : i32
    "tpu.region"() ({
      %run_scoped3A = tpu.sem_alloc : memref<!tpu.dma_semaphore, #tpu.memory_space<semaphore_mem>>
      %dma_start3A = arith.constant 0 : i32
      %dma_start3A_73 = arith.constant 0 : i32
      %dma_start3A_74 = tpu.memref_slice %arg11[%dma_start3A, %dma_start3A_73] : memref<128x128xf32, #tpu.memory_space<vmem>> -> memref<128x128xf32, #tpu.memory_space<vmem>>
      %dma_start3A_75 = arith.constant 0 : i32
      %dma_start3A_76 = tpu.memref_slice %arg6[%add3A_41, %dma_start3A_75] : memref<10240x128xf32, #tpu.memory_space<vmem_shared>> -> memref<128x128xf32, #tpu.memory_space<vmem_shared>>
      %dma_start3A_77 = arith.constant 0 : i32
      %dma_start3A_78 = arith.constant 0 : i32
      %dma_start3A_79 = tpu.memref_slice %arg11[%dma_start3A_77, %dma_start3A_78] : memref<128x128xf32, #tpu.memory_space<vmem>> -> memref<128x128xf32, #tpu.memory_space<vmem>>
      %dma_start3A_80 = arith.constant 0 : i32
      %dma_start3A_81 = tpu.memref_slice %arg6[%add3A_41, %dma_start3A_80] : memref<10240x128xf32, #tpu.memory_space<vmem_shared>> -> memref<128x128xf32, #tpu.memory_space<vmem_shared>>
      tpu.enqueue_dma source(%dma_start3A_81 : memref<128x128xf32, #tpu.memory_space<vmem_shared>>) target(%dma_start3A_79 : memref<128x128xf32, #tpu.memory_space<vmem>>) target_semaphore(%run_scoped3A : memref<!tpu.dma_semaphore, #tpu.memory_space<semaphore_mem>>)
      %dma_wait3A = arith.constant 0 : i32
      %dma_wait3A_82 = arith.constant 0 : i32
      %dma_wait3A_83 = tpu.memref_slice %arg11[%dma_wait3A, %dma_wait3A_82] : memref<128x128xf32, #tpu.memory_space<vmem>> -> memref<128x128xf32, #tpu.memory_space<vmem>>
      %dma_wait3A_84 = arith.constant 0 : i32
      %dma_wait3A_85 = tpu.memref_slice %arg6[%add3A_41, %dma_wait3A_84] : memref<10240x128xf32, #tpu.memory_space<vmem_shared>> -> memref<128x128xf32, #tpu.memory_space<vmem_shared>>
      %dma_wait3A_86 = arith.constant 0 : i32
      %dma_wait3A_87 = arith.constant 0 : i32
      %dma_wait3A_88 = tpu.memref_slice %arg11[%dma_wait3A_86, %dma_wait3A_87] : memref<128x128xf32, #tpu.memory_space<vmem>> -> memref<128x128xf32, #tpu.memory_space<vmem>>
      %dma_wait3A_89 = arith.constant 0 : i32
      %dma_wait3A_90 = tpu.memref_slice %arg6[%add3A_41, %dma_wait3A_89] : memref<10240x128xf32, #tpu.memory_space<vmem_shared>> -> memref<128x128xf32, #tpu.memory_space<vmem_shared>>
      tpu.wait_dma2 semaphore(%run_scoped3A : memref<!tpu.dma_semaphore, #tpu.memory_space<semaphore_mem>>) src(%dma_wait3A_90 : memref<128x128xf32, #tpu.memory_space<vmem_shared>>) dst(%dma_wait3A_88 : memref<128x128xf32, #tpu.memory_space<vmem>>)
      tpu.yield
    }) : () -> ()
    %mul3A_42 = arith.constant 10240 : i32
    %mul3A_43 = arith.muli %arg0, %mul3A_42 : i32
    %add3A_44 = arith.addi %mul3A_43, %add3A_41 : i32
    "tpu.region"() ({
      %run_scoped3A = tpu.sem_alloc : memref<!tpu.dma_semaphore, #tpu.memory_space<semaphore_mem>>
      %dma_start3A = arith.constant 0 : i32
      %dma_start3A_73 = arith.constant 0 : i32
      %dma_start3A_74 = tpu.memref_slice %arg11[%dma_start3A, %dma_start3A_73] : memref<128x128xf32, #tpu.memory_space<vmem>> -> memref<128x128xf32, #tpu.memory_space<vmem>>
      %dma_start3A_75 = arith.constant 0 : i32
      %dma_start3A_76 = tpu.memref_slice %arg5[%add3A_44, %dma_start3A_75] : memref<20480x128xf32, #tpu.memory_space<hbm>> -> memref<128x128xf32, #tpu.memory_space<hbm>>
      %dma_start3A_77 = arith.constant 0 : i32
      %dma_start3A_78 = tpu.memref_slice %arg5[%add3A_44, %dma_start3A_77] : memref<20480x128xf32, #tpu.memory_space<hbm>> -> memref<128x128xf32, #tpu.memory_space<hbm>>
      %dma_start3A_79 = arith.constant 0 : i32
      %dma_start3A_80 = arith.constant 0 : i32
      %dma_start3A_81 = tpu.memref_slice %arg11[%dma_start3A_79, %dma_start3A_80] : memref<128x128xf32, #tpu.memory_space<vmem>> -> memref<128x128xf32, #tpu.memory_space<vmem>>
      tpu.enqueue_dma source(%dma_start3A_81 : memref<128x128xf32, #tpu.memory_space<vmem>>) target(%dma_start3A_78 : memref<128x128xf32, #tpu.memory_space<hbm>>) target_semaphore(%run_scoped3A : memref<!tpu.dma_semaphore, #tpu.memory_space<semaphore_mem>>)
      %dma_wait3A = arith.constant 0 : i32
      %dma_wait3A_82 = arith.constant 0 : i32
      %dma_wait3A_83 = tpu.memref_slice %arg11[%dma_wait3A, %dma_wait3A_82] : memref<128x128xf32, #tpu.memory_space<vmem>> -> memref<128x128xf32, #tpu.memory_space<vmem>>
      %dma_wait3A_84 = arith.constant 0 : i32
      %dma_wait3A_85 = tpu.memref_slice %arg5[%add3A_44, %dma_wait3A_84] : memref<20480x128xf32, #tpu.memory_space<hbm>> -> memref<128x128xf32, #tpu.memory_space<hbm>>
      %dma_wait3A_86 = arith.constant 0 : i32
      %dma_wait3A_87 = tpu.memref_slice %arg5[%add3A_44, %dma_wait3A_86] : memref<20480x128xf32, #tpu.memory_space<hbm>> -> memref<128x128xf32, #tpu.memory_space<hbm>>
      %dma_wait3A_88 = arith.constant 0 : i32
      %dma_wait3A_89 = arith.constant 0 : i32
      %dma_wait3A_90 = tpu.memref_slice %arg11[%dma_wait3A_88, %dma_wait3A_89] : memref<128x128xf32, #tpu.memory_space<vmem>> -> memref<128x128xf32, #tpu.memory_space<vmem>>
      tpu.wait_dma2 semaphore(%run_scoped3A : memref<!tpu.dma_semaphore, #tpu.memory_space<semaphore_mem>>) src(%dma_wait3A_90 : memref<128x128xf32, #tpu.memory_space<vmem>>) dst(%dma_wait3A_87 : memref<128x128xf32, #tpu.memory_space<hbm>>)
      tpu.yield
    }) : () -> ()
    %mul3A_45 = arith.constant 640 : i32
    %mul3A_46 = arith.muli %arg1, %mul3A_45 : i32
    %add3A_47 = arith.constant 128 : i32
    %add3A_48 = arith.addi %mul3A_46, %add3A_47 : i32
    "tpu.region"() ({
      %run_scoped3A = tpu.sem_alloc : memref<!tpu.dma_semaphore, #tpu.memory_space<semaphore_mem>>
      %dma_start3A = arith.constant 0 : i32
      %dma_start3A_73 = arith.constant 0 : i32
      %dma_start3A_74 = tpu.memref_slice %arg11[%dma_start3A, %dma_start3A_73] : memref<128x128xf32, #tpu.memory_space<vmem>> -> memref<128x128xf32, #tpu.memory_space<vmem>>
      %dma_start3A_75 = arith.constant 0 : i32
      %dma_start3A_76 = tpu.memref_slice %arg6[%add3A_48, %dma_start3A_75] : memref<10240x128xf32, #tpu.memory_space<vmem_shared>> -> memref<128x128xf32, #tpu.memory_space<vmem_shared>>
      %dma_start3A_77 = arith.constant 0 : i32
      %dma_start3A_78 = arith.constant 0 : i32
      %dma_start3A_79 = tpu.memref_slice %arg11[%dma_start3A_77, %dma_start3A_78] : memref<128x128xf32, #tpu.memory_space<vmem>> -> memref<128x128xf32, #tpu.memory_space<vmem>>
      %dma_start3A_80 = arith.constant 0 : i32
      %dma_start3A_81 = tpu.memref_slice %arg6[%add3A_48, %dma_start3A_80] : memref<10240x128xf32, #tpu.memory_space<vmem_shared>> -> memref<128x128xf32, #tpu.memory_space<vmem_shared>>
      tpu.enqueue_dma source(%dma_start3A_81 : memref<128x128xf32, #tpu.memory_space<vmem_shared>>) target(%dma_start3A_79 : memref<128x128xf32, #tpu.memory_space<vmem>>) target_semaphore(%run_scoped3A : memref<!tpu.dma_semaphore, #tpu.memory_space<semaphore_mem>>)
      %dma_wait3A = arith.constant 0 : i32
      %dma_wait3A_82 = arith.constant 0 : i32
      %dma_wait3A_83 = tpu.memref_slice %arg11[%dma_wait3A, %dma_wait3A_82] : memref<128x128xf32, #tpu.memory_space<vmem>> -> memref<128x128xf32, #tpu.memory_space<vmem>>
      %dma_wait3A_84 = arith.constant 0 : i32
      %dma_wait3A_85 = tpu.memref_slice %arg6[%add3A_48, %dma_wait3A_84] : memref<10240x128xf32, #tpu.memory_space<vmem_shared>> -> memref<128x128xf32, #tpu.memory_space<vmem_shared>>
      %dma_wait3A_86 = arith.constant 0 : i32
      %dma_wait3A_87 = arith.constant 0 : i32
      %dma_wait3A_88 = tpu.memref_slice %arg11[%dma_wait3A_86, %dma_wait3A_87] : memref<128x128xf32, #tpu.memory_space<vmem>> -> memref<128x128xf32, #tpu.memory_space<vmem>>
      %dma_wait3A_89 = arith.constant 0 : i32
      %dma_wait3A_90 = tpu.memref_slice %arg6[%add3A_48, %dma_wait3A_89] : memref<10240x128xf32, #tpu.memory_space<vmem_shared>> -> memref<128x128xf32, #tpu.memory_space<vmem_shared>>
      tpu.wait_dma2 semaphore(%run_scoped3A : memref<!tpu.dma_semaphore, #tpu.memory_space<semaphore_mem>>) src(%dma_wait3A_90 : memref<128x128xf32, #tpu.memory_space<vmem_shared>>) dst(%dma_wait3A_88 : memref<128x128xf32, #tpu.memory_space<vmem>>)
      tpu.yield
    }) : () -> ()
    %mul3A_49 = arith.constant 10240 : i32
    %mul3A_50 = arith.muli %arg0, %mul3A_49 : i32
    %add3A_51 = arith.addi %mul3A_50, %add3A_48 : i32
    "tpu.region"() ({
      %run_scoped3A = tpu.sem_alloc : memref<!tpu.dma_semaphore, #tpu.memory_space<semaphore_mem>>
      %dma_start3A = arith.constant 0 : i32
      %dma_start3A_73 = arith.constant 0 : i32
      %dma_start3A_74 = tpu.memref_slice %arg11[%dma_start3A, %dma_start3A_73] : memref<128x128xf32, #tpu.memory_space<vmem>> -> memref<128x128xf32, #tpu.memory_space<vmem>>
      %dma_start3A_75 = arith.constant 0 : i32
      %dma_start3A_76 = tpu.memref_slice %arg5[%add3A_51, %dma_start3A_75] : memref<20480x128xf32, #tpu.memory_space<hbm>> -> memref<128x128xf32, #tpu.memory_space<hbm>>
      %dma_start3A_77 = arith.constant 0 : i32
      %dma_start3A_78 = tpu.memref_slice %arg5[%add3A_51, %dma_start3A_77] : memref<20480x128xf32, #tpu.memory_space<hbm>> -> memref<128x128xf32, #tpu.memory_space<hbm>>
      %dma_start3A_79 = arith.constant 0 : i32
      %dma_start3A_80 = arith.constant 0 : i32
      %dma_start3A_81 = tpu.memref_slice %arg11[%dma_start3A_79, %dma_start3A_80] : memref<128x128xf32, #tpu.memory_space<vmem>> -> memref<128x128xf32, #tpu.memory_space<vmem>>
      tpu.enqueue_dma source(%dma_start3A_81 : memref<128x128xf32, #tpu.memory_space<vmem>>) target(%dma_start3A_78 : memref<128x128xf32, #tpu.memory_space<hbm>>) target_semaphore(%run_scoped3A : memref<!tpu.dma_semaphore, #tpu.memory_space<semaphore_mem>>)
      %dma_wait3A = arith.constant 0 : i32
      %dma_wait3A_82 = arith.constant 0 : i32
      %dma_wait3A_83 = tpu.memref_slice %arg11[%dma_wait3A, %dma_wait3A_82] : memref<128x128xf32, #tpu.memory_space<vmem>> -> memref<128x128xf32, #tpu.memory_space<vmem>>
      %dma_wait3A_84 = arith.constant 0 : i32
      %dma_wait3A_85 = tpu.memref_slice %arg5[%add3A_51, %dma_wait3A_84] : memref<20480x128xf32, #tpu.memory_space<hbm>> -> memref<128x128xf32, #tpu.memory_space<hbm>>
      %dma_wait3A_86 = arith.constant 0 : i32
      %dma_wait3A_87 = tpu.memref_slice %arg5[%add3A_51, %dma_wait3A_86] : memref<20480x128xf32, #tpu.memory_space<hbm>> -> memref<128x128xf32, #tpu.memory_space<hbm>>
      %dma_wait3A_88 = arith.constant 0 : i32
      %dma_wait3A_89 = arith.constant 0 : i32
      %dma_wait3A_90 = tpu.memref_slice %arg11[%dma_wait3A_88, %dma_wait3A_89] : memref<128x128xf32, #tpu.memory_space<vmem>> -> memref<128x128xf32, #tpu.memory_space<vmem>>
      tpu.wait_dma2 semaphore(%run_scoped3A : memref<!tpu.dma_semaphore, #tpu.memory_space<semaphore_mem>>) src(%dma_wait3A_90 : memref<128x128xf32, #tpu.memory_space<vmem>>) dst(%dma_wait3A_87 : memref<128x128xf32, #tpu.memory_space<hbm>>)
      tpu.yield
    }) : () -> ()
    %mul3A_52 = arith.constant 640 : i32
    %mul3A_53 = arith.muli %arg1, %mul3A_52 : i32
    %add3A_54 = arith.constant 256 : i32
    %add3A_55 = arith.addi %mul3A_53, %add3A_54 : i32
    "tpu.region"() ({
      %run_scoped3A = tpu.sem_alloc : memref<!tpu.dma_semaphore, #tpu.memory_space<semaphore_mem>>
      %dma_start3A = arith.constant 0 : i32
      %dma_start3A_73 = arith.constant 0 : i32
      %dma_start3A_74 = tpu.memref_slice %arg11[%dma_start3A, %dma_start3A_73] : memref<128x128xf32, #tpu.memory_space<vmem>> -> memref<128x128xf32, #tpu.memory_space<vmem>>
      %dma_start3A_75 = arith.constant 0 : i32
      %dma_start3A_76 = tpu.memref_slice %arg6[%add3A_55, %dma_start3A_75] : memref<10240x128xf32, #tpu.memory_space<vmem_shared>> -> memref<128x128xf32, #tpu.memory_space<vmem_shared>>
      %dma_start3A_77 = arith.constant 0 : i32
      %dma_start3A_78 = arith.constant 0 : i32
      %dma_start3A_79 = tpu.memref_slice %arg11[%dma_start3A_77, %dma_start3A_78] : memref<128x128xf32, #tpu.memory_space<vmem>> -> memref<128x128xf32, #tpu.memory_space<vmem>>
      %dma_start3A_80 = arith.constant 0 : i32
      %dma_start3A_81 = tpu.memref_slice %arg6[%add3A_55, %dma_start3A_80] : memref<10240x128xf32, #tpu.memory_space<vmem_shared>> -> memref<128x128xf32, #tpu.memory_space<vmem_shared>>
      tpu.enqueue_dma source(%dma_start3A_81 : memref<128x128xf32, #tpu.memory_space<vmem_shared>>) target(%dma_start3A_79 : memref<128x128xf32, #tpu.memory_space<vmem>>) target_semaphore(%run_scoped3A : memref<!tpu.dma_semaphore, #tpu.memory_space<semaphore_mem>>)
      %dma_wait3A = arith.constant 0 : i32
      %dma_wait3A_82 = arith.constant 0 : i32
      %dma_wait3A_83 = tpu.memref_slice %arg11[%dma_wait3A, %dma_wait3A_82] : memref<128x128xf32, #tpu.memory_space<vmem>> -> memref<128x128xf32, #tpu.memory_space<vmem>>
      %dma_wait3A_84 = arith.constant 0 : i32
      %dma_wait3A_85 = tpu.memref_slice %arg6[%add3A_55, %dma_wait3A_84] : memref<10240x128xf32, #tpu.memory_space<vmem_shared>> -> memref<128x128xf32, #tpu.memory_space<vmem_shared>>
      %dma_wait3A_86 = arith.constant 0 : i32
      %dma_wait3A_87 = arith.constant 0 : i32
      %dma_wait3A_88 = tpu.memref_slice %arg11[%dma_wait3A_86, %dma_wait3A_87] : memref<128x128xf32, #tpu.memory_space<vmem>> -> memref<128x128xf32, #tpu.memory_space<vmem>>
      %dma_wait3A_89 = arith.constant 0 : i32
      %dma_wait3A_90 = tpu.memref_slice %arg6[%add3A_55, %dma_wait3A_89] : memref<10240x128xf32, #tpu.memory_space<vmem_shared>> -> memref<128x128xf32, #tpu.memory_space<vmem_shared>>
      tpu.wait_dma2 semaphore(%run_scoped3A : memref<!tpu.dma_semaphore, #tpu.memory_space<semaphore_mem>>) src(%dma_wait3A_90 : memref<128x128xf32, #tpu.memory_space<vmem_shared>>) dst(%dma_wait3A_88 : memref<128x128xf32, #tpu.memory_space<vmem>>)
      tpu.yield
    }) : () -> ()
    %mul3A_56 = arith.constant 10240 : i32
    %mul3A_57 = arith.muli %arg0, %mul3A_56 : i32
    %add3A_58 = arith.addi %mul3A_57, %add3A_55 : i32
    "tpu.region"() ({
      %run_scoped3A = tpu.sem_alloc : memref<!tpu.dma_semaphore, #tpu.memory_space<semaphore_mem>>
      %dma_start3A = arith.constant 0 : i32
      %dma_start3A_73 = arith.constant 0 : i32
      %dma_start3A_74 = tpu.memref_slice %arg11[%dma_start3A, %dma_start3A_73] : memref<128x128xf32, #tpu.memory_space<vmem>> -> memref<128x128xf32, #tpu.memory_space<vmem>>
      %dma_start3A_75 = arith.constant 0 : i32
      %dma_start3A_76 = tpu.memref_slice %arg5[%add3A_58, %dma_start3A_75] : memref<20480x128xf32, #tpu.memory_space<hbm>> -> memref<128x128xf32, #tpu.memory_space<hbm>>
      %dma_start3A_77 = arith.constant 0 : i32
      %dma_start3A_78 = tpu.memref_slice %arg5[%add3A_58, %dma_start3A_77] : memref<20480x128xf32, #tpu.memory_space<hbm>> -> memref<128x128xf32, #tpu.memory_space<hbm>>
      %dma_start3A_79 = arith.constant 0 : i32
      %dma_start3A_80 = arith.constant 0 : i32
      %dma_start3A_81 = tpu.memref_slice %arg11[%dma_start3A_79, %dma_start3A_80] : memref<128x128xf32, #tpu.memory_space<vmem>> -> memref<128x128xf32, #tpu.memory_space<vmem>>
      tpu.enqueue_dma source(%dma_start3A_81 : memref<128x128xf32, #tpu.memory_space<vmem>>) target(%dma_start3A_78 : memref<128x128xf32, #tpu.memory_space<hbm>>) target_semaphore(%run_scoped3A : memref<!tpu.dma_semaphore, #tpu.memory_space<semaphore_mem>>)
      %dma_wait3A = arith.constant 0 : i32
      %dma_wait3A_82 = arith.constant 0 : i32
      %dma_wait3A_83 = tpu.memref_slice %arg11[%dma_wait3A, %dma_wait3A_82] : memref<128x128xf32, #tpu.memory_space<vmem>> -> memref<128x128xf32, #tpu.memory_space<vmem>>
      %dma_wait3A_84 = arith.constant 0 : i32
      %dma_wait3A_85 = tpu.memref_slice %arg5[%add3A_58, %dma_wait3A_84] : memref<20480x128xf32, #tpu.memory_space<hbm>> -> memref<128x128xf32, #tpu.memory_space<hbm>>
      %dma_wait3A_86 = arith.constant 0 : i32
      %dma_wait3A_87 = tpu.memref_slice %arg5[%add3A_58, %dma_wait3A_86] : memref<20480x128xf32, #tpu.memory_space<hbm>> -> memref<128x128xf32, #tpu.memory_space<hbm>>
      %dma_wait3A_88 = arith.constant 0 : i32
      %dma_wait3A_89 = arith.constant 0 : i32
      %dma_wait3A_90 = tpu.memref_slice %arg11[%dma_wait3A_88, %dma_wait3A_89] : memref<128x128xf32, #tpu.memory_space<vmem>> -> memref<128x128xf32, #tpu.memory_space<vmem>>
      tpu.wait_dma2 semaphore(%run_scoped3A : memref<!tpu.dma_semaphore, #tpu.memory_space<semaphore_mem>>) src(%dma_wait3A_90 : memref<128x128xf32, #tpu.memory_space<vmem>>) dst(%dma_wait3A_87 : memref<128x128xf32, #tpu.memory_space<hbm>>)
      tpu.yield
    }) : () -> ()
    %mul3A_59 = arith.constant 640 : i32
    %mul3A_60 = arith.muli %arg1, %mul3A_59 : i32
    %add3A_61 = arith.constant 384 : i32
    %add3A_62 = arith.addi %mul3A_60, %add3A_61 : i32
    "tpu.region"() ({
      %run_scoped3A = tpu.sem_alloc : memref<!tpu.dma_semaphore, #tpu.memory_space<semaphore_mem>>
      %dma_start3A = arith.constant 0 : i32
      %dma_start3A_73 = arith.constant 0 : i32
      %dma_start3A_74 = tpu.memref_slice %arg11[%dma_start3A, %dma_start3A_73] : memref<128x128xf32, #tpu.memory_space<vmem>> -> memref<128x128xf32, #tpu.memory_space<vmem>>
      %dma_start3A_75 = arith.constant 0 : i32
      %dma_start3A_76 = tpu.memref_slice %arg6[%add3A_62, %dma_start3A_75] : memref<10240x128xf32, #tpu.memory_space<vmem_shared>> -> memref<128x128xf32, #tpu.memory_space<vmem_shared>>
      %dma_start3A_77 = arith.constant 0 : i32
      %dma_start3A_78 = arith.constant 0 : i32
      %dma_start3A_79 = tpu.memref_slice %arg11[%dma_start3A_77, %dma_start3A_78] : memref<128x128xf32, #tpu.memory_space<vmem>> -> memref<128x128xf32, #tpu.memory_space<vmem>>
      %dma_start3A_80 = arith.constant 0 : i32
      %dma_start3A_81 = tpu.memref_slice %arg6[%add3A_62, %dma_start3A_80] : memref<10240x128xf32, #tpu.memory_space<vmem_shared>> -> memref<128x128xf32, #tpu.memory_space<vmem_shared>>
      tpu.enqueue_dma source(%dma_start3A_81 : memref<128x128xf32, #tpu.memory_space<vmem_shared>>) target(%dma_start3A_79 : memref<128x128xf32, #tpu.memory_space<vmem>>) target_semaphore(%run_scoped3A : memref<!tpu.dma_semaphore, #tpu.memory_space<semaphore_mem>>)
      %dma_wait3A = arith.constant 0 : i32
      %dma_wait3A_82 = arith.constant 0 : i32
      %dma_wait3A_83 = tpu.memref_slice %arg11[%dma_wait3A, %dma_wait3A_82] : memref<128x128xf32, #tpu.memory_space<vmem>> -> memref<128x128xf32, #tpu.memory_space<vmem>>
      %dma_wait3A_84 = arith.constant 0 : i32
      %dma_wait3A_85 = tpu.memref_slice %arg6[%add3A_62, %dma_wait3A_84] : memref<10240x128xf32, #tpu.memory_space<vmem_shared>> -> memref<128x128xf32, #tpu.memory_space<vmem_shared>>
      %dma_wait3A_86 = arith.constant 0 : i32
      %dma_wait3A_87 = arith.constant 0 : i32
      %dma_wait3A_88 = tpu.memref_slice %arg11[%dma_wait3A_86, %dma_wait3A_87] : memref<128x128xf32, #tpu.memory_space<vmem>> -> memref<128x128xf32, #tpu.memory_space<vmem>>
      %dma_wait3A_89 = arith.constant 0 : i32
      %dma_wait3A_90 = tpu.memref_slice %arg6[%add3A_62, %dma_wait3A_89] : memref<10240x128xf32, #tpu.memory_space<vmem_shared>> -> memref<128x128xf32, #tpu.memory_space<vmem_shared>>
      tpu.wait_dma2 semaphore(%run_scoped3A : memref<!tpu.dma_semaphore, #tpu.memory_space<semaphore_mem>>) src(%dma_wait3A_90 : memref<128x128xf32, #tpu.memory_space<vmem_shared>>) dst(%dma_wait3A_88 : memref<128x128xf32, #tpu.memory_space<vmem>>)
      tpu.yield
    }) : () -> ()
    %mul3A_63 = arith.constant 10240 : i32
    %mul3A_64 = arith.muli %arg0, %mul3A_63 : i32
    %add3A_65 = arith.addi %mul3A_64, %add3A_62 : i32
    "tpu.region"() ({
      %run_scoped3A = tpu.sem_alloc : memref<!tpu.dma_semaphore, #tpu.memory_space<semaphore_mem>>
      %dma_start3A = arith.constant 0 : i32
      %dma_start3A_73 = arith.constant 0 : i32
      %dma_start3A_74 = tpu.memref_slice %arg11[%dma_start3A, %dma_start3A_73] : memref<128x128xf32, #tpu.memory_space<vmem>> -> memref<128x128xf32, #tpu.memory_space<vmem>>
      %dma_start3A_75 = arith.constant 0 : i32
      %dma_start3A_76 = tpu.memref_slice %arg5[%add3A_65, %dma_start3A_75] : memref<20480x128xf32, #tpu.memory_space<hbm>> -> memref<128x128xf32, #tpu.memory_space<hbm>>
      %dma_start3A_77 = arith.constant 0 : i32
      %dma_start3A_78 = tpu.memref_slice %arg5[%add3A_65, %dma_start3A_77] : memref<20480x128xf32, #tpu.memory_space<hbm>> -> memref<128x128xf32, #tpu.memory_space<hbm>>
      %dma_start3A_79 = arith.constant 0 : i32
      %dma_start3A_80 = arith.constant 0 : i32
      %dma_start3A_81 = tpu.memref_slice %arg11[%dma_start3A_79, %dma_start3A_80] : memref<128x128xf32, #tpu.memory_space<vmem>> -> memref<128x128xf32, #tpu.memory_space<vmem>>
      tpu.enqueue_dma source(%dma_start3A_81 : memref<128x128xf32, #tpu.memory_space<vmem>>) target(%dma_start3A_78 : memref<128x128xf32, #tpu.memory_space<hbm>>) target_semaphore(%run_scoped3A : memref<!tpu.dma_semaphore, #tpu.memory_space<semaphore_mem>>)
      %dma_wait3A = arith.constant 0 : i32
      %dma_wait3A_82 = arith.constant 0 : i32
      %dma_wait3A_83 = tpu.memref_slice %arg11[%dma_wait3A, %dma_wait3A_82] : memref<128x128xf32, #tpu.memory_space<vmem>> -> memref<128x128xf32, #tpu.memory_space<vmem>>
      %dma_wait3A_84 = arith.constant 0 : i32
      %dma_wait3A_85 = tpu.memref_slice %arg5[%add3A_65, %dma_wait3A_84] : memref<20480x128xf32, #tpu.memory_space<hbm>> -> memref<128x128xf32, #tpu.memory_space<hbm>>
      %dma_wait3A_86 = arith.constant 0 : i32
      %dma_wait3A_87 = tpu.memref_slice %arg5[%add3A_65, %dma_wait3A_86] : memref<20480x128xf32, #tpu.memory_space<hbm>> -> memref<128x128xf32, #tpu.memory_space<hbm>>
      %dma_wait3A_88 = arith.constant 0 : i32
      %dma_wait3A_89 = arith.constant 0 : i32
      %dma_wait3A_90 = tpu.memref_slice %arg11[%dma_wait3A_88, %dma_wait3A_89] : memref<128x128xf32, #tpu.memory_space<vmem>> -> memref<128x128xf32, #tpu.memory_space<vmem>>
      tpu.wait_dma2 semaphore(%run_scoped3A : memref<!tpu.dma_semaphore, #tpu.memory_space<semaphore_mem>>) src(%dma_wait3A_90 : memref<128x128xf32, #tpu.memory_space<vmem>>) dst(%dma_wait3A_87 : memref<128x128xf32, #tpu.memory_space<hbm>>)
      tpu.yield
    }) : () -> ()
    %mul3A_66 = arith.constant 640 : i32
    %mul3A_67 = arith.muli %arg1, %mul3A_66 : i32
    %add3A_68 = arith.constant 512 : i32
    %add3A_69 = arith.addi %mul3A_67, %add3A_68 : i32
    "tpu.region"() ({
      %run_scoped3A = tpu.sem_alloc : memref<!tpu.dma_semaphore, #tpu.memory_space<semaphore_mem>>
      %dma_start3A = arith.constant 0 : i32
      %dma_start3A_73 = arith.constant 0 : i32
      %dma_start3A_74 = tpu.memref_slice %arg11[%dma_start3A, %dma_start3A_73] : memref<128x128xf32, #tpu.memory_space<vmem>> -> memref<128x128xf32, #tpu.memory_space<vmem>>
      %dma_start3A_75 = arith.constant 0 : i32
      %dma_start3A_76 = tpu.memref_slice %arg6[%add3A_69, %dma_start3A_75] : memref<10240x128xf32, #tpu.memory_space<vmem_shared>> -> memref<128x128xf32, #tpu.memory_space<vmem_shared>>
      %dma_start3A_77 = arith.constant 0 : i32
      %dma_start3A_78 = arith.constant 0 : i32
      %dma_start3A_79 = tpu.memref_slice %arg11[%dma_start3A_77, %dma_start3A_78] : memref<128x128xf32, #tpu.memory_space<vmem>> -> memref<128x128xf32, #tpu.memory_space<vmem>>
      %dma_start3A_80 = arith.constant 0 : i32
      %dma_start3A_81 = tpu.memref_slice %arg6[%add3A_69, %dma_start3A_80] : memref<10240x128xf32, #tpu.memory_space<vmem_shared>> -> memref<128x128xf32, #tpu.memory_space<vmem_shared>>
      tpu.enqueue_dma source(%dma_start3A_81 : memref<128x128xf32, #tpu.memory_space<vmem_shared>>) target(%dma_start3A_79 : memref<128x128xf32, #tpu.memory_space<vmem>>) target_semaphore(%run_scoped3A : memref<!tpu.dma_semaphore, #tpu.memory_space<semaphore_mem>>)
      %dma_wait3A = arith.constant 0 : i32
      %dma_wait3A_82 = arith.constant 0 : i32
      %dma_wait3A_83 = tpu.memref_slice %arg11[%dma_wait3A, %dma_wait3A_82] : memref<128x128xf32, #tpu.memory_space<vmem>> -> memref<128x128xf32, #tpu.memory_space<vmem>>
      %dma_wait3A_84 = arith.constant 0 : i32
      %dma_wait3A_85 = tpu.memref_slice %arg6[%add3A_69, %dma_wait3A_84] : memref<10240x128xf32, #tpu.memory_space<vmem_shared>> -> memref<128x128xf32, #tpu.memory_space<vmem_shared>>
      %dma_wait3A_86 = arith.constant 0 : i32
      %dma_wait3A_87 = arith.constant 0 : i32
      %dma_wait3A_88 = tpu.memref_slice %arg11[%dma_wait3A_86, %dma_wait3A_87] : memref<128x128xf32, #tpu.memory_space<vmem>> -> memref<128x128xf32, #tpu.memory_space<vmem>>
      %dma_wait3A_89 = arith.constant 0 : i32
      %dma_wait3A_90 = tpu.memref_slice %arg6[%add3A_69, %dma_wait3A_89] : memref<10240x128xf32, #tpu.memory_space<vmem_shared>> -> memref<128x128xf32, #tpu.memory_space<vmem_shared>>
      tpu.wait_dma2 semaphore(%run_scoped3A : memref<!tpu.dma_semaphore, #tpu.memory_space<semaphore_mem>>) src(%dma_wait3A_90 : memref<128x128xf32, #tpu.memory_space<vmem_shared>>) dst(%dma_wait3A_88 : memref<128x128xf32, #tpu.memory_space<vmem>>)
      tpu.yield
    }) : () -> ()
    %mul3A_70 = arith.constant 10240 : i32
    %mul3A_71 = arith.muli %arg0, %mul3A_70 : i32
    %add3A_72 = arith.addi %mul3A_71, %add3A_69 : i32
    "tpu.region"() ({
      %run_scoped3A = tpu.sem_alloc : memref<!tpu.dma_semaphore, #tpu.memory_space<semaphore_mem>>
      %dma_start3A = arith.constant 0 : i32
      %dma_start3A_73 = arith.constant 0 : i32
      %dma_start3A_74 = tpu.memref_slice %arg11[%dma_start3A, %dma_start3A_73] : memref<128x128xf32, #tpu.memory_space<vmem>> -> memref<128x128xf32, #tpu.memory_space<vmem>>
      %dma_start3A_75 = arith.constant 0 : i32
      %dma_start3A_76 = tpu.memref_slice %arg5[%add3A_72, %dma_start3A_75] : memref<20480x128xf32, #tpu.memory_space<hbm>> -> memref<128x128xf32, #tpu.memory_space<hbm>>
      %dma_start3A_77 = arith.constant 0 : i32
      %dma_start3A_78 = tpu.memref_slice %arg5[%add3A_72, %dma_start3A_77] : memref<20480x128xf32, #tpu.memory_space<hbm>> -> memref<128x128xf32, #tpu.memory_space<hbm>>
      %dma_start3A_79 = arith.constant 0 : i32
      %dma_start3A_80 = arith.constant 0 : i32
      %dma_start3A_81 = tpu.memref_slice %arg11[%dma_start3A_79, %dma_start3A_80] : memref<128x128xf32, #tpu.memory_space<vmem>> -> memref<128x128xf32, #tpu.memory_space<vmem>>
      tpu.enqueue_dma source(%dma_start3A_81 : memref<128x128xf32, #tpu.memory_space<vmem>>) target(%dma_start3A_78 : memref<128x128xf32, #tpu.memory_space<hbm>>) target_semaphore(%run_scoped3A : memref<!tpu.dma_semaphore, #tpu.memory_space<semaphore_mem>>)
      %dma_wait3A = arith.constant 0 : i32
      %dma_wait3A_82 = arith.constant 0 : i32
      %dma_wait3A_83 = tpu.memref_slice %arg11[%dma_wait3A, %dma_wait3A_82] : memref<128x128xf32, #tpu.memory_space<vmem>> -> memref<128x128xf32, #tpu.memory_space<vmem>>
      %dma_wait3A_84 = arith.constant 0 : i32
      %dma_wait3A_85 = tpu.memref_slice %arg5[%add3A_72, %dma_wait3A_84] : memref<20480x128xf32, #tpu.memory_space<hbm>> -> memref<128x128xf32, #tpu.memory_space<hbm>>
      %dma_wait3A_86 = arith.constant 0 : i32
      %dma_wait3A_87 = tpu.memref_slice %arg5[%add3A_72, %dma_wait3A_86] : memref<20480x128xf32, #tpu.memory_space<hbm>> -> memref<128x128xf32, #tpu.memory_space<hbm>>
      %dma_wait3A_88 = arith.constant 0 : i32
      %dma_wait3A_89 = arith.constant 0 : i32
      %dma_wait3A_90 = tpu.memref_slice %arg11[%dma_wait3A_88, %dma_wait3A_89] : memref<128x128xf32, #tpu.memory_space<vmem>> -> memref<128x128xf32, #tpu.memory_space<vmem>>
      tpu.wait_dma2 semaphore(%run_scoped3A : memref<!tpu.dma_semaphore, #tpu.memory_space<semaphore_mem>>) src(%dma_wait3A_90 : memref<128x128xf32, #tpu.memory_space<vmem>>) dst(%dma_wait3A_87 : memref<128x128xf32, #tpu.memory_space<hbm>>)
      tpu.yield
    }) : () -> ()
    return
  }
}

#map = affine_map<(d0, d1) -> (0, 0)>
#map1 = affine_map<(d0, d1) -> (0)>
module attributes {stable_mosaic.version = 14 : i64} {
  func.func @body(%arg0: i32, %arg1: i32, %arg2: memref<10000x128xf32, #tpu.memory_space<hbm>>, %arg3: memref<327680xi32, #tpu.memory_space<hbm>>, %arg4: memref<327680xi32, #tpu.memory_space<hbm>>, %arg5: memref<20480x128xf32, #tpu.memory_space<hbm>>, %arg6: memref<10240x128xf32, #tpu.memory_space<vmem_shared>>, %arg7: memref<128xi32, #tpu.memory_space<vmem>>, %arg8: memref<128xi32, #tpu.memory_space<vmem>>, %arg9: memref<128xi32, #tpu.memory_space<vmem>>, %arg10: memref<128xi32, #tpu.memory_space<vmem>>, %arg11: memref<128x128xf32, #tpu.memory_space<vmem>>, %arg12: memref<!tpu.dma_semaphore, #tpu.memory_space<semaphore_mem>>, %arg13: memref<!tpu.dma_semaphore, #tpu.memory_space<semaphore_mem>>) attributes {dimension_semantics = [#tpu.dimension_semantics<core_parallel>, #tpu.dimension_semantics<subcore_parallel>], iteration_bounds = array<i64: 2, 16>, scalar_prefetch = 0 : i64, scratch_operands = 8 : i64, tpu.core_type = #tpu.core_type<sc_vector_subcore>, window_params = [{transform_indices = #map}, {transform_indices = #map1}, {transform_indices = #map1}, {transform_indices = #map}]} {
    %mul3A = arith.constant 163840 : i32
    %mul3A_0 = arith.muli %arg0, %mul3A : i32
    %mul3A_1 = arith.constant 10240 : i32
    %mul3A_2 = arith.muli %arg1, %mul3A_1 : i32
    %add3A = arith.addi %mul3A_0, %mul3A_2 : i32
    %broadcast_in_dim3A = arith.constant 0.000000e+00 : f32
    %broadcast_in_dim3A_3 = vector.broadcast %broadcast_in_dim3A : f32 to vector<16xf32>
    %scan3A = arith.constant 0 : i32
    %scan3A_4 = arith.constant 0 : i32
    %scan3A_5 = arith.constant 128 : i32
    %scan3A_6 = arith.addi %scan3A_4, %scan3A_5 : i32
    %scan3A_7 = arith.constant 1 : i32
    %scan3A_8 = scf.for %scan3A_73 = %scan3A_4 to %scan3A_6 step %scan3A_7 iter_args(%scan3A_74 = %scan3A) -> (i32)  : i32 {
      %swap3A = arith.index_cast %scan3A_73 : i32 to index
      %swap3A_75 = arith.constant 0 : index
      %swap3A_76 = tpu.vector_load %arg11[%swap3A, %swap3A_75] {strides = array<i32>} : memref<128x128xf32, #tpu.memory_space<vmem>>, vector<1x16xf32>,
      %swap3A_77 = vector.shape_cast %swap3A_76 : vector<1x16xf32> to vector<16xf32>
      %swap3A_78 = vector.shape_cast %broadcast_in_dim3A_3 : vector<16xf32> to vector<1x16xf32>
      tpu.vector_store %arg11[%swap3A, %swap3A_75], %swap3A_78 {strides = array<i32>} : memref<128x128xf32, #tpu.memory_space<vmem>>, vector<1x16xf32>,
      %swap3A_79 = arith.index_cast %scan3A_73 : i32 to index
      %swap3A_80 = arith.constant 16 : index
      %swap3A_81 = tpu.vector_load %arg11[%swap3A_79, %swap3A_80] {strides = array<i32>} : memref<128x128xf32, #tpu.memory_space<vmem>>, vector<1x16xf32>,
      %swap3A_82 = vector.shape_cast %swap3A_81 : vector<1x16xf32> to vector<16xf32>
      %swap3A_83 = vector.shape_cast %broadcast_in_dim3A_3 : vector<16xf32> to vector<1x16xf32>
      tpu.vector_store %arg11[%swap3A_79, %swap3A_80], %swap3A_83 {strides = array<i32>} : memref<128x128xf32, #tpu.memory_space<vmem>>, vector<1x16xf32>,
      %swap3A_84 = arith.index_cast %scan3A_73 : i32 to index
      %swap3A_85 = arith.constant 32 : index
      %swap3A_86 = tpu.vector_load %arg11[%swap3A_84, %swap3A_85] {strides = array<i32>} : memref<128x128xf32, #tpu.memory_space<vmem>>, vector<1x16xf32>,
      %swap3A_87 = vector.shape_cast %swap3A_86 : vector<1x16xf32> to vector<16xf32>
      %swap3A_88 = vector.shape_cast %broadcast_in_dim3A_3 : vector<16xf32> to vector<1x16xf32>
      tpu.vector_store %arg11[%swap3A_84, %swap3A_85], %swap3A_88 {strides = array<i32>} : memref<128x128xf32, #tpu.memory_space<vmem>>, vector<1x16xf32>,
      %swap3A_89 = arith.index_cast %scan3A_73 : i32 to index
      %swap3A_90 = arith.constant 48 : index
      %swap3A_91 = tpu.vector_load %arg11[%swap3A_89, %swap3A_90] {strides = array<i32>} : memref<128x128xf32, #tpu.memory_space<vmem>>, vector<1x16xf32>,
      %swap3A_92 = vector.shape_cast %swap3A_91 : vector<1x16xf32> to vector<16xf32>
      %swap3A_93 = vector.shape_cast %broadcast_in_dim3A_3 : vector<16xf32> to vector<1x16xf32>
      tpu.vector_store %arg11[%swap3A_89, %swap3A_90], %swap3A_93 {strides = array<i32>} : memref<128x128xf32, #tpu.memory_space<vmem>>, vector<1x16xf32>,
      %swap3A_94 = arith.index_cast %scan3A_73 : i32 to index
      %swap3A_95 = arith.constant 64 : index
      %swap3A_96 = tpu.vector_load %arg11[%swap3A_94, %swap3A_95] {strides = array<i32>} : memref<128x128xf32, #tpu.memory_space<vmem>>, vector<1x16xf32>,
      %swap3A_97 = vector.shape_cast %swap3A_96 : vector<1x16xf32> to vector<16xf32>
      %swap3A_98 = vector.shape_cast %broadcast_in_dim3A_3 : vector<16xf32> to vector<1x16xf32>
      tpu.vector_store %arg11[%swap3A_94, %swap3A_95], %swap3A_98 {strides = array<i32>} : memref<128x128xf32, #tpu.memory_space<vmem>>, vector<1x16xf32>,
      %swap3A_99 = arith.index_cast %scan3A_73 : i32 to index
      %swap3A_100 = arith.constant 80 : index
      %swap3A_101 = tpu.vector_load %arg11[%swap3A_99, %swap3A_100] {strides = array<i32>} : memref<128x128xf32, #tpu.memory_space<vmem>>, vector<1x16xf32>,
      %swap3A_102 = vector.shape_cast %swap3A_101 : vector<1x16xf32> to vector<16xf32>
      %swap3A_103 = vector.shape_cast %broadcast_in_dim3A_3 : vector<16xf32> to vector<1x16xf32>
      tpu.vector_store %arg11[%swap3A_99, %swap3A_100], %swap3A_103 {strides = array<i32>} : memref<128x128xf32, #tpu.memory_space<vmem>>, vector<1x16xf32>,
      %swap3A_104 = arith.index_cast %scan3A_73 : i32 to index
      %swap3A_105 = arith.constant 96 : index
      %swap3A_106 = tpu.vector_load %arg11[%swap3A_104, %swap3A_105] {strides = array<i32>} : memref<128x128xf32, #tpu.memory_space<vmem>>, vector<1x16xf32>,
      %swap3A_107 = vector.shape_cast %swap3A_106 : vector<1x16xf32> to vector<16xf32>
      %swap3A_108 = vector.shape_cast %broadcast_in_dim3A_3 : vector<16xf32> to vector<1x16xf32>
      tpu.vector_store %arg11[%swap3A_104, %swap3A_105], %swap3A_108 {strides = array<i32>} : memref<128x128xf32, #tpu.memory_space<vmem>>, vector<1x16xf32>,
      %swap3A_109 = arith.index_cast %scan3A_73 : i32 to index
      %swap3A_110 = arith.constant 112 : index
      %swap3A_111 = tpu.vector_load %arg11[%swap3A_109, %swap3A_110] {strides = array<i32>} : memref<128x128xf32, #tpu.memory_space<vmem>>, vector<1x16xf32>,
      %swap3A_112 = vector.shape_cast %swap3A_111 : vector<1x16xf32> to vector<16xf32>
      %swap3A_113 = vector.shape_cast %broadcast_in_dim3A_3 : vector<16xf32> to vector<1x16xf32>
      tpu.vector_store %arg11[%swap3A_109, %swap3A_110], %swap3A_113 {strides = array<i32>} : memref<128x128xf32, #tpu.memory_space<vmem>>, vector<1x16xf32>,
      %scan3A_114 = arith.constant 0 : i32
      scf.yield %scan3A_114 : i32
    }
    %scan3A_9 = arith.constant 128 : i32
    %mul3A_10 = arith.constant 640 : i32
    %mul3A_11 = arith.muli %arg1, %mul3A_10 : i32
    %add3A_12 = arith.constant 0 : i32
    %add3A_13 = arith.addi %mul3A_11, %add3A_12 : i32
    "tpu.region"() ({
      %run_scoped3A = tpu.sem_alloc : memref<!tpu.dma_semaphore, #tpu.memory_space<semaphore_mem>>
      %dma_start3A = arith.constant 0 : i32
      %dma_start3A_73 = arith.constant 0 : i32
      %dma_start3A_74 = tpu.memref_slice %arg11[%dma_start3A, %dma_start3A_73] : memref<128x128xf32, #tpu.memory_space<vmem>> -> memref<128x128xf32, #tpu.memory_space<vmem>>
      %dma_start3A_75 = arith.constant 0 : i32
      %dma_start3A_76 = tpu.memref_slice %arg6[%add3A_13, %dma_start3A_75] : memref<10240x128xf32, #tpu.memory_space<vmem_shared>> -> memref<128x128xf32, #tpu.memory_space<vmem_shared>>
      %dma_start3A_77 = arith.constant 0 : i32
      %dma_start3A_78 = tpu.memref_slice %arg6[%add3A_13, %dma_start3A_77] : memref<10240x128xf32, #tpu.memory_space<vmem_shared>> -> memref<128x128xf32, #tpu.memory_space<vmem_shared>>
      %dma_start3A_79 = arith.constant 0 : i32
      %dma_start3A_80 = arith.constant 0 : i32
      %dma_start3A_81 = tpu.memref_slice %arg11[%dma_start3A_79, %dma_start3A_80] : memref<128x128xf32, #tpu.memory_space<vmem>> -> memref<128x128xf32, #tpu.memory_space<vmem>>
      tpu.enqueue_dma source(%dma_start3A_81 : memref<128x128xf32, #tpu.memory_space<vmem>>) target(%dma_start3A_78 : memref<128x128xf32, #tpu.memory_space<vmem_shared>>) target_semaphore(%run_scoped3A : memref<!tpu.dma_semaphore, #tpu.memory_space<semaphore_mem>>)
      %dma_wait3A = arith.constant 0 : i32
      %dma_wait3A_82 = arith.constant 0 : i32
      %dma_wait3A_83 = tpu.memref_slice %arg11[%dma_wait3A, %dma_wait3A_82] : memref<128x128xf32, #tpu.memory_space<vmem>> -> memref<128x128xf32, #tpu.memory_space<vmem>>
      %dma_wait3A_84 = arith.constant 0 : i32
      %dma_wait3A_85 = tpu.memref_slice %arg6[%add3A_13, %dma_wait3A_84] : memref<10240x128xf32, #tpu.memory_space<vmem_shared>> -> memref<128x128xf32, #tpu.memory_space<vmem_shared>>
      %dma_wait3A_86 = arith.constant 0 : i32
      %dma_wait3A_87 = tpu.memref_slice %arg6[%add3A_13, %dma_wait3A_86] : memref<10240x128xf32, #tpu.memory_space<vmem_shared>> -> memref<128x128xf32, #tpu.memory_space<vmem_shared>>
      %dma_wait3A_88 = arith.constant 0 : i32
      %dma_wait3A_89 = arith.constant 0 : i32
      %dma_wait3A_90 = tpu.memref_slice %arg11[%dma_wait3A_88, %dma_wait3A_89] : memref<128x128xf32, #tpu.memory_space<vmem>> -> memref<128x128xf32, #tpu.memory_space<vmem>>
      tpu.wait_dma2 semaphore(%run_scoped3A : memref<!tpu.dma_semaphore, #tpu.memory_space<semaphore_mem>>) src(%dma_wait3A_90 : memref<128x128xf32, #tpu.memory_space<vmem>>) dst(%dma_wait3A_87 : memref<128x128xf32, #tpu.memory_space<vmem_shared>>)
      tpu.yield
    }) : () -> ()
    %mul3A_14 = arith.constant 640 : i32
    %mul3A_15 = arith.muli %arg1, %mul3A_14 : i32
    %add3A_16 = arith.constant 128 : i32
    %add3A_17 = arith.addi %mul3A_15, %add3A_16 : i32
    "tpu.region"() ({
      %run_scoped3A = tpu.sem_alloc : memref<!tpu.dma_semaphore, #tpu.memory_space<semaphore_mem>>
      %dma_start3A = arith.constant 0 : i32
      %dma_start3A_73 = arith.constant 0 : i32
      %dma_start3A_74 = tpu.memref_slice %arg11[%dma_start3A, %dma_start3A_73] : memref<128x128xf32, #tpu.memory_space<vmem>> -> memref<128x128xf32, #tpu.memory_space<vmem>>
      %dma_start3A_75 = arith.constant 0 : i32
      %dma_start3A_76 = tpu.memref_slice %arg6[%add3A_17, %dma_start3A_75] : memref<10240x128xf32, #tpu.memory_space<vmem_shared>> -> memref<128x128xf32, #tpu.memory_space<vmem_shared>>
      %dma_start3A_77 = arith.constant 0 : i32
      %dma_start3A_78 = tpu.memref_slice %arg6[%add3A_17, %dma_start3A_77] : memref<10240x128xf32, #tpu.memory_space<vmem_shared>> -> memref<128x128xf32, #tpu.memory_space<vmem_shared>>
      %dma_start3A_79 = arith.constant 0 : i32
      %dma_start3A_80 = arith.constant 0 : i32
      %dma_start3A_81 = tpu.memref_slice %arg11[%dma_start3A_79, %dma_start3A_80] : memref<128x128xf32, #tpu.memory_space<vmem>> -> memref<128x128xf32, #tpu.memory_space<vmem>>
      tpu.enqueue_dma source(%dma_start3A_81 : memref<128x128xf32, #tpu.memory_space<vmem>>) target(%dma_start3A_78 : memref<128x128xf32, #tpu.memory_space<vmem_shared>>) target_semaphore(%run_scoped3A : memref<!tpu.dma_semaphore, #tpu.memory_space<semaphore_mem>>)
      %dma_wait3A = arith.constant 0 : i32
      %dma_wait3A_82 = arith.constant 0 : i32
      %dma_wait3A_83 = tpu.memref_slice %arg11[%dma_wait3A, %dma_wait3A_82] : memref<128x128xf32, #tpu.memory_space<vmem>> -> memref<128x128xf32, #tpu.memory_space<vmem>>
      %dma_wait3A_84 = arith.constant 0 : i32
      %dma_wait3A_85 = tpu.memref_slice %arg6[%add3A_17, %dma_wait3A_84] : memref<10240x128xf32, #tpu.memory_space<vmem_shared>> -> memref<128x128xf32, #tpu.memory_space<vmem_shared>>
      %dma_wait3A_86 = arith.constant 0 : i32
      %dma_wait3A_87 = tpu.memref_slice %arg6[%add3A_17, %dma_wait3A_86] : memref<10240x128xf32, #tpu.memory_space<vmem_shared>> -> memref<128x128xf32, #tpu.memory_space<vmem_shared>>
      %dma_wait3A_88 = arith.constant 0 : i32
      %dma_wait3A_89 = arith.constant 0 : i32
      %dma_wait3A_90 = tpu.memref_slice %arg11[%dma_wait3A_88, %dma_wait3A_89] : memref<128x128xf32, #tpu.memory_space<vmem>> -> memref<128x128xf32, #tpu.memory_space<vmem>>
      tpu.wait_dma2 semaphore(%run_scoped3A : memref<!tpu.dma_semaphore, #tpu.memory_space<semaphore_mem>>) src(%dma_wait3A_90 : memref<128x128xf32, #tpu.memory_space<vmem>>) dst(%dma_wait3A_87 : memref<128x128xf32, #tpu.memory_space<vmem_shared>>)
      tpu.yield
    }) : () -> ()
    %mul3A_18 = arith.constant 640 : i32
    %mul3A_19 = arith.muli %arg1, %mul3A_18 : i32
    %add3A_20 = arith.constant 256 : i32
    %add3A_21 = arith.addi %mul3A_19, %add3A_20 : i32
    "tpu.region"() ({
      %run_scoped3A = tpu.sem_alloc : memref<!tpu.dma_semaphore, #tpu.memory_space<semaphore_mem>>
      %dma_start3A = arith.constant 0 : i32
      %dma_start3A_73 = arith.constant 0 : i32
      %dma_start3A_74 = tpu.memref_slice %arg11[%dma_start3A, %dma_start3A_73] : memref<128x128xf32, #tpu.memory_space<vmem>> -> memref<128x128xf32, #tpu.memory_space<vmem>>
      %dma_start3A_75 = arith.constant 0 : i32
      %dma_start3A_76 = tpu.memref_slice %arg6[%add3A_21, %dma_start3A_75] : memref<10240x128xf32, #tpu.memory_space<vmem_shared>> -> memref<128x128xf32, #tpu.memory_space<vmem_shared>>
      %dma_start3A_77 = arith.constant 0 : i32
      %dma_start3A_78 = tpu.memref_slice %arg6[%add3A_21, %dma_start3A_77] : memref<10240x128xf32, #tpu.memory_space<vmem_shared>> -> memref<128x128xf32, #tpu.memory_space<vmem_shared>>
      %dma_start3A_79 = arith.constant 0 : i32
      %dma_start3A_80 = arith.constant 0 : i32
      %dma_start3A_81 = tpu.memref_slice %arg11[%dma_start3A_79, %dma_start3A_80] : memref<128x128xf32, #tpu.memory_space<vmem>> -> memref<128x128xf32, #tpu.memory_space<vmem>>
      tpu.enqueue_dma source(%dma_start3A_81 : memref<128x128xf32, #tpu.memory_space<vmem>>) target(%dma_start3A_78 : memref<128x128xf32, #tpu.memory_space<vmem_shared>>) target_semaphore(%run_scoped3A : memref<!tpu.dma_semaphore, #tpu.memory_space<semaphore_mem>>)
      %dma_wait3A = arith.constant 0 : i32
      %dma_wait3A_82 = arith.constant 0 : i32
      %dma_wait3A_83 = tpu.memref_slice %arg11[%dma_wait3A, %dma_wait3A_82] : memref<128x128xf32, #tpu.memory_space<vmem>> -> memref<128x128xf32, #tpu.memory_space<vmem>>
      %dma_wait3A_84 = arith.constant 0 : i32
      %dma_wait3A_85 = tpu.memref_slice %arg6[%add3A_21, %dma_wait3A_84] : memref<10240x128xf32, #tpu.memory_space<vmem_shared>> -> memref<128x128xf32, #tpu.memory_space<vmem_shared>>
      %dma_wait3A_86 = arith.constant 0 : i32
      %dma_wait3A_87 = tpu.memref_slice %arg6[%add3A_21, %dma_wait3A_86] : memref<10240x128xf32, #tpu.memory_space<vmem_shared>> -> memref<128x128xf32, #tpu.memory_space<vmem_shared>>
      %dma_wait3A_88 = arith.constant 0 : i32
      %dma_wait3A_89 = arith.constant 0 : i32
      %dma_wait3A_90 = tpu.memref_slice %arg11[%dma_wait3A_88, %dma_wait3A_89] : memref<128x128xf32, #tpu.memory_space<vmem>> -> memref<128x128xf32, #tpu.memory_space<vmem>>
      tpu.wait_dma2 semaphore(%run_scoped3A : memref<!tpu.dma_semaphore, #tpu.memory_space<semaphore_mem>>) src(%dma_wait3A_90 : memref<128x128xf32, #tpu.memory_space<vmem>>) dst(%dma_wait3A_87 : memref<128x128xf32, #tpu.memory_space<vmem_shared>>)
      tpu.yield
    }) : () -> ()
    %mul3A_22 = arith.constant 640 : i32
    %mul3A_23 = arith.muli %arg1, %mul3A_22 : i32
    %add3A_24 = arith.constant 384 : i32
    %add3A_25 = arith.addi %mul3A_23, %add3A_24 : i32
    "tpu.region"() ({
      %run_scoped3A = tpu.sem_alloc : memref<!tpu.dma_semaphore, #tpu.memory_space<semaphore_mem>>
      %dma_start3A = arith.constant 0 : i32
      %dma_start3A_73 = arith.constant 0 : i32
      %dma_start3A_74 = tpu.memref_slice %arg11[%dma_start3A, %dma_start3A_73] : memref<128x128xf32, #tpu.memory_space<vmem>> -> memref<128x128xf32, #tpu.memory_space<vmem>>
      %dma_start3A_75 = arith.constant 0 : i32
      %dma_start3A_76 = tpu.memref_slice %arg6[%add3A_25, %dma_start3A_75] : memref<10240x128xf32, #tpu.memory_space<vmem_shared>> -> memref<128x128xf32, #tpu.memory_space<vmem_shared>>
      %dma_start3A_77 = arith.constant 0 : i32
      %dma_start3A_78 = tpu.memref_slice %arg6[%add3A_25, %dma_start3A_77] : memref<10240x128xf32, #tpu.memory_space<vmem_shared>> -> memref<128x128xf32, #tpu.memory_space<vmem_shared>>
      %dma_start3A_79 = arith.constant 0 : i32
      %dma_start3A_80 = arith.constant 0 : i32
      %dma_start3A_81 = tpu.memref_slice %arg11[%dma_start3A_79, %dma_start3A_80] : memref<128x128xf32, #tpu.memory_space<vmem>> -> memref<128x128xf32, #tpu.memory_space<vmem>>
      tpu.enqueue_dma source(%dma_start3A_81 : memref<128x128xf32, #tpu.memory_space<vmem>>) target(%dma_start3A_78 : memref<128x128xf32, #tpu.memory_space<vmem_shared>>) target_semaphore(%run_scoped3A : memref<!tpu.dma_semaphore, #tpu.memory_space<semaphore_mem>>)
      %dma_wait3A = arith.constant 0 : i32
      %dma_wait3A_82 = arith.constant 0 : i32
      %dma_wait3A_83 = tpu.memref_slice %arg11[%dma_wait3A, %dma_wait3A_82] : memref<128x128xf32, #tpu.memory_space<vmem>> -> memref<128x128xf32, #tpu.memory_space<vmem>>
      %dma_wait3A_84 = arith.constant 0 : i32
      %dma_wait3A_85 = tpu.memref_slice %arg6[%add3A_25, %dma_wait3A_84] : memref<10240x128xf32, #tpu.memory_space<vmem_shared>> -> memref<128x128xf32, #tpu.memory_space<vmem_shared>>
      %dma_wait3A_86 = arith.constant 0 : i32
      %dma_wait3A_87 = tpu.memref_slice %arg6[%add3A_25, %dma_wait3A_86] : memref<10240x128xf32, #tpu.memory_space<vmem_shared>> -> memref<128x128xf32, #tpu.memory_space<vmem_shared>>
      %dma_wait3A_88 = arith.constant 0 : i32
      %dma_wait3A_89 = arith.constant 0 : i32
      %dma_wait3A_90 = tpu.memref_slice %arg11[%dma_wait3A_88, %dma_wait3A_89] : memref<128x128xf32, #tpu.memory_space<vmem>> -> memref<128x128xf32, #tpu.memory_space<vmem>>
      tpu.wait_dma2 semaphore(%run_scoped3A : memref<!tpu.dma_semaphore, #tpu.memory_space<semaphore_mem>>) src(%dma_wait3A_90 : memref<128x128xf32, #tpu.memory_space<vmem>>) dst(%dma_wait3A_87 : memref<128x128xf32, #tpu.memory_space<vmem_shared>>)
      tpu.yield
    }) : () -> ()
    %mul3A_26 = arith.constant 640 : i32
    %mul3A_27 = arith.muli %arg1, %mul3A_26 : i32
    %add3A_28 = arith.constant 512 : i32
    %add3A_29 = arith.addi %mul3A_27, %add3A_28 : i32
    "tpu.region"() ({
      %run_scoped3A = tpu.sem_alloc : memref<!tpu.dma_semaphore, #tpu.memory_space<semaphore_mem>>
      %dma_start3A = arith.constant 0 : i32
      %dma_start3A_73 = arith.constant 0 : i32
      %dma_start3A_74 = tpu.memref_slice %arg11[%dma_start3A, %dma_start3A_73] : memref<128x128xf32, #tpu.memory_space<vmem>> -> memref<128x128xf32, #tpu.memory_space<vmem>>
      %dma_start3A_75 = arith.constant 0 : i32
      %dma_start3A_76 = tpu.memref_slice %arg6[%add3A_29, %dma_start3A_75] : memref<10240x128xf32, #tpu.memory_space<vmem_shared>> -> memref<128x128xf32, #tpu.memory_space<vmem_shared>>
      %dma_start3A_77 = arith.constant 0 : i32
      %dma_start3A_78 = tpu.memref_slice %arg6[%add3A_29, %dma_start3A_77] : memref<10240x128xf32, #tpu.memory_space<vmem_shared>> -> memref<128x128xf32, #tpu.memory_space<vmem_shared>>
      %dma_start3A_79 = arith.constant 0 : i32
      %dma_start3A_80 = arith.constant 0 : i32
      %dma_start3A_81 = tpu.memref_slice %arg11[%dma_start3A_79, %dma_start3A_80] : memref<128x128xf32, #tpu.memory_space<vmem>> -> memref<128x128xf32, #tpu.memory_space<vmem>>
      tpu.enqueue_dma source(%dma_start3A_81 : memref<128x128xf32, #tpu.memory_space<vmem>>) target(%dma_start3A_78 : memref<128x128xf32, #tpu.memory_space<vmem_shared>>) target_semaphore(%run_scoped3A : memref<!tpu.dma_semaphore, #tpu.memory_space<semaphore_mem>>)
      %dma_wait3A = arith.constant 0 : i32
      %dma_wait3A_82 = arith.constant 0 : i32
      %dma_wait3A_83 = tpu.memref_slice %arg11[%dma_wait3A, %dma_wait3A_82] : memref<128x128xf32, #tpu.memory_space<vmem>> -> memref<128x128xf32, #tpu.memory_space<vmem>>
      %dma_wait3A_84 = arith.constant 0 : i32
      %dma_wait3A_85 = tpu.memref_slice %arg6[%add3A_29, %dma_wait3A_84] : memref<10240x128xf32, #tpu.memory_space<vmem_shared>> -> memref<128x128xf32, #tpu.memory_space<vmem_shared>>
      %dma_wait3A_86 = arith.constant 0 : i32
      %dma_wait3A_87 = tpu.memref_slice %arg6[%add3A_29, %dma_wait3A_86] : memref<10240x128xf32, #tpu.memory_space<vmem_shared>> -> memref<128x128xf32, #tpu.memory_space<vmem_shared>>
      %dma_wait3A_88 = arith.constant 0 : i32
      %dma_wait3A_89 = arith.constant 0 : i32
      %dma_wait3A_90 = tpu.memref_slice %arg11[%dma_wait3A_88, %dma_wait3A_89] : memref<128x128xf32, #tpu.memory_space<vmem>> -> memref<128x128xf32, #tpu.memory_space<vmem>>
      tpu.wait_dma2 semaphore(%run_scoped3A : memref<!tpu.dma_semaphore, #tpu.memory_space<semaphore_mem>>) src(%dma_wait3A_90 : memref<128x128xf32, #tpu.memory_space<vmem>>) dst(%dma_wait3A_87 : memref<128x128xf32, #tpu.memory_space<vmem_shared>>)
      tpu.yield
    }) : () -> ()
    %barrier3A = arith.constant 0 : index
    tpu.barrier barrier_id(%barrier3A)
    %scan3A_30 = arith.constant 0 : i32
    %scan3A_31 = arith.constant 0 : i32
    %scan3A_32 = arith.constant 80 : i32
    %scan3A_33 = arith.addi %scan3A_31, %scan3A_32 : i32
    %scan3A_34 = arith.constant 1 : i32
    %scan3A_35 = scf.for %scan3A_73 = %scan3A_31 to %scan3A_33 step %scan3A_34 iter_args(%scan3A_74 = %scan3A_30) -> (i32)  : i32 {
      %mul3A_75 = arith.constant 128 : i32
      %mul3A_76 = arith.muli %scan3A_73, %mul3A_75 : i32
      %add3A_77 = arith.addi %add3A, %mul3A_76 : i32
      "tpu.region"() ({
        %run_scoped3A = tpu.sem_alloc : memref<!tpu.dma_semaphore, #tpu.memory_space<semaphore_mem>>
        %dma_start3A_84 = tpu.memref_slice %arg3[%add3A_77] : memref<327680xi32, #tpu.memory_space<hbm>> -> memref<128xi32, #tpu.memory_space<hbm>>
        %dma_start3A_85 = tpu.memref_slice %arg3[%add3A_77] : memref<327680xi32, #tpu.memory_space<hbm>> -> memref<128xi32, #tpu.memory_space<hbm>>
        tpu.enqueue_dma source(%dma_start3A_85 : memref<128xi32, #tpu.memory_space<hbm>>) target(%arg7 : memref<128xi32, #tpu.memory_space<vmem>>) target_semaphore(%run_scoped3A : memref<!tpu.dma_semaphore, #tpu.memory_space<semaphore_mem>>)
        %dma_wait3A_86 = tpu.memref_slice %arg3[%add3A_77] : memref<327680xi32, #tpu.memory_space<hbm>> -> memref<128xi32, #tpu.memory_space<hbm>>
        %dma_wait3A_87 = tpu.memref_slice %arg3[%add3A_77] : memref<327680xi32, #tpu.memory_space<hbm>> -> memref<128xi32, #tpu.memory_space<hbm>>
        tpu.wait_dma2 semaphore(%run_scoped3A : memref<!tpu.dma_semaphore, #tpu.memory_space<semaphore_mem>>) src(%dma_wait3A_87 : memref<128xi32, #tpu.memory_space<hbm>>) dst(%arg7 : memref<128xi32, #tpu.memory_space<vmem>>)
        tpu.yield
      }) : () -> ()
      %add3A_78 = arith.addi %add3A, %mul3A_76 : i32
      "tpu.region"() ({
        %run_scoped3A = tpu.sem_alloc : memref<!tpu.dma_semaphore, #tpu.memory_space<semaphore_mem>>
        %dma_start3A_84 = tpu.memref_slice %arg4[%add3A_78] : memref<327680xi32, #tpu.memory_space<hbm>> -> memref<128xi32, #tpu.memory_space<hbm>>
        %dma_start3A_85 = tpu.memref_slice %arg4[%add3A_78] : memref<327680xi32, #tpu.memory_space<hbm>> -> memref<128xi32, #tpu.memory_space<hbm>>
        tpu.enqueue_dma source(%dma_start3A_85 : memref<128xi32, #tpu.memory_space<hbm>>) target(%arg9 : memref<128xi32, #tpu.memory_space<vmem>>) target_semaphore(%run_scoped3A : memref<!tpu.dma_semaphore, #tpu.memory_space<semaphore_mem>>)
        %dma_wait3A_86 = tpu.memref_slice %arg4[%add3A_78] : memref<327680xi32, #tpu.memory_space<hbm>> -> memref<128xi32, #tpu.memory_space<hbm>>
        %dma_wait3A_87 = tpu.memref_slice %arg4[%add3A_78] : memref<327680xi32, #tpu.memory_space<hbm>> -> memref<128xi32, #tpu.memory_space<hbm>>
        tpu.wait_dma2 semaphore(%run_scoped3A : memref<!tpu.dma_semaphore, #tpu.memory_space<semaphore_mem>>) src(%dma_wait3A_87 : memref<128xi32, #tpu.memory_space<hbm>>) dst(%arg9 : memref<128xi32, #tpu.memory_space<vmem>>)
        tpu.yield
      }) : () -> ()
      %dma_start3A = arith.constant 0 : i32
      %dma_start3A_79 = arith.constant 0 : i32
      %dma_start3A_80 = tpu.memref_slice %arg2[%dma_start3A, %dma_start3A_79] : memref<10000x128xf32, #tpu.memory_space<hbm>> -> memref<10000x128xf32, #tpu.memory_space<hbm>>
      tpu.enqueue_indirect_dma source(%dma_start3A_80 : memref<10000x128xf32, #tpu.memory_space<hbm>>) target(%arg11 : memref<128x128xf32, #tpu.memory_space<vmem>>) offsets(%arg7 : memref<128xi32, #tpu.memory_space<vmem>>) semaphore(%arg12 : memref<!tpu.dma_semaphore, #tpu.memory_space<semaphore_mem>>)
      %dma_wait3A = arith.constant 0 : i32
      %dma_wait3A_81 = arith.constant 0 : i32
      %dma_wait3A_82 = tpu.memref_slice %arg2[%dma_wait3A, %dma_wait3A_81] : memref<10000x128xf32, #tpu.memory_space<hbm>> -> memref<10000x128xf32, #tpu.memory_space<hbm>>
      tpu.wait_indirect_dma semaphore(%arg12 : memref<!tpu.dma_semaphore, #tpu.memory_space<semaphore_mem>>) src(%dma_wait3A_82 : memref<10000x128xf32, #tpu.memory_space<hbm>>) dst(%arg11 : memref<128x128xf32, #tpu.memory_space<vmem>>)
      "tpu.region"() ({
        %run_scoped3A = tpu.sem_alloc : memref<!tpu.dma_semaphore, #tpu.memory_space<semaphore_mem>>
        %dma_start3A_84 = arith.constant 0 : i32
        %dma_start3A_85 = arith.constant 0 : i32
        %dma_start3A_86 = tpu.memref_slice %arg6[%dma_start3A_84, %dma_start3A_85] : memref<10240x128xf32, #tpu.memory_space<vmem_shared>> -> memref<10240x128xf32, #tpu.memory_space<vmem_shared>>
        tpu.enqueue_indirect_dma source(%arg11 : memref<128x128xf32, #tpu.memory_space<vmem>>) target(%dma_start3A_86 : memref<10240x128xf32, #tpu.memory_space<vmem_shared>>) offsets(%arg9 : memref<128xi32, #tpu.memory_space<vmem>>) semaphore(%run_scoped3A : memref<!tpu.dma_semaphore, #tpu.memory_space<semaphore_mem>>) {add = true}
        %dma_wait3A_87 = arith.constant 0 : i32
        %dma_wait3A_88 = arith.constant 0 : i32
        %dma_wait3A_89 = tpu.memref_slice %arg6[%dma_wait3A_87, %dma_wait3A_88] : memref<10240x128xf32, #tpu.memory_space<vmem_shared>> -> memref<10240x128xf32, #tpu.memory_space<vmem_shared>>
        tpu.wait_indirect_dma semaphore(%run_scoped3A : memref<!tpu.dma_semaphore, #tpu.memory_space<semaphore_mem>>) src(%arg11 : memref<128x128xf32, #tpu.memory_space<vmem>>) dst(%dma_wait3A_89 : memref<10240x128xf32, #tpu.memory_space<vmem_shared>>)
        tpu.yield
      }) : () -> ()
      %scan3A_83 = arith.constant 0 : i32
      scf.yield %scan3A_83 : i32
    }
    %scan3A_36 = arith.constant 80 : i32
    %barrier3A_37 = arith.constant 0 : index
    tpu.barrier barrier_id(%barrier3A_37)
    %mul3A_38 = arith.constant 640 : i32
    %mul3A_39 = arith.muli %arg1, %mul3A_38 : i32
    %add3A_40 = arith.constant 0 : i32
    %add3A_41 = arith.addi %mul3A_39, %add3A_40 : i32
    "tpu.region"() ({
      %run_scoped3A = tpu.sem_alloc : memref<!tpu.dma_semaphore, #tpu.memory_space<semaphore_mem>>
      %dma_start3A = arith.constant 0 : i32
      %dma_start3A_73 = arith.constant 0 : i32
      %dma_start3A_74 = tpu.memref_slice %arg11[%dma_start3A, %dma_start3A_73] : memref<128x128xf32, #tpu.memory_space<vmem>> -> memref<128x128xf32, #tpu.memory_space<vmem>>
      %dma_start3A_75 = arith.constant 0 : i32
      %dma_start3A_76 = tpu.memref_slice %arg6[%add3A_41, %dma_start3A_75] : memref<10240x128xf32, #tpu.memory_space<vmem_shared>> -> memref<128x128xf32, #tpu.memory_space<vmem_shared>>
      %dma_start3A_77 = arith.constant 0 : i32
      %dma_start3A_78 = arith.constant 0 : i32
      %dma_start3A_79 = tpu.memref_slice %arg11[%dma_start3A_77, %dma_start3A_78] : memref<128x128xf32, #tpu.memory_space<vmem>> -> memref<128x128xf32, #tpu.memory_space<vmem>>
      %dma_start3A_80 = arith.constant 0 : i32
      %dma_start3A_81 = tpu.memref_slice %arg6[%add3A_41, %dma_start3A_80] : memref<10240x128xf32, #tpu.memory_space<vmem_shared>> -> memref<128x128xf32, #tpu.memory_space<vmem_shared>>
      tpu.enqueue_dma source(%dma_start3A_81 : memref<128x128xf32, #tpu.memory_space<vmem_shared>>) target(%dma_start3A_79 : memref<128x128xf32, #tpu.memory_space<vmem>>) target_semaphore(%run_scoped3A : memref<!tpu.dma_semaphore, #tpu.memory_space<semaphore_mem>>)
      %dma_wait3A = arith.constant 0 : i32
      %dma_wait3A_82 = arith.constant 0 : i32
      %dma_wait3A_83 = tpu.memref_slice %arg11[%dma_wait3A, %dma_wait3A_82] : memref<128x128xf32, #tpu.memory_space<vmem>> -> memref<128x128xf32, #tpu.memory_space<vmem>>
      %dma_wait3A_84 = arith.constant 0 : i32
      %dma_wait3A_85 = tpu.memref_slice %arg6[%add3A_41, %dma_wait3A_84] : memref<10240x128xf32, #tpu.memory_space<vmem_shared>> -> memref<128x128xf32, #tpu.memory_space<vmem_shared>>
      %dma_wait3A_86 = arith.constant 0 : i32
      %dma_wait3A_87 = arith.constant 0 : i32
      %dma_wait3A_88 = tpu.memref_slice %arg11[%dma_wait3A_86, %dma_wait3A_87] : memref<128x128xf32, #tpu.memory_space<vmem>> -> memref<128x128xf32, #tpu.memory_space<vmem>>
      %dma_wait3A_89 = arith.constant 0 : i32
      %dma_wait3A_90 = tpu.memref_slice %arg6[%add3A_41, %dma_wait3A_89] : memref<10240x128xf32, #tpu.memory_space<vmem_shared>> -> memref<128x128xf32, #tpu.memory_space<vmem_shared>>
      tpu.wait_dma2 semaphore(%run_scoped3A : memref<!tpu.dma_semaphore, #tpu.memory_space<semaphore_mem>>) src(%dma_wait3A_90 : memref<128x128xf32, #tpu.memory_space<vmem_shared>>) dst(%dma_wait3A_88 : memref<128x128xf32, #tpu.memory_space<vmem>>)
      tpu.yield
    }) : () -> ()
    %mul3A_42 = arith.constant 10240 : i32
    %mul3A_43 = arith.muli %arg0, %mul3A_42 : i32
    %add3A_44 = arith.addi %mul3A_43, %add3A_41 : i32
    "tpu.region"() ({
      %run_scoped3A = tpu.sem_alloc : memref<!tpu.dma_semaphore, #tpu.memory_space<semaphore_mem>>
      %dma_start3A = arith.constant 0 : i32
      %dma_start3A_73 = arith.constant 0 : i32
      %dma_start3A_74 = tpu.memref_slice %arg11[%dma_start3A, %dma_start3A_73] : memref<128x128xf32, #tpu.memory_space<vmem>> -> memref<128x128xf32, #tpu.memory_space<vmem>>
      %dma_start3A_75 = arith.constant 0 : i32
      %dma_start3A_76 = tpu.memref_slice %arg5[%add3A_44, %dma_start3A_75] : memref<20480x128xf32, #tpu.memory_space<hbm>> -> memref<128x128xf32, #tpu.memory_space<hbm>>
      %dma_start3A_77 = arith.constant 0 : i32
      %dma_start3A_78 = tpu.memref_slice %arg5[%add3A_44, %dma_start3A_77] : memref<20480x128xf32, #tpu.memory_space<hbm>> -> memref<128x128xf32, #tpu.memory_space<hbm>>
      %dma_start3A_79 = arith.constant 0 : i32
      %dma_start3A_80 = arith.constant 0 : i32
      %dma_start3A_81 = tpu.memref_slice %arg11[%dma_start3A_79, %dma_start3A_80] : memref<128x128xf32, #tpu.memory_space<vmem>> -> memref<128x128xf32, #tpu.memory_space<vmem>>
      tpu.enqueue_dma source(%dma_start3A_81 : memref<128x128xf32, #tpu.memory_space<vmem>>) target(%dma_start3A_78 : memref<128x128xf32, #tpu.memory_space<hbm>>) target_semaphore(%run_scoped3A : memref<!tpu.dma_semaphore, #tpu.memory_space<semaphore_mem>>)
      %dma_wait3A = arith.constant 0 : i32
      %dma_wait3A_82 = arith.constant 0 : i32
      %dma_wait3A_83 = tpu.memref_slice %arg11[%dma_wait3A, %dma_wait3A_82] : memref<128x128xf32, #tpu.memory_space<vmem>> -> memref<128x128xf32, #tpu.memory_space<vmem>>
      %dma_wait3A_84 = arith.constant 0 : i32
      %dma_wait3A_85 = tpu.memref_slice %arg5[%add3A_44, %dma_wait3A_84] : memref<20480x128xf32, #tpu.memory_space<hbm>> -> memref<128x128xf32, #tpu.memory_space<hbm>>
      %dma_wait3A_86 = arith.constant 0 : i32
      %dma_wait3A_87 = tpu.memref_slice %arg5[%add3A_44, %dma_wait3A_86] : memref<20480x128xf32, #tpu.memory_space<hbm>> -> memref<128x128xf32, #tpu.memory_space<hbm>>
      %dma_wait3A_88 = arith.constant 0 : i32
      %dma_wait3A_89 = arith.constant 0 : i32
      %dma_wait3A_90 = tpu.memref_slice %arg11[%dma_wait3A_88, %dma_wait3A_89] : memref<128x128xf32, #tpu.memory_space<vmem>> -> memref<128x128xf32, #tpu.memory_space<vmem>>
      tpu.wait_dma2 semaphore(%run_scoped3A : memref<!tpu.dma_semaphore, #tpu.memory_space<semaphore_mem>>) src(%dma_wait3A_90 : memref<128x128xf32, #tpu.memory_space<vmem>>) dst(%dma_wait3A_87 : memref<128x128xf32, #tpu.memory_space<hbm>>)
      tpu.yield
    }) : () -> ()
    %mul3A_45 = arith.constant 640 : i32
    %mul3A_46 = arith.muli %arg1, %mul3A_45 : i32
    %add3A_47 = arith.constant 128 : i32
    %add3A_48 = arith.addi %mul3A_46, %add3A_47 : i32
    "tpu.region"() ({
      %run_scoped3A = tpu.sem_alloc : memref<!tpu.dma_semaphore, #tpu.memory_space<semaphore_mem>>
      %dma_start3A = arith.constant 0 : i32
      %dma_start3A_73 = arith.constant 0 : i32
      %dma_start3A_74 = tpu.memref_slice %arg11[%dma_start3A, %dma_start3A_73] : memref<128x128xf32, #tpu.memory_space<vmem>> -> memref<128x128xf32, #tpu.memory_space<vmem>>
      %dma_start3A_75 = arith.constant 0 : i32
      %dma_start3A_76 = tpu.memref_slice %arg6[%add3A_48, %dma_start3A_75] : memref<10240x128xf32, #tpu.memory_space<vmem_shared>> -> memref<128x128xf32, #tpu.memory_space<vmem_shared>>
      %dma_start3A_77 = arith.constant 0 : i32
      %dma_start3A_78 = arith.constant 0 : i32
      %dma_start3A_79 = tpu.memref_slice %arg11[%dma_start3A_77, %dma_start3A_78] : memref<128x128xf32, #tpu.memory_space<vmem>> -> memref<128x128xf32, #tpu.memory_space<vmem>>
      %dma_start3A_80 = arith.constant 0 : i32
      %dma_start3A_81 = tpu.memref_slice %arg6[%add3A_48, %dma_start3A_80] : memref<10240x128xf32, #tpu.memory_space<vmem_shared>> -> memref<128x128xf32, #tpu.memory_space<vmem_shared>>
      tpu.enqueue_dma source(%dma_start3A_81 : memref<128x128xf32, #tpu.memory_space<vmem_shared>>) target(%dma_start3A_79 : memref<128x128xf32, #tpu.memory_space<vmem>>) target_semaphore(%run_scoped3A : memref<!tpu.dma_semaphore, #tpu.memory_space<semaphore_mem>>)
      %dma_wait3A = arith.constant 0 : i32
      %dma_wait3A_82 = arith.constant 0 : i32
      %dma_wait3A_83 = tpu.memref_slice %arg11[%dma_wait3A, %dma_wait3A_82] : memref<128x128xf32, #tpu.memory_space<vmem>> -> memref<128x128xf32, #tpu.memory_space<vmem>>
      %dma_wait3A_84 = arith.constant 0 : i32
      %dma_wait3A_85 = tpu.memref_slice %arg6[%add3A_48, %dma_wait3A_84] : memref<10240x128xf32, #tpu.memory_space<vmem_shared>> -> memref<128x128xf32, #tpu.memory_space<vmem_shared>>
      %dma_wait3A_86 = arith.constant 0 : i32
      %dma_wait3A_87 = arith.constant 0 : i32
      %dma_wait3A_88 = tpu.memref_slice %arg11[%dma_wait3A_86, %dma_wait3A_87] : memref<128x128xf32, #tpu.memory_space<vmem>> -> memref<128x128xf32, #tpu.memory_space<vmem>>
      %dma_wait3A_89 = arith.constant 0 : i32
      %dma_wait3A_90 = tpu.memref_slice %arg6[%add3A_48, %dma_wait3A_89] : memref<10240x128xf32, #tpu.memory_space<vmem_shared>> -> memref<128x128xf32, #tpu.memory_space<vmem_shared>>
      tpu.wait_dma2 semaphore(%run_scoped3A : memref<!tpu.dma_semaphore, #tpu.memory_space<semaphore_mem>>) src(%dma_wait3A_90 : memref<128x128xf32, #tpu.memory_space<vmem_shared>>) dst(%dma_wait3A_88 : memref<128x128xf32, #tpu.memory_space<vmem>>)
      tpu.yield
    }) : () -> ()
    %mul3A_49 = arith.constant 10240 : i32
    %mul3A_50 = arith.muli %arg0, %mul3A_49 : i32
    %add3A_51 = arith.addi %mul3A_50, %add3A_48 : i32
    "tpu.region"() ({
      %run_scoped3A = tpu.sem_alloc : memref<!tpu.dma_semaphore, #tpu.memory_space<semaphore_mem>>
      %dma_start3A = arith.constant 0 : i32
      %dma_start3A_73 = arith.constant 0 : i32
      %dma_start3A_74 = tpu.memref_slice %arg11[%dma_start3A, %dma_start3A_73] : memref<128x128xf32, #tpu.memory_space<vmem>> -> memref<128x128xf32, #tpu.memory_space<vmem>>
      %dma_start3A_75 = arith.constant 0 : i32
      %dma_start3A_76 = tpu.memref_slice %arg5[%add3A_51, %dma_start3A_75] : memref<20480x128xf32, #tpu.memory_space<hbm>> -> memref<128x128xf32, #tpu.memory_space<hbm>>
      %dma_start3A_77 = arith.constant 0 : i32
      %dma_start3A_78 = tpu.memref_slice %arg5[%add3A_51, %dma_start3A_77] : memref<20480x128xf32, #tpu.memory_space<hbm>> -> memref<128x128xf32, #tpu.memory_space<hbm>>
      %dma_start3A_79 = arith.constant 0 : i32
      %dma_start3A_80 = arith.constant 0 : i32
      %dma_start3A_81 = tpu.memref_slice %arg11[%dma_start3A_79, %dma_start3A_80] : memref<128x128xf32, #tpu.memory_space<vmem>> -> memref<128x128xf32, #tpu.memory_space<vmem>>
      tpu.enqueue_dma source(%dma_start3A_81 : memref<128x128xf32, #tpu.memory_space<vmem>>) target(%dma_start3A_78 : memref<128x128xf32, #tpu.memory_space<hbm>>) target_semaphore(%run_scoped3A : memref<!tpu.dma_semaphore, #tpu.memory_space<semaphore_mem>>)
      %dma_wait3A = arith.constant 0 : i32
      %dma_wait3A_82 = arith.constant 0 : i32
      %dma_wait3A_83 = tpu.memref_slice %arg11[%dma_wait3A, %dma_wait3A_82] : memref<128x128xf32, #tpu.memory_space<vmem>> -> memref<128x128xf32, #tpu.memory_space<vmem>>
      %dma_wait3A_84 = arith.constant 0 : i32
      %dma_wait3A_85 = tpu.memref_slice %arg5[%add3A_51, %dma_wait3A_84] : memref<20480x128xf32, #tpu.memory_space<hbm>> -> memref<128x128xf32, #tpu.memory_space<hbm>>
      %dma_wait3A_86 = arith.constant 0 : i32
      %dma_wait3A_87 = tpu.memref_slice %arg5[%add3A_51, %dma_wait3A_86] : memref<20480x128xf32, #tpu.memory_space<hbm>> -> memref<128x128xf32, #tpu.memory_space<hbm>>
      %dma_wait3A_88 = arith.constant 0 : i32
      %dma_wait3A_89 = arith.constant 0 : i32
      %dma_wait3A_90 = tpu.memref_slice %arg11[%dma_wait3A_88, %dma_wait3A_89] : memref<128x128xf32, #tpu.memory_space<vmem>> -> memref<128x128xf32, #tpu.memory_space<vmem>>
      tpu.wait_dma2 semaphore(%run_scoped3A : memref<!tpu.dma_semaphore, #tpu.memory_space<semaphore_mem>>) src(%dma_wait3A_90 : memref<128x128xf32, #tpu.memory_space<vmem>>) dst(%dma_wait3A_87 : memref<128x128xf32, #tpu.memory_space<hbm>>)
      tpu.yield
    }) : () -> ()
    %mul3A_52 = arith.constant 640 : i32
    %mul3A_53 = arith.muli %arg1, %mul3A_52 : i32
    %add3A_54 = arith.constant 256 : i32
    %add3A_55 = arith.addi %mul3A_53, %add3A_54 : i32
    "tpu.region"() ({
      %run_scoped3A = tpu.sem_alloc : memref<!tpu.dma_semaphore, #tpu.memory_space<semaphore_mem>>
      %dma_start3A = arith.constant 0 : i32
      %dma_start3A_73 = arith.constant 0 : i32
      %dma_start3A_74 = tpu.memref_slice %arg11[%dma_start3A, %dma_start3A_73] : memref<128x128xf32, #tpu.memory_space<vmem>> -> memref<128x128xf32, #tpu.memory_space<vmem>>
      %dma_start3A_75 = arith.constant 0 : i32
      %dma_start3A_76 = tpu.memref_slice %arg6[%add3A_55, %dma_start3A_75] : memref<10240x128xf32, #tpu.memory_space<vmem_shared>> -> memref<128x128xf32, #tpu.memory_space<vmem_shared>>
      %dma_start3A_77 = arith.constant 0 : i32
      %dma_start3A_78 = arith.constant 0 : i32
      %dma_start3A_79 = tpu.memref_slice %arg11[%dma_start3A_77, %dma_start3A_78] : memref<128x128xf32, #tpu.memory_space<vmem>> -> memref<128x128xf32, #tpu.memory_space<vmem>>
      %dma_start3A_80 = arith.constant 0 : i32
      %dma_start3A_81 = tpu.memref_slice %arg6[%add3A_55, %dma_start3A_80] : memref<10240x128xf32, #tpu.memory_space<vmem_shared>> -> memref<128x128xf32, #tpu.memory_space<vmem_shared>>
      tpu.enqueue_dma source(%dma_start3A_81 : memref<128x128xf32, #tpu.memory_space<vmem_shared>>) target(%dma_start3A_79 : memref<128x128xf32, #tpu.memory_space<vmem>>) target_semaphore(%run_scoped3A : memref<!tpu.dma_semaphore, #tpu.memory_space<semaphore_mem>>)
      %dma_wait3A = arith.constant 0 : i32
      %dma_wait3A_82 = arith.constant 0 : i32
      %dma_wait3A_83 = tpu.memref_slice %arg11[%dma_wait3A, %dma_wait3A_82] : memref<128x128xf32, #tpu.memory_space<vmem>> -> memref<128x128xf32, #tpu.memory_space<vmem>>
      %dma_wait3A_84 = arith.constant 0 : i32
      %dma_wait3A_85 = tpu.memref_slice %arg6[%add3A_55, %dma_wait3A_84] : memref<10240x128xf32, #tpu.memory_space<vmem_shared>> -> memref<128x128xf32, #tpu.memory_space<vmem_shared>>
      %dma_wait3A_86 = arith.constant 0 : i32
      %dma_wait3A_87 = arith.constant 0 : i32
      %dma_wait3A_88 = tpu.memref_slice %arg11[%dma_wait3A_86, %dma_wait3A_87] : memref<128x128xf32, #tpu.memory_space<vmem>> -> memref<128x128xf32, #tpu.memory_space<vmem>>
      %dma_wait3A_89 = arith.constant 0 : i32
      %dma_wait3A_90 = tpu.memref_slice %arg6[%add3A_55, %dma_wait3A_89] : memref<10240x128xf32, #tpu.memory_space<vmem_shared>> -> memref<128x128xf32, #tpu.memory_space<vmem_shared>>
      tpu.wait_dma2 semaphore(%run_scoped3A : memref<!tpu.dma_semaphore, #tpu.memory_space<semaphore_mem>>) src(%dma_wait3A_90 : memref<128x128xf32, #tpu.memory_space<vmem_shared>>) dst(%dma_wait3A_88 : memref<128x128xf32, #tpu.memory_space<vmem>>)
      tpu.yield
    }) : () -> ()
    %mul3A_56 = arith.constant 10240 : i32
    %mul3A_57 = arith.muli %arg0, %mul3A_56 : i32
    %add3A_58 = arith.addi %mul3A_57, %add3A_55 : i32
    "tpu.region"() ({
      %run_scoped3A = tpu.sem_alloc : memref<!tpu.dma_semaphore, #tpu.memory_space<semaphore_mem>>
      %dma_start3A = arith.constant 0 : i32
      %dma_start3A_73 = arith.constant 0 : i32
      %dma_start3A_74 = tpu.memref_slice %arg11[%dma_start3A, %dma_start3A_73] : memref<128x128xf32, #tpu.memory_space<vmem>> -> memref<128x128xf32, #tpu.memory_space<vmem>>
      %dma_start3A_75 = arith.constant 0 : i32
      %dma_start3A_76 = tpu.memref_slice %arg5[%add3A_58, %dma_start3A_75] : memref<20480x128xf32, #tpu.memory_space<hbm>> -> memref<128x128xf32, #tpu.memory_space<hbm>>
      %dma_start3A_77 = arith.constant 0 : i32
      %dma_start3A_78 = tpu.memref_slice %arg5[%add3A_58, %dma_start3A_77] : memref<20480x128xf32, #tpu.memory_space<hbm>> -> memref<128x128xf32, #tpu.memory_space<hbm>>
      %dma_start3A_79 = arith.constant 0 : i32
      %dma_start3A_80 = arith.constant 0 : i32
      %dma_start3A_81 = tpu.memref_slice %arg11[%dma_start3A_79, %dma_start3A_80] : memref<128x128xf32, #tpu.memory_space<vmem>> -> memref<128x128xf32, #tpu.memory_space<vmem>>
      tpu.enqueue_dma source(%dma_start3A_81 : memref<128x128xf32, #tpu.memory_space<vmem>>) target(%dma_start3A_78 : memref<128x128xf32, #tpu.memory_space<hbm>>) target_semaphore(%run_scoped3A : memref<!tpu.dma_semaphore, #tpu.memory_space<semaphore_mem>>)
      %dma_wait3A = arith.constant 0 : i32
      %dma_wait3A_82 = arith.constant 0 : i32
      %dma_wait3A_83 = tpu.memref_slice %arg11[%dma_wait3A, %dma_wait3A_82] : memref<128x128xf32, #tpu.memory_space<vmem>> -> memref<128x128xf32, #tpu.memory_space<vmem>>
      %dma_wait3A_84 = arith.constant 0 : i32
      %dma_wait3A_85 = tpu.memref_slice %arg5[%add3A_58, %dma_wait3A_84] : memref<20480x128xf32, #tpu.memory_space<hbm>> -> memref<128x128xf32, #tpu.memory_space<hbm>>
      %dma_wait3A_86 = arith.constant 0 : i32
      %dma_wait3A_87 = tpu.memref_slice %arg5[%add3A_58, %dma_wait3A_86] : memref<20480x128xf32, #tpu.memory_space<hbm>> -> memref<128x128xf32, #tpu.memory_space<hbm>>
      %dma_wait3A_88 = arith.constant 0 : i32
      %dma_wait3A_89 = arith.constant 0 : i32
      %dma_wait3A_90 = tpu.memref_slice %arg11[%dma_wait3A_88, %dma_wait3A_89] : memref<128x128xf32, #tpu.memory_space<vmem>> -> memref<128x128xf32, #tpu.memory_space<vmem>>
      tpu.wait_dma2 semaphore(%run_scoped3A : memref<!tpu.dma_semaphore, #tpu.memory_space<semaphore_mem>>) src(%dma_wait3A_90 : memref<128x128xf32, #tpu.memory_space<vmem>>) dst(%dma_wait3A_87 : memref<128x128xf32, #tpu.memory_space<hbm>>)
      tpu.yield
    }) : () -> ()
    %mul3A_59 = arith.constant 640 : i32
    %mul3A_60 = arith.muli %arg1, %mul3A_59 : i32
    %add3A_61 = arith.constant 384 : i32
    %add3A_62 = arith.addi %mul3A_60, %add3A_61 : i32
    "tpu.region"() ({
      %run_scoped3A = tpu.sem_alloc : memref<!tpu.dma_semaphore, #tpu.memory_space<semaphore_mem>>
      %dma_start3A = arith.constant 0 : i32
      %dma_start3A_73 = arith.constant 0 : i32
      %dma_start3A_74 = tpu.memref_slice %arg11[%dma_start3A, %dma_start3A_73] : memref<128x128xf32, #tpu.memory_space<vmem>> -> memref<128x128xf32, #tpu.memory_space<vmem>>
      %dma_start3A_75 = arith.constant 0 : i32
      %dma_start3A_76 = tpu.memref_slice %arg6[%add3A_62, %dma_start3A_75] : memref<10240x128xf32, #tpu.memory_space<vmem_shared>> -> memref<128x128xf32, #tpu.memory_space<vmem_shared>>
      %dma_start3A_77 = arith.constant 0 : i32
      %dma_start3A_78 = arith.constant 0 : i32
      %dma_start3A_79 = tpu.memref_slice %arg11[%dma_start3A_77, %dma_start3A_78] : memref<128x128xf32, #tpu.memory_space<vmem>> -> memref<128x128xf32, #tpu.memory_space<vmem>>
      %dma_start3A_80 = arith.constant 0 : i32
      %dma_start3A_81 = tpu.memref_slice %arg6[%add3A_62, %dma_start3A_80] : memref<10240x128xf32, #tpu.memory_space<vmem_shared>> -> memref<128x128xf32, #tpu.memory_space<vmem_shared>>
      tpu.enqueue_dma source(%dma_start3A_81 : memref<128x128xf32, #tpu.memory_space<vmem_shared>>) target(%dma_start3A_79 : memref<128x128xf32, #tpu.memory_space<vmem>>) target_semaphore(%run_scoped3A : memref<!tpu.dma_semaphore, #tpu.memory_space<semaphore_mem>>)
      %dma_wait3A = arith.constant 0 : i32
      %dma_wait3A_82 = arith.constant 0 : i32
      %dma_wait3A_83 = tpu.memref_slice %arg11[%dma_wait3A, %dma_wait3A_82] : memref<128x128xf32, #tpu.memory_space<vmem>> -> memref<128x128xf32, #tpu.memory_space<vmem>>
      %dma_wait3A_84 = arith.constant 0 : i32
      %dma_wait3A_85 = tpu.memref_slice %arg6[%add3A_62, %dma_wait3A_84] : memref<10240x128xf32, #tpu.memory_space<vmem_shared>> -> memref<128x128xf32, #tpu.memory_space<vmem_shared>>
      %dma_wait3A_86 = arith.constant 0 : i32
      %dma_wait3A_87 = arith.constant 0 : i32
      %dma_wait3A_88 = tpu.memref_slice %arg11[%dma_wait3A_86, %dma_wait3A_87] : memref<128x128xf32, #tpu.memory_space<vmem>> -> memref<128x128xf32, #tpu.memory_space<vmem>>
      %dma_wait3A_89 = arith.constant 0 : i32
      %dma_wait3A_90 = tpu.memref_slice %arg6[%add3A_62, %dma_wait3A_89] : memref<10240x128xf32, #tpu.memory_space<vmem_shared>> -> memref<128x128xf32, #tpu.memory_space<vmem_shared>>
      tpu.wait_dma2 semaphore(%run_scoped3A : memref<!tpu.dma_semaphore, #tpu.memory_space<semaphore_mem>>) src(%dma_wait3A_90 : memref<128x128xf32, #tpu.memory_space<vmem_shared>>) dst(%dma_wait3A_88 : memref<128x128xf32, #tpu.memory_space<vmem>>)
      tpu.yield
    }) : () -> ()
    %mul3A_63 = arith.constant 10240 : i32
    %mul3A_64 = arith.muli %arg0, %mul3A_63 : i32
    %add3A_65 = arith.addi %mul3A_64, %add3A_62 : i32
    "tpu.region"() ({
      %run_scoped3A = tpu.sem_alloc : memref<!tpu.dma_semaphore, #tpu.memory_space<semaphore_mem>>
      %dma_start3A = arith.constant 0 : i32
      %dma_start3A_73 = arith.constant 0 : i32
      %dma_start3A_74 = tpu.memref_slice %arg11[%dma_start3A, %dma_start3A_73] : memref<128x128xf32, #tpu.memory_space<vmem>> -> memref<128x128xf32, #tpu.memory_space<vmem>>
      %dma_start3A_75 = arith.constant 0 : i32
      %dma_start3A_76 = tpu.memref_slice %arg5[%add3A_65, %dma_start3A_75] : memref<20480x128xf32, #tpu.memory_space<hbm>> -> memref<128x128xf32, #tpu.memory_space<hbm>>
      %dma_start3A_77 = arith.constant 0 : i32
      %dma_start3A_78 = tpu.memref_slice %arg5[%add3A_65, %dma_start3A_77] : memref<20480x128xf32, #tpu.memory_space<hbm>> -> memref<128x128xf32, #tpu.memory_space<hbm>>
      %dma_start3A_79 = arith.constant 0 : i32
      %dma_start3A_80 = arith.constant 0 : i32
      %dma_start3A_81 = tpu.memref_slice %arg11[%dma_start3A_79, %dma_start3A_80] : memref<128x128xf32, #tpu.memory_space<vmem>> -> memref<128x128xf32, #tpu.memory_space<vmem>>
      tpu.enqueue_dma source(%dma_start3A_81 : memref<128x128xf32, #tpu.memory_space<vmem>>) target(%dma_start3A_78 : memref<128x128xf32, #tpu.memory_space<hbm>>) target_semaphore(%run_scoped3A : memref<!tpu.dma_semaphore, #tpu.memory_space<semaphore_mem>>)
      %dma_wait3A = arith.constant 0 : i32
      %dma_wait3A_82 = arith.constant 0 : i32
      %dma_wait3A_83 = tpu.memref_slice %arg11[%dma_wait3A, %dma_wait3A_82] : memref<128x128xf32, #tpu.memory_space<vmem>> -> memref<128x128xf32, #tpu.memory_space<vmem>>
      %dma_wait3A_84 = arith.constant 0 : i32
      %dma_wait3A_85 = tpu.memref_slice %arg5[%add3A_65, %dma_wait3A_84] : memref<20480x128xf32, #tpu.memory_space<hbm>> -> memref<128x128xf32, #tpu.memory_space<hbm>>
      %dma_wait3A_86 = arith.constant 0 : i32
      %dma_wait3A_87 = tpu.memref_slice %arg5[%add3A_65, %dma_wait3A_86] : memref<20480x128xf32, #tpu.memory_space<hbm>> -> memref<128x128xf32, #tpu.memory_space<hbm>>
      %dma_wait3A_88 = arith.constant 0 : i32
      %dma_wait3A_89 = arith.constant 0 : i32
      %dma_wait3A_90 = tpu.memref_slice %arg11[%dma_wait3A_88, %dma_wait3A_89] : memref<128x128xf32, #tpu.memory_space<vmem>> -> memref<128x128xf32, #tpu.memory_space<vmem>>
      tpu.wait_dma2 semaphore(%run_scoped3A : memref<!tpu.dma_semaphore, #tpu.memory_space<semaphore_mem>>) src(%dma_wait3A_90 : memref<128x128xf32, #tpu.memory_space<vmem>>) dst(%dma_wait3A_87 : memref<128x128xf32, #tpu.memory_space<hbm>>)
      tpu.yield
    }) : () -> ()
    %mul3A_66 = arith.constant 640 : i32
    %mul3A_67 = arith.muli %arg1, %mul3A_66 : i32
    %add3A_68 = arith.constant 512 : i32
    %add3A_69 = arith.addi %mul3A_67, %add3A_68 : i32
    "tpu.region"() ({
      %run_scoped3A = tpu.sem_alloc : memref<!tpu.dma_semaphore, #tpu.memory_space<semaphore_mem>>
      %dma_start3A = arith.constant 0 : i32
      %dma_start3A_73 = arith.constant 0 : i32
      %dma_start3A_74 = tpu.memref_slice %arg11[%dma_start3A, %dma_start3A_73] : memref<128x128xf32, #tpu.memory_space<vmem>> -> memref<128x128xf32, #tpu.memory_space<vmem>>
      %dma_start3A_75 = arith.constant 0 : i32
      %dma_start3A_76 = tpu.memref_slice %arg6[%add3A_69, %dma_start3A_75] : memref<10240x128xf32, #tpu.memory_space<vmem_shared>> -> memref<128x128xf32, #tpu.memory_space<vmem_shared>>
      %dma_start3A_77 = arith.constant 0 : i32
      %dma_start3A_78 = arith.constant 0 : i32
      %dma_start3A_79 = tpu.memref_slice %arg11[%dma_start3A_77, %dma_start3A_78] : memref<128x128xf32, #tpu.memory_space<vmem>> -> memref<128x128xf32, #tpu.memory_space<vmem>>
      %dma_start3A_80 = arith.constant 0 : i32
      %dma_start3A_81 = tpu.memref_slice %arg6[%add3A_69, %dma_start3A_80] : memref<10240x128xf32, #tpu.memory_space<vmem_shared>> -> memref<128x128xf32, #tpu.memory_space<vmem_shared>>
      tpu.enqueue_dma source(%dma_start3A_81 : memref<128x128xf32, #tpu.memory_space<vmem_shared>>) target(%dma_start3A_79 : memref<128x128xf32, #tpu.memory_space<vmem>>) target_semaphore(%run_scoped3A : memref<!tpu.dma_semaphore, #tpu.memory_space<semaphore_mem>>)
      %dma_wait3A = arith.constant 0 : i32
      %dma_wait3A_82 = arith.constant 0 : i32
      %dma_wait3A_83 = tpu.memref_slice %arg11[%dma_wait3A, %dma_wait3A_82] : memref<128x128xf32, #tpu.memory_space<vmem>> -> memref<128x128xf32, #tpu.memory_space<vmem>>
      %dma_wait3A_84 = arith.constant 0 : i32
      %dma_wait3A_85 = tpu.memref_slice %arg6[%add3A_69, %dma_wait3A_84] : memref<10240x128xf32, #tpu.memory_space<vmem_shared>> -> memref<128x128xf32, #tpu.memory_space<vmem_shared>>
      %dma_wait3A_86 = arith.constant 0 : i32
      %dma_wait3A_87 = arith.constant 0 : i32
      %dma_wait3A_88 = tpu.memref_slice %arg11[%dma_wait3A_86, %dma_wait3A_87] : memref<128x128xf32, #tpu.memory_space<vmem>> -> memref<128x128xf32, #tpu.memory_space<vmem>>
      %dma_wait3A_89 = arith.constant 0 : i32
      %dma_wait3A_90 = tpu.memref_slice %arg6[%add3A_69, %dma_wait3A_89] : memref<10240x128xf32, #tpu.memory_space<vmem_shared>> -> memref<128x128xf32, #tpu.memory_space<vmem_shared>>
      tpu.wait_dma2 semaphore(%run_scoped3A : memref<!tpu.dma_semaphore, #tpu.memory_space<semaphore_mem>>) src(%dma_wait3A_90 : memref<128x128xf32, #tpu.memory_space<vmem_shared>>) dst(%dma_wait3A_88 : memref<128x128xf32, #tpu.memory_space<vmem>>)
      tpu.yield
    }) : () -> ()
    %mul3A_70 = arith.constant 10240 : i32
    %mul3A_71 = arith.muli %arg0, %mul3A_70 : i32
    %add3A_72 = arith.addi %mul3A_71, %add3A_69 : i32
    "tpu.region"() ({
      %run_scoped3A = tpu.sem_alloc : memref<!tpu.dma_semaphore, #tpu.memory_space<semaphore_mem>>
      %dma_start3A = arith.constant 0 : i32
      %dma_start3A_73 = arith.constant 0 : i32
      %dma_start3A_74 = tpu.memref_slice %arg11[%dma_start3A, %dma_start3A_73] : memref<128x128xf32, #tpu.memory_space<vmem>> -> memref<128x128xf32, #tpu.memory_space<vmem>>
      %dma_start3A_75 = arith.constant 0 : i32
      %dma_start3A_76 = tpu.memref_slice %arg5[%add3A_72, %dma_start3A_75] : memref<20480x128xf32, #tpu.memory_space<hbm>> -> memref<128x128xf32, #tpu.memory_space<hbm>>
      %dma_start3A_77 = arith.constant 0 : i32
      %dma_start3A_78 = tpu.memref_slice %arg5[%add3A_72, %dma_start3A_77] : memref<20480x128xf32, #tpu.memory_space<hbm>> -> memref<128x128xf32, #tpu.memory_space<hbm>>
      %dma_start3A_79 = arith.constant 0 : i32
      %dma_start3A_80 = arith.constant 0 : i32
      %dma_start3A_81 = tpu.memref_slice %arg11[%dma_start3A_79, %dma_start3A_80] : memref<128x128xf32, #tpu.memory_space<vmem>> -> memref<128x128xf32, #tpu.memory_space<vmem>>
      tpu.enqueue_dma source(%dma_start3A_81 : memref<128x128xf32, #tpu.memory_space<vmem>>) target(%dma_start3A_78 : memref<128x128xf32, #tpu.memory_space<hbm>>) target_semaphore(%run_scoped3A : memref<!tpu.dma_semaphore, #tpu.memory_space<semaphore_mem>>)
      %dma_wait3A = arith.constant 0 : i32
      %dma_wait3A_82 = arith.constant 0 : i32
      %dma_wait3A_83 = tpu.memref_slice %arg11[%dma_wait3A, %dma_wait3A_82] : memref<128x128xf32, #tpu.memory_space<vmem>> -> memref<128x128xf32, #tpu.memory_space<vmem>>
      %dma_wait3A_84 = arith.constant 0 : i32
      %dma_wait3A_85 = tpu.memref_slice %arg5[%add3A_72, %dma_wait3A_84] : memref<20480x128xf32, #tpu.memory_space<hbm>> -> memref<128x128xf32, #tpu.memory_space<hbm>>
      %dma_wait3A_86 = arith.constant 0 : i32
      %dma_wait3A_87 = tpu.memref_slice %arg5[%add3A_72, %dma_wait3A_86] : memref<20480x128xf32, #tpu.memory_space<hbm>> -> memref<128x128xf32, #tpu.memory_space<hbm>>
      %dma_wait3A_88 = arith.constant 0 : i32
      %dma_wait3A_89 = arith.constant 0 : i32
      %dma_wait3A_90 = tpu.memref_slice %arg11[%dma_wait3A_88, %dma_wait3A_89] : memref<128x128xf32, #tpu.memory_space<vmem>> -> memref<128x128xf32, #tpu.memory_space<vmem>>
      tpu.wait_dma2 semaphore(%run_scoped3A : memref<!tpu.dma_semaphore, #tpu.memory_space<semaphore_mem>>) src(%dma_wait3A_90 : memref<128x128xf32, #tpu.memory_space<vmem>>) dst(%dma_wait3A_87 : memref<128x128xf32, #tpu.memory_space<hbm>>)
      tpu.yield
    }) : () -> ()
    return
  }
}

#map = affine_map<(d0, d1) -> (0, 0)>
#map1 = affine_map<(d0, d1) -> (0)>
module attributes {stable_mosaic.version = 14 : i64} {
  func.func @body(%arg0: i32, %arg1: i32, %arg2: memref<10000x128xf32, #tpu.memory_space<hbm>>, %arg3: memref<327680xi32, #tpu.memory_space<hbm>>, %arg4: memref<327680xi32, #tpu.memory_space<hbm>>, %arg5: memref<20480x128xf32, #tpu.memory_space<hbm>>, %arg6: memref<10240x128xf32, #tpu.memory_space<vmem_shared>>, %arg7: memref<128xi32, #tpu.memory_space<vmem>>, %arg8: memref<128xi32, #tpu.memory_space<vmem>>, %arg9: memref<128xi32, #tpu.memory_space<vmem>>, %arg10: memref<128xi32, #tpu.memory_space<vmem>>, %arg11: memref<128x128xf32, #tpu.memory_space<vmem>>, %arg12: memref<!tpu.dma_semaphore, #tpu.memory_space<semaphore_mem>>, %arg13: memref<!tpu.dma_semaphore, #tpu.memory_space<semaphore_mem>>) attributes {dimension_semantics = [#tpu.dimension_semantics<core_parallel>, #tpu.dimension_semantics<subcore_parallel>], iteration_bounds = array<i64: 2, 16>, scalar_prefetch = 0 : i64, scratch_operands = 8 : i64, tpu.core_type = #tpu.core_type<sc_vector_subcore>, window_params = [{transform_indices = #map}, {transform_indices = #map1}, {transform_indices = #map1}, {transform_indices = #map}]} {
    %mul3A = arith.constant 163840 : i32
    %mul3A_0 = arith.muli %arg0, %mul3A : i32
    %mul3A_1 = arith.constant 10240 : i32
    %mul3A_2 = arith.muli %arg1, %mul3A_1 : i32
    %add3A = arith.addi %mul3A_0, %mul3A_2 : i32
    %broadcast_in_dim3A = arith.constant 0.000000e+00 : f32
    %broadcast_in_dim3A_3 = vector.broadcast %broadcast_in_dim3A : f32 to vector<16xf32>
    %scan3A = arith.constant 0 : i32
    %scan3A_4 = arith.constant 0 : i32
    %scan3A_5 = arith.constant 128 : i32
    %scan3A_6 = arith.addi %scan3A_4, %scan3A_5 : i32
    %scan3A_7 = arith.constant 1 : i32
    %scan3A_8 = scf.for %scan3A_73 = %scan3A_4 to %scan3A_6 step %scan3A_7 iter_args(%scan3A_74 = %scan3A) -> (i32)  : i32 {
      %swap3A = arith.index_cast %scan3A_73 : i32 to index
      %swap3A_75 = arith.constant 0 : index
      %swap3A_76 = tpu.vector_load %arg11[%swap3A, %swap3A_75] {strides = array<i32>} : memref<128x128xf32, #tpu.memory_space<vmem>>, vector<1x16xf32>,
      %swap3A_77 = vector.shape_cast %swap3A_76 : vector<1x16xf32> to vector<16xf32>
      %swap3A_78 = vector.shape_cast %broadcast_in_dim3A_3 : vector<16xf32> to vector<1x16xf32>
      tpu.vector_store %arg11[%swap3A, %swap3A_75], %swap3A_78 {strides = array<i32>} : memref<128x128xf32, #tpu.memory_space<vmem>>, vector<1x16xf32>,
      %swap3A_79 = arith.index_cast %scan3A_73 : i32 to index
      %swap3A_80 = arith.constant 16 : index
      %swap3A_81 = tpu.vector_load %arg11[%swap3A_79, %swap3A_80] {strides = array<i32>} : memref<128x128xf32, #tpu.memory_space<vmem>>, vector<1x16xf32>,
      %swap3A_82 = vector.shape_cast %swap3A_81 : vector<1x16xf32> to vector<16xf32>
      %swap3A_83 = vector.shape_cast %broadcast_in_dim3A_3 : vector<16xf32> to vector<1x16xf32>
      tpu.vector_store %arg11[%swap3A_79, %swap3A_80], %swap3A_83 {strides = array<i32>} : memref<128x128xf32, #tpu.memory_space<vmem>>, vector<1x16xf32>,
      %swap3A_84 = arith.index_cast %scan3A_73 : i32 to index
      %swap3A_85 = arith.constant 32 : index
      %swap3A_86 = tpu.vector_load %arg11[%swap3A_84, %swap3A_85] {strides = array<i32>} : memref<128x128xf32, #tpu.memory_space<vmem>>, vector<1x16xf32>,
      %swap3A_87 = vector.shape_cast %swap3A_86 : vector<1x16xf32> to vector<16xf32>
      %swap3A_88 = vector.shape_cast %broadcast_in_dim3A_3 : vector<16xf32> to vector<1x16xf32>
      tpu.vector_store %arg11[%swap3A_84, %swap3A_85], %swap3A_88 {strides = array<i32>} : memref<128x128xf32, #tpu.memory_space<vmem>>, vector<1x16xf32>,
      %swap3A_89 = arith.index_cast %scan3A_73 : i32 to index
      %swap3A_90 = arith.constant 48 : index
      %swap3A_91 = tpu.vector_load %arg11[%swap3A_89, %swap3A_90] {strides = array<i32>} : memref<128x128xf32, #tpu.memory_space<vmem>>, vector<1x16xf32>,
      %swap3A_92 = vector.shape_cast %swap3A_91 : vector<1x16xf32> to vector<16xf32>
      %swap3A_93 = vector.shape_cast %broadcast_in_dim3A_3 : vector<16xf32> to vector<1x16xf32>
      tpu.vector_store %arg11[%swap3A_89, %swap3A_90], %swap3A_93 {strides = array<i32>} : memref<128x128xf32, #tpu.memory_space<vmem>>, vector<1x16xf32>,
      %swap3A_94 = arith.index_cast %scan3A_73 : i32 to index
      %swap3A_95 = arith.constant 64 : index
      %swap3A_96 = tpu.vector_load %arg11[%swap3A_94, %swap3A_95] {strides = array<i32>} : memref<128x128xf32, #tpu.memory_space<vmem>>, vector<1x16xf32>,
      %swap3A_97 = vector.shape_cast %swap3A_96 : vector<1x16xf32> to vector<16xf32>
      %swap3A_98 = vector.shape_cast %broadcast_in_dim3A_3 : vector<16xf32> to vector<1x16xf32>
      tpu.vector_store %arg11[%swap3A_94, %swap3A_95], %swap3A_98 {strides = array<i32>} : memref<128x128xf32, #tpu.memory_space<vmem>>, vector<1x16xf32>,
      %swap3A_99 = arith.index_cast %scan3A_73 : i32 to index
      %swap3A_100 = arith.constant 80 : index
      %swap3A_101 = tpu.vector_load %arg11[%swap3A_99, %swap3A_100] {strides = array<i32>} : memref<128x128xf32, #tpu.memory_space<vmem>>, vector<1x16xf32>,
      %swap3A_102 = vector.shape_cast %swap3A_101 : vector<1x16xf32> to vector<16xf32>
      %swap3A_103 = vector.shape_cast %broadcast_in_dim3A_3 : vector<16xf32> to vector<1x16xf32>
      tpu.vector_store %arg11[%swap3A_99, %swap3A_100], %swap3A_103 {strides = array<i32>} : memref<128x128xf32, #tpu.memory_space<vmem>>, vector<1x16xf32>,
      %swap3A_104 = arith.index_cast %scan3A_73 : i32 to index
      %swap3A_105 = arith.constant 96 : index
      %swap3A_106 = tpu.vector_load %arg11[%swap3A_104, %swap3A_105] {strides = array<i32>} : memref<128x128xf32, #tpu.memory_space<vmem>>, vector<1x16xf32>,
      %swap3A_107 = vector.shape_cast %swap3A_106 : vector<1x16xf32> to vector<16xf32>
      %swap3A_108 = vector.shape_cast %broadcast_in_dim3A_3 : vector<16xf32> to vector<1x16xf32>
      tpu.vector_store %arg11[%swap3A_104, %swap3A_105], %swap3A_108 {strides = array<i32>} : memref<128x128xf32, #tpu.memory_space<vmem>>, vector<1x16xf32>,
      %swap3A_109 = arith.index_cast %scan3A_73 : i32 to index
      %swap3A_110 = arith.constant 112 : index
      %swap3A_111 = tpu.vector_load %arg11[%swap3A_109, %swap3A_110] {strides = array<i32>} : memref<128x128xf32, #tpu.memory_space<vmem>>, vector<1x16xf32>,
      %swap3A_112 = vector.shape_cast %swap3A_111 : vector<1x16xf32> to vector<16xf32>
      %swap3A_113 = vector.shape_cast %broadcast_in_dim3A_3 : vector<16xf32> to vector<1x16xf32>
      tpu.vector_store %arg11[%swap3A_109, %swap3A_110], %swap3A_113 {strides = array<i32>} : memref<128x128xf32, #tpu.memory_space<vmem>>, vector<1x16xf32>,
      %scan3A_114 = arith.constant 0 : i32
      scf.yield %scan3A_114 : i32
    }
    %scan3A_9 = arith.constant 128 : i32
    %mul3A_10 = arith.constant 640 : i32
    %mul3A_11 = arith.muli %arg1, %mul3A_10 : i32
    %add3A_12 = arith.constant 0 : i32
    %add3A_13 = arith.addi %mul3A_11, %add3A_12 : i32
    "tpu.region"() ({
      %run_scoped3A = tpu.sem_alloc : memref<!tpu.dma_semaphore, #tpu.memory_space<semaphore_mem>>
      %dma_start3A = arith.constant 0 : i32
      %dma_start3A_73 = arith.constant 0 : i32
      %dma_start3A_74 = tpu.memref_slice %arg11[%dma_start3A, %dma_start3A_73] : memref<128x128xf32, #tpu.memory_space<vmem>> -> memref<128x128xf32, #tpu.memory_space<vmem>>
      %dma_start3A_75 = arith.constant 0 : i32
      %dma_start3A_76 = tpu.memref_slice %arg6[%add3A_13, %dma_start3A_75] : memref<10240x128xf32, #tpu.memory_space<vmem_shared>> -> memref<128x128xf32, #tpu.memory_space<vmem_shared>>
      %dma_start3A_77 = arith.constant 0 : i32
      %dma_start3A_78 = tpu.memref_slice %arg6[%add3A_13, %dma_start3A_77] : memref<10240x128xf32, #tpu.memory_space<vmem_shared>> -> memref<128x128xf32, #tpu.memory_space<vmem_shared>>
      %dma_start3A_79 = arith.constant 0 : i32
      %dma_start3A_80 = arith.constant 0 : i32
      %dma_start3A_81 = tpu.memref_slice %arg11[%dma_start3A_79, %dma_start3A_80] : memref<128x128xf32, #tpu.memory_space<vmem>> -> memref<128x128xf32, #tpu.memory_space<vmem>>
      tpu.enqueue_dma source(%dma_start3A_81 : memref<128x128xf32, #tpu.memory_space<vmem>>) target(%dma_start3A_78 : memref<128x128xf32, #tpu.memory_space<vmem_shared>>) target_semaphore(%run_scoped3A : memref<!tpu.dma_semaphore, #tpu.memory_space<semaphore_mem>>)
      %dma_wait3A = arith.constant 0 : i32
      %dma_wait3A_82 = arith.constant 0 : i32
      %dma_wait3A_83 = tpu.memref_slice %arg11[%dma_wait3A, %dma_wait3A_82] : memref<128x128xf32, #tpu.memory_space<vmem>> -> memref<128x128xf32, #tpu.memory_space<vmem>>
      %dma_wait3A_84 = arith.constant 0 : i32
      %dma_wait3A_85 = tpu.memref_slice %arg6[%add3A_13, %dma_wait3A_84] : memref<10240x128xf32, #tpu.memory_space<vmem_shared>> -> memref<128x128xf32, #tpu.memory_space<vmem_shared>>
      %dma_wait3A_86 = arith.constant 0 : i32
      %dma_wait3A_87 = tpu.memref_slice %arg6[%add3A_13, %dma_wait3A_86] : memref<10240x128xf32, #tpu.memory_space<vmem_shared>> -> memref<128x128xf32, #tpu.memory_space<vmem_shared>>
      %dma_wait3A_88 = arith.constant 0 : i32
      %dma_wait3A_89 = arith.constant 0 : i32
      %dma_wait3A_90 = tpu.memref_slice %arg11[%dma_wait3A_88, %dma_wait3A_89] : memref<128x128xf32, #tpu.memory_space<vmem>> -> memref<128x128xf32, #tpu.memory_space<vmem>>
      tpu.wait_dma2 semaphore(%run_scoped3A : memref<!tpu.dma_semaphore, #tpu.memory_space<semaphore_mem>>) src(%dma_wait3A_90 : memref<128x128xf32, #tpu.memory_space<vmem>>) dst(%dma_wait3A_87 : memref<128x128xf32, #tpu.memory_space<vmem_shared>>)
      tpu.yield
    }) : () -> ()
    %mul3A_14 = arith.constant 640 : i32
    %mul3A_15 = arith.muli %arg1, %mul3A_14 : i32
    %add3A_16 = arith.constant 128 : i32
    %add3A_17 = arith.addi %mul3A_15, %add3A_16 : i32
    "tpu.region"() ({
      %run_scoped3A = tpu.sem_alloc : memref<!tpu.dma_semaphore, #tpu.memory_space<semaphore_mem>>
      %dma_start3A = arith.constant 0 : i32
      %dma_start3A_73 = arith.constant 0 : i32
      %dma_start3A_74 = tpu.memref_slice %arg11[%dma_start3A, %dma_start3A_73] : memref<128x128xf32, #tpu.memory_space<vmem>> -> memref<128x128xf32, #tpu.memory_space<vmem>>
      %dma_start3A_75 = arith.constant 0 : i32
      %dma_start3A_76 = tpu.memref_slice %arg6[%add3A_17, %dma_start3A_75] : memref<10240x128xf32, #tpu.memory_space<vmem_shared>> -> memref<128x128xf32, #tpu.memory_space<vmem_shared>>
      %dma_start3A_77 = arith.constant 0 : i32
      %dma_start3A_78 = tpu.memref_slice %arg6[%add3A_17, %dma_start3A_77] : memref<10240x128xf32, #tpu.memory_space<vmem_shared>> -> memref<128x128xf32, #tpu.memory_space<vmem_shared>>
      %dma_start3A_79 = arith.constant 0 : i32
      %dma_start3A_80 = arith.constant 0 : i32
      %dma_start3A_81 = tpu.memref_slice %arg11[%dma_start3A_79, %dma_start3A_80] : memref<128x128xf32, #tpu.memory_space<vmem>> -> memref<128x128xf32, #tpu.memory_space<vmem>>
      tpu.enqueue_dma source(%dma_start3A_81 : memref<128x128xf32, #tpu.memory_space<vmem>>) target(%dma_start3A_78 : memref<128x128xf32, #tpu.memory_space<vmem_shared>>) target_semaphore(%run_scoped3A : memref<!tpu.dma_semaphore, #tpu.memory_space<semaphore_mem>>)
      %dma_wait3A = arith.constant 0 : i32
      %dma_wait3A_82 = arith.constant 0 : i32
      %dma_wait3A_83 = tpu.memref_slice %arg11[%dma_wait3A, %dma_wait3A_82] : memref<128x128xf32, #tpu.memory_space<vmem>> -> memref<128x128xf32, #tpu.memory_space<vmem>>
      %dma_wait3A_84 = arith.constant 0 : i32
      %dma_wait3A_85 = tpu.memref_slice %arg6[%add3A_17, %dma_wait3A_84] : memref<10240x128xf32, #tpu.memory_space<vmem_shared>> -> memref<128x128xf32, #tpu.memory_space<vmem_shared>>
      %dma_wait3A_86 = arith.constant 0 : i32
      %dma_wait3A_87 = tpu.memref_slice %arg6[%add3A_17, %dma_wait3A_86] : memref<10240x128xf32, #tpu.memory_space<vmem_shared>> -> memref<128x128xf32, #tpu.memory_space<vmem_shared>>
      %dma_wait3A_88 = arith.constant 0 : i32
      %dma_wait3A_89 = arith.constant 0 : i32
      %dma_wait3A_90 = tpu.memref_slice %arg11[%dma_wait3A_88, %dma_wait3A_89] : memref<128x128xf32, #tpu.memory_space<vmem>> -> memref<128x128xf32, #tpu.memory_space<vmem>>
      tpu.wait_dma2 semaphore(%run_scoped3A : memref<!tpu.dma_semaphore, #tpu.memory_space<semaphore_mem>>) src(%dma_wait3A_90 : memref<128x128xf32, #tpu.memory_space<vmem>>) dst(%dma_wait3A_87 : memref<128x128xf32, #tpu.memory_space<vmem_shared>>)
      tpu.yield
    }) : () -> ()
    %mul3A_18 = arith.constant 640 : i32
    %mul3A_19 = arith.muli %arg1, %mul3A_18 : i32
    %add3A_20 = arith.constant 256 : i32
    %add3A_21 = arith.addi %mul3A_19, %add3A_20 : i32
    "tpu.region"() ({
      %run_scoped3A = tpu.sem_alloc : memref<!tpu.dma_semaphore, #tpu.memory_space<semaphore_mem>>
      %dma_start3A = arith.constant 0 : i32
      %dma_start3A_73 = arith.constant 0 : i32
      %dma_start3A_74 = tpu.memref_slice %arg11[%dma_start3A, %dma_start3A_73] : memref<128x128xf32, #tpu.memory_space<vmem>> -> memref<128x128xf32, #tpu.memory_space<vmem>>
      %dma_start3A_75 = arith.constant 0 : i32
      %dma_start3A_76 = tpu.memref_slice %arg6[%add3A_21, %dma_start3A_75] : memref<10240x128xf32, #tpu.memory_space<vmem_shared>> -> memref<128x128xf32, #tpu.memory_space<vmem_shared>>
      %dma_start3A_77 = arith.constant 0 : i32
      %dma_start3A_78 = tpu.memref_slice %arg6[%add3A_21, %dma_start3A_77] : memref<10240x128xf32, #tpu.memory_space<vmem_shared>> -> memref<128x128xf32, #tpu.memory_space<vmem_shared>>
      %dma_start3A_79 = arith.constant 0 : i32
      %dma_start3A_80 = arith.constant 0 : i32
      %dma_start3A_81 = tpu.memref_slice %arg11[%dma_start3A_79, %dma_start3A_80] : memref<128x128xf32, #tpu.memory_space<vmem>> -> memref<128x128xf32, #tpu.memory_space<vmem>>
      tpu.enqueue_dma source(%dma_start3A_81 : memref<128x128xf32, #tpu.memory_space<vmem>>) target(%dma_start3A_78 : memref<128x128xf32, #tpu.memory_space<vmem_shared>>) target_semaphore(%run_scoped3A : memref<!tpu.dma_semaphore, #tpu.memory_space<semaphore_mem>>)
      %dma_wait3A = arith.constant 0 : i32
      %dma_wait3A_82 = arith.constant 0 : i32
      %dma_wait3A_83 = tpu.memref_slice %arg11[%dma_wait3A, %dma_wait3A_82] : memref<128x128xf32, #tpu.memory_space<vmem>> -> memref<128x128xf32, #tpu.memory_space<vmem>>
      %dma_wait3A_84 = arith.constant 0 : i32
      %dma_wait3A_85 = tpu.memref_slice %arg6[%add3A_21, %dma_wait3A_84] : memref<10240x128xf32, #tpu.memory_space<vmem_shared>> -> memref<128x128xf32, #tpu.memory_space<vmem_shared>>
      %dma_wait3A_86 = arith.constant 0 : i32
      %dma_wait3A_87 = tpu.memref_slice %arg6[%add3A_21, %dma_wait3A_86] : memref<10240x128xf32, #tpu.memory_space<vmem_shared>> -> memref<128x128xf32, #tpu.memory_space<vmem_shared>>
      %dma_wait3A_88 = arith.constant 0 : i32
      %dma_wait3A_89 = arith.constant 0 : i32
      %dma_wait3A_90 = tpu.memref_slice %arg11[%dma_wait3A_88, %dma_wait3A_89] : memref<128x128xf32, #tpu.memory_space<vmem>> -> memref<128x128xf32, #tpu.memory_space<vmem>>
      tpu.wait_dma2 semaphore(%run_scoped3A : memref<!tpu.dma_semaphore, #tpu.memory_space<semaphore_mem>>) src(%dma_wait3A_90 : memref<128x128xf32, #tpu.memory_space<vmem>>) dst(%dma_wait3A_87 : memref<128x128xf32, #tpu.memory_space<vmem_shared>>)
      tpu.yield
    }) : () -> ()
    %mul3A_22 = arith.constant 640 : i32
    %mul3A_23 = arith.muli %arg1, %mul3A_22 : i32
    %add3A_24 = arith.constant 384 : i32
    %add3A_25 = arith.addi %mul3A_23, %add3A_24 : i32
    "tpu.region"() ({
      %run_scoped3A = tpu.sem_alloc : memref<!tpu.dma_semaphore, #tpu.memory_space<semaphore_mem>>
      %dma_start3A = arith.constant 0 : i32
      %dma_start3A_73 = arith.constant 0 : i32
      %dma_start3A_74 = tpu.memref_slice %arg11[%dma_start3A, %dma_start3A_73] : memref<128x128xf32, #tpu.memory_space<vmem>> -> memref<128x128xf32, #tpu.memory_space<vmem>>
      %dma_start3A_75 = arith.constant 0 : i32
      %dma_start3A_76 = tpu.memref_slice %arg6[%add3A_25, %dma_start3A_75] : memref<10240x128xf32, #tpu.memory_space<vmem_shared>> -> memref<128x128xf32, #tpu.memory_space<vmem_shared>>
      %dma_start3A_77 = arith.constant 0 : i32
      %dma_start3A_78 = tpu.memref_slice %arg6[%add3A_25, %dma_start3A_77] : memref<10240x128xf32, #tpu.memory_space<vmem_shared>> -> memref<128x128xf32, #tpu.memory_space<vmem_shared>>
      %dma_start3A_79 = arith.constant 0 : i32
      %dma_start3A_80 = arith.constant 0 : i32
      %dma_start3A_81 = tpu.memref_slice %arg11[%dma_start3A_79, %dma_start3A_80] : memref<128x128xf32, #tpu.memory_space<vmem>> -> memref<128x128xf32, #tpu.memory_space<vmem>>
      tpu.enqueue_dma source(%dma_start3A_81 : memref<128x128xf32, #tpu.memory_space<vmem>>) target(%dma_start3A_78 : memref<128x128xf32, #tpu.memory_space<vmem_shared>>) target_semaphore(%run_scoped3A : memref<!tpu.dma_semaphore, #tpu.memory_space<semaphore_mem>>)
      %dma_wait3A = arith.constant 0 : i32
      %dma_wait3A_82 = arith.constant 0 : i32
      %dma_wait3A_83 = tpu.memref_slice %arg11[%dma_wait3A, %dma_wait3A_82] : memref<128x128xf32, #tpu.memory_space<vmem>> -> memref<128x128xf32, #tpu.memory_space<vmem>>
      %dma_wait3A_84 = arith.constant 0 : i32
      %dma_wait3A_85 = tpu.memref_slice %arg6[%add3A_25, %dma_wait3A_84] : memref<10240x128xf32, #tpu.memory_space<vmem_shared>> -> memref<128x128xf32, #tpu.memory_space<vmem_shared>>
      %dma_wait3A_86 = arith.constant 0 : i32
      %dma_wait3A_87 = tpu.memref_slice %arg6[%add3A_25, %dma_wait3A_86] : memref<10240x128xf32, #tpu.memory_space<vmem_shared>> -> memref<128x128xf32, #tpu.memory_space<vmem_shared>>
      %dma_wait3A_88 = arith.constant 0 : i32
      %dma_wait3A_89 = arith.constant 0 : i32
      %dma_wait3A_90 = tpu.memref_slice %arg11[%dma_wait3A_88, %dma_wait3A_89] : memref<128x128xf32, #tpu.memory_space<vmem>> -> memref<128x128xf32, #tpu.memory_space<vmem>>
      tpu.wait_dma2 semaphore(%run_scoped3A : memref<!tpu.dma_semaphore, #tpu.memory_space<semaphore_mem>>) src(%dma_wait3A_90 : memref<128x128xf32, #tpu.memory_space<vmem>>) dst(%dma_wait3A_87 : memref<128x128xf32, #tpu.memory_space<vmem_shared>>)
      tpu.yield
    }) : () -> ()
    %mul3A_26 = arith.constant 640 : i32
    %mul3A_27 = arith.muli %arg1, %mul3A_26 : i32
    %add3A_28 = arith.constant 512 : i32
    %add3A_29 = arith.addi %mul3A_27, %add3A_28 : i32
    "tpu.region"() ({
      %run_scoped3A = tpu.sem_alloc : memref<!tpu.dma_semaphore, #tpu.memory_space<semaphore_mem>>
      %dma_start3A = arith.constant 0 : i32
      %dma_start3A_73 = arith.constant 0 : i32
      %dma_start3A_74 = tpu.memref_slice %arg11[%dma_start3A, %dma_start3A_73] : memref<128x128xf32, #tpu.memory_space<vmem>> -> memref<128x128xf32, #tpu.memory_space<vmem>>
      %dma_start3A_75 = arith.constant 0 : i32
      %dma_start3A_76 = tpu.memref_slice %arg6[%add3A_29, %dma_start3A_75] : memref<10240x128xf32, #tpu.memory_space<vmem_shared>> -> memref<128x128xf32, #tpu.memory_space<vmem_shared>>
      %dma_start3A_77 = arith.constant 0 : i32
      %dma_start3A_78 = tpu.memref_slice %arg6[%add3A_29, %dma_start3A_77] : memref<10240x128xf32, #tpu.memory_space<vmem_shared>> -> memref<128x128xf32, #tpu.memory_space<vmem_shared>>
      %dma_start3A_79 = arith.constant 0 : i32
      %dma_start3A_80 = arith.constant 0 : i32
      %dma_start3A_81 = tpu.memref_slice %arg11[%dma_start3A_79, %dma_start3A_80] : memref<128x128xf32, #tpu.memory_space<vmem>> -> memref<128x128xf32, #tpu.memory_space<vmem>>
      tpu.enqueue_dma source(%dma_start3A_81 : memref<128x128xf32, #tpu.memory_space<vmem>>) target(%dma_start3A_78 : memref<128x128xf32, #tpu.memory_space<vmem_shared>>) target_semaphore(%run_scoped3A : memref<!tpu.dma_semaphore, #tpu.memory_space<semaphore_mem>>)
      %dma_wait3A = arith.constant 0 : i32
      %dma_wait3A_82 = arith.constant 0 : i32
      %dma_wait3A_83 = tpu.memref_slice %arg11[%dma_wait3A, %dma_wait3A_82] : memref<128x128xf32, #tpu.memory_space<vmem>> -> memref<128x128xf32, #tpu.memory_space<vmem>>
      %dma_wait3A_84 = arith.constant 0 : i32
      %dma_wait3A_85 = tpu.memref_slice %arg6[%add3A_29, %dma_wait3A_84] : memref<10240x128xf32, #tpu.memory_space<vmem_shared>> -> memref<128x128xf32, #tpu.memory_space<vmem_shared>>
      %dma_wait3A_86 = arith.constant 0 : i32
      %dma_wait3A_87 = tpu.memref_slice %arg6[%add3A_29, %dma_wait3A_86] : memref<10240x128xf32, #tpu.memory_space<vmem_shared>> -> memref<128x128xf32, #tpu.memory_space<vmem_shared>>
      %dma_wait3A_88 = arith.constant 0 : i32
      %dma_wait3A_89 = arith.constant 0 : i32
      %dma_wait3A_90 = tpu.memref_slice %arg11[%dma_wait3A_88, %dma_wait3A_89] : memref<128x128xf32, #tpu.memory_space<vmem>> -> memref<128x128xf32, #tpu.memory_space<vmem>>
      tpu.wait_dma2 semaphore(%run_scoped3A : memref<!tpu.dma_semaphore, #tpu.memory_space<semaphore_mem>>) src(%dma_wait3A_90 : memref<128x128xf32, #tpu.memory_space<vmem>>) dst(%dma_wait3A_87 : memref<128x128xf32, #tpu.memory_space<vmem_shared>>)
      tpu.yield
    }) : () -> ()
    %barrier3A = arith.constant 0 : index
    tpu.barrier barrier_id(%barrier3A)
    %scan3A_30 = arith.constant 0 : i32
    %scan3A_31 = arith.constant 0 : i32
    %scan3A_32 = arith.constant 80 : i32
    %scan3A_33 = arith.addi %scan3A_31, %scan3A_32 : i32
    %scan3A_34 = arith.constant 1 : i32
    %scan3A_35 = scf.for %scan3A_73 = %scan3A_31 to %scan3A_33 step %scan3A_34 iter_args(%scan3A_74 = %scan3A_30) -> (i32)  : i32 {
      %mul3A_75 = arith.constant 128 : i32
      %mul3A_76 = arith.muli %scan3A_73, %mul3A_75 : i32
      %add3A_77 = arith.addi %add3A, %mul3A_76 : i32
      "tpu.region"() ({
        %run_scoped3A = tpu.sem_alloc : memref<!tpu.dma_semaphore, #tpu.memory_space<semaphore_mem>>
        %dma_start3A_84 = tpu.memref_slice %arg3[%add3A_77] : memref<327680xi32, #tpu.memory_space<hbm>> -> memref<128xi32, #tpu.memory_space<hbm>>
        %dma_start3A_85 = tpu.memref_slice %arg3[%add3A_77] : memref<327680xi32, #tpu.memory_space<hbm>> -> memref<128xi32, #tpu.memory_space<hbm>>
        tpu.enqueue_dma source(%dma_start3A_85 : memref<128xi32, #tpu.memory_space<hbm>>) target(%arg7 : memref<128xi32, #tpu.memory_space<vmem>>) target_semaphore(%run_scoped3A : memref<!tpu.dma_semaphore, #tpu.memory_space<semaphore_mem>>)
        %dma_wait3A_86 = tpu.memref_slice %arg3[%add3A_77] : memref<327680xi32, #tpu.memory_space<hbm>> -> memref<128xi32, #tpu.memory_space<hbm>>
        %dma_wait3A_87 = tpu.memref_slice %arg3[%add3A_77] : memref<327680xi32, #tpu.memory_space<hbm>> -> memref<128xi32, #tpu.memory_space<hbm>>
        tpu.wait_dma2 semaphore(%run_scoped3A : memref<!tpu.dma_semaphore, #tpu.memory_space<semaphore_mem>>) src(%dma_wait3A_87 : memref<128xi32, #tpu.memory_space<hbm>>) dst(%arg7 : memref<128xi32, #tpu.memory_space<vmem>>)
        tpu.yield
      }) : () -> ()
      %add3A_78 = arith.addi %add3A, %mul3A_76 : i32
      "tpu.region"() ({
        %run_scoped3A = tpu.sem_alloc : memref<!tpu.dma_semaphore, #tpu.memory_space<semaphore_mem>>
        %dma_start3A_84 = tpu.memref_slice %arg4[%add3A_78] : memref<327680xi32, #tpu.memory_space<hbm>> -> memref<128xi32, #tpu.memory_space<hbm>>
        %dma_start3A_85 = tpu.memref_slice %arg4[%add3A_78] : memref<327680xi32, #tpu.memory_space<hbm>> -> memref<128xi32, #tpu.memory_space<hbm>>
        tpu.enqueue_dma source(%dma_start3A_85 : memref<128xi32, #tpu.memory_space<hbm>>) target(%arg9 : memref<128xi32, #tpu.memory_space<vmem>>) target_semaphore(%run_scoped3A : memref<!tpu.dma_semaphore, #tpu.memory_space<semaphore_mem>>)
        %dma_wait3A_86 = tpu.memref_slice %arg4[%add3A_78] : memref<327680xi32, #tpu.memory_space<hbm>> -> memref<128xi32, #tpu.memory_space<hbm>>
        %dma_wait3A_87 = tpu.memref_slice %arg4[%add3A_78] : memref<327680xi32, #tpu.memory_space<hbm>> -> memref<128xi32, #tpu.memory_space<hbm>>
        tpu.wait_dma2 semaphore(%run_scoped3A : memref<!tpu.dma_semaphore, #tpu.memory_space<semaphore_mem>>) src(%dma_wait3A_87 : memref<128xi32, #tpu.memory_space<hbm>>) dst(%arg9 : memref<128xi32, #tpu.memory_space<vmem>>)
        tpu.yield
      }) : () -> ()
      %dma_start3A = arith.constant 0 : i32
      %dma_start3A_79 = arith.constant 0 : i32
      %dma_start3A_80 = tpu.memref_slice %arg2[%dma_start3A, %dma_start3A_79] : memref<10000x128xf32, #tpu.memory_space<hbm>> -> memref<10000x128xf32, #tpu.memory_space<hbm>>
      tpu.enqueue_indirect_dma source(%dma_start3A_80 : memref<10000x128xf32, #tpu.memory_space<hbm>>) target(%arg11 : memref<128x128xf32, #tpu.memory_space<vmem>>) offsets(%arg7 : memref<128xi32, #tpu.memory_space<vmem>>) semaphore(%arg12 : memref<!tpu.dma_semaphore, #tpu.memory_space<semaphore_mem>>)
      %dma_wait3A = arith.constant 0 : i32
      %dma_wait3A_81 = arith.constant 0 : i32
      %dma_wait3A_82 = tpu.memref_slice %arg2[%dma_wait3A, %dma_wait3A_81] : memref<10000x128xf32, #tpu.memory_space<hbm>> -> memref<10000x128xf32, #tpu.memory_space<hbm>>
      tpu.wait_indirect_dma semaphore(%arg12 : memref<!tpu.dma_semaphore, #tpu.memory_space<semaphore_mem>>) src(%dma_wait3A_82 : memref<10000x128xf32, #tpu.memory_space<hbm>>) dst(%arg11 : memref<128x128xf32, #tpu.memory_space<vmem>>)
      "tpu.region"() ({
        %run_scoped3A = tpu.sem_alloc : memref<!tpu.dma_semaphore, #tpu.memory_space<semaphore_mem>>
        %dma_start3A_84 = arith.constant 0 : i32
        %dma_start3A_85 = arith.constant 0 : i32
        %dma_start3A_86 = tpu.memref_slice %arg6[%dma_start3A_84, %dma_start3A_85] : memref<10240x128xf32, #tpu.memory_space<vmem_shared>> -> memref<10240x128xf32, #tpu.memory_space<vmem_shared>>
        tpu.enqueue_indirect_dma source(%arg11 : memref<128x128xf32, #tpu.memory_space<vmem>>) target(%dma_start3A_86 : memref<10240x128xf32, #tpu.memory_space<vmem_shared>>) offsets(%arg9 : memref<128xi32, #tpu.memory_space<vmem>>) semaphore(%run_scoped3A : memref<!tpu.dma_semaphore, #tpu.memory_space<semaphore_mem>>) {add = true}
        %dma_wait3A_87 = arith.constant 0 : i32
        %dma_wait3A_88 = arith.constant 0 : i32
        %dma_wait3A_89 = tpu.memref_slice %arg6[%dma_wait3A_87, %dma_wait3A_88] : memref<10240x128xf32, #tpu.memory_space<vmem_shared>> -> memref<10240x128xf32, #tpu.memory_space<vmem_shared>>
        tpu.wait_indirect_dma semaphore(%run_scoped3A : memref<!tpu.dma_semaphore, #tpu.memory_space<semaphore_mem>>) src(%arg11 : memref<128x128xf32, #tpu.memory_space<vmem>>) dst(%dma_wait3A_89 : memref<10240x128xf32, #tpu.memory_space<vmem_shared>>)
        tpu.yield
      }) : () -> ()
      %scan3A_83 = arith.constant 0 : i32
      scf.yield %scan3A_83 : i32
    }
    %scan3A_36 = arith.constant 80 : i32
    %barrier3A_37 = arith.constant 0 : index
    tpu.barrier barrier_id(%barrier3A_37)
    %mul3A_38 = arith.constant 640 : i32
    %mul3A_39 = arith.muli %arg1, %mul3A_38 : i32
    %add3A_40 = arith.constant 0 : i32
    %add3A_41 = arith.addi %mul3A_39, %add3A_40 : i32
    "tpu.region"() ({
      %run_scoped3A = tpu.sem_alloc : memref<!tpu.dma_semaphore, #tpu.memory_space<semaphore_mem>>
      %dma_start3A = arith.constant 0 : i32
      %dma_start3A_73 = arith.constant 0 : i32
      %dma_start3A_74 = tpu.memref_slice %arg11[%dma_start3A, %dma_start3A_73] : memref<128x128xf32, #tpu.memory_space<vmem>> -> memref<128x128xf32, #tpu.memory_space<vmem>>
      %dma_start3A_75 = arith.constant 0 : i32
      %dma_start3A_76 = tpu.memref_slice %arg6[%add3A_41, %dma_start3A_75] : memref<10240x128xf32, #tpu.memory_space<vmem_shared>> -> memref<128x128xf32, #tpu.memory_space<vmem_shared>>
      %dma_start3A_77 = arith.constant 0 : i32
      %dma_start3A_78 = arith.constant 0 : i32
      %dma_start3A_79 = tpu.memref_slice %arg11[%dma_start3A_77, %dma_start3A_78] : memref<128x128xf32, #tpu.memory_space<vmem>> -> memref<128x128xf32, #tpu.memory_space<vmem>>
      %dma_start3A_80 = arith.constant 0 : i32
      %dma_start3A_81 = tpu.memref_slice %arg6[%add3A_41, %dma_start3A_80] : memref<10240x128xf32, #tpu.memory_space<vmem_shared>> -> memref<128x128xf32, #tpu.memory_space<vmem_shared>>
      tpu.enqueue_dma source(%dma_start3A_81 : memref<128x128xf32, #tpu.memory_space<vmem_shared>>) target(%dma_start3A_79 : memref<128x128xf32, #tpu.memory_space<vmem>>) target_semaphore(%run_scoped3A : memref<!tpu.dma_semaphore, #tpu.memory_space<semaphore_mem>>)
      %dma_wait3A = arith.constant 0 : i32
      %dma_wait3A_82 = arith.constant 0 : i32
      %dma_wait3A_83 = tpu.memref_slice %arg11[%dma_wait3A, %dma_wait3A_82] : memref<128x128xf32, #tpu.memory_space<vmem>> -> memref<128x128xf32, #tpu.memory_space<vmem>>
      %dma_wait3A_84 = arith.constant 0 : i32
      %dma_wait3A_85 = tpu.memref_slice %arg6[%add3A_41, %dma_wait3A_84] : memref<10240x128xf32, #tpu.memory_space<vmem_shared>> -> memref<128x128xf32, #tpu.memory_space<vmem_shared>>
      %dma_wait3A_86 = arith.constant 0 : i32
      %dma_wait3A_87 = arith.constant 0 : i32
      %dma_wait3A_88 = tpu.memref_slice %arg11[%dma_wait3A_86, %dma_wait3A_87] : memref<128x128xf32, #tpu.memory_space<vmem>> -> memref<128x128xf32, #tpu.memory_space<vmem>>
      %dma_wait3A_89 = arith.constant 0 : i32
      %dma_wait3A_90 = tpu.memref_slice %arg6[%add3A_41, %dma_wait3A_89] : memref<10240x128xf32, #tpu.memory_space<vmem_shared>> -> memref<128x128xf32, #tpu.memory_space<vmem_shared>>
      tpu.wait_dma2 semaphore(%run_scoped3A : memref<!tpu.dma_semaphore, #tpu.memory_space<semaphore_mem>>) src(%dma_wait3A_90 : memref<128x128xf32, #tpu.memory_space<vmem_shared>>) dst(%dma_wait3A_88 : memref<128x128xf32, #tpu.memory_space<vmem>>)
      tpu.yield
    }) : () -> ()
    %mul3A_42 = arith.constant 10240 : i32
    %mul3A_43 = arith.muli %arg0, %mul3A_42 : i32
    %add3A_44 = arith.addi %mul3A_43, %add3A_41 : i32
    "tpu.region"() ({
      %run_scoped3A = tpu.sem_alloc : memref<!tpu.dma_semaphore, #tpu.memory_space<semaphore_mem>>
      %dma_start3A = arith.constant 0 : i32
      %dma_start3A_73 = arith.constant 0 : i32
      %dma_start3A_74 = tpu.memref_slice %arg11[%dma_start3A, %dma_start3A_73] : memref<128x128xf32, #tpu.memory_space<vmem>> -> memref<128x128xf32, #tpu.memory_space<vmem>>
      %dma_start3A_75 = arith.constant 0 : i32
      %dma_start3A_76 = tpu.memref_slice %arg5[%add3A_44, %dma_start3A_75] : memref<20480x128xf32, #tpu.memory_space<hbm>> -> memref<128x128xf32, #tpu.memory_space<hbm>>
      %dma_start3A_77 = arith.constant 0 : i32
      %dma_start3A_78 = tpu.memref_slice %arg5[%add3A_44, %dma_start3A_77] : memref<20480x128xf32, #tpu.memory_space<hbm>> -> memref<128x128xf32, #tpu.memory_space<hbm>>
      %dma_start3A_79 = arith.constant 0 : i32
      %dma_start3A_80 = arith.constant 0 : i32
      %dma_start3A_81 = tpu.memref_slice %arg11[%dma_start3A_79, %dma_start3A_80] : memref<128x128xf32, #tpu.memory_space<vmem>> -> memref<128x128xf32, #tpu.memory_space<vmem>>
      tpu.enqueue_dma source(%dma_start3A_81 : memref<128x128xf32, #tpu.memory_space<vmem>>) target(%dma_start3A_78 : memref<128x128xf32, #tpu.memory_space<hbm>>) target_semaphore(%run_scoped3A : memref<!tpu.dma_semaphore, #tpu.memory_space<semaphore_mem>>)
      %dma_wait3A = arith.constant 0 : i32
      %dma_wait3A_82 = arith.constant 0 : i32
      %dma_wait3A_83 = tpu.memref_slice %arg11[%dma_wait3A, %dma_wait3A_82] : memref<128x128xf32, #tpu.memory_space<vmem>> -> memref<128x128xf32, #tpu.memory_space<vmem>>
      %dma_wait3A_84 = arith.constant 0 : i32
      %dma_wait3A_85 = tpu.memref_slice %arg5[%add3A_44, %dma_wait3A_84] : memref<20480x128xf32, #tpu.memory_space<hbm>> -> memref<128x128xf32, #tpu.memory_space<hbm>>
      %dma_wait3A_86 = arith.constant 0 : i32
      %dma_wait3A_87 = tpu.memref_slice %arg5[%add3A_44, %dma_wait3A_86] : memref<20480x128xf32, #tpu.memory_space<hbm>> -> memref<128x128xf32, #tpu.memory_space<hbm>>
      %dma_wait3A_88 = arith.constant 0 : i32
      %dma_wait3A_89 = arith.constant 0 : i32
      %dma_wait3A_90 = tpu.memref_slice %arg11[%dma_wait3A_88, %dma_wait3A_89] : memref<128x128xf32, #tpu.memory_space<vmem>> -> memref<128x128xf32, #tpu.memory_space<vmem>>
      tpu.wait_dma2 semaphore(%run_scoped3A : memref<!tpu.dma_semaphore, #tpu.memory_space<semaphore_mem>>) src(%dma_wait3A_90 : memref<128x128xf32, #tpu.memory_space<vmem>>) dst(%dma_wait3A_87 : memref<128x128xf32, #tpu.memory_space<hbm>>)
      tpu.yield
    }) : () -> ()
    %mul3A_45 = arith.constant 640 : i32
    %mul3A_46 = arith.muli %arg1, %mul3A_45 : i32
    %add3A_47 = arith.constant 128 : i32
    %add3A_48 = arith.addi %mul3A_46, %add3A_47 : i32
    "tpu.region"() ({
      %run_scoped3A = tpu.sem_alloc : memref<!tpu.dma_semaphore, #tpu.memory_space<semaphore_mem>>
      %dma_start3A = arith.constant 0 : i32
      %dma_start3A_73 = arith.constant 0 : i32
      %dma_start3A_74 = tpu.memref_slice %arg11[%dma_start3A, %dma_start3A_73] : memref<128x128xf32, #tpu.memory_space<vmem>> -> memref<128x128xf32, #tpu.memory_space<vmem>>
      %dma_start3A_75 = arith.constant 0 : i32
      %dma_start3A_76 = tpu.memref_slice %arg6[%add3A_48, %dma_start3A_75] : memref<10240x128xf32, #tpu.memory_space<vmem_shared>> -> memref<128x128xf32, #tpu.memory_space<vmem_shared>>
      %dma_start3A_77 = arith.constant 0 : i32
      %dma_start3A_78 = arith.constant 0 : i32
      %dma_start3A_79 = tpu.memref_slice %arg11[%dma_start3A_77, %dma_start3A_78] : memref<128x128xf32, #tpu.memory_space<vmem>> -> memref<128x128xf32, #tpu.memory_space<vmem>>
      %dma_start3A_80 = arith.constant 0 : i32
      %dma_start3A_81 = tpu.memref_slice %arg6[%add3A_48, %dma_start3A_80] : memref<10240x128xf32, #tpu.memory_space<vmem_shared>> -> memref<128x128xf32, #tpu.memory_space<vmem_shared>>
      tpu.enqueue_dma source(%dma_start3A_81 : memref<128x128xf32, #tpu.memory_space<vmem_shared>>) target(%dma_start3A_79 : memref<128x128xf32, #tpu.memory_space<vmem>>) target_semaphore(%run_scoped3A : memref<!tpu.dma_semaphore, #tpu.memory_space<semaphore_mem>>)
      %dma_wait3A = arith.constant 0 : i32
      %dma_wait3A_82 = arith.constant 0 : i32
      %dma_wait3A_83 = tpu.memref_slice %arg11[%dma_wait3A, %dma_wait3A_82] : memref<128x128xf32, #tpu.memory_space<vmem>> -> memref<128x128xf32, #tpu.memory_space<vmem>>
      %dma_wait3A_84 = arith.constant 0 : i32
      %dma_wait3A_85 = tpu.memref_slice %arg6[%add3A_48, %dma_wait3A_84] : memref<10240x128xf32, #tpu.memory_space<vmem_shared>> -> memref<128x128xf32, #tpu.memory_space<vmem_shared>>
      %dma_wait3A_86 = arith.constant 0 : i32
      %dma_wait3A_87 = arith.constant 0 : i32
      %dma_wait3A_88 = tpu.memref_slice %arg11[%dma_wait3A_86, %dma_wait3A_87] : memref<128x128xf32, #tpu.memory_space<vmem>> -> memref<128x128xf32, #tpu.memory_space<vmem>>
      %dma_wait3A_89 = arith.constant 0 : i32
      %dma_wait3A_90 = tpu.memref_slice %arg6[%add3A_48, %dma_wait3A_89] : memref<10240x128xf32, #tpu.memory_space<vmem_shared>> -> memref<128x128xf32, #tpu.memory_space<vmem_shared>>
      tpu.wait_dma2 semaphore(%run_scoped3A : memref<!tpu.dma_semaphore, #tpu.memory_space<semaphore_mem>>) src(%dma_wait3A_90 : memref<128x128xf32, #tpu.memory_space<vmem_shared>>) dst(%dma_wait3A_88 : memref<128x128xf32, #tpu.memory_space<vmem>>)
      tpu.yield
    }) : () -> ()
    %mul3A_49 = arith.constant 10240 : i32
    %mul3A_50 = arith.muli %arg0, %mul3A_49 : i32
    %add3A_51 = arith.addi %mul3A_50, %add3A_48 : i32
    "tpu.region"() ({
      %run_scoped3A = tpu.sem_alloc : memref<!tpu.dma_semaphore, #tpu.memory_space<semaphore_mem>>
      %dma_start3A = arith.constant 0 : i32
      %dma_start3A_73 = arith.constant 0 : i32
      %dma_start3A_74 = tpu.memref_slice %arg11[%dma_start3A, %dma_start3A_73] : memref<128x128xf32, #tpu.memory_space<vmem>> -> memref<128x128xf32, #tpu.memory_space<vmem>>
      %dma_start3A_75 = arith.constant 0 : i32
      %dma_start3A_76 = tpu.memref_slice %arg5[%add3A_51, %dma_start3A_75] : memref<20480x128xf32, #tpu.memory_space<hbm>> -> memref<128x128xf32, #tpu.memory_space<hbm>>
      %dma_start3A_77 = arith.constant 0 : i32
      %dma_start3A_78 = tpu.memref_slice %arg5[%add3A_51, %dma_start3A_77] : memref<20480x128xf32, #tpu.memory_space<hbm>> -> memref<128x128xf32, #tpu.memory_space<hbm>>
      %dma_start3A_79 = arith.constant 0 : i32
      %dma_start3A_80 = arith.constant 0 : i32
      %dma_start3A_81 = tpu.memref_slice %arg11[%dma_start3A_79, %dma_start3A_80] : memref<128x128xf32, #tpu.memory_space<vmem>> -> memref<128x128xf32, #tpu.memory_space<vmem>>
      tpu.enqueue_dma source(%dma_start3A_81 : memref<128x128xf32, #tpu.memory_space<vmem>>) target(%dma_start3A_78 : memref<128x128xf32, #tpu.memory_space<hbm>>) target_semaphore(%run_scoped3A : memref<!tpu.dma_semaphore, #tpu.memory_space<semaphore_mem>>)
      %dma_wait3A = arith.constant 0 : i32
      %dma_wait3A_82 = arith.constant 0 : i32
      %dma_wait3A_83 = tpu.memref_slice %arg11[%dma_wait3A, %dma_wait3A_82] : memref<128x128xf32, #tpu.memory_space<vmem>> -> memref<128x128xf32, #tpu.memory_space<vmem>>
      %dma_wait3A_84 = arith.constant 0 : i32
      %dma_wait3A_85 = tpu.memref_slice %arg5[%add3A_51, %dma_wait3A_84] : memref<20480x128xf32, #tpu.memory_space<hbm>> -> memref<128x128xf32, #tpu.memory_space<hbm>>
      %dma_wait3A_86 = arith.constant 0 : i32
      %dma_wait3A_87 = tpu.memref_slice %arg5[%add3A_51, %dma_wait3A_86] : memref<20480x128xf32, #tpu.memory_space<hbm>> -> memref<128x128xf32, #tpu.memory_space<hbm>>
      %dma_wait3A_88 = arith.constant 0 : i32
      %dma_wait3A_89 = arith.constant 0 : i32
      %dma_wait3A_90 = tpu.memref_slice %arg11[%dma_wait3A_88, %dma_wait3A_89] : memref<128x128xf32, #tpu.memory_space<vmem>> -> memref<128x128xf32, #tpu.memory_space<vmem>>
      tpu.wait_dma2 semaphore(%run_scoped3A : memref<!tpu.dma_semaphore, #tpu.memory_space<semaphore_mem>>) src(%dma_wait3A_90 : memref<128x128xf32, #tpu.memory_space<vmem>>) dst(%dma_wait3A_87 : memref<128x128xf32, #tpu.memory_space<hbm>>)
      tpu.yield
    }) : () -> ()
    %mul3A_52 = arith.constant 640 : i32
    %mul3A_53 = arith.muli %arg1, %mul3A_52 : i32
    %add3A_54 = arith.constant 256 : i32
    %add3A_55 = arith.addi %mul3A_53, %add3A_54 : i32
    "tpu.region"() ({
      %run_scoped3A = tpu.sem_alloc : memref<!tpu.dma_semaphore, #tpu.memory_space<semaphore_mem>>
      %dma_start3A = arith.constant 0 : i32
      %dma_start3A_73 = arith.constant 0 : i32
      %dma_start3A_74 = tpu.memref_slice %arg11[%dma_start3A, %dma_start3A_73] : memref<128x128xf32, #tpu.memory_space<vmem>> -> memref<128x128xf32, #tpu.memory_space<vmem>>
      %dma_start3A_75 = arith.constant 0 : i32
      %dma_start3A_76 = tpu.memref_slice %arg6[%add3A_55, %dma_start3A_75] : memref<10240x128xf32, #tpu.memory_space<vmem_shared>> -> memref<128x128xf32, #tpu.memory_space<vmem_shared>>
      %dma_start3A_77 = arith.constant 0 : i32
      %dma_start3A_78 = arith.constant 0 : i32
      %dma_start3A_79 = tpu.memref_slice %arg11[%dma_start3A_77, %dma_start3A_78] : memref<128x128xf32, #tpu.memory_space<vmem>> -> memref<128x128xf32, #tpu.memory_space<vmem>>
      %dma_start3A_80 = arith.constant 0 : i32
      %dma_start3A_81 = tpu.memref_slice %arg6[%add3A_55, %dma_start3A_80] : memref<10240x128xf32, #tpu.memory_space<vmem_shared>> -> memref<128x128xf32, #tpu.memory_space<vmem_shared>>
      tpu.enqueue_dma source(%dma_start3A_81 : memref<128x128xf32, #tpu.memory_space<vmem_shared>>) target(%dma_start3A_79 : memref<128x128xf32, #tpu.memory_space<vmem>>) target_semaphore(%run_scoped3A : memref<!tpu.dma_semaphore, #tpu.memory_space<semaphore_mem>>)
      %dma_wait3A = arith.constant 0 : i32
      %dma_wait3A_82 = arith.constant 0 : i32
      %dma_wait3A_83 = tpu.memref_slice %arg11[%dma_wait3A, %dma_wait3A_82] : memref<128x128xf32, #tpu.memory_space<vmem>> -> memref<128x128xf32, #tpu.memory_space<vmem>>
      %dma_wait3A_84 = arith.constant 0 : i32
      %dma_wait3A_85 = tpu.memref_slice %arg6[%add3A_55, %dma_wait3A_84] : memref<10240x128xf32, #tpu.memory_space<vmem_shared>> -> memref<128x128xf32, #tpu.memory_space<vmem_shared>>
      %dma_wait3A_86 = arith.constant 0 : i32
      %dma_wait3A_87 = arith.constant 0 : i32
      %dma_wait3A_88 = tpu.memref_slice %arg11[%dma_wait3A_86, %dma_wait3A_87] : memref<128x128xf32, #tpu.memory_space<vmem>> -> memref<128x128xf32, #tpu.memory_space<vmem>>
      %dma_wait3A_89 = arith.constant 0 : i32
      %dma_wait3A_90 = tpu.memref_slice %arg6[%add3A_55, %dma_wait3A_89] : memref<10240x128xf32, #tpu.memory_space<vmem_shared>> -> memref<128x128xf32, #tpu.memory_space<vmem_shared>>
      tpu.wait_dma2 semaphore(%run_scoped3A : memref<!tpu.dma_semaphore, #tpu.memory_space<semaphore_mem>>) src(%dma_wait3A_90 : memref<128x128xf32, #tpu.memory_space<vmem_shared>>) dst(%dma_wait3A_88 : memref<128x128xf32, #tpu.memory_space<vmem>>)
      tpu.yield
    }) : () -> ()
    %mul3A_56 = arith.constant 10240 : i32
    %mul3A_57 = arith.muli %arg0, %mul3A_56 : i32
    %add3A_58 = arith.addi %mul3A_57, %add3A_55 : i32
    "tpu.region"() ({
      %run_scoped3A = tpu.sem_alloc : memref<!tpu.dma_semaphore, #tpu.memory_space<semaphore_mem>>
      %dma_start3A = arith.constant 0 : i32
      %dma_start3A_73 = arith.constant 0 : i32
      %dma_start3A_74 = tpu.memref_slice %arg11[%dma_start3A, %dma_start3A_73] : memref<128x128xf32, #tpu.memory_space<vmem>> -> memref<128x128xf32, #tpu.memory_space<vmem>>
      %dma_start3A_75 = arith.constant 0 : i32
      %dma_start3A_76 = tpu.memref_slice %arg5[%add3A_58, %dma_start3A_75] : memref<20480x128xf32, #tpu.memory_space<hbm>> -> memref<128x128xf32, #tpu.memory_space<hbm>>
      %dma_start3A_77 = arith.constant 0 : i32
      %dma_start3A_78 = tpu.memref_slice %arg5[%add3A_58, %dma_start3A_77] : memref<20480x128xf32, #tpu.memory_space<hbm>> -> memref<128x128xf32, #tpu.memory_space<hbm>>
      %dma_start3A_79 = arith.constant 0 : i32
      %dma_start3A_80 = arith.constant 0 : i32
      %dma_start3A_81 = tpu.memref_slice %arg11[%dma_start3A_79, %dma_start3A_80] : memref<128x128xf32, #tpu.memory_space<vmem>> -> memref<128x128xf32, #tpu.memory_space<vmem>>
      tpu.enqueue_dma source(%dma_start3A_81 : memref<128x128xf32, #tpu.memory_space<vmem>>) target(%dma_start3A_78 : memref<128x128xf32, #tpu.memory_space<hbm>>) target_semaphore(%run_scoped3A : memref<!tpu.dma_semaphore, #tpu.memory_space<semaphore_mem>>)
      %dma_wait3A = arith.constant 0 : i32
      %dma_wait3A_82 = arith.constant 0 : i32
      %dma_wait3A_83 = tpu.memref_slice %arg11[%dma_wait3A, %dma_wait3A_82] : memref<128x128xf32, #tpu.memory_space<vmem>> -> memref<128x128xf32, #tpu.memory_space<vmem>>
      %dma_wait3A_84 = arith.constant 0 : i32
      %dma_wait3A_85 = tpu.memref_slice %arg5[%add3A_58, %dma_wait3A_84] : memref<20480x128xf32, #tpu.memory_space<hbm>> -> memref<128x128xf32, #tpu.memory_space<hbm>>
      %dma_wait3A_86 = arith.constant 0 : i32
      %dma_wait3A_87 = tpu.memref_slice %arg5[%add3A_58, %dma_wait3A_86] : memref<20480x128xf32, #tpu.memory_space<hbm>> -> memref<128x128xf32, #tpu.memory_space<hbm>>
      %dma_wait3A_88 = arith.constant 0 : i32
      %dma_wait3A_89 = arith.constant 0 : i32
      %dma_wait3A_90 = tpu.memref_slice %arg11[%dma_wait3A_88, %dma_wait3A_89] : memref<128x128xf32, #tpu.memory_space<vmem>> -> memref<128x128xf32, #tpu.memory_space<vmem>>
      tpu.wait_dma2 semaphore(%run_scoped3A : memref<!tpu.dma_semaphore, #tpu.memory_space<semaphore_mem>>) src(%dma_wait3A_90 : memref<128x128xf32, #tpu.memory_space<vmem>>) dst(%dma_wait3A_87 : memref<128x128xf32, #tpu.memory_space<hbm>>)
      tpu.yield
    }) : () -> ()
    %mul3A_59 = arith.constant 640 : i32
    %mul3A_60 = arith.muli %arg1, %mul3A_59 : i32
    %add3A_61 = arith.constant 384 : i32
    %add3A_62 = arith.addi %mul3A_60, %add3A_61 : i32
    "tpu.region"() ({
      %run_scoped3A = tpu.sem_alloc : memref<!tpu.dma_semaphore, #tpu.memory_space<semaphore_mem>>
      %dma_start3A = arith.constant 0 : i32
      %dma_start3A_73 = arith.constant 0 : i32
      %dma_start3A_74 = tpu.memref_slice %arg11[%dma_start3A, %dma_start3A_73] : memref<128x128xf32, #tpu.memory_space<vmem>> -> memref<128x128xf32, #tpu.memory_space<vmem>>
      %dma_start3A_75 = arith.constant 0 : i32
      %dma_start3A_76 = tpu.memref_slice %arg6[%add3A_62, %dma_start3A_75] : memref<10240x128xf32, #tpu.memory_space<vmem_shared>> -> memref<128x128xf32, #tpu.memory_space<vmem_shared>>
      %dma_start3A_77 = arith.constant 0 : i32
      %dma_start3A_78 = arith.constant 0 : i32
      %dma_start3A_79 = tpu.memref_slice %arg11[%dma_start3A_77, %dma_start3A_78] : memref<128x128xf32, #tpu.memory_space<vmem>> -> memref<128x128xf32, #tpu.memory_space<vmem>>
      %dma_start3A_80 = arith.constant 0 : i32
      %dma_start3A_81 = tpu.memref_slice %arg6[%add3A_62, %dma_start3A_80] : memref<10240x128xf32, #tpu.memory_space<vmem_shared>> -> memref<128x128xf32, #tpu.memory_space<vmem_shared>>
      tpu.enqueue_dma source(%dma_start3A_81 : memref<128x128xf32, #tpu.memory_space<vmem_shared>>) target(%dma_start3A_79 : memref<128x128xf32, #tpu.memory_space<vmem>>) target_semaphore(%run_scoped3A : memref<!tpu.dma_semaphore, #tpu.memory_space<semaphore_mem>>)
      %dma_wait3A = arith.constant 0 : i32
      %dma_wait3A_82 = arith.constant 0 : i32
      %dma_wait3A_83 = tpu.memref_slice %arg11[%dma_wait3A, %dma_wait3A_82] : memref<128x128xf32, #tpu.memory_space<vmem>> -> memref<128x128xf32, #tpu.memory_space<vmem>>
      %dma_wait3A_84 = arith.constant 0 : i32
      %dma_wait3A_85 = tpu.memref_slice %arg6[%add3A_62, %dma_wait3A_84] : memref<10240x128xf32, #tpu.memory_space<vmem_shared>> -> memref<128x128xf32, #tpu.memory_space<vmem_shared>>
      %dma_wait3A_86 = arith.constant 0 : i32
      %dma_wait3A_87 = arith.constant 0 : i32
      %dma_wait3A_88 = tpu.memref_slice %arg11[%dma_wait3A_86, %dma_wait3A_87] : memref<128x128xf32, #tpu.memory_space<vmem>> -> memref<128x128xf32, #tpu.memory_space<vmem>>
      %dma_wait3A_89 = arith.constant 0 : i32
      %dma_wait3A_90 = tpu.memref_slice %arg6[%add3A_62, %dma_wait3A_89] : memref<10240x128xf32, #tpu.memory_space<vmem_shared>> -> memref<128x128xf32, #tpu.memory_space<vmem_shared>>
      tpu.wait_dma2 semaphore(%run_scoped3A : memref<!tpu.dma_semaphore, #tpu.memory_space<semaphore_mem>>) src(%dma_wait3A_90 : memref<128x128xf32, #tpu.memory_space<vmem_shared>>) dst(%dma_wait3A_88 : memref<128x128xf32, #tpu.memory_space<vmem>>)
      tpu.yield
    }) : () -> ()
    %mul3A_63 = arith.constant 10240 : i32
    %mul3A_64 = arith.muli %arg0, %mul3A_63 : i32
    %add3A_65 = arith.addi %mul3A_64, %add3A_62 : i32
    "tpu.region"() ({
      %run_scoped3A = tpu.sem_alloc : memref<!tpu.dma_semaphore, #tpu.memory_space<semaphore_mem>>
      %dma_start3A = arith.constant 0 : i32
      %dma_start3A_73 = arith.constant 0 : i32
      %dma_start3A_74 = tpu.memref_slice %arg11[%dma_start3A, %dma_start3A_73] : memref<128x128xf32, #tpu.memory_space<vmem>> -> memref<128x128xf32, #tpu.memory_space<vmem>>
      %dma_start3A_75 = arith.constant 0 : i32
      %dma_start3A_76 = tpu.memref_slice %arg5[%add3A_65, %dma_start3A_75] : memref<20480x128xf32, #tpu.memory_space<hbm>> -> memref<128x128xf32, #tpu.memory_space<hbm>>
      %dma_start3A_77 = arith.constant 0 : i32
      %dma_start3A_78 = tpu.memref_slice %arg5[%add3A_65, %dma_start3A_77] : memref<20480x128xf32, #tpu.memory_space<hbm>> -> memref<128x128xf32, #tpu.memory_space<hbm>>
      %dma_start3A_79 = arith.constant 0 : i32
      %dma_start3A_80 = arith.constant 0 : i32
      %dma_start3A_81 = tpu.memref_slice %arg11[%dma_start3A_79, %dma_start3A_80] : memref<128x128xf32, #tpu.memory_space<vmem>> -> memref<128x128xf32, #tpu.memory_space<vmem>>
      tpu.enqueue_dma source(%dma_start3A_81 : memref<128x128xf32, #tpu.memory_space<vmem>>) target(%dma_start3A_78 : memref<128x128xf32, #tpu.memory_space<hbm>>) target_semaphore(%run_scoped3A : memref<!tpu.dma_semaphore, #tpu.memory_space<semaphore_mem>>)
      %dma_wait3A = arith.constant 0 : i32
      %dma_wait3A_82 = arith.constant 0 : i32
      %dma_wait3A_83 = tpu.memref_slice %arg11[%dma_wait3A, %dma_wait3A_82] : memref<128x128xf32, #tpu.memory_space<vmem>> -> memref<128x128xf32, #tpu.memory_space<vmem>>
      %dma_wait3A_84 = arith.constant 0 : i32
      %dma_wait3A_85 = tpu.memref_slice %arg5[%add3A_65, %dma_wait3A_84] : memref<20480x128xf32, #tpu.memory_space<hbm>> -> memref<128x128xf32, #tpu.memory_space<hbm>>
      %dma_wait3A_86 = arith.constant 0 : i32
      %dma_wait3A_87 = tpu.memref_slice %arg5[%add3A_65, %dma_wait3A_86] : memref<20480x128xf32, #tpu.memory_space<hbm>> -> memref<128x128xf32, #tpu.memory_space<hbm>>
      %dma_wait3A_88 = arith.constant 0 : i32
      %dma_wait3A_89 = arith.constant 0 : i32
      %dma_wait3A_90 = tpu.memref_slice %arg11[%dma_wait3A_88, %dma_wait3A_89] : memref<128x128xf32, #tpu.memory_space<vmem>> -> memref<128x128xf32, #tpu.memory_space<vmem>>
      tpu.wait_dma2 semaphore(%run_scoped3A : memref<!tpu.dma_semaphore, #tpu.memory_space<semaphore_mem>>) src(%dma_wait3A_90 : memref<128x128xf32, #tpu.memory_space<vmem>>) dst(%dma_wait3A_87 : memref<128x128xf32, #tpu.memory_space<hbm>>)
      tpu.yield
    }) : () -> ()
    %mul3A_66 = arith.constant 640 : i32
    %mul3A_67 = arith.muli %arg1, %mul3A_66 : i32
    %add3A_68 = arith.constant 512 : i32
    %add3A_69 = arith.addi %mul3A_67, %add3A_68 : i32
    "tpu.region"() ({
      %run_scoped3A = tpu.sem_alloc : memref<!tpu.dma_semaphore, #tpu.memory_space<semaphore_mem>>
      %dma_start3A = arith.constant 0 : i32
      %dma_start3A_73 = arith.constant 0 : i32
      %dma_start3A_74 = tpu.memref_slice %arg11[%dma_start3A, %dma_start3A_73] : memref<128x128xf32, #tpu.memory_space<vmem>> -> memref<128x128xf32, #tpu.memory_space<vmem>>
      %dma_start3A_75 = arith.constant 0 : i32
      %dma_start3A_76 = tpu.memref_slice %arg6[%add3A_69, %dma_start3A_75] : memref<10240x128xf32, #tpu.memory_space<vmem_shared>> -> memref<128x128xf32, #tpu.memory_space<vmem_shared>>
      %dma_start3A_77 = arith.constant 0 : i32
      %dma_start3A_78 = arith.constant 0 : i32
      %dma_start3A_79 = tpu.memref_slice %arg11[%dma_start3A_77, %dma_start3A_78] : memref<128x128xf32, #tpu.memory_space<vmem>> -> memref<128x128xf32, #tpu.memory_space<vmem>>
      %dma_start3A_80 = arith.constant 0 : i32
      %dma_start3A_81 = tpu.memref_slice %arg6[%add3A_69, %dma_start3A_80] : memref<10240x128xf32, #tpu.memory_space<vmem_shared>> -> memref<128x128xf32, #tpu.memory_space<vmem_shared>>
      tpu.enqueue_dma source(%dma_start3A_81 : memref<128x128xf32, #tpu.memory_space<vmem_shared>>) target(%dma_start3A_79 : memref<128x128xf32, #tpu.memory_space<vmem>>) target_semaphore(%run_scoped3A : memref<!tpu.dma_semaphore, #tpu.memory_space<semaphore_mem>>)
      %dma_wait3A = arith.constant 0 : i32
      %dma_wait3A_82 = arith.constant 0 : i32
      %dma_wait3A_83 = tpu.memref_slice %arg11[%dma_wait3A, %dma_wait3A_82] : memref<128x128xf32, #tpu.memory_space<vmem>> -> memref<128x128xf32, #tpu.memory_space<vmem>>
      %dma_wait3A_84 = arith.constant 0 : i32
      %dma_wait3A_85 = tpu.memref_slice %arg6[%add3A_69, %dma_wait3A_84] : memref<10240x128xf32, #tpu.memory_space<vmem_shared>> -> memref<128x128xf32, #tpu.memory_space<vmem_shared>>
      %dma_wait3A_86 = arith.constant 0 : i32
      %dma_wait3A_87 = arith.constant 0 : i32
      %dma_wait3A_88 = tpu.memref_slice %arg11[%dma_wait3A_86, %dma_wait3A_87] : memref<128x128xf32, #tpu.memory_space<vmem>> -> memref<128x128xf32, #tpu.memory_space<vmem>>
      %dma_wait3A_89 = arith.constant 0 : i32
      %dma_wait3A_90 = tpu.memref_slice %arg6[%add3A_69, %dma_wait3A_89] : memref<10240x128xf32, #tpu.memory_space<vmem_shared>> -> memref<128x128xf32, #tpu.memory_space<vmem_shared>>
      tpu.wait_dma2 semaphore(%run_scoped3A : memref<!tpu.dma_semaphore, #tpu.memory_space<semaphore_mem>>) src(%dma_wait3A_90 : memref<128x128xf32, #tpu.memory_space<vmem_shared>>) dst(%dma_wait3A_88 : memref<128x128xf32, #tpu.memory_space<vmem>>)
      tpu.yield
    }) : () -> ()
    %mul3A_70 = arith.constant 10240 : i32
    %mul3A_71 = arith.muli %arg0, %mul3A_70 : i32
    %add3A_72 = arith.addi %mul3A_71, %add3A_69 : i32
    "tpu.region"() ({
      %run_scoped3A = tpu.sem_alloc : memref<!tpu.dma_semaphore, #tpu.memory_space<semaphore_mem>>
      %dma_start3A = arith.constant 0 : i32
      %dma_start3A_73 = arith.constant 0 : i32
      %dma_start3A_74 = tpu.memref_slice %arg11[%dma_start3A, %dma_start3A_73] : memref<128x128xf32, #tpu.memory_space<vmem>> -> memref<128x128xf32, #tpu.memory_space<vmem>>
      %dma_start3A_75 = arith.constant 0 : i32
      %dma_start3A_76 = tpu.memref_slice %arg5[%add3A_72, %dma_start3A_75] : memref<20480x128xf32, #tpu.memory_space<hbm>> -> memref<128x128xf32, #tpu.memory_space<hbm>>
      %dma_start3A_77 = arith.constant 0 : i32
      %dma_start3A_78 = tpu.memref_slice %arg5[%add3A_72, %dma_start3A_77] : memref<20480x128xf32, #tpu.memory_space<hbm>> -> memref<128x128xf32, #tpu.memory_space<hbm>>
      %dma_start3A_79 = arith.constant 0 : i32
      %dma_start3A_80 = arith.constant 0 : i32
      %dma_start3A_81 = tpu.memref_slice %arg11[%dma_start3A_79, %dma_start3A_80] : memref<128x128xf32, #tpu.memory_space<vmem>> -> memref<128x128xf32, #tpu.memory_space<vmem>>
      tpu.enqueue_dma source(%dma_start3A_81 : memref<128x128xf32, #tpu.memory_space<vmem>>) target(%dma_start3A_78 : memref<128x128xf32, #tpu.memory_space<hbm>>) target_semaphore(%run_scoped3A : memref<!tpu.dma_semaphore, #tpu.memory_space<semaphore_mem>>)
      %dma_wait3A = arith.constant 0 : i32
      %dma_wait3A_82 = arith.constant 0 : i32
      %dma_wait3A_83 = tpu.memref_slice %arg11[%dma_wait3A, %dma_wait3A_82] : memref<128x128xf32, #tpu.memory_space<vmem>> -> memref<128x128xf32, #tpu.memory_space<vmem>>
      %dma_wait3A_84 = arith.constant 0 : i32
      %dma_wait3A_85 = tpu.memref_slice %arg5[%add3A_72, %dma_wait3A_84] : memref<20480x128xf32, #tpu.memory_space<hbm>> -> memref<128x128xf32, #tpu.memory_space<hbm>>
      %dma_wait3A_86 = arith.constant 0 : i32
      %dma_wait3A_87 = tpu.memref_slice %arg5[%add3A_72, %dma_wait3A_86] : memref<20480x128xf32, #tpu.memory_space<hbm>> -> memref<128x128xf32, #tpu.memory_space<hbm>>
      %dma_wait3A_88 = arith.constant 0 : i32
      %dma_wait3A_89 = arith.constant 0 : i32
      %dma_wait3A_90 = tpu.memref_slice %arg11[%dma_wait3A_88, %dma_wait3A_89] : memref<128x128xf32, #tpu.memory_space<vmem>> -> memref<128x128xf32, #tpu.memory_space<vmem>>
      tpu.wait_dma2 semaphore(%run_scoped3A : memref<!tpu.dma_semaphore, #tpu.memory_space<semaphore_mem>>) src(%dma_wait3A_90 : memref<128x128xf32, #tpu.memory_space<vmem>>) dst(%dma_wait3A_87 : memref<128x128xf32, #tpu.memory_space<hbm>>)
      tpu.yield
    }) : () -> ()
    return
  }
}

module attributes {stable_mosaic.version = 14 : i64} {
  func.func @body(%arg0: i32, %arg1: memref<1x400x128xf32, #tpu.memory_space<vmem>>, %arg2: memref<1x400x128xf32, #tpu.memory_space<vmem>>, %arg3: memref<400x256xf32, #tpu.memory_space<vmem>>, %arg4: memref<128x256xf32, #tpu.memory_space<vmem>>, %arg5: memref<256x256xf32, #tpu.memory_space<vmem>>, %arg6: memref<2x400x128xf32, #tpu.memory_space<vmem>>) attributes {dimension_semantics = [#tpu.dimension_semantics<arbitrary>], iteration_bounds = array<i64: 25>, scalar_prefetch = 0 : i64, scratch_operands = 0 : i64, tpu.core_type = #tpu.core_type<tc>, window_params = [{transform_indices = @transform_0, window_bounds = array<i64: 1, 400, 128>}, {transform_indices = @transform_1, window_bounds = array<i64: 1, 400, 128>}, {transform_indices = @transform_2, window_bounds = array<i64: 400, 256>}, {pipeline_mode = #tpu.pipeline_mode<synchronous>, transform_indices = @transform_3, window_bounds = array<i64: 128, 256>}, {pipeline_mode = #tpu.pipeline_mode<synchronous>, transform_indices = @transform_4, window_bounds = array<i64: 256, 256>}, {transform_indices = @transform_5, window_bounds = array<i64: 2, 400, 128>}]} {
    %get3A = arith.constant 0 : index
    %get3A_0 = arith.constant 0 : index
    %get3A_1 = arith.constant 0 : index
    %get3A_2 = vector.load %arg1[%get3A, %get3A_0, %get3A_1] : memref<1x400x128xf32, #tpu.memory_space<vmem>>, vector<1x400x128xf32>
    %get3A_3 = vector.shape_cast %get3A_2 : vector<1x400x128xf32> to vector<400x128xf32>
    %get3A_4 = arith.constant 0 : index
    %get3A_5 = arith.constant 0 : index
    %get3A_6 = arith.constant 0 : index
    %get3A_7 = vector.load %arg2[%get3A_4, %get3A_5, %get3A_6] : memref<1x400x128xf32, #tpu.memory_space<vmem>>, vector<1x400x128xf32>
    %get3A_8 = vector.shape_cast %get3A_7 : vector<1x400x128xf32> to vector<400x128xf32>
    %add3A = arith.addf %get3A_3, %get3A_8 : vector<400x128xf32>
    %get3A_9 = arith.constant 0 : index
    %get3A_10 = arith.constant 0 : index
    %get3A_11 = vector.load %arg4[%get3A_9, %get3A_10] : memref<128x256xf32, #tpu.memory_space<vmem>>, vector<128x256xf32>
    %dot_general3A = arith.constant dense<0.000000e+00> : vector<400x256xf32>
    %dot_general3A_12 = tpu.matmul %add3A, %get3A_11, %dot_general3A {dimension_numbers = #tpu.dot_dimension_numbers<[1], [0], [0], [1], [0, 0, 1, 1], [], []>, transpose_lhs_hint = false} : vector<400x128xf32>, vector<128x256xf32>, vector<400x256xf32> -> vector<400x256xf32>
    %max3A = arith.constant 0.000000e+00 : f32
    %max3A_13 = vector.broadcast %max3A : f32 to vector<400x256xf32>
    %max3A_14 = arith.maximumf %dot_general3A_12, %max3A_13 : vector<400x256xf32>
    %get3A_15 = arith.constant 0 : index
    %get3A_16 = arith.constant 0 : index
    %get3A_17 = vector.load %arg3[%get3A_15, %get3A_16] : memref<400x256xf32, #tpu.memory_space<vmem>>, vector<400x256xf32>
    %add3A_18 = arith.addf %max3A_14, %get3A_17 : vector<400x256xf32>
    %mul3A = arith.constant 5.000000e-01 : f32
    %mul3A_19 = vector.broadcast %mul3A : f32 to vector<400x256xf32>
    %mul3A_20 = arith.mulf %mul3A_19, %add3A_18 : vector<400x256xf32>
    %get3A_21 = arith.constant 0 : index
    %get3A_22 = arith.constant 0 : index
    %get3A_23 = vector.load %arg5[%get3A_21, %get3A_22] : memref<256x256xf32, #tpu.memory_space<vmem>>, vector<256x256xf32>
    %dot_general3A_24 = arith.constant dense<0.000000e+00> : vector<400x256xf32>
    %dot_general3A_25 = tpu.matmul %mul3A_20, %get3A_23, %dot_general3A_24 {dimension_numbers = #tpu.dot_dimension_numbers<[1], [0], [0], [1], [0, 0, 1, 1], [], []>, transpose_lhs_hint = false} : vector<400x256xf32>, vector<256x256xf32>, vector<400x256xf32> -> vector<400x256xf32>
    %slice3A = vector.extract_strided_slice %dot_general3A_25 {offsets = [0, 0], sizes = [400, 128], strides = [1, 1]} : vector<400x256xf32> to vector<400x128xf32>
    %swap3A = arith.constant 0 : index
    %swap3A_26 = arith.constant 0 : index
    %swap3A_27 = arith.constant 0 : index
    %swap3A_28 = vector.load %arg6[%swap3A, %swap3A_26, %swap3A_27] : memref<2x400x128xf32, #tpu.memory_space<vmem>>, vector<1x400x128xf32>
    %swap3A_29 = vector.shape_cast %swap3A_28 : vector<1x400x128xf32> to vector<400x128xf32>
    %swap3A_30 = vector.shape_cast %slice3A : vector<400x128xf32> to vector<1x400x128xf32>
    tpu.vector_store %arg6[%swap3A, %swap3A_26, %swap3A_27], %swap3A_30 {strides = array<i32>} : memref<2x400x128xf32, #tpu.memory_space<vmem>>, vector<1x400x128xf32>,
    %slice3A_31 = vector.extract_strided_slice %dot_general3A_25 {offsets = [0, 128], sizes = [400, 128], strides = [1, 1]} : vector<400x256xf32> to vector<400x128xf32>
    %swap3A_32 = arith.constant 1 : index
    %swap3A_33 = arith.constant 0 : index
    %swap3A_34 = arith.constant 0 : index
    %swap3A_35 = vector.load %arg6[%swap3A_32, %swap3A_33, %swap3A_34] : memref<2x400x128xf32, #tpu.memory_space<vmem>>, vector<1x400x128xf32>
    %swap3A_36 = vector.shape_cast %swap3A_35 : vector<1x400x128xf32> to vector<400x128xf32>
    %swap3A_37 = vector.shape_cast %slice3A_31 : vector<400x128xf32> to vector<1x400x128xf32>
    tpu.vector_store %arg6[%swap3A_32, %swap3A_33, %swap3A_34], %swap3A_37 {strides = array<i32>} : memref<2x400x128xf32, #tpu.memory_space<vmem>>, vector<1x400x128xf32>,
    return
  }
  func.func @transform_0(%arg0: i32) -> (i32, i32, i32) {
    %c0_i32 = arith.constant 0 : i32
    %c0_i32_0 = arith.constant 0 : i32
    %c0_i32_1 = arith.constant 0 : i32
    return %c0_i32, %arg0, %c0_i32_0 : i32, i32, i32
  }
  func.func @transform_1(%arg0: i32) -> (i32, i32, i32) {
    %c1_i32 = arith.constant 1 : i32
    %c0_i32 = arith.constant 0 : i32
    %c0_i32_0 = arith.constant 0 : i32
    return %c1_i32, %arg0, %c0_i32 : i32, i32, i32
  }
  func.func @transform_2(%arg0: i32) -> (i32, i32) {
    %c0_i32 = arith.constant 0 : i32
    %c0_i32_0 = arith.constant 0 : i32
    return %arg0, %c0_i32 : i32, i32
  }
  func.func @transform_3(%arg0: i32) -> (i32, i32) {
    %c0_i32 = arith.constant 0 : i32
    %c0_i32_0 = arith.constant 0 : i32
    %c0_i32_1 = arith.constant 0 : i32
    return %c0_i32, %c0_i32_0 : i32, i32
  }
  func.func @transform_4(%arg0: i32) -> (i32, i32) {
    %c0_i32 = arith.constant 0 : i32
    %c0_i32_0 = arith.constant 0 : i32
    %c0_i32_1 = arith.constant 0 : i32
    return %c0_i32, %c0_i32_0 : i32, i32
  }
  func.func @transform_5(%arg0: i32) -> (i32, i32, i32) {
    %c0_i32 = arith.constant 0 : i32
    %c0_i32_0 = arith.constant 0 : i32
    %c0_i32_1 = arith.constant 0 : i32
    return %c0_i32, %arg0, %c0_i32_0 : i32, i32, i32
  }
}

module attributes {stable_mosaic.version = 14 : i64} {
  func.func @body(%arg0: i32, %arg1: memref<1x400x128xf32, #tpu.memory_space<vmem>>, %arg2: memref<1x400x128xf32, #tpu.memory_space<vmem>>, %arg3: memref<400x256xf32, #tpu.memory_space<vmem>>, %arg4: memref<256x128xf32, #tpu.memory_space<vmem>>, %arg5: memref<400x128xf32, #tpu.memory_space<vmem>>) attributes {dimension_semantics = [#tpu.dimension_semantics<arbitrary>], iteration_bounds = array<i64: 25>, scalar_prefetch = 0 : i64, scratch_operands = 0 : i64, tpu.core_type = #tpu.core_type<tc>, window_params = [{transform_indices = @transform_0, window_bounds = array<i64: 1, 400, 128>}, {transform_indices = @transform_1, window_bounds = array<i64: 1, 400, 128>}, {transform_indices = @transform_2, window_bounds = array<i64: 400, 256>}, {pipeline_mode = #tpu.pipeline_mode<synchronous>, transform_indices = @transform_3, window_bounds = array<i64: 256, 128>}, {transform_indices = @transform_4, window_bounds = array<i64: 400, 128>}]} {
    %get3A = arith.constant 0 : index
    %get3A_0 = arith.constant 0 : index
    %get3A_1 = arith.constant 0 : index
    %get3A_2 = vector.load %arg1[%get3A, %get3A_0, %get3A_1] : memref<1x400x128xf32, #tpu.memory_space<vmem>>, vector<1x400x128xf32>
    %get3A_3 = vector.shape_cast %get3A_2 : vector<1x400x128xf32> to vector<400x128xf32>
    %max3A = arith.constant 0.000000e+00 : f32
    %max3A_4 = vector.broadcast %max3A : f32 to vector<400x128xf32>
    %max3A_5 = arith.maximumf %get3A_3, %max3A_4 : vector<400x128xf32>
    %get3A_6 = arith.constant 0 : index
    %get3A_7 = arith.constant 0 : index
    %get3A_8 = vector.load %arg3[%get3A_6, %get3A_7] : memref<400x256xf32, #tpu.memory_space<vmem>>, vector<400x128xf32>
    %add3A = arith.addf %max3A_5, %get3A_8 : vector<400x128xf32>
    %mul3A = arith.constant 5.000000e-01 : f32
    %mul3A_9 = vector.broadcast %mul3A : f32 to vector<400x128xf32>
    %mul3A_10 = arith.mulf %mul3A_9, %add3A : vector<400x128xf32>
    %get3A_11 = arith.constant 0 : index
    %get3A_12 = arith.constant 0 : index
    %get3A_13 = arith.constant 0 : index
    %get3A_14 = vector.load %arg2[%get3A_11, %get3A_12, %get3A_13] : memref<1x400x128xf32, #tpu.memory_space<vmem>>, vector<1x400x128xf32>
    %get3A_15 = vector.shape_cast %get3A_14 : vector<1x400x128xf32> to vector<400x128xf32>
    %max3A_16 = arith.constant 0.000000e+00 : f32
    %max3A_17 = vector.broadcast %max3A_16 : f32 to vector<400x128xf32>
    %max3A_18 = arith.maximumf %get3A_15, %max3A_17 : vector<400x128xf32>
    %get3A_19 = arith.constant 0 : index
    %get3A_20 = arith.constant 128 : index
    %get3A_21 = vector.load %arg3[%get3A_19, %get3A_20] : memref<400x256xf32, #tpu.memory_space<vmem>>, vector<400x128xf32>
    %add3A_22 = arith.addf %max3A_18, %get3A_21 : vector<400x128xf32>
    %mul3A_23 = arith.constant 5.000000e-01 : f32
    %mul3A_24 = vector.broadcast %mul3A_23 : f32 to vector<400x128xf32>
    %mul3A_25 = arith.mulf %mul3A_24, %add3A_22 : vector<400x128xf32>
    %get3A_26 = arith.constant 0 : index
    %get3A_27 = arith.constant 0 : index
    %get3A_28 = vector.load %arg4[%get3A_26, %get3A_27] : memref<256x128xf32, #tpu.memory_space<vmem>>, vector<128x128xf32>
    %dot_general3A = arith.constant dense<0.000000e+00> : vector<400x128xf32>
    %dot_general3A_29 = tpu.matmul %mul3A_10, %get3A_28, %dot_general3A {dimension_numbers = #tpu.dot_dimension_numbers<[1], [0], [0], [1], [0, 0, 1, 1], [], []>, transpose_lhs_hint = false} : vector<400x128xf32>, vector<128x128xf32>, vector<400x128xf32> -> vector<400x128xf32>
    %get3A_30 = arith.constant 128 : index
    %get3A_31 = arith.constant 0 : index
    %get3A_32 = vector.load %arg4[%get3A_30, %get3A_31] : memref<256x128xf32, #tpu.memory_space<vmem>>, vector<128x128xf32>
    %dot_general3A_33 = arith.constant dense<0.000000e+00> : vector<400x128xf32>
    %dot_general3A_34 = tpu.matmul %mul3A_25, %get3A_32, %dot_general3A_33 {dimension_numbers = #tpu.dot_dimension_numbers<[1], [0], [0], [1], [0, 0, 1, 1], [], []>, transpose_lhs_hint = false} : vector<400x128xf32>, vector<128x128xf32>, vector<400x128xf32> -> vector<400x128xf32>
    %add3A_35 = arith.addf %dot_general3A_29, %dot_general3A_34 : vector<400x128xf32>
    %swap3A = arith.constant 0 : index
    %swap3A_36 = arith.constant 0 : index
    %swap3A_37 = vector.load %arg5[%swap3A, %swap3A_36] : memref<400x128xf32, #tpu.memory_space<vmem>>, vector<400x128xf32>
    tpu.vector_store %arg5[%swap3A, %swap3A_36], %add3A_35 {strides = array<i32>} : memref<400x128xf32, #tpu.memory_space<vmem>>, vector<400x128xf32>,
    return
  }
  func.func @transform_0(%arg0: i32) -> (i32, i32, i32) {
    %c0_i32 = arith.constant 0 : i32
    %c0_i32_0 = arith.constant 0 : i32
    %c0_i32_1 = arith.constant 0 : i32
    return %c0_i32, %arg0, %c0_i32_0 : i32, i32, i32
  }
  func.func @transform_1(%arg0: i32) -> (i32, i32, i32) {
    %c1_i32 = arith.constant 1 : i32
    %c0_i32 = arith.constant 0 : i32
    %c0_i32_0 = arith.constant 0 : i32
    return %c1_i32, %arg0, %c0_i32 : i32, i32, i32
  }
  func.func @transform_2(%arg0: i32) -> (i32, i32) {
    %c0_i32 = arith.constant 0 : i32
    %c0_i32_0 = arith.constant 0 : i32
    return %arg0, %c0_i32 : i32, i32
  }
  func.func @transform_3(%arg0: i32) -> (i32, i32) {
    %c0_i32 = arith.constant 0 : i32
    %c0_i32_0 = arith.constant 0 : i32
    %c0_i32_1 = arith.constant 0 : i32
    return %c0_i32, %c0_i32_0 : i32, i32
  }
  func.func @transform_4(%arg0: i32) -> (i32, i32) {
    %c0_i32 = arith.constant 0 : i32
    %c0_i32_0 = arith.constant 0 : i32
    return %arg0, %c0_i32 : i32, i32
  }
}

module attributes {stable_mosaic.version = 14 : i64} {
  func.func @body(%arg0: i32, %arg1: memref<1x400x128xf32, #tpu.memory_space<vmem>>, %arg2: memref<1x400x128xf32, #tpu.memory_space<vmem>>, %arg3: memref<400x128xf32, #tpu.memory_space<vmem>>, %arg4: memref<128x32xf32, #tpu.memory_space<vmem>>, %arg5: memref<400x128xf32, #tpu.memory_space<vmem>>) attributes {dimension_semantics = [#tpu.dimension_semantics<arbitrary>], iteration_bounds = array<i64: 25>, scalar_prefetch = 0 : i64, scratch_operands = 0 : i64, tpu.core_type = #tpu.core_type<tc>, window_params = [{transform_indices = @transform_0, window_bounds = array<i64: 1, 400, 128>}, {transform_indices = @transform_1, window_bounds = array<i64: 1, 400, 128>}, {transform_indices = @transform_2, window_bounds = array<i64: 400, 128>}, {pipeline_mode = #tpu.pipeline_mode<synchronous>, transform_indices = @transform_3, window_bounds = array<i64: 128, 32>}, {transform_indices = @transform_4, window_bounds = array<i64: 400, 128>}]} {
    %get3A = arith.constant 0 : index
    %get3A_0 = arith.constant 0 : index
    %get3A_1 = arith.constant 0 : index
    %get3A_2 = vector.load %arg1[%get3A, %get3A_0, %get3A_1] : memref<1x400x128xf32, #tpu.memory_space<vmem>>, vector<1x400x128xf32>
    %get3A_3 = vector.shape_cast %get3A_2 : vector<1x400x128xf32> to vector<400x128xf32>
    %get3A_4 = arith.constant 0 : index
    %get3A_5 = arith.constant 0 : index
    %get3A_6 = arith.constant 0 : index
    %get3A_7 = vector.load %arg2[%get3A_4, %get3A_5, %get3A_6] : memref<1x400x128xf32, #tpu.memory_space<vmem>>, vector<1x400x128xf32>
    %get3A_8 = vector.shape_cast %get3A_7 : vector<1x400x128xf32> to vector<400x128xf32>
    %add3A = arith.addf %get3A_3, %get3A_8 : vector<400x128xf32>
    %max3A = arith.constant 0.000000e+00 : f32
    %max3A_9 = vector.broadcast %max3A : f32 to vector<400x128xf32>
    %max3A_10 = arith.maximumf %add3A, %max3A_9 : vector<400x128xf32>
    %get3A_11 = arith.constant 0 : index
    %get3A_12 = arith.constant 0 : index
    %get3A_13 = vector.load %arg3[%get3A_11, %get3A_12] : memref<400x128xf32, #tpu.memory_space<vmem>>, vector<400x128xf32>
    %add3A_14 = arith.addf %max3A_10, %get3A_13 : vector<400x128xf32>
    %mul3A = arith.constant 5.000000e-01 : f32
    %mul3A_15 = vector.broadcast %mul3A : f32 to vector<400x128xf32>
    %mul3A_16 = arith.mulf %mul3A_15, %add3A_14 : vector<400x128xf32>
    %get3A_17 = arith.constant 0 : index
    %get3A_18 = arith.constant 0 : index
    %get3A_19 = vector.load %arg4[%get3A_17, %get3A_18] : memref<128x32xf32, #tpu.memory_space<vmem>>, vector<128x32xf32>
    %dot_general3A = arith.constant dense<0.000000e+00> : vector<400x32xf32>
    %dot_general3A_20 = tpu.matmul %mul3A_16, %get3A_19, %dot_general3A {dimension_numbers = #tpu.dot_dimension_numbers<[1], [0], [0], [1], [0, 0, 1, 1], [], []>, transpose_lhs_hint = false} : vector<400x128xf32>, vector<128x32xf32>, vector<400x32xf32> -> vector<400x32xf32>
    %broadcast_in_dim3A = arith.constant 0.000000e+00 : f32
    %broadcast_in_dim3A_21 = vector.broadcast %broadcast_in_dim3A : f32 to vector<400x128xf32>
    %swap3A = arith.constant 0 : index
    %swap3A_22 = arith.constant 0 : index
    %swap3A_23 = vector.load %arg5[%swap3A, %swap3A_22] : memref<400x128xf32, #tpu.memory_space<vmem>>, vector<400x128xf32>
    tpu.vector_store %arg5[%swap3A, %swap3A_22], %broadcast_in_dim3A_21 {strides = array<i32>} : memref<400x128xf32, #tpu.memory_space<vmem>>, vector<400x128xf32>,
    %swap3A_24 = arith.constant 0 : index
    %swap3A_25 = arith.constant 0 : index
    %swap3A_26 = vector.load %arg5[%swap3A_24, %swap3A_25] : memref<400x128xf32, #tpu.memory_space<vmem>>, vector<400x32xf32>
    tpu.vector_store %arg5[%swap3A_24, %swap3A_25], %dot_general3A_20 {strides = array<i32>} : memref<400x128xf32, #tpu.memory_space<vmem>>, vector<400x32xf32>,
    return
  }
  func.func @transform_0(%arg0: i32) -> (i32, i32, i32) {
    %c0_i32 = arith.constant 0 : i32
    %c0_i32_0 = arith.constant 0 : i32
    %c0_i32_1 = arith.constant 0 : i32
    return %c0_i32, %arg0, %c0_i32_0 : i32, i32, i32
  }
  func.func @transform_1(%arg0: i32) -> (i32, i32, i32) {
    %c1_i32 = arith.constant 1 : i32
    %c0_i32 = arith.constant 0 : i32
    %c0_i32_0 = arith.constant 0 : i32
    return %c1_i32, %arg0, %c0_i32 : i32, i32, i32
  }
  func.func @transform_2(%arg0: i32) -> (i32, i32) {
    %c0_i32 = arith.constant 0 : i32
    %c0_i32_0 = arith.constant 0 : i32
    return %arg0, %c0_i32 : i32, i32
  }
  func.func @transform_3(%arg0: i32) -> (i32, i32) {
    %c0_i32 = arith.constant 0 : i32
    %c0_i32_0 = arith.constant 0 : i32
    %c0_i32_1 = arith.constant 0 : i32
    return %c0_i32, %c0_i32_0 : i32, i32
  }
  func.func @transform_4(%arg0: i32) -> (i32, i32) {
    %c0_i32 = arith.constant 0 : i32
    %c0_i32_0 = arith.constant 0 : i32
    return %arg0, %c0_i32 : i32, i32
  }
}

module attributes {stable_mosaic.version = 14 : i64} {
  func.func @body(%arg0: i32, %arg1: memref<1x400x128xf32, #tpu.memory_space<vmem>>, %arg2: memref<1x400x128xf32, #tpu.memory_space<vmem>>, %arg3: memref<400x32xf32, #tpu.memory_space<vmem>>, %arg4: memref<400x128xf32, #tpu.memory_space<vmem>>) attributes {dimension_semantics = [#tpu.dimension_semantics<arbitrary>], iteration_bounds = array<i64: 25>, scalar_prefetch = 0 : i64, scratch_operands = 0 : i64, tpu.core_type = #tpu.core_type<tc>, window_params = [{transform_indices = @transform_0, window_bounds = array<i64: 1, 400, 128>}, {transform_indices = @transform_1, window_bounds = array<i64: 1, 400, 128>}, {transform_indices = @transform_2, window_bounds = array<i64: 400, 32>}, {transform_indices = @transform_3, window_bounds = array<i64: 400, 128>}]} {
    %get3A = arith.constant 0 : index
    %get3A_0 = arith.constant 0 : index
    %get3A_1 = arith.constant 0 : index
    %get3A_2 = vector.load %arg1[%get3A, %get3A_0, %get3A_1] : memref<1x400x128xf32, #tpu.memory_space<vmem>>, vector<1x400x128xf32>
    %get3A_3 = vector.shape_cast %get3A_2 : vector<1x400x128xf32> to vector<400x128xf32>
    %get3A_4 = arith.constant 0 : index
    %get3A_5 = arith.constant 0 : index
    %get3A_6 = arith.constant 0 : index
    %get3A_7 = vector.load %arg2[%get3A_4, %get3A_5, %get3A_6] : memref<1x400x128xf32, #tpu.memory_space<vmem>>, vector<1x400x128xf32>
    %get3A_8 = vector.shape_cast %get3A_7 : vector<1x400x128xf32> to vector<400x128xf32>
    %add3A = arith.addf %get3A_3, %get3A_8 : vector<400x128xf32>
    %slice3A = vector.extract_strided_slice %add3A {offsets = [0, 0], sizes = [400, 32], strides = [1, 1]} : vector<400x128xf32> to vector<400x32xf32>
    %max3A = arith.constant 0.000000e+00 : f32
    %max3A_9 = vector.broadcast %max3A : f32 to vector<400x32xf32>
    %max3A_10 = arith.maximumf %slice3A, %max3A_9 : vector<400x32xf32>
    %get3A_11 = arith.constant 0 : index
    %get3A_12 = arith.constant 0 : index
    %get3A_13 = vector.load %arg3[%get3A_11, %get3A_12] : memref<400x32xf32, #tpu.memory_space<vmem>>, vector<400x32xf32>
    %add3A_14 = arith.addf %max3A_10, %get3A_13 : vector<400x32xf32>
    %mul3A = arith.constant 5.000000e-01 : f32
    %mul3A_15 = vector.broadcast %mul3A : f32 to vector<400x32xf32>
    %mul3A_16 = arith.mulf %mul3A_15, %add3A_14 : vector<400x32xf32>
    %broadcast_in_dim3A = arith.constant 0.000000e+00 : f32
    %broadcast_in_dim3A_17 = vector.broadcast %broadcast_in_dim3A : f32 to vector<400x128xf32>
    %swap3A = arith.constant 0 : index
    %swap3A_18 = arith.constant 0 : index
    %swap3A_19 = vector.load %arg4[%swap3A, %swap3A_18] : memref<400x128xf32, #tpu.memory_space<vmem>>, vector<400x128xf32>
    tpu.vector_store %arg4[%swap3A, %swap3A_18], %broadcast_in_dim3A_17 {strides = array<i32>} : memref<400x128xf32, #tpu.memory_space<vmem>>, vector<400x128xf32>,
    %swap3A_20 = arith.constant 0 : index
    %swap3A_21 = arith.constant 0 : index
    %swap3A_22 = vector.load %arg4[%swap3A_20, %swap3A_21] : memref<400x128xf32, #tpu.memory_space<vmem>>, vector<400x32xf32>
    tpu.vector_store %arg4[%swap3A_20, %swap3A_21], %mul3A_16 {strides = array<i32>} : memref<400x128xf32, #tpu.memory_space<vmem>>, vector<400x32xf32>,
    return
  }
  func.func @transform_0(%arg0: i32) -> (i32, i32, i32) {
    %c0_i32 = arith.constant 0 : i32
    %c0_i32_0 = arith.constant 0 : i32
    %c0_i32_1 = arith.constant 0 : i32
    return %c0_i32, %arg0, %c0_i32_0 : i32, i32, i32
  }
  func.func @transform_1(%arg0: i32) -> (i32, i32, i32) {
    %c1_i32 = arith.constant 1 : i32
    %c0_i32 = arith.constant 0 : i32
    %c0_i32_0 = arith.constant 0 : i32
    return %c1_i32, %arg0, %c0_i32 : i32, i32, i32
  }
  func.func @transform_2(%arg0: i32) -> (i32, i32) {
    %c0_i32 = arith.constant 0 : i32
    %c0_i32_0 = arith.constant 0 : i32
    return %arg0, %c0_i32 : i32, i32
  }
  func.func @transform_3(%arg0: i32) -> (i32, i32) {
    %c0_i32 = arith.constant 0 : i32
    %c0_i32_0 = arith.constant 0 : i32
    return %arg0, %c0_i32 : i32, i32
  }
}

module attributes {stable_mosaic.version = 14 : i64} {
  func.func @body(%arg0: i32, %arg1: memref<1x400x128xf32, #tpu.memory_space<vmem>>, %arg2: memref<1x400x128xf32, #tpu.memory_space<vmem>>, %arg3: memref<32x16xf32, #tpu.memory_space<vmem>>, %arg4: memref<400x16xf32, #tpu.memory_space<vmem>>) attributes {dimension_semantics = [#tpu.dimension_semantics<arbitrary>], iteration_bounds = array<i64: 25>, scalar_prefetch = 0 : i64, scratch_operands = 0 : i64, tpu.core_type = #tpu.core_type<tc>, window_params = [{transform_indices = @transform_0, window_bounds = array<i64: 1, 400, 128>}, {transform_indices = @transform_1, window_bounds = array<i64: 1, 400, 128>}, {pipeline_mode = #tpu.pipeline_mode<synchronous>, transform_indices = @transform_2, window_bounds = array<i64: 32, 16>}, {transform_indices = @transform_3, window_bounds = array<i64: 400, 16>}]} {
    %get3A = arith.constant 0 : index
    %get3A_0 = arith.constant 0 : index
    %get3A_1 = arith.constant 0 : index
    %get3A_2 = vector.load %arg1[%get3A, %get3A_0, %get3A_1] : memref<1x400x128xf32, #tpu.memory_space<vmem>>, vector<1x400x128xf32>
    %get3A_3 = vector.shape_cast %get3A_2 : vector<1x400x128xf32> to vector<400x128xf32>
    %get3A_4 = arith.constant 0 : index
    %get3A_5 = arith.constant 0 : index
    %get3A_6 = arith.constant 0 : index
    %get3A_7 = vector.load %arg2[%get3A_4, %get3A_5, %get3A_6] : memref<1x400x128xf32, #tpu.memory_space<vmem>>, vector<1x400x128xf32>
    %get3A_8 = vector.shape_cast %get3A_7 : vector<1x400x128xf32> to vector<400x128xf32>
    %add3A = arith.addf %get3A_3, %get3A_8 : vector<400x128xf32>
    %slice3A = vector.extract_strided_slice %add3A {offsets = [0, 0], sizes = [400, 32], strides = [1, 1]} : vector<400x128xf32> to vector<400x32xf32>
    %get3A_9 = arith.constant 0 : index
    %get3A_10 = arith.constant 0 : index
    %get3A_11 = vector.load %arg3[%get3A_9, %get3A_10] : memref<32x16xf32, #tpu.memory_space<vmem>>, vector<32x16xf32>
    %dot_general3A = arith.constant dense<0.000000e+00> : vector<400x16xf32>
    %dot_general3A_12 = tpu.matmul %slice3A, %get3A_11, %dot_general3A {dimension_numbers = #tpu.dot_dimension_numbers<[1], [0], [0], [1], [0, 0, 1, 1], [], []>, transpose_lhs_hint = false} : vector<400x32xf32>, vector<32x16xf32>, vector<400x16xf32> -> vector<400x16xf32>
    %swap3A = arith.constant 0 : index
    %swap3A_13 = arith.constant 0 : index
    %swap3A_14 = vector.load %arg4[%swap3A, %swap3A_13] : memref<400x16xf32, #tpu.memory_space<vmem>>, vector<400x16xf32>
    tpu.vector_store %arg4[%swap3A, %swap3A_13], %dot_general3A_12 {strides = array<i32>} : memref<400x16xf32, #tpu.memory_space<vmem>>, vector<400x16xf32>,
    return
  }
  func.func @transform_0(%arg0: i32) -> (i32, i32, i32) {
    %c0_i32 = arith.constant 0 : i32
    %c0_i32_0 = arith.constant 0 : i32
    %c0_i32_1 = arith.constant 0 : i32
    return %c0_i32, %arg0, %c0_i32_0 : i32, i32, i32
  }
  func.func @transform_1(%arg0: i32) -> (i32, i32, i32) {
    %c1_i32 = arith.constant 1 : i32
    %c0_i32 = arith.constant 0 : i32
    %c0_i32_0 = arith.constant 0 : i32
    return %c1_i32, %arg0, %c0_i32 : i32, i32, i32
  }
  func.func @transform_2(%arg0: i32) -> (i32, i32) {
    %c0_i32 = arith.constant 0 : i32
    %c0_i32_0 = arith.constant 0 : i32
    %c0_i32_1 = arith.constant 0 : i32
    return %c0_i32, %c0_i32_0 : i32, i32
  }
  func.func @transform_3(%arg0: i32) -> (i32, i32) {
    %c0_i32 = arith.constant 0 : i32
    %c0_i32_0 = arith.constant 0 : i32
    return %arg0, %c0_i32 : i32, i32
  }
}

</mosaic_0001>

<sc_bundles>
// kernel: kernel.12.cloned.1.call-start
scs
__scs_entry_jumppad:
0x0: {  	(pc) =	sbr.rel $0x88, $3  }
0x1: {  	(tag) =	ssettag $0x0;
	lr =	simm.s32 $0x1  }
0x2: {  	[smem:$0x3F96] =	sst lr;
	_ =	strace $0xD0000000  }
0x3: {  	_ = 	snop  }
0x4: {  	_ = 	snop  }
0x5: {  	_ = 	snop  }
0x6: {  	_ = 	snop  }
0x7: {  	_ = 	snop  }
__scs_overlays_trampoline_lowered:
0x8: {  	[smem:$0x3FA5] =	sst s0  }
0x9: {  	[smem:$0x3FA6] =	sst s1  }
0xa: {  	[smem:$0x3FA7] =	sst s2  }
0xb: {  	[smem:$0x3FA8] =	sst s3  }
0xc: {  	[smem:$0x3FA9] =	sst s4  }
0xd: {  	[smem:$0x3FAA] =	sst s5  }
0xe: {  	[smem:$0x3FAB] =	sst s6  }
0xf: {  	[smem:$0x3FAC] =	sst s7  }
0x10: {  	[smem:$0x3FAD] =	sst s8  }
0x11: {  	[smem:$0x3FAE] =	sst s9;
	s0 =	simm.s32 @!p0 $0x0  }
0x12: {  	s1 =	sld [smem:$0x3F94];
	s0 =	simm.s32 @p0 $0x1  }
0x13: {  	[smem:$0x3FAF] =	sst s0;
	s0 =	simm.s32 @!p1 $0x0  }
0x14: {  	s2 =	sld [smem:$0x3F93];
	s0 =	simm.s32 @p1 $0x1  }
0x15: {  	[smem:$0x3FB0] =	sst s0;
	s0 =	simm.s32 @!p2 $0x0  }
0x16: {  	s3 =	sld [smem:$0x3FDB];
	s0 =	simm.s32 @p2 $0x1  }
0x17: {  	s4 =	simm.s32 $0x1BF5;
	[smem:$0x3FB2] =	sst s0  }
0x18: {  	s0 =	sld [smem:$0x3F95];
	_ =	swait.ge [sflag:s4], $0x0  }
0x19: {  	s7 =	sld [smem:$0x3F96]  }
0x1a: {  	s8 =	sadd.s32 $0xFFFFE003, lr  }
0x1b: {  	s9 =	sadd.s32 $0xFFFFFEF7, lr;
	s5 =	simm.s32 $0xFFFFFFFF;
	p2 =	slt.u32 s8, $0xFFFFF086  }
0x1c: {  	p1 =	slt.u32 s9, $0xF7A;
	s5 =	simm.s32 @!p2 $0x0  }
0x1d: {  	s5 =	simm.s32 @p1 $0x1;
	p0 =	seq.s32 s7, s2  }
0x1e: {  	s7 =	smul.u32 @!p0 $0xF7A, s2;
	p2 =	seq.s32 @!p0 s5, $0x0  }
0x1f: {  	s9 =	smul.u32 $0xF7A, s1;
	s8 =	simm.s32 @!p0 $0x1BF5;
	p2 =	por !p2, p0  }
0x20: {  	[sflag:s8] =	ssyncset.s32 @!p0 $0xFFFFF086;
	s6 =	sadd.s32 @!p0 s3, s7;
	s7 =	simm.s32 @!p0 $0x108  }
0x21: {  	s3 =	sadd.s32 s3, s9;
	s6 =	sadd.s32 @!p0 $0x88, s6;
	s7 =	simm.s32 @p2 $0x1082  }
0x22: {  	[simem:s7], [sflag:s8] =	dma.local @!p0 [hbm:s6], $0xF7A  }
0x23: {  	s9 =	sor.u32 $0xD0000000, s2;
	s6 =	simm.s32 $0x108;
	_ =	swait.ge @!p0 [sflag:s8], $0x0  }
0x24: {  	s3 =	sadd.s32 $0x88, s3;
	s6 =	simm.s32 @!p1 $0x1082;
	[sflag:s4] =	ssyncset.s32 $0xFFFFF086  }
0x25: {  	[simem:s6], [sflag:s4] =	dma.local [hbm:s3], $0xF7A  }
0x26: {  	[smem:$0x3F96] =	sst s1;
	(tag) =	ssettag s2;
	_ =	strace s9  }
0x27: {  	s1 =	sld [smem:$0x3FA6]  }
0x28: {  	s2 =	sld [smem:$0x3FA7]  }
0x29: {  	s4 =	sld [smem:$0x3FA9]  }
0x2a: {  	p0 =	seq.s32 s5, $0x0;
	s5 =	sld [smem:$0x3FAA]  }
0x2b: {  	s6 =	sld [smem:$0x3FAB]  }
0x2c: {  	s7 =	sld [smem:$0x3FAC]  }
0x2d: {  	s3 =	simm.s32 $0x108;
	s8 =	sld [smem:$0x3FAD]  }
0x2e: {  	s3 =	simm.s32 @!p0 $0x1082;
	s9 =	sld [smem:$0x3FAE]  }
0x2f: {  	lr =	sadd.s32 s0, s3;
	s0 =	sld [smem:$0x3FA5]  }
0x30: {  	s3 =	sld [smem:$0x3FA8]  }
0x31: {  	[smem:$0x3FB1] =	sst s10  }
0x32: {  	s10 =	sld [smem:$0x3FAF];
	_ =	sdelay $0x3  }
0x33: {  	p0 =	seq.s32 s10, $0x1;
	s10 =	sld [smem:$0x3FB1];
	_ =	sdelay $0x3  }
0x34: {  	[smem:$0x3FB1] =	sst s10  }
0x35: {  	s10 =	sld [smem:$0x3FB0];
	_ =	sdelay $0x3  }
0x36: {  	p1 =	seq.s32 s10, $0x1;
	s10 =	sld [smem:$0x3FB1];
	_ =	sdelay $0x3  }
0x37: {  	[smem:$0x3FB1] =	sst s10  }
0x38: {  	s10 =	sld [smem:$0x3FB2]  }
0x39: {  	_ = 	snop;
	(pc) =	sbr.ind lr, $3  }
0x3a: {  	_ = 	snop  }
0x3b: {  	_ = 	snop  }
0x3c: {  	p2 =	seq.s32 s10, $0x1;
	s10 =	sld [smem:$0x3FB1]  }
0x3d: {  	_ =	shalt  }
0x3e: {  	_ =	shalt  }
0x3f: {  	_ =	shalt  }
0x40: {  	_ =	shalt  }
0x41: {  	_ =	shalt  }
0x42: {  	_ =	shalt  }
0x43: {  	_ =	shalt  }
0x44: {  	_ =	shalt  }
0x45: {  	_ =	shalt  }
0x46: {  	_ =	shalt  }
0x47: {  	_ =	shalt  }
0x48: {  	_ =	shalt  }
0x49: {  	_ =	shalt  }
0x4a: {  	_ =	shalt  }
0x4b: {  	_ =	shalt  }
0x4c: {  	_ =	shalt  }
0x4d: {  	_ =	shalt  }
0x4e: {  	_ =	shalt  }
0x4f: {  	_ =	shalt  }
0x50: {  	_ =	shalt  }
0x51: {  	_ =	shalt  }
0x52: {  	_ =	shalt  }
0x53: {  	_ =	shalt  }
0x54: {  	_ =	shalt  }
0x55: {  	_ =	shalt  }
0x56: {  	_ =	shalt  }
0x57: {  	_ =	shalt  }
0x58: {  	_ =	shalt  }
0x59: {  	_ =	shalt  }
0x5a: {  	_ =	shalt  }
0x5b: {  	_ =	shalt  }
0x5c: {  	_ =	shalt  }
0x5d: {  	_ =	shalt  }
0x5e: {  	_ =	shalt  }
0x5f: {  	_ =	shalt  }
0x60: {  	_ =	shalt  }
0x61: {  	_ =	shalt  }
0x62: {  	_ =	shalt  }
0x63: {  	_ =	shalt  }
0x64: {  	_ =	shalt  }
0x65: {  	_ =	shalt  }
0x66: {  	_ =	shalt  }
0x67: {  	_ =	shalt  }
0x68: {  	_ =	shalt  }
0x69: {  	_ =	shalt  }
0x6a: {  	_ =	shalt  }
0x6b: {  	_ =	shalt  }
0x6c: {  	_ =	shalt  }
0x6d: {  	_ =	shalt  }
0x6e: {  	_ =	shalt  }
0x6f: {  	_ =	shalt  }
0x70: {  	_ =	shalt  }
0x71: {  	_ =	shalt  }
0x72: {  	_ =	shalt  }
0x73: {  	_ =	shalt  }
0x74: {  	_ =	shalt  }
0x75: {  	_ =	shalt  }
0x76: {  	_ =	shalt  }
0x77: {  	_ =	shalt  }
0x78: {  	_ =	shalt  }
0x79: {  	_ =	shalt  }
0x7a: {  	_ =	shalt  }
0x7b: {  	_ =	shalt  }
0x7c: {  	_ =	shalt  }
0x7d: {  	_ =	shalt  }
0x7e: {  	_ =	shalt  }
0x7f: {  	_ =	shalt  }
0x80: {  	_ =	shalt  }
0x81: {  	_ =	shalt  }
0x82: {  	_ =	shalt  }
0x83: {  	_ =	shalt  }
0x84: {  	_ =	shalt  }
0x85: {  	_ =	shalt  }
0x86: {  	_ =	shalt  }
0x87: {  	_ =	shalt  }
.Lfunc_end0:
.L_simem_size_0:
called_computation_lowered:
.L_overlay_start_0:
0x88: {  	s2 =	sld [smem:$0x3FD9]  }
0x89: {  	s3 =	sld [smem:$0x3FFE];
	_ =	sdelay $0x1  }
0x8a: {  	s1 =	srdreg.scid  }
0x8b: {  	s0 =	sand.u32 $0x1, s1  }
0x8c: {  	s17 =	sshll.u32 s0, $0xA;
	s2 =	sadd.s32 s3, s2  }
0x8d: {  	s2 =	sadd.s32 s2, s17  }
0x8e: {  	[smem:$0x3FBD] =	sst s2  }
0x8f: {  	_ = 	snop  }
0x90: {  	s2 =	sld [smem:$0x3FC9];
	(tm) =	ssettm $0x1  }
0x91: {  	s18 =	sld [smem:$0x3FFB];
	_ =	sdelay $0x3  }
0x92: {  	_ =	strace s18  }
0x93: {  	s3 =	sld [smem:$0x3FFC];
	_ =	sdelay $0x3  }
0x94: {  	_ =	strace s3  }
0x95: {  	s3 =	sld [smem:$0x3FFD];
	_ =	sdelay $0x3  }
0x96: {  	_ =	strace s3  }
0x97: {  	_ =	strace $0x8FFFFFFF  }
0x98: {  	s19 =	sld [smem:$0x3FDB];
	_ =	sdelay $0x1  }
0x99: {  	s4 =	simm.s32 $_scs_section_size  }
0x9a: {  	s5 =	simm.s32 $_size__tile_overlayer_lowered;
	s6 =	simm.s32 $_tile_overlayer_lowered  }
0x9b: {  	s22 =	simm.s32 $0x1BFF;
	s21 =	sshll.u32 s6, $0x1;
	s3 =	sadd.s32 s4, s19  }
0x9c: {  	s7 =	simm.s32 $0x0;
	s20 =	sshll.u32 s5, $0x1;
	s5 =	sadd.s32 s21, s3  }
0x9d: {  	[timem:s7], [sflag:s22] =	dma.local [hbm:s5], s20  }
0x9e: {  	_ =	swait.ge [sflag:s22], s20  }
0x9f: {  	s4 =	ssub.s32 $0x0, s20;
	[sflag:s22] =	ssyncset.done $0x0  }
0xa0: {  	[sflag:s22] =	ssyncadd.s32 s4;
	_ =	sdelay $0x1  }
0xa1: {  	s23 =	simm.s32 $0x1B8B  }
0xa2: {  	_ =	swait.ge [sflag:s23], $0x1  }
0xa3: {  	[sflag:s23] =	ssyncset.done $0x0  }
0xa4: {  	s25 =	simm.s32 $0x1B8E;
	s24 =	sld [smem:$0x3FFE];
	[sflag:s23] =	ssyncadd.s32 $0xFFFFFFFF  }
0xa5: {  	s26 =	simm.s32 $execute0_lowered;
	[smem:$0x3FD2] =	sst s25  }
0xa6: {  	s5 =	sshll.u32 s26, $0x1;
	_ =	strace $0x80000046;
	[dreg:$0x1] =	wrdreg $0xFFFFFFFF  }
0xa7: {  	s28 =	simm.s32 $_size_execute0_lowered;
	s3 =	sadd.s32 s3, s5;
	[dreg:$0x0] =	wrdreg $0x0  }
0xa8: {  	s5 =	sshll.u32 s28, $0x1;
	[dreg:$0x2] =	wrdreg s3  }
0xa9: {  	[dreg:$0x3] =	wrdreg s5  }
0xaa: {  	[dreg:$0x4] =	wrdreg $0xC0  }
0xab: {  	_ =	task [dreg:s7], $0x5FFFF  }
0xac: {  	[dreg:$0x1] =	wrdreg $0xFFFFFFFF  }
0xad: {  	[dreg:$0x0] =	wrdreg $0x60  }
0xae: {  	[dreg:$0x2] =	wrdreg s2  }
0xaf: {  	[dreg:$0x3] =	wrdreg s24  }
0xb0: {  	[dreg:$0x4] =	wrdreg $0x0  }
0xb1: {  	[dreg:$0x5] =	wrdreg $0x9  }
0xb2: {  	_ =	task.clear_ibuf [dreg:s7], $0x6FFFF;
	_ =	strace $0x90000046  }
0xb3: {  	s29 =	simm.s32 $0x9;
	_ =	strace $0x80000048  }
0xb4: {  	_ =	swait.ge [sflag:s29], $0x1  }
0xb5: {  	[sflag:s29] =	ssyncadd.s32 $0xFFFFFFFF  }
0xb6: {  	_ =	strace $0x90000048  }
0xb7: {  	_ =	sfence  }
0xb8: {  	s30 =	sld [smem:$0x0];
	_ =	sdelay $0x2  }
0xb9: {  	s31 =	sshll.u32 s1, $0xD;
	s1 =	sshrl.u32 s1, $0x2  }
0xba: {  	s3 =	sand.u32 $0x4000, s31;
	s1 =	sadd.s32 s1, s30  }
0xbb: {  	s0 =	sor.u32 s3, s0;
	s1 =	sshll.u32 s1, $0x11  }
0xbc: {  	s0 =	sor.u32 s1, s0  }
0xbd: {  	s0 =	sadd.s32 $0x8F2B, s0  }
0xbe: {  	[sflag:s0] =	ssyncadd.remote.s32 $0x1  }
0xbf: {  	_ =	sfence.sel $0xFFFF  }
0xc0: {  	[dreg:$0x0] =	wrdreg $0xFFFFFFFF;
	(pc) =	sbr.abs _section_cstart, $3  }
0xc1: {  	[dreg:$0x1] =	wrdreg $0xFFFFFFFF  }
0xc2: {  	_ =	task.clear_ibuf [dreg:s7], $0x2FFFF;
	_ =	strace $0x9FFFFFFF  }
0xc3: {  	(tm) =	ssettm $0x7FFFFFFF  }
tec
execute0_lowered:
.L_overlay_start_1:
0x0: {  	(tag) =	ssettag $0x1  }
0x1: {  	s1 =	rddreg [dreg:$0x0]  }
0x2: {  	s5 =	rddreg [dreg:$0x1]  }
0x3: {  	s0 =	srdreg.scid;
	s3 =	rddreg [dreg:$0x2]  }
0x4: {  	s2 =	rddreg [dreg:$0x3];
	s4 =	simm.s32 $0x0;
	s7 =	sand.u32 $0x1, s0  }
0x5: {  	s20 =	simm.s32 $0x14000;
	s0 =	stileid.u32;
	s6 =	smul.u32 $0x28000, s7  }
0x6: {  	s21 =	simm.s32 $0x14080;
	s22 =	simm.s32 $0x80;
	s8 =	smul.u32 $0x2800, s0  }
0x7: {  	[smem:$0x7FF] =	sst s4;
	s14 =	sadd.s32 $0x18800, s5;
	s9 =	smul.u32 $0x280, s0  }
0x8: {  	_ =	strace $0x80000047;
	s23 =	smul.u32 $0x50000, s0;
	s24 =	ssub.s32 $0x2, s7  }
0x9: {  	s16 =	smul.u32 $0x2800, s7;
	s25 =	sshrl.u32 s24, $0x1;
	s6 =	sadd.s32 s8, s6  }
0xa: {  	s8 =	sshrl.u32 s23, $0x2;
	s10 =	sadd.s32 $0x80, s9;
	s15 =	ssub.s32 s24, s25  }
0xb: {  	s12 =	sadd.s32 $0x100, s9;
	s13 =	sadd.s32 $0x180, s9;
	s18 =	sadd.s32 $0x200, s9  }
0xc: {  	s19 =	sadd.s32 s9, s16;
	s23 =	simm.s32 $0x1;
	s24 =	simm.s32 $0x0  }
0xd: {  	s6 =	sshrl.u32 s6, $0x3;
	s26 =	sshll.u32 s10, $0x7;
	s28 =	sshll.u32 s12, $0x7  }
0xe: {  	s11 =	sshll.u32 s13, $0x7;
	s29 =	sshll.u32 s18, $0x7;
	s10 =	sadd.s32 s16, s10  }
0xf: {  	s30 =	sshll.u32 s19, $0x4;
	s12 =	sadd.s32 s16, s12;
	s13 =	sadd.s32 s16, s13  }
0x10: {  	s16 =	sadd.s32 s16, s18;
	s15 =	smax.u32 s15, $0x1;
	s18 =	simm.s32 $0x14100  }
0x11: {  	s19 =	simm.s32 $0x2;
	s17 =	sadd.s32 s6, s5;
	s5 =	sadd.s32 s8, s3  }
0x12: {  	s6 =	sadd.s32 s26, s3;
	s7 =	sadd.s32 s28, s3;
	s8 =	sadd.s32 s11, s3  }
0x13: {  	s9 =	sadd.s32 s29, s3;
	s31 =	sshll.u32 s10, $0x4;
	s10 =	sadd.s32 s14, s30  }
0x14: {  	s12 =	sshll.u32 s12, $0x4;
	s13 =	sshll.u32 s13, $0x4;
	s16 =	sshll.u32 s16, $0x4  }
0x15: {  	s11 =	sadd.s32 s14, s31;
	s12 =	sadd.s32 s14, s12;
	s13 =	sadd.s32 s14, s13  }
0x16: {  	v0 =	vimm.f32 $0.0e+00;
	s14 =	sadd.s32 s14, s16;
	s16 =	sadd.s32 $0xE800, s17;
	s17 =	sadd.s32 $0x4800, s17  }
.LBB2_1:
0x17: {  	s25 =	simm.s32 $0x0;
	s26 =	simm.s32 $0x200  }
.LBB2_2:
0x18: {  	p0 =	sne.s32 s26, $0xFE00;
	[tilespmem:s25+$0x14170] =	vst v0  }
0x19: {  	[tilespmem:s25+$0x14100] =	vst v0  }
0x1a: {  	[tilespmem:s25+$0x14110] =	vst v0  }
.Ltmp0:
0x1b: {  	[tilespmem:s25+$0x14120] =	vst v0;
	(pc) =	sbr.rel @p0 .LBB2_2-.Ltmp0, $4  }
0x1c: {  	[tilespmem:s25+$0x14130] =	vst v0  }
0x1d: {  	[tilespmem:s25+$0x14140] =	vst v0  }
0x1e: {  	[tilespmem:s25+$0x14150] =	vst v0  }
0x1f: {  	[tilespmem:s25+$0x14160] =	vst v0;
	s25 =	sshra.s32 s26, $0x2;
	s26 =	sadd.s32 $0x200, s26  }
0x20: {  	[tilespmem:s25+$0x14170] =	vst v0  }
0x21: {  	[tilespmem:s25+$0x14100] =	vst v0  }
0x22: {  	[tilespmem:s25+$0x14110] =	vst v0  }
0x23: {  	[tilespmem:s25+$0x14120] =	vst v0  }
0x24: {  	[tilespmem:s25+$0x14130] =	vst v0  }
0x25: {  	[tilespmem:s25+$0x14140] =	vst v0  }
0x26: {  	[tilespmem:s25+$0x14150] =	vst v0  }
0x27: {  	[tilespmem:s25+$0x14160] =	vst v0  }
0x28: {  	[spmem:s5] =	stream.linear.scatter [tilespmem:s18], [sflag:$0x2], $0x4000, $0x38;
	[tilespmem:$0x18100] =	vst v63  }
0x29: {  	_ =	swait.ge [sflag:s19], $0x4000  }
0x2a: {  	[sflag:s19] =	ssyncset.done $0x0  }
0x2b: {  	[sflag:s19] =	ssyncadd.s32 $0xFFFFC000  }
0x2c: {  	[spmem:s6] =	stream.linear.scatter [tilespmem:s18], [sflag:$0x2], $0x4000, $0x38;
	[tilespmem:$0x18100] =	vst v63  }
0x2d: {  	_ =	swait.ge [sflag:s19], $0x4000  }
0x2e: {  	[sflag:s19] =	ssyncset.done $0x0  }
0x2f: {  	[sflag:s19] =	ssyncadd.s32 $0xFFFFC000  }
0x30: {  	[spmem:s7] =	stream.linear.scatter [tilespmem:s18], [sflag:$0x2], $0x4000, $0x38;
	[tilespmem:$0x18100] =	vst v63  }
0x31: {  	_ =	swait.ge [sflag:s19], $0x4000  }
0x32: {  	[sflag:s19] =	ssyncset.done $0x0  }
0x33: {  	[sflag:s19] =	ssyncadd.s32 $0xFFFFC000  }
0x34: {  	[spmem:s8] =	stream.linear.scatter [tilespmem:s18], [sflag:$0x2], $0x4000, $0x38;
	[tilespmem:$0x18100] =	vst v63  }
0x35: {  	_ =	swait.ge [sflag:s19], $0x4000  }
0x36: {  	[sflag:s19] =	ssyncset.done $0x0  }
0x37: {  	[sflag:s19] =	ssyncadd.s32 $0xFFFFC000  }
0x38: {  	[spmem:s9] =	stream.linear.scatter [tilespmem:s18], [sflag:$0x2], $0x4000, $0x38;
	[tilespmem:$0x18100] =	vst v63  }
0x39: {  	_ =	swait.ge [sflag:s19], $0x4000  }
0x3a: {  	[sflag:s19] =	ssyncset.done $0x0  }
0x3b: {  	[sflag:s19] =	ssyncadd.s32 $0xFFFFC000  }
0x3c: {  	s30 =	sadd.s32 $0x0, s17;
	[bflag:$0x0] =	sbarrier.arrive $0xFFFF  }
0x3d: {  	[tilespmem:s20], [sflag:$0x2] =	stream.linear.gather [hbm4b:s30+s4], $0x80, $0x38;
	[tilespmem:$0x18100] =	vst v63  }
0x3e: {  	_ =	swait.ge [sflag:s19], $0x80  }
0x3f: {  	[sflag:s19] =	ssyncset.done $0x0  }
0x40: {  	s31 =	sadd.s32 $0x0, s16;
	[sflag:s19] =	ssyncadd.s32 $0xFFFFFF80  }
0x41: {  	[tilespmem:s21], [sflag:$0x2] =	stream.linear.gather [hbm4b:s31+s4], $0x80, $0x38;
	[tilespmem:$0x18100] =	vst v63  }
0x42: {  	_ =	swait.ge [sflag:s19], $0x80  }
0x43: {  	[sflag:s19] =	ssyncset.done $0x0  }
0x44: {  	[sflag:s19] =	ssyncadd.s32 $0xFFFFFF80  }
0x45: {  	[tilespmem:s18], [sflag:$0x1] =	stream.indirect.gather [hbm4b:s1+s22], $0x80, s20, s22, $0xb8;
	[tilespmem:$0x18100] =	vst v63  }
0x46: {  	_ =	swait.ge [sflag:s23], $0x4000  }
0x47: {  	[sflag:s23] =	ssyncset.done $0x0  }
0x48: {  	[sflag:s23] =	ssyncadd.s32 $0xFFFFC000  }
0x49: {  	[spmem:s3] =	stream.indirect.scatter.add.f32 [tilespmem:s18], [sflag:$0x2], $0x80, s21, s22, $0xb8;
	[tilespmem:$0x18100] =	vst v63  }
0x4a: {  	_ =	swait.ge [sflag:s19], $0x4000  }
0x4b: {  	s25 =	simm.s32 $0x10;
	s26 =	simm.s32 $0x20;
	[sflag:s19] =	ssyncset.done $0x0  }
.LBB2_4:
0x4c: {  	s28 =	sadd.s32 s25, s17  }
0x4d: {  	[sflag:s19] =	ssyncadd.s32 $0xFFFFC000;
	s29 =	smov.u32 s26;
	s30 =	sadd.s32 $0x10, s26  }
0x4e: {  	[tilespmem:s20], [sflag:$0x2] =	stream.linear.gather [hbm4b:s28+s4], $0x80, $0x38;
	[tilespmem:$0x18100] =	vst v63  }
0x4f: {  	p0 =	sne.s32 s26, $0x4F0;
	_ =	swait.ge [sflag:s19], $0x80  }
0x50: {  	[sflag:s19] =	ssyncset.done $0x0  }
0x51: {  	s26 =	sadd.s32 s25, s16;
	s25 =	smov.u32 s29;
	[sflag:s19] =	ssyncadd.s32 $0xFFFFFF80  }
0x52: {  	[tilespmem:s21], [sflag:$0x2] =	stream.linear.gather [hbm4b:s26+s4], $0x80, $0x38;
	[tilespmem:$0x18100] =	vst v63  }
0x53: {  	_ =	swait.ge [sflag:s19], $0x80  }
0x54: {  	[sflag:s19] =	ssyncset.done $0x0  }
0x55: {  	[sflag:s19] =	ssyncadd.s32 $0xFFFFFF80  }
0x56: {  	[tilespmem:s18], [sflag:$0x1] =	stream.indirect.gather [hbm4b:s1+s22], $0x80, s20, s22, $0xb8;
	[tilespmem:$0x18100] =	vst v63  }
0x57: {  	_ =	swait.ge [sflag:s23], $0x4000  }
.Ltmp1:
0x58: {  	[sflag:s23] =	ssyncset.done $0x0;
	(pc) =	sbr.rel @p0 .LBB2_4-.Ltmp1, $4  }
0x59: {  	[sflag:s23] =	ssyncadd.s32 $0xFFFFC000  }
0x5a: {  	[spmem:s3] =	stream.indirect.scatter.add.f32 [tilespmem:s18], [sflag:$0x2], $0x80, s21, s22, $0xb8;
	[tilespmem:$0x18100] =	vst v63  }
0x5b: {  	_ =	swait.ge [sflag:s19], $0x4000  }
0x5c: {  	s26 =	smov.u32 s30;
	[sflag:s19] =	ssyncset.done $0x0  }
0x5d: {  	s26 =	sadd.s32 s25, s17;
	[sflag:s19] =	ssyncadd.s32 $0xFFFFC000  }
0x5e: {  	[tilespmem:s20], [sflag:$0x2] =	stream.linear.gather [hbm4b:s26+s4], $0x80, $0x38;
	[tilespmem:$0x18100] =	vst v63  }
0x5f: {  	_ =	swait.ge [sflag:s19], $0x80  }
0x60: {  	[sflag:s19] =	ssyncset.done $0x0  }
0x61: {  	s31 =	sadd.s32 s25, s16;
	[sflag:s19] =	ssyncadd.s32 $0xFFFFFF80  }
0x62: {  	[tilespmem:s21], [sflag:$0x2] =	stream.linear.gather [hbm4b:s31+s4], $0x80, $0x38;
	[tilespmem:$0x18100] =	vst v63  }
0x63: {  	_ =	swait.ge [sflag:s19], $0x80  }
0x64: {  	[sflag:s19] =	ssyncset.done $0x0  }
0x65: {  	[sflag:s19] =	ssyncadd.s32 $0xFFFFFF80  }
0x66: {  	[tilespmem:s18], [sflag:$0x1] =	stream.indirect.gather [hbm4b:s1+s22], $0x80, s20, s22, $0xb8;
	[tilespmem:$0x18100] =	vst v63  }
0x67: {  	_ =	swait.ge [sflag:s23], $0x4000  }
0x68: {  	[sflag:s23] =	ssyncset.done $0x0  }
0x69: {  	[sflag:s23] =	ssyncadd.s32 $0xFFFFC000  }
0x6a: {  	[spmem:s3] =	stream.indirect.scatter.add.f32 [tilespmem:s18], [sflag:$0x2], $0x80, s21, s22, $0xb8;
	[tilespmem:$0x18100] =	vst v63  }
0x6b: {  	_ =	swait.ge [sflag:s19], $0x4000  }
0x6c: {  	[sflag:s19] =	ssyncset.done $0x0  }
0x6d: {  	[sflag:s19] =	ssyncadd.s32 $0xFFFFC000  }
0x6e: {  	[bflag:$0x0] =	sbarrier.arrive $0xFFFF  }
0x6f: {  	[tilespmem:s18], [sflag:$0x2] =	stream.linear.gather [spmem:s5], $0x4000, $0x38;
	[tilespmem:$0x18100] =	vst v63  }
0x70: {  	_ =	swait.ge [sflag:s19], $0x4000  }
0x71: {  	[sflag:s19] =	ssyncset.done $0x0  }
0x72: {  	[sflag:s19] =	ssyncadd.s32 $0xFFFFC000  }
0x73: {  	[hbm4b:s10+s4] =	stream.linear.scatter [tilespmem:s18], [sflag:$0x2], $0x4000, $0x38;
	[tilespmem:$0x18100] =	vst v63  }
0x74: {  	_ =	swait.ge [sflag:s19], $0x4000  }
0x75: {  	[sflag:s19] =	ssyncset.done $0x0  }
0x76: {  	[sflag:s19] =	ssyncadd.s32 $0xFFFFC000  }
0x77: {  	[tilespmem:s18], [sflag:$0x2] =	stream.linear.gather [spmem:s6], $0x4000, $0x38;
	[tilespmem:$0x18100] =	vst v63  }
0x78: {  	_ =	swait.ge [sflag:s19], $0x4000  }
0x79: {  	[sflag:s19] =	ssyncset.done $0x0  }
0x7a: {  	[sflag:s19] =	ssyncadd.s32 $0xFFFFC000  }
0x7b: {  	[hbm4b:s11+s4] =	stream.linear.scatter [tilespmem:s18], [sflag:$0x2], $0x4000, $0x38;
	[tilespmem:$0x18100] =	vst v63  }
0x7c: {  	_ =	swait.ge [sflag:s19], $0x4000  }
0x7d: {  	[sflag:s19] =	ssyncset.done $0x0  }
0x7e: {  	[sflag:s19] =	ssyncadd.s32 $0xFFFFC000  }
0x7f: {  	[tilespmem:s18], [sflag:$0x2] =	stream.linear.gather [spmem:s7], $0x4000, $0x38;
	[tilespmem:$0x18100] =	vst v63  }
0x80: {  	_ =	swait.ge [sflag:s19], $0x4000  }
0x81: {  	[sflag:s19] =	ssyncset.done $0x0  }
0x82: {  	[sflag:s19] =	ssyncadd.s32 $0xFFFFC000  }
0x83: {  	[hbm4b:s12+s4] =	stream.linear.scatter [tilespmem:s18], [sflag:$0x2], $0x4000, $0x38;
	[tilespmem:$0x18100] =	vst v63  }
0x84: {  	_ =	swait.ge [sflag:s19], $0x4000  }
0x85: {  	[sflag:s19] =	ssyncset.done $0x0  }
0x86: {  	[sflag:s19] =	ssyncadd.s32 $0xFFFFC000  }
0x87: {  	[tilespmem:s18], [sflag:$0x2] =	stream.linear.gather [spmem:s8], $0x4000, $0x38;
	[tilespmem:$0x18100] =	vst v63  }
0x88: {  	_ =	swait.ge [sflag:s19], $0x4000  }
0x89: {  	[sflag:s19] =	ssyncset.done $0x0  }
0x8a: {  	[sflag:s19] =	ssyncadd.s32 $0xFFFFC000  }
0x8b: {  	[hbm4b:s13+s4] =	stream.linear.scatter [tilespmem:s18], [sflag:$0x2], $0x4000, $0x38;
	[tilespmem:$0x18100] =	vst v63  }
0x8c: {  	_ =	swait.ge [sflag:s19], $0x4000  }
0x8d: {  	[sflag:s19] =	ssyncset.done $0x0  }
0x8e: {  	[sflag:s19] =	ssyncadd.s32 $0xFFFFC000  }
0x8f: {  	[tilespmem:s18], [sflag:$0x2] =	stream.linear.gather [spmem:s9], $0x4000, $0x38;
	[tilespmem:$0x18100] =	vst v63  }
0x90: {  	s24 =	sadd.s32 $0x1, s24;
	_ =	swait.ge [sflag:s19], $0x4000  }
0x91: {  	p0 =	sne.s32 s24, s15;
	[sflag:s19] =	ssyncset.done $0x0  }
.Ltmp2:
0x92: {  	[sflag:s19] =	ssyncadd.s32 $0xFFFFC000;
	(pc) =	sbr.rel @p0 .LBB2_1-.Ltmp2, $4  }
0x93: {  	[hbm4b:s14+s4] =	stream.linear.scatter [tilespmem:s18], [sflag:$0x2], $0x4000, $0x38;
	[tilespmem:$0x18100] =	vst v63  }
0x94: {  	_ =	swait.ge [sflag:s19], $0x4000  }
0x95: {  	[sflag:s19] =	ssyncset.done $0x0  }
0x96: {  	[sflag:s19] =	ssyncadd.s32 $0xFFFFC000  }
0x97: {  	_ =	sfence.sel $0x180000  }
0x98: {  	[bflag:$0x0] =	sbarrier.arrive $0xFFFF  }
0x99: {  	p0 =	sne.s32 s0, $0x0;
	_ =	strace $0x90000047  }
0x9a: {  	s0 =	sadd.s32 @!p0 $0x100000, s2;
	[bflag:$0x2] =	sbarrier.arrive $0xFFFF  }
0x9b: {  	[sflag:s0] =	ssyncadd.tile.s32 @!p0 $0x1;
	_ =	shalt  }
.Lfunc_end2:
_tile_overlayer_lowered:
.L_overlay_start_2:
0x9c: {  	(tag) =	ssettag $0x2  }
0x9d: {  	s0 =	rddreg [dreg:$0x0];
	s2 =	stileid.u32  }
0x9e: {  	s1 =	rddreg [dreg:$0x1];
	p0 =	sne.s32 s2, $0x0  }
0x9f: {  	s3 =	rddreg [dreg:$0x2];
	[bflag:$0x3] =	sbarrier.arrive $0xFFFF;
	s2 =	simm.s32 @!p0 $0x1C02  }
0xa0: {  	[timem:s3], [sflag:s2] =	dma.local @!p0 [hbm:s0], s1  }
0xa1: {  	s0 =	simm.s32 @!p0 $0x2  }
0xa2: {  	_ =	swait.ge @!p0 [sflag:s0], s1  }
0xa3: {  	s1 =	ssub.s32 @!p0 $0x0, s1;
	[sflag:s0] =	ssyncset.done @!p0 $0x0  }
0xa4: {  	[sflag:s0] =	ssyncadd.s32 @!p0 s1  }
0xa5: {  	[bflag:$0x3] =	sbarrier.arrive $0xFFFF  }
0xa6: {  	_ =	shalt  }

// kernel: kernel.15.cloned.1.call-start
scs
__scs_entry_jumppad:
0x0: {  	(pc) =	sbr.rel $0x88, $3  }
0x1: {  	(tag) =	ssettag $0x0;
	lr =	simm.s32 $0x1  }
0x2: {  	[smem:$0x3F96] =	sst lr;
	_ =	strace $0xD0000000  }
0x3: {  	_ = 	snop  }
0x4: {  	_ = 	snop  }
0x5: {  	_ = 	snop  }
0x6: {  	_ = 	snop  }
0x7: {  	_ = 	snop  }
__scs_overlays_trampoline_lowered:
0x8: {  	[smem:$0x3FA5] =	sst s0  }
0x9: {  	[smem:$0x3FA6] =	sst s1  }
0xa: {  	[smem:$0x3FA7] =	sst s2  }
0xb: {  	[smem:$0x3FA8] =	sst s3  }
0xc: {  	[smem:$0x3FA9] =	sst s4  }
0xd: {  	[smem:$0x3FAA] =	sst s5  }
0xe: {  	[smem:$0x3FAB] =	sst s6  }
0xf: {  	[smem:$0x3FAC] =	sst s7  }
0x10: {  	[smem:$0x3FAD] =	sst s8  }
0x11: {  	[smem:$0x3FAE] =	sst s9;
	s0 =	simm.s32 @!p0 $0x0  }
0x12: {  	s1 =	sld [smem:$0x3F94];
	s0 =	simm.s32 @p0 $0x1  }
0x13: {  	[smem:$0x3FAF] =	sst s0;
	s0 =	simm.s32 @!p1 $0x0  }
0x14: {  	s2 =	sld [smem:$0x3F93];
	s0 =	simm.s32 @p1 $0x1  }
0x15: {  	[smem:$0x3FB0] =	sst s0;
	s0 =	simm.s32 @!p2 $0x0  }
0x16: {  	s3 =	sld [smem:$0x3FDB];
	s0 =	simm.s32 @p2 $0x1  }
0x17: {  	s4 =	simm.s32 $0x1BF5;
	[smem:$0x3FB2] =	sst s0  }
0x18: {  	s0 =	sld [smem:$0x3F95];
	_ =	swait.ge [sflag:s4], $0x0  }
0x19: {  	s7 =	sld [smem:$0x3F96]  }
0x1a: {  	s8 =	sadd.s32 $0xFFFFE003, lr  }
0x1b: {  	s9 =	sadd.s32 $0xFFFFFEF7, lr;
	s5 =	simm.s32 $0xFFFFFFFF;
	p2 =	slt.u32 s8, $0xFFFFF086  }
0x1c: {  	p1 =	slt.u32 s9, $0xF7A;
	s5 =	simm.s32 @!p2 $0x0  }
0x1d: {  	s5 =	simm.s32 @p1 $0x1;
	p0 =	seq.s32 s7, s2  }
0x1e: {  	s7 =	smul.u32 @!p0 $0xF7A, s2;
	p2 =	seq.s32 @!p0 s5, $0x0  }
0x1f: {  	s9 =	smul.u32 $0xF7A, s1;
	s8 =	simm.s32 @!p0 $0x1BF5;
	p2 =	por !p2, p0  }
0x20: {  	[sflag:s8] =	ssyncset.s32 @!p0 $0xFFFFF086;
	s6 =	sadd.s32 @!p0 s3, s7;
	s7 =	simm.s32 @!p0 $0x108  }
0x21: {  	s3 =	sadd.s32 s3, s9;
	s6 =	sadd.s32 @!p0 $0x88, s6;
	s7 =	simm.s32 @p2 $0x1082  }
0x22: {  	[simem:s7], [sflag:s8] =	dma.local @!p0 [hbm:s6], $0xF7A  }
0x23: {  	s9 =	sor.u32 $0xD0000000, s2;
	s6 =	simm.s32 $0x108;
	_ =	swait.ge @!p0 [sflag:s8], $0x0  }
0x24: {  	s3 =	sadd.s32 $0x88, s3;
	s6 =	simm.s32 @!p1 $0x1082;
	[sflag:s4] =	ssyncset.s32 $0xFFFFF086  }
0x25: {  	[simem:s6], [sflag:s4] =	dma.local [hbm:s3], $0xF7A  }
0x26: {  	[smem:$0x3F96] =	sst s1;
	(tag) =	ssettag s2;
	_ =	strace s9  }
0x27: {  	s1 =	sld [smem:$0x3FA6]  }
0x28: {  	s2 =	sld [smem:$0x3FA7]  }
0x29: {  	s4 =	sld [smem:$0x3FA9]  }
0x2a: {  	p0 =	seq.s32 s5, $0x0;
	s5 =	sld [smem:$0x3FAA]  }
0x2b: {  	s6 =	sld [smem:$0x3FAB]  }
0x2c: {  	s7 =	sld [smem:$0x3FAC]  }
0x2d: {  	s3 =	simm.s32 $0x108;
	s8 =	sld [smem:$0x3FAD]  }
0x2e: {  	s3 =	simm.s32 @!p0 $0x1082;
	s9 =	sld [smem:$0x3FAE]  }
0x2f: {  	lr =	sadd.s32 s0, s3;
	s0 =	sld [smem:$0x3FA5]  }
0x30: {  	s3 =	sld [smem:$0x3FA8]  }
0x31: {  	[smem:$0x3FB1] =	sst s10  }
0x32: {  	s10 =	sld [smem:$0x3FAF];
	_ =	sdelay $0x3  }
0x33: {  	p0 =	seq.s32 s10, $0x1;
	s10 =	sld [smem:$0x3FB1];
	_ =	sdelay $0x3  }
0x34: {  	[smem:$0x3FB1] =	sst s10  }
0x35: {  	s10 =	sld [smem:$0x3FB0];
	_ =	sdelay $0x3  }
0x36: {  	p1 =	seq.s32 s10, $0x1;
	s10 =	sld [smem:$0x3FB1];
	_ =	sdelay $0x3  }
0x37: {  	[smem:$0x3FB1] =	sst s10  }
0x38: {  	s10 =	sld [smem:$0x3FB2]  }
0x39: {  	_ = 	snop;
	(pc) =	sbr.ind lr, $3  }
0x3a: {  	_ = 	snop  }
0x3b: {  	_ = 	snop  }
0x3c: {  	p2 =	seq.s32 s10, $0x1;
	s10 =	sld [smem:$0x3FB1]  }
0x3d: {  	_ =	shalt  }
0x3e: {  	_ =	shalt  }
0x3f: {  	_ =	shalt  }
0x40: {  	_ =	shalt  }
0x41: {  	_ =	shalt  }
0x42: {  	_ =	shalt  }
0x43: {  	_ =	shalt  }
0x44: {  	_ =	shalt  }
0x45: {  	_ =	shalt  }
0x46: {  	_ =	shalt  }
0x47: {  	_ =	shalt  }
0x48: {  	_ =	shalt  }
0x49: {  	_ =	shalt  }
0x4a: {  	_ =	shalt  }
0x4b: {  	_ =	shalt  }
0x4c: {  	_ =	shalt  }
0x4d: {  	_ =	shalt  }
0x4e: {  	_ =	shalt  }
0x4f: {  	_ =	shalt  }
0x50: {  	_ =	shalt  }
0x51: {  	_ =	shalt  }
0x52: {  	_ =	shalt  }
0x53: {  	_ =	shalt  }
0x54: {  	_ =	shalt  }
0x55: {  	_ =	shalt  }
0x56: {  	_ =	shalt  }
0x57: {  	_ =	shalt  }
0x58: {  	_ =	shalt  }
0x59: {  	_ =	shalt  }
0x5a: {  	_ =	shalt  }
0x5b: {  	_ =	shalt  }
0x5c: {  	_ =	shalt  }
0x5d: {  	_ =	shalt  }
0x5e: {  	_ =	shalt  }
0x5f: {  	_ =	shalt  }
0x60: {  	_ =	shalt  }
0x61: {  	_ =	shalt  }
0x62: {  	_ =	shalt  }
0x63: {  	_ =	shalt  }
0x64: {  	_ =	shalt  }
0x65: {  	_ =	shalt  }
0x66: {  	_ =	shalt  }
0x67: {  	_ =	shalt  }
0x68: {  	_ =	shalt  }
0x69: {  	_ =	shalt  }
0x6a: {  	_ =	shalt  }
0x6b: {  	_ =	shalt  }
0x6c: {  	_ =	shalt  }
0x6d: {  	_ =	shalt  }
0x6e: {  	_ =	shalt  }
0x6f: {  	_ =	shalt  }
0x70: {  	_ =	shalt  }
0x71: {  	_ =	shalt  }
0x72: {  	_ =	shalt  }
0x73: {  	_ =	shalt  }
0x74: {  	_ =	shalt  }
0x75: {  	_ =	shalt  }
0x76: {  	_ =	shalt  }
0x77: {  	_ =	shalt  }
0x78: {  	_ =	shalt  }
0x79: {  	_ =	shalt  }
0x7a: {  	_ =	shalt  }
0x7b: {  	_ =	shalt  }
0x7c: {  	_ =	shalt  }
0x7d: {  	_ =	shalt  }
0x7e: {  	_ =	shalt  }
0x7f: {  	_ =	shalt  }
0x80: {  	_ =	shalt  }
0x81: {  	_ =	shalt  }
0x82: {  	_ =	shalt  }
0x83: {  	_ =	shalt  }
0x84: {  	_ =	shalt  }
0x85: {  	_ =	shalt  }
0x86: {  	_ =	shalt  }
0x87: {  	_ =	shalt  }
.Lfunc_end0:
.L_simem_size_0:
called_computation.1_lowered:
.L_overlay_start_0:
0x88: {  	s2 =	sld [smem:$0x3FD9]  }
0x89: {  	s3 =	sld [smem:$0x3FFE];
	_ =	sdelay $0x1  }
0x8a: {  	s1 =	srdreg.scid  }
0x8b: {  	s0 =	sand.u32 $0x1, s1  }
0x8c: {  	s16 =	sshll.u32 s0, $0xA;
	s2 =	sadd.s32 s3, s2  }
0x8d: {  	s2 =	sadd.s32 s2, s16  }
0x8e: {  	[smem:$0x3FBD] =	sst s2  }
0x8f: {  	_ = 	snop  }
0x90: {  	(tm) =	ssettm $0x1  }
0x91: {  	s17 =	sld [smem:$0x3FFB];
	_ =	sdelay $0x3  }
0x92: {  	_ =	strace s17  }
0x93: {  	s2 =	sld [smem:$0x3FFC];
	_ =	sdelay $0x3  }
0x94: {  	_ =	strace s2  }
0x95: {  	s2 =	sld [smem:$0x3FFD];
	_ =	sdelay $0x3  }
0x96: {  	_ =	strace s2  }
0x97: {  	_ =	strace $0x8FFFFFFF  }
0x98: {  	s18 =	sld [smem:$0x3FDB];
	_ =	sdelay $0x1  }
0x99: {  	s19 =	simm.s32 $_scs_section_size  }
0x9a: {  	s4 =	simm.s32 $_size__tile_overlayer_lowered;
	s5 =	simm.s32 $_tile_overlayer_lowered  }
0x9b: {  	s22 =	simm.s32 $0x1BFF;
	s21 =	sshll.u32 s5, $0x1;
	s2 =	sadd.s32 s19, s18  }
0x9c: {  	s6 =	simm.s32 $0x0;
	s20 =	sshll.u32 s4, $0x1;
	s4 =	sadd.s32 s21, s2  }
0x9d: {  	[timem:s6], [sflag:s22] =	dma.local [hbm:s4], s20  }
0x9e: {  	_ =	swait.ge [sflag:s22], s20  }
0x9f: {  	s3 =	ssub.s32 $0x0, s20;
	[sflag:s22] =	ssyncset.done $0x0  }
0xa0: {  	[sflag:s22] =	ssyncadd.s32 s3;
	_ =	sdelay $0x1  }
0xa1: {  	s23 =	simm.s32 $0x1B8B  }
0xa2: {  	_ =	swait.ge [sflag:s23], $0x1  }
0xa3: {  	[sflag:s23] =	ssyncset.done $0x0  }
0xa4: {  	s25 =	simm.s32 $0x1B8E;
	s24 =	sld [smem:$0x3FFE];
	[sflag:s23] =	ssyncadd.s32 $0xFFFFFFFF  }
0xa5: {  	s26 =	simm.s32 $execute0_lowered;
	[smem:$0x3FD2] =	sst s25  }
0xa6: {  	s4 =	sshll.u32 s26, $0x1;
	_ =	strace $0x80000049;
	[dreg:$0x1] =	wrdreg $0xFFFFFFFF  }
0xa7: {  	s28 =	simm.s32 $_size_execute0_lowered;
	s2 =	sadd.s32 s2, s4;
	[dreg:$0x0] =	wrdreg $0x0  }
0xa8: {  	s4 =	sshll.u32 s28, $0x1;
	[dreg:$0x2] =	wrdreg s2  }
0xa9: {  	[dreg:$0x3] =	wrdreg s4  }
0xaa: {  	[dreg:$0x4] =	wrdreg $0xC0  }
0xab: {  	_ =	task [dreg:s6], $0x5FFFF  }
0xac: {  	[dreg:$0x1] =	wrdreg $0xFFFFFFFF  }
0xad: {  	[dreg:$0x0] =	wrdreg $0x60  }
0xae: {  	[dreg:$0x2] =	wrdreg s24  }
0xaf: {  	[dreg:$0x3] =	wrdreg $0x0  }
0xb0: {  	[dreg:$0x4] =	wrdreg $0x9  }
0xb1: {  	_ =	task.clear_ibuf [dreg:s6], $0x5FFFF;
	_ =	strace $0x90000049  }
0xb2: {  	s29 =	simm.s32 $0x9;
	_ =	strace $0x8000004B  }
0xb3: {  	_ =	swait.ge [sflag:s29], $0x1  }
0xb4: {  	[sflag:s29] =	ssyncadd.s32 $0xFFFFFFFF  }
0xb5: {  	_ =	strace $0x9000004B  }
0xb6: {  	_ =	sfence  }
0xb7: {  	s30 =	sld [smem:$0x0];
	_ =	sdelay $0x2  }
0xb8: {  	s31 =	sshll.u32 s1, $0xD;
	s1 =	sshrl.u32 s1, $0x2  }
0xb9: {  	s3 =	sand.u32 $0x4000, s31;
	s1 =	sadd.s32 s1, s30  }
0xba: {  	s0 =	sor.u32 s3, s0;
	s1 =	sshll.u32 s1, $0x11  }
0xbb: {  	s0 =	sor.u32 s1, s0  }
0xbc: {  	s0 =	sadd.s32 $0x8F2B, s0  }
0xbd: {  	[sflag:s0] =	ssyncadd.remote.s32 $0x1  }
0xbe: {  	_ =	sfence.sel $0xFFFF  }
0xbf: {  	[dreg:$0x0] =	wrdreg $0xFFFFFFFF;
	(pc) =	sbr.abs _section_cstart, $3  }
0xc0: {  	[dreg:$0x1] =	wrdreg $0xFFFFFFFF  }
0xc1: {  	_ =	task.clear_ibuf [dreg:s6], $0x2FFFF;
	_ =	strace $0x9FFFFFFF  }
0xc2: {  	(tm) =	ssettm $0x7FFFFFFF  }
0xc3: {  	_ =	shalt  }
tec
execute0_lowered:
.L_overlay_start_1:
0x0: {  	(tag) =	ssettag $0x1  }
0x1: {  	s0 =	srdreg.scid  }
0x2: {  	s5 =	rddreg [dreg:$0x0];
	s7 =	sand.u32 $0x1, s0  }
0x3: {  	s0 =	stileid.u32;
	s4 =	smul.u32 $0x50000, s7  }
0x4: {  	s2 =	rddreg [dreg:$0x1];
	s6 =	smul.u32 $0x5000, s0  }
0x5: {  	s1 =	rddreg [dreg:$0x2];
	s22 =	smul.u32 $0xA00, s0  }
0x6: {  	s3 =	simm.s32 $0x0;
	s21 =	simm.s32 $0x14080;
	s9 =	smul.u32 $0x280, s0  }
0x7: {  	[smem:$0x7FF] =	sst s3;
	s14 =	sadd.s32 $0x7C800, s5;
	s23 =	smul.u32 $0x50000, s0  }
0x8: {  	_ =	strace $0x8000004A;
	s24 =	ssub.s32 $0x2, s7;
	s18 =	smul.u32 $0x2800, s7  }
0x9: {  	s25 =	sshrl.u32 s24, $0x1;
	s4 =	sadd.s32 s6, s4;
	s17 =	sadd.s32 s22, s5  }
0xa: {  	s10 =	sadd.s32 $0x80, s9;
	s15 =	ssub.s32 s24, s25;
	s12 =	sadd.s32 $0x100, s9  }
0xb: {  	s13 =	sadd.s32 $0x180, s9;
	s19 =	sadd.s32 $0x200, s9;
	s20 =	sadd.s32 s9, s18  }
0xc: {  	s22 =	simm.s32 $0x80;
	s24 =	simm.s32 $0x0;
	s8 =	sshrl.u32 s4, $0x3  }
0xd: {  	s4 =	sadd.s32 $0x18800, s5;
	s26 =	sshll.u32 s10, $0x7;
	s28 =	sshll.u32 s12, $0x7  }
0xe: {  	s11 =	sshll.u32 s13, $0x7;
	s29 =	sshll.u32 s19, $0x7;
	s10 =	sadd.s32 s18, s10  }
0xf: {  	s30 =	sshll.u32 s20, $0x4;
	s12 =	sadd.s32 s18, s12;
	s13 =	sadd.s32 s18, s13  }
0x10: {  	s18 =	sadd.s32 s18, s19;
	s15 =	smax.u32 s15, $0x1;
	s17 =	sadd.s32 $0xE800, s17  }
0x11: {  	s19 =	simm.s32 $0x2;
	s20 =	simm.s32 $0x14000;
	s16 =	sadd.s32 s8, s5  }
0x12: {  	s8 =	sshrl.u32 s23, $0x2;
	s6 =	sadd.s32 s26, s2;
	s7 =	sadd.s32 s28, s2  }
0x13: {  	s9 =	sadd.s32 s29, s2;
	s31 =	sshll.u32 s10, $0x4;
	s10 =	sadd.s32 s14, s30  }
0x14: {  	s12 =	sshll.u32 s12, $0x4;
	s13 =	sshll.u32 s13, $0x4;
	s18 =	sshll.u32 s18, $0x4  }
0x15: {  	s23 =	simm.s32 $0x1;
	s5 =	sadd.s32 s8, s2;
	s8 =	sadd.s32 s11, s2  }
0x16: {  	s11 =	sadd.s32 s14, s31;
	s12 =	sadd.s32 s14, s12;
	s13 =	sadd.s32 s14, s13  }
0x17: {  	v0 =	vimm.f32 $0.0e+00;
	s14 =	sadd.s32 s14, s18;
	s16 =	sadd.s32 $0x68800, s16;
	s18 =	simm.s32 $0x14100  }
.LBB2_1:
0x18: {  	s25 =	simm.s32 $0x0;
	s26 =	simm.s32 $0x200  }
.LBB2_2:
0x19: {  	p0 =	sne.s32 s26, $0xFE00;
	[tilespmem:s25+$0x14170] =	vst v0  }
0x1a: {  	[tilespmem:s25+$0x14100] =	vst v0  }
0x1b: {  	[tilespmem:s25+$0x14110] =	vst v0  }
.Ltmp0:
0x1c: {  	[tilespmem:s25+$0x14120] =	vst v0;
	(pc) =	sbr.rel @p0 .LBB2_2-.Ltmp0, $4  }
0x1d: {  	[tilespmem:s25+$0x14130] =	vst v0  }
0x1e: {  	[tilespmem:s25+$0x14140] =	vst v0  }
0x1f: {  	[tilespmem:s25+$0x14150] =	vst v0  }
0x20: {  	[tilespmem:s25+$0x14160] =	vst v0;
	s25 =	sshra.s32 s26, $0x2;
	s26 =	sadd.s32 $0x200, s26  }
0x21: {  	[tilespmem:s25+$0x14170] =	vst v0  }
0x22: {  	[tilespmem:s25+$0x14100] =	vst v0  }
0x23: {  	[tilespmem:s25+$0x14110] =	vst v0  }
0x24: {  	[tilespmem:s25+$0x14120] =	vst v0  }
0x25: {  	[tilespmem:s25+$0x14130] =	vst v0  }
0x26: {  	[tilespmem:s25+$0x14140] =	vst v0  }
0x27: {  	[tilespmem:s25+$0x14150] =	vst v0  }
0x28: {  	[tilespmem:s25+$0x14160] =	vst v0  }
0x29: {  	[spmem:s5] =	stream.linear.scatter [tilespmem:s18], [sflag:$0x2], $0x4000, $0x38;
	[tilespmem:$0x18100] =	vst v63  }
0x2a: {  	_ =	swait.ge [sflag:s19], $0x4000  }
0x2b: {  	[sflag:s19] =	ssyncset.done $0x0  }
0x2c: {  	[sflag:s19] =	ssyncadd.s32 $0xFFFFC000  }
0x2d: {  	[spmem:s6] =	stream.linear.scatter [tilespmem:s18], [sflag:$0x2], $0x4000, $0x38;
	[tilespmem:$0x18100] =	vst v63  }
0x2e: {  	_ =	swait.ge [sflag:s19], $0x4000  }
0x2f: {  	[sflag:s19] =	ssyncset.done $0x0  }
0x30: {  	[sflag:s19] =	ssyncadd.s32 $0xFFFFC000  }
0x31: {  	[spmem:s7] =	stream.linear.scatter [tilespmem:s18], [sflag:$0x2], $0x4000, $0x38;
	[tilespmem:$0x18100] =	vst v63  }
0x32: {  	_ =	swait.ge [sflag:s19], $0x4000  }
0x33: {  	[sflag:s19] =	ssyncset.done $0x0  }
0x34: {  	[sflag:s19] =	ssyncadd.s32 $0xFFFFC000  }
0x35: {  	[spmem:s8] =	stream.linear.scatter [tilespmem:s18], [sflag:$0x2], $0x4000, $0x38;
	[tilespmem:$0x18100] =	vst v63  }
0x36: {  	_ =	swait.ge [sflag:s19], $0x4000  }
0x37: {  	[sflag:s19] =	ssyncset.done $0x0  }
0x38: {  	[sflag:s19] =	ssyncadd.s32 $0xFFFFC000  }
0x39: {  	[spmem:s9] =	stream.linear.scatter [tilespmem:s18], [sflag:$0x2], $0x4000, $0x38;
	[tilespmem:$0x18100] =	vst v63  }
0x3a: {  	_ =	swait.ge [sflag:s19], $0x4000  }
0x3b: {  	[sflag:s19] =	ssyncset.done $0x0  }
0x3c: {  	[sflag:s19] =	ssyncadd.s32 $0xFFFFC000  }
0x3d: {  	s30 =	sadd.s32 $0x0, s16;
	[bflag:$0x0] =	sbarrier.arrive $0xFFFF  }
0x3e: {  	[tilespmem:s20], [sflag:$0x2] =	stream.linear.gather [hbm4b:s30+s3], $0x80, $0x38;
	[tilespmem:$0x18100] =	vst v63  }
0x3f: {  	_ =	swait.ge [sflag:s19], $0x80  }
0x40: {  	[sflag:s19] =	ssyncset.done $0x0  }
0x41: {  	s31 =	sadd.s32 $0x0, s17;
	[sflag:s19] =	ssyncadd.s32 $0xFFFFFF80  }
0x42: {  	[tilespmem:s21], [sflag:$0x2] =	stream.linear.gather [hbm4b:s31+s3], $0x80, $0x38;
	[tilespmem:$0x18100] =	vst v63  }
0x43: {  	_ =	swait.ge [sflag:s19], $0x80  }
0x44: {  	[sflag:s19] =	ssyncset.done $0x0  }
0x45: {  	[sflag:s19] =	ssyncadd.s32 $0xFFFFFF80  }
0x46: {  	[tilespmem:s18], [sflag:$0x1] =	stream.indirect.gather [hbm4b:s4+s22], $0x80, s20, s22, $0xb8;
	[tilespmem:$0x18100] =	vst v63  }
0x47: {  	_ =	swait.ge [sflag:s23], $0x4000  }
0x48: {  	[sflag:s23] =	ssyncset.done $0x0  }
0x49: {  	[sflag:s23] =	ssyncadd.s32 $0xFFFFC000  }
0x4a: {  	[spmem:s2] =	stream.indirect.scatter.add.f32 [tilespmem:s18], [sflag:$0x2], $0x80, s21, s22, $0xb8;
	[tilespmem:$0x18100] =	vst v63  }
0x4b: {  	_ =	swait.ge [sflag:s19], $0x4000  }
0x4c: {  	s25 =	simm.s32 $0x10;
	s26 =	simm.s32 $0x20;
	[sflag:s19] =	ssyncset.done $0x0  }
.LBB2_4:
0x4d: {  	s28 =	sadd.s32 s25, s16  }
0x4e: {  	[sflag:s19] =	ssyncadd.s32 $0xFFFFC000;
	s29 =	smov.u32 s26;
	s30 =	sadd.s32 $0x10, s26  }
0x4f: {  	[tilespmem:s20], [sflag:$0x2] =	stream.linear.gather [hbm4b:s28+s3], $0x80, $0x38;
	[tilespmem:$0x18100] =	vst v63  }
0x50: {  	p0 =	sne.s32 s26, $0x9F0;
	_ =	swait.ge [sflag:s19], $0x80  }
0x51: {  	[sflag:s19] =	ssyncset.done $0x0  }
0x52: {  	s26 =	sadd.s32 s25, s17;
	s25 =	smov.u32 s29;
	[sflag:s19] =	ssyncadd.s32 $0xFFFFFF80  }
0x53: {  	[tilespmem:s21], [sflag:$0x2] =	stream.linear.gather [hbm4b:s26+s3], $0x80, $0x38;
	[tilespmem:$0x18100] =	vst v63  }
0x54: {  	_ =	swait.ge [sflag:s19], $0x80  }
0x55: {  	[sflag:s19] =	ssyncset.done $0x0  }
0x56: {  	[sflag:s19] =	ssyncadd.s32 $0xFFFFFF80  }
0x57: {  	[tilespmem:s18], [sflag:$0x1] =	stream.indirect.gather [hbm4b:s4+s22], $0x80, s20, s22, $0xb8;
	[tilespmem:$0x18100] =	vst v63  }
0x58: {  	_ =	swait.ge [sflag:s23], $0x4000  }
.Ltmp1:
0x59: {  	[sflag:s23] =	ssyncset.done $0x0;
	(pc) =	sbr.rel @p0 .LBB2_4-.Ltmp1, $4  }
0x5a: {  	[sflag:s23] =	ssyncadd.s32 $0xFFFFC000  }
0x5b: {  	[spmem:s2] =	stream.indirect.scatter.add.f32 [tilespmem:s18], [sflag:$0x2], $0x80, s21, s22, $0xb8;
	[tilespmem:$0x18100] =	vst v63  }
0x5c: {  	_ =	swait.ge [sflag:s19], $0x4000  }
0x5d: {  	s26 =	smov.u32 s30;
	[sflag:s19] =	ssyncset.done $0x0  }
0x5e: {  	s26 =	sadd.s32 s25, s16;
	[sflag:s19] =	ssyncadd.s32 $0xFFFFC000  }
0x5f: {  	[tilespmem:s20], [sflag:$0x2] =	stream.linear.gather [hbm4b:s26+s3], $0x80, $0x38;
	[tilespmem:$0x18100] =	vst v63  }
0x60: {  	_ =	swait.ge [sflag:s19], $0x80  }
0x61: {  	[sflag:s19] =	ssyncset.done $0x0  }
0x62: {  	s31 =	sadd.s32 s25, s17;
	[sflag:s19] =	ssyncadd.s32 $0xFFFFFF80  }
0x63: {  	[tilespmem:s21], [sflag:$0x2] =	stream.linear.gather [hbm4b:s31+s3], $0x80, $0x38;
	[tilespmem:$0x18100] =	vst v63  }
0x64: {  	_ =	swait.ge [sflag:s19], $0x80  }
0x65: {  	[sflag:s19] =	ssyncset.done $0x0  }
0x66: {  	[sflag:s19] =	ssyncadd.s32 $0xFFFFFF80  }
0x67: {  	[tilespmem:s18], [sflag:$0x1] =	stream.indirect.gather [hbm4b:s4+s22], $0x80, s20, s22, $0xb8;
	[tilespmem:$0x18100] =	vst v63  }
0x68: {  	_ =	swait.ge [sflag:s23], $0x4000  }
0x69: {  	[sflag:s23] =	ssyncset.done $0x0  }
0x6a: {  	[sflag:s23] =	ssyncadd.s32 $0xFFFFC000  }
0x6b: {  	[spmem:s2] =	stream.indirect.scatter.add.f32 [tilespmem:s18], [sflag:$0x2], $0x80, s21, s22, $0xb8;
	[tilespmem:$0x18100] =	vst v63  }
0x6c: {  	_ =	swait.ge [sflag:s19], $0x4000  }
0x6d: {  	[sflag:s19] =	ssyncset.done $0x0  }
0x6e: {  	[sflag:s19] =	ssyncadd.s32 $0xFFFFC000  }
0x6f: {  	[bflag:$0x0] =	sbarrier.arrive $0xFFFF  }
0x70: {  	[tilespmem:s18], [sflag:$0x2] =	stream.linear.gather [spmem:s5], $0x4000, $0x38;
	[tilespmem:$0x18100] =	vst v63  }
0x71: {  	_ =	swait.ge [sflag:s19], $0x4000  }
0x72: {  	[sflag:s19] =	ssyncset.done $0x0  }
0x73: {  	[sflag:s19] =	ssyncadd.s32 $0xFFFFC000  }
0x74: {  	[hbm4b:s10+s3] =	stream.linear.scatter [tilespmem:s18], [sflag:$0x2], $0x4000, $0x38;
	[tilespmem:$0x18100] =	vst v63  }
0x75: {  	_ =	swait.ge [sflag:s19], $0x4000  }
0x76: {  	[sflag:s19] =	ssyncset.done $0x0  }
0x77: {  	[sflag:s19] =	ssyncadd.s32 $0xFFFFC000  }
0x78: {  	[tilespmem:s18], [sflag:$0x2] =	stream.linear.gather [spmem:s6], $0x4000, $0x38;
	[tilespmem:$0x18100] =	vst v63  }
0x79: {  	_ =	swait.ge [sflag:s19], $0x4000  }
0x7a: {  	[sflag:s19] =	ssyncset.done $0x0  }
0x7b: {  	[sflag:s19] =	ssyncadd.s32 $0xFFFFC000  }
0x7c: {  	[hbm4b:s11+s3] =	stream.linear.scatter [tilespmem:s18], [sflag:$0x2], $0x4000, $0x38;
	[tilespmem:$0x18100] =	vst v63  }
0x7d: {  	_ =	swait.ge [sflag:s19], $0x4000  }
0x7e: {  	[sflag:s19] =	ssyncset.done $0x0  }
0x7f: {  	[sflag:s19] =	ssyncadd.s32 $0xFFFFC000  }
0x80: {  	[tilespmem:s18], [sflag:$0x2] =	stream.linear.gather [spmem:s7], $0x4000, $0x38;
	[tilespmem:$0x18100] =	vst v63  }
0x81: {  	_ =	swait.ge [sflag:s19], $0x4000  }
0x82: {  	[sflag:s19] =	ssyncset.done $0x0  }
0x83: {  	[sflag:s19] =	ssyncadd.s32 $0xFFFFC000  }
0x84: {  	[hbm4b:s12+s3] =	stream.linear.scatter [tilespmem:s18], [sflag:$0x2], $0x4000, $0x38;
	[tilespmem:$0x18100] =	vst v63  }
0x85: {  	_ =	swait.ge [sflag:s19], $0x4000  }
0x86: {  	[sflag:s19] =	ssyncset.done $0x0  }
0x87: {  	[sflag:s19] =	ssyncadd.s32 $0xFFFFC000  }
0x88: {  	[tilespmem:s18], [sflag:$0x2] =	stream.linear.gather [spmem:s8], $0x4000, $0x38;
	[tilespmem:$0x18100] =	vst v63  }
0x89: {  	_ =	swait.ge [sflag:s19], $0x4000  }
0x8a: {  	[sflag:s19] =	ssyncset.done $0x0  }
0x8b: {  	[sflag:s19] =	ssyncadd.s32 $0xFFFFC000  }
0x8c: {  	[hbm4b:s13+s3] =	stream.linear.scatter [tilespmem:s18], [sflag:$0x2], $0x4000, $0x38;
	[tilespmem:$0x18100] =	vst v63  }
0x8d: {  	_ =	swait.ge [sflag:s19], $0x4000  }
0x8e: {  	[sflag:s19] =	ssyncset.done $0x0  }
0x8f: {  	[sflag:s19] =	ssyncadd.s32 $0xFFFFC000  }
0x90: {  	[tilespmem:s18], [sflag:$0x2] =	stream.linear.gather [spmem:s9], $0x4000, $0x38;
	[tilespmem:$0x18100] =	vst v63  }
0x91: {  	s24 =	sadd.s32 $0x1, s24;
	_ =	swait.ge [sflag:s19], $0x4000  }
0x92: {  	p0 =	sne.s32 s24, s15;
	[sflag:s19] =	ssyncset.done $0x0  }
.Ltmp2:
0x93: {  	[sflag:s19] =	ssyncadd.s32 $0xFFFFC000;
	(pc) =	sbr.rel @p0 .LBB2_1-.Ltmp2, $4  }
0x94: {  	[hbm4b:s14+s3] =	stream.linear.scatter [tilespmem:s18], [sflag:$0x2], $0x4000, $0x38;
	[tilespmem:$0x18100] =	vst v63  }
0x95: {  	_ =	swait.ge [sflag:s19], $0x4000  }
0x96: {  	[sflag:s19] =	ssyncset.done $0x0  }
0x97: {  	[sflag:s19] =	ssyncadd.s32 $0xFFFFC000  }
0x98: {  	_ =	sfence.sel $0x180000  }
0x99: {  	[bflag:$0x0] =	sbarrier.arrive $0xFFFF  }
0x9a: {  	p0 =	sne.s32 s0, $0x0;
	_ =	strace $0x9000004A  }
0x9b: {  	s0 =	sadd.s32 @!p0 $0x100000, s1;
	[bflag:$0x2] =	sbarrier.arrive $0xFFFF  }
0x9c: {  	[sflag:s0] =	ssyncadd.tile.s32 @!p0 $0x1;
	_ =	shalt  }
.Lfunc_end2:
_tile_overlayer_lowered:
.L_overlay_start_2:
0x9d: {  	(tag) =	ssettag $0x2  }
0x9e: {  	s0 =	rddreg [dreg:$0x0];
	s2 =	stileid.u32  }
0x9f: {  	s1 =	rddreg [dreg:$0x1];
	p0 =	sne.s32 s2, $0x0  }
0xa0: {  	s3 =	rddreg [dreg:$0x2];
	[bflag:$0x3] =	sbarrier.arrive $0xFFFF;
	s2 =	simm.s32 @!p0 $0x1C02  }
0xa1: {  	[timem:s3], [sflag:s2] =	dma.local @!p0 [hbm:s0], s1  }
0xa2: {  	s0 =	simm.s32 @!p0 $0x2  }
0xa3: {  	_ =	swait.ge @!p0 [sflag:s0], s1  }
0xa4: {  	s1 =	ssub.s32 @!p0 $0x0, s1;
	[sflag:s0] =	ssyncset.done @!p0 $0x0  }
0xa5: {  	[sflag:s0] =	ssyncadd.s32 @!p0 s1  }
0xa6: {  	[bflag:$0x3] =	sbarrier.arrive $0xFFFF  }
0xa7: {  	_ =	shalt  }

// kernel: kernel.18.cloned.1.call-start
scs
__scs_entry_jumppad:
0x0: {  	(pc) =	sbr.rel $0x88, $3  }
0x1: {  	(tag) =	ssettag $0x0;
	lr =	simm.s32 $0x1  }
0x2: {  	[smem:$0x3F96] =	sst lr;
	_ =	strace $0xD0000000  }
0x3: {  	_ = 	snop  }
0x4: {  	_ = 	snop  }
0x5: {  	_ = 	snop  }
0x6: {  	_ = 	snop  }
0x7: {  	_ = 	snop  }
__scs_overlays_trampoline_lowered:
0x8: {  	[smem:$0x3FA5] =	sst s0  }
0x9: {  	[smem:$0x3FA6] =	sst s1  }
0xa: {  	[smem:$0x3FA7] =	sst s2  }
0xb: {  	[smem:$0x3FA8] =	sst s3  }
0xc: {  	[smem:$0x3FA9] =	sst s4  }
0xd: {  	[smem:$0x3FAA] =	sst s5  }
0xe: {  	[smem:$0x3FAB] =	sst s6  }
0xf: {  	[smem:$0x3FAC] =	sst s7  }
0x10: {  	[smem:$0x3FAD] =	sst s8  }
0x11: {  	[smem:$0x3FAE] =	sst s9;
	s0 =	simm.s32 @!p0 $0x0  }
0x12: {  	s1 =	sld [smem:$0x3F94];
	s0 =	simm.s32 @p0 $0x1  }
0x13: {  	[smem:$0x3FAF] =	sst s0;
	s0 =	simm.s32 @!p1 $0x0  }
0x14: {  	s2 =	sld [smem:$0x3F93];
	s0 =	simm.s32 @p1 $0x1  }
0x15: {  	[smem:$0x3FB0] =	sst s0;
	s0 =	simm.s32 @!p2 $0x0  }
0x16: {  	s3 =	sld [smem:$0x3FDB];
	s0 =	simm.s32 @p2 $0x1  }
0x17: {  	s4 =	simm.s32 $0x1BF5;
	[smem:$0x3FB2] =	sst s0  }
0x18: {  	s0 =	sld [smem:$0x3F95];
	_ =	swait.ge [sflag:s4], $0x0  }
0x19: {  	s7 =	sld [smem:$0x3F96]  }
0x1a: {  	s8 =	sadd.s32 $0xFFFFE003, lr  }
0x1b: {  	s9 =	sadd.s32 $0xFFFFFEF7, lr;
	s5 =	simm.s32 $0xFFFFFFFF;
	p2 =	slt.u32 s8, $0xFFFFF086  }
0x1c: {  	p1 =	slt.u32 s9, $0xF7A;
	s5 =	simm.s32 @!p2 $0x0  }
0x1d: {  	s5 =	simm.s32 @p1 $0x1;
	p0 =	seq.s32 s7, s2  }
0x1e: {  	s7 =	smul.u32 @!p0 $0xF7A, s2;
	p2 =	seq.s32 @!p0 s5, $0x0  }
0x1f: {  	s9 =	smul.u32 $0xF7A, s1;
	s8 =	simm.s32 @!p0 $0x1BF5;
	p2 =	por !p2, p0  }
0x20: {  	[sflag:s8] =	ssyncset.s32 @!p0 $0xFFFFF086;
	s6 =	sadd.s32 @!p0 s3, s7;
	s7 =	simm.s32 @!p0 $0x108  }
0x21: {  	s3 =	sadd.s32 s3, s9;
	s6 =	sadd.s32 @!p0 $0x88, s6;
	s7 =	simm.s32 @p2 $0x1082  }
0x22: {  	[simem:s7], [sflag:s8] =	dma.local @!p0 [hbm:s6], $0xF7A  }
0x23: {  	s9 =	sor.u32 $0xD0000000, s2;
	s6 =	simm.s32 $0x108;
	_ =	swait.ge @!p0 [sflag:s8], $0x0  }
0x24: {  	s3 =	sadd.s32 $0x88, s3;
	s6 =	simm.s32 @!p1 $0x1082;
	[sflag:s4] =	ssyncset.s32 $0xFFFFF086  }
0x25: {  	[simem:s6], [sflag:s4] =	dma.local [hbm:s3], $0xF7A  }
0x26: {  	[smem:$0x3F96] =	sst s1;
	(tag) =	ssettag s2;
	_ =	strace s9  }
0x27: {  	s1 =	sld [smem:$0x3FA6]  }
0x28: {  	s2 =	sld [smem:$0x3FA7]  }
0x29: {  	s4 =	sld [smem:$0x3FA9]  }
0x2a: {  	p0 =	seq.s32 s5, $0x0;
	s5 =	sld [smem:$0x3FAA]  }
0x2b: {  	s6 =	sld [smem:$0x3FAB]  }
0x2c: {  	s7 =	sld [smem:$0x3FAC]  }
0x2d: {  	s3 =	simm.s32 $0x108;
	s8 =	sld [smem:$0x3FAD]  }
0x2e: {  	s3 =	simm.s32 @!p0 $0x1082;
	s9 =	sld [smem:$0x3FAE]  }
0x2f: {  	lr =	sadd.s32 s0, s3;
	s0 =	sld [smem:$0x3FA5]  }
0x30: {  	s3 =	sld [smem:$0x3FA8]  }
0x31: {  	[smem:$0x3FB1] =	sst s10  }
0x32: {  	s10 =	sld [smem:$0x3FAF];
	_ =	sdelay $0x3  }
0x33: {  	p0 =	seq.s32 s10, $0x1;
	s10 =	sld [smem:$0x3FB1];
	_ =	sdelay $0x3  }
0x34: {  	[smem:$0x3FB1] =	sst s10  }
0x35: {  	s10 =	sld [smem:$0x3FB0];
	_ =	sdelay $0x3  }
0x36: {  	p1 =	seq.s32 s10, $0x1;
	s10 =	sld [smem:$0x3FB1];
	_ =	sdelay $0x3  }
0x37: {  	[smem:$0x3FB1] =	sst s10  }
0x38: {  	s10 =	sld [smem:$0x3FB2]  }
0x39: {  	_ = 	snop;
	(pc) =	sbr.ind lr, $3  }
0x3a: {  	_ = 	snop  }
0x3b: {  	_ = 	snop  }
0x3c: {  	p2 =	seq.s32 s10, $0x1;
	s10 =	sld [smem:$0x3FB1]  }
0x3d: {  	_ =	shalt  }
0x3e: {  	_ =	shalt  }
0x3f: {  	_ =	shalt  }
0x40: {  	_ =	shalt  }
0x41: {  	_ =	shalt  }
0x42: {  	_ =	shalt  }
0x43: {  	_ =	shalt  }
0x44: {  	_ =	shalt  }
0x45: {  	_ =	shalt  }
0x46: {  	_ =	shalt  }
0x47: {  	_ =	shalt  }
0x48: {  	_ =	shalt  }
0x49: {  	_ =	shalt  }
0x4a: {  	_ =	shalt  }
0x4b: {  	_ =	shalt  }
0x4c: {  	_ =	shalt  }
0x4d: {  	_ =	shalt  }
0x4e: {  	_ =	shalt  }
0x4f: {  	_ =	shalt  }
0x50: {  	_ =	shalt  }
0x51: {  	_ =	shalt  }
0x52: {  	_ =	shalt  }
0x53: {  	_ =	shalt  }
0x54: {  	_ =	shalt  }
0x55: {  	_ =	shalt  }
0x56: {  	_ =	shalt  }
0x57: {  	_ =	shalt  }
0x58: {  	_ =	shalt  }
0x59: {  	_ =	shalt  }
0x5a: {  	_ =	shalt  }
0x5b: {  	_ =	shalt  }
0x5c: {  	_ =	shalt  }
0x5d: {  	_ =	shalt  }
0x5e: {  	_ =	shalt  }
0x5f: {  	_ =	shalt  }
0x60: {  	_ =	shalt  }
0x61: {  	_ =	shalt  }
0x62: {  	_ =	shalt  }
0x63: {  	_ =	shalt  }
0x64: {  	_ =	shalt  }
0x65: {  	_ =	shalt  }
0x66: {  	_ =	shalt  }
0x67: {  	_ =	shalt  }
0x68: {  	_ =	shalt  }
0x69: {  	_ =	shalt  }
0x6a: {  	_ =	shalt  }
0x6b: {  	_ =	shalt  }
0x6c: {  	_ =	shalt  }
0x6d: {  	_ =	shalt  }
0x6e: {  	_ =	shalt  }
0x6f: {  	_ =	shalt  }
0x70: {  	_ =	shalt  }
0x71: {  	_ =	shalt  }
0x72: {  	_ =	shalt  }
0x73: {  	_ =	shalt  }
0x74: {  	_ =	shalt  }
0x75: {  	_ =	shalt  }
0x76: {  	_ =	shalt  }
0x77: {  	_ =	shalt  }
0x78: {  	_ =	shalt  }
0x79: {  	_ =	shalt  }
0x7a: {  	_ =	shalt  }
0x7b: {  	_ =	shalt  }
0x7c: {  	_ =	shalt  }
0x7d: {  	_ =	shalt  }
0x7e: {  	_ =	shalt  }
0x7f: {  	_ =	shalt  }
0x80: {  	_ =	shalt  }
0x81: {  	_ =	shalt  }
0x82: {  	_ =	shalt  }
0x83: {  	_ =	shalt  }
0x84: {  	_ =	shalt  }
0x85: {  	_ =	shalt  }
0x86: {  	_ =	shalt  }
0x87: {  	_ =	shalt  }
.Lfunc_end0:
.L_simem_size_0:
called_computation.2_lowered:
.L_overlay_start_0:
0x88: {  	s2 =	sld [smem:$0x3FD9]  }
0x89: {  	s3 =	sld [smem:$0x3FFE];
	_ =	sdelay $0x1  }
0x8a: {  	s1 =	srdreg.scid  }
0x8b: {  	s0 =	sand.u32 $0x1, s1  }
0x8c: {  	s16 =	sshll.u32 s0, $0xA;
	s2 =	sadd.s32 s3, s2  }
0x8d: {  	s2 =	sadd.s32 s2, s16  }
0x8e: {  	[smem:$0x3FBD] =	sst s2  }
0x8f: {  	_ = 	snop  }
0x90: {  	(tm) =	ssettm $0x1  }
0x91: {  	s17 =	sld [smem:$0x3FFB];
	_ =	sdelay $0x3  }
0x92: {  	_ =	strace s17  }
0x93: {  	s2 =	sld [smem:$0x3FFC];
	_ =	sdelay $0x3  }
0x94: {  	_ =	strace s2  }
0x95: {  	s2 =	sld [smem:$0x3FFD];
	_ =	sdelay $0x3  }
0x96: {  	_ =	strace s2  }
0x97: {  	_ =	strace $0x8FFFFFFF  }
0x98: {  	s18 =	sld [smem:$0x3FDB];
	_ =	sdelay $0x1  }
0x99: {  	s19 =	simm.s32 $_scs_section_size  }
0x9a: {  	s4 =	simm.s32 $_size__tile_overlayer_lowered;
	s5 =	simm.s32 $_tile_overlayer_lowered  }
0x9b: {  	s22 =	simm.s32 $0x1BFF;
	s21 =	sshll.u32 s5, $0x1;
	s2 =	sadd.s32 s19, s18  }
0x9c: {  	s6 =	simm.s32 $0x0;
	s20 =	sshll.u32 s4, $0x1;
	s4 =	sadd.s32 s21, s2  }
0x9d: {  	[timem:s6], [sflag:s22] =	dma.local [hbm:s4], s20  }
0x9e: {  	_ =	swait.ge [sflag:s22], s20  }
0x9f: {  	s3 =	ssub.s32 $0x0, s20;
	[sflag:s22] =	ssyncset.done $0x0  }
0xa0: {  	[sflag:s22] =	ssyncadd.s32 s3;
	_ =	sdelay $0x1  }
0xa1: {  	s23 =	simm.s32 $0x1B8B  }
0xa2: {  	_ =	swait.ge [sflag:s23], $0x1  }
0xa3: {  	[sflag:s23] =	ssyncset.done $0x0  }
0xa4: {  	s25 =	simm.s32 $0x1B8E;
	s24 =	sld [smem:$0x3FFE];
	[sflag:s23] =	ssyncadd.s32 $0xFFFFFFFF  }
0xa5: {  	s26 =	simm.s32 $execute0_lowered;
	[smem:$0x3FD2] =	sst s25  }
0xa6: {  	s4 =	sshll.u32 s26, $0x1;
	_ =	strace $0x8000004C;
	[dreg:$0x1] =	wrdreg $0xFFFFFFFF  }
0xa7: {  	s28 =	simm.s32 $_size_execute0_lowered;
	s2 =	sadd.s32 s2, s4;
	[dreg:$0x0] =	wrdreg $0x0  }
0xa8: {  	s4 =	sshll.u32 s28, $0x1;
	[dreg:$0x2] =	wrdreg s2  }
0xa9: {  	[dreg:$0x3] =	wrdreg s4  }
0xaa: {  	[dreg:$0x4] =	wrdreg $0xC0  }
0xab: {  	_ =	task [dreg:s6], $0x5FFFF  }
0xac: {  	[dreg:$0x1] =	wrdreg $0xFFFFFFFF  }
0xad: {  	[dreg:$0x0] =	wrdreg $0x60  }
0xae: {  	[dreg:$0x2] =	wrdreg s24  }
0xaf: {  	[dreg:$0x3] =	wrdreg $0x0  }
0xb0: {  	[dreg:$0x4] =	wrdreg $0x9  }
0xb1: {  	_ =	task.clear_ibuf [dreg:s6], $0x5FFFF;
	_ =	strace $0x9000004C  }
0xb2: {  	s29 =	simm.s32 $0x9;
	_ =	strace $0x8000004E  }
0xb3: {  	_ =	swait.ge [sflag:s29], $0x1  }
0xb4: {  	[sflag:s29] =	ssyncadd.s32 $0xFFFFFFFF  }
0xb5: {  	_ =	strace $0x9000004E  }
0xb6: {  	_ =	sfence  }
0xb7: {  	s30 =	sld [smem:$0x0];
	_ =	sdelay $0x2  }
0xb8: {  	s31 =	sshll.u32 s1, $0xD;
	s1 =	sshrl.u32 s1, $0x2  }
0xb9: {  	s3 =	sand.u32 $0x4000, s31;
	s1 =	sadd.s32 s1, s30  }
0xba: {  	s0 =	sor.u32 s3, s0;
	s1 =	sshll.u32 s1, $0x11  }
0xbb: {  	s0 =	sor.u32 s1, s0  }
0xbc: {  	s0 =	sadd.s32 $0x8F2B, s0  }
0xbd: {  	[sflag:s0] =	ssyncadd.remote.s32 $0x1  }
0xbe: {  	_ =	sfence.sel $0xFFFF  }
0xbf: {  	[dreg:$0x0] =	wrdreg $0xFFFFFFFF;
	(pc) =	sbr.abs _section_cstart, $3  }
0xc0: {  	[dreg:$0x1] =	wrdreg $0xFFFFFFFF  }
0xc1: {  	_ =	task.clear_ibuf [dreg:s6], $0x2FFFF;
	_ =	strace $0x9FFFFFFF  }
0xc2: {  	(tm) =	ssettm $0x7FFFFFFF  }
0xc3: {  	_ =	shalt  }
tec
execute0_lowered:
.L_overlay_start_1:
0x0: {  	(tag) =	ssettag $0x1  }
0x1: {  	s5 =	rddreg [dreg:$0x0];
	s0 =	srdreg.scid  }
0x2: {  	s2 =	rddreg [dreg:$0x1];
	s1 =	stileid.u32  }
0x3: {  	s3 =	simm.s32 $0x0;
	s20 =	simm.s32 $0x14000;
	s21 =	simm.s32 $0x14080  }
0x4: {  	s22 =	simm.s32 $0x80;
	s23 =	simm.s32 $0x1;
	s6 =	smul.u32 $0x2800, s1  }
0x5: {  	s7 =	sand.u32 $0x1, s0;
	s0 =	rddreg [dreg:$0x2];
	s9 =	smul.u32 $0x280, s1  }
0x6: {  	[smem:$0x7FF] =	sst s3;
	s8 =	smul.u32 $0x50000, s1;
	s14 =	sadd.s32 $0x3FA00, s5  }
0x7: {  	s4 =	smul.u32 $0x28000, s7;
	_ =	strace $0x8000004D;
	s24 =	ssub.s32 $0x2, s7  }
0x8: {  	s16 =	smul.u32 $0x2800, s7;
	s25 =	sshrl.u32 s24, $0x1;
	s8 =	sshrl.u32 s8, $0x2  }
0x9: {  	s10 =	sadd.s32 $0x80, s9;
	s12 =	sadd.s32 $0x100, s9;
	s13 =	sadd.s32 $0x180, s9  }
0xa: {  	s18 =	sadd.s32 $0x200, s9;
	s6 =	sadd.s32 s6, s4;
	s4 =	sadd.s32 $0x18800, s5  }
0xb: {  	s15 =	ssub.s32 s24, s25;
	s26 =	sshll.u32 s10, $0x7;
	s28 =	sshll.u32 s12, $0x7  }
0xc: {  	s11 =	sshll.u32 s13, $0x7;
	s29 =	sshll.u32 s18, $0x7;
	s19 =	sadd.s32 s9, s16  }
0xd: {  	s10 =	sadd.s32 s16, s10;
	s12 =	sadd.s32 s16, s12;
	s13 =	sadd.s32 s16, s13  }
0xe: {  	s16 =	sadd.s32 s16, s18;
	s18 =	simm.s32 $0x14100;
	s24 =	simm.s32 $0x0  }
0xf: {  	s6 =	sshrl.u32 s6, $0x3;
	s7 =	sadd.s32 s28, s2;
	s9 =	sadd.s32 s29, s2  }
0x10: {  	s30 =	sshll.u32 s19, $0x4;
	s31 =	sshll.u32 s10, $0x4;
	s12 =	sshll.u32 s12, $0x4  }
0x11: {  	s13 =	sshll.u32 s13, $0x4;
	s16 =	sshll.u32 s16, $0x4;
	s15 =	smax.u32 s15, $0x1  }
0x12: {  	s19 =	simm.s32 $0x2;
	s17 =	sadd.s32 s6, s5;
	s5 =	sadd.s32 s8, s2  }
0x13: {  	s6 =	sadd.s32 s26, s2;
	s8 =	sadd.s32 s11, s2;
	s10 =	sadd.s32 s14, s30  }
0x14: {  	s11 =	sadd.s32 s14, s31;
	s12 =	sadd.s32 s14, s12;
	s13 =	sadd.s32 s14, s13  }
0x15: {  	v0 =	vimm.f32 $0.0e+00;
	s14 =	sadd.s32 s14, s16;
	s16 =	sadd.s32 $0xE800, s17;
	s17 =	sadd.s32 $0x4800, s17  }
.LBB2_1:
0x16: {  	s25 =	simm.s32 $0x0;
	s26 =	simm.s32 $0x200  }
.LBB2_2:
0x17: {  	p0 =	sne.s32 s26, $0xFE00;
	[tilespmem:s25+$0x14170] =	vst v0  }
0x18: {  	[tilespmem:s25+$0x14100] =	vst v0  }
0x19: {  	[tilespmem:s25+$0x14110] =	vst v0  }
.Ltmp0:
0x1a: {  	[tilespmem:s25+$0x14120] =	vst v0;
	(pc) =	sbr.rel @p0 .LBB2_2-.Ltmp0, $4  }
0x1b: {  	[tilespmem:s25+$0x14130] =	vst v0  }
0x1c: {  	[tilespmem:s25+$0x14140] =	vst v0  }
0x1d: {  	[tilespmem:s25+$0x14150] =	vst v0  }
0x1e: {  	[tilespmem:s25+$0x14160] =	vst v0;
	s25 =	sshra.s32 s26, $0x2;
	s26 =	sadd.s32 $0x200, s26  }
0x1f: {  	[tilespmem:s25+$0x14170] =	vst v0  }
0x20: {  	[tilespmem:s25+$0x14100] =	vst v0  }
0x21: {  	[tilespmem:s25+$0x14110] =	vst v0  }
0x22: {  	[tilespmem:s25+$0x14120] =	vst v0  }
0x23: {  	[tilespmem:s25+$0x14130] =	vst v0  }
0x24: {  	[tilespmem:s25+$0x14140] =	vst v0  }
0x25: {  	[tilespmem:s25+$0x14150] =	vst v0  }
0x26: {  	[tilespmem:s25+$0x14160] =	vst v0  }
0x27: {  	[spmem:s5] =	stream.linear.scatter [tilespmem:s18], [sflag:$0x2], $0x4000, $0x38;
	[tilespmem:$0x18100] =	vst v63  }
0x28: {  	_ =	swait.ge [sflag:s19], $0x4000  }
0x29: {  	[sflag:s19] =	ssyncset.done $0x0  }
0x2a: {  	[sflag:s19] =	ssyncadd.s32 $0xFFFFC000  }
0x2b: {  	[spmem:s6] =	stream.linear.scatter [tilespmem:s18], [sflag:$0x2], $0x4000, $0x38;
	[tilespmem:$0x18100] =	vst v63  }
0x2c: {  	_ =	swait.ge [sflag:s19], $0x4000  }
0x2d: {  	[sflag:s19] =	ssyncset.done $0x0  }
0x2e: {  	[sflag:s19] =	ssyncadd.s32 $0xFFFFC000  }
0x2f: {  	[spmem:s7] =	stream.linear.scatter [tilespmem:s18], [sflag:$0x2], $0x4000, $0x38;
	[tilespmem:$0x18100] =	vst v63  }
0x30: {  	_ =	swait.ge [sflag:s19], $0x4000  }
0x31: {  	[sflag:s19] =	ssyncset.done $0x0  }
0x32: {  	[sflag:s19] =	ssyncadd.s32 $0xFFFFC000  }
0x33: {  	[spmem:s8] =	stream.linear.scatter [tilespmem:s18], [sflag:$0x2], $0x4000, $0x38;
	[tilespmem:$0x18100] =	vst v63  }
0x34: {  	_ =	swait.ge [sflag:s19], $0x4000  }
0x35: {  	[sflag:s19] =	ssyncset.done $0x0  }
0x36: {  	[sflag:s19] =	ssyncadd.s32 $0xFFFFC000  }
0x37: {  	[spmem:s9] =	stream.linear.scatter [tilespmem:s18], [sflag:$0x2], $0x4000, $0x38;
	[tilespmem:$0x18100] =	vst v63  }
0x38: {  	_ =	swait.ge [sflag:s19], $0x4000  }
0x39: {  	[sflag:s19] =	ssyncset.done $0x0  }
0x3a: {  	[sflag:s19] =	ssyncadd.s32 $0xFFFFC000  }
0x3b: {  	s30 =	sadd.s32 $0x0, s17;
	[bflag:$0x0] =	sbarrier.arrive $0xFFFF  }
0x3c: {  	[tilespmem:s20], [sflag:$0x2] =	stream.linear.gather [hbm4b:s30+s3], $0x80, $0x38;
	[tilespmem:$0x18100] =	vst v63  }
0x3d: {  	_ =	swait.ge [sflag:s19], $0x80  }
0x3e: {  	[sflag:s19] =	ssyncset.done $0x0  }
0x3f: {  	s31 =	sadd.s32 $0x0, s16;
	[sflag:s19] =	ssyncadd.s32 $0xFFFFFF80  }
0x40: {  	[tilespmem:s21], [sflag:$0x2] =	stream.linear.gather [hbm4b:s31+s3], $0x80, $0x38;
	[tilespmem:$0x18100] =	vst v63  }
0x41: {  	_ =	swait.ge [sflag:s19], $0x80  }
0x42: {  	[sflag:s19] =	ssyncset.done $0x0  }
0x43: {  	[sflag:s19] =	ssyncadd.s32 $0xFFFFFF80  }
0x44: {  	[tilespmem:s18], [sflag:$0x1] =	stream.indirect.gather [hbm4b:s4+s22], $0x80, s20, s22, $0xb8;
	[tilespmem:$0x18100] =	vst v63  }
0x45: {  	_ =	swait.ge [sflag:s23], $0x4000  }
0x46: {  	[sflag:s23] =	ssyncset.done $0x0  }
0x47: {  	[sflag:s23] =	ssyncadd.s32 $0xFFFFC000  }
0x48: {  	[spmem:s2] =	stream.indirect.scatter.add.f32 [tilespmem:s18], [sflag:$0x2], $0x80, s21, s22, $0xb8;
	[tilespmem:$0x18100] =	vst v63  }
0x49: {  	_ =	swait.ge [sflag:s19], $0x4000  }
0x4a: {  	s25 =	simm.s32 $0x10;
	s26 =	simm.s32 $0x20;
	[sflag:s19] =	ssyncset.done $0x0  }
.LBB2_4:
0x4b: {  	s28 =	sadd.s32 s25, s17  }
0x4c: {  	[sflag:s19] =	ssyncadd.s32 $0xFFFFC000;
	s29 =	smov.u32 s26;
	s30 =	sadd.s32 $0x10, s26  }
0x4d: {  	[tilespmem:s20], [sflag:$0x2] =	stream.linear.gather [hbm4b:s28+s3], $0x80, $0x38;
	[tilespmem:$0x18100] =	vst v63  }
0x4e: {  	p0 =	sne.s32 s26, $0x4F0;
	_ =	swait.ge [sflag:s19], $0x80  }
0x4f: {  	[sflag:s19] =	ssyncset.done $0x0  }
0x50: {  	s26 =	sadd.s32 s25, s16;
	s25 =	smov.u32 s29;
	[sflag:s19] =	ssyncadd.s32 $0xFFFFFF80  }
0x51: {  	[tilespmem:s21], [sflag:$0x2] =	stream.linear.gather [hbm4b:s26+s3], $0x80, $0x38;
	[tilespmem:$0x18100] =	vst v63  }
0x52: {  	_ =	swait.ge [sflag:s19], $0x80  }
0x53: {  	[sflag:s19] =	ssyncset.done $0x0  }
0x54: {  	[sflag:s19] =	ssyncadd.s32 $0xFFFFFF80  }
0x55: {  	[tilespmem:s18], [sflag:$0x1] =	stream.indirect.gather [hbm4b:s4+s22], $0x80, s20, s22, $0xb8;
	[tilespmem:$0x18100] =	vst v63  }
0x56: {  	_ =	swait.ge [sflag:s23], $0x4000  }
.Ltmp1:
0x57: {  	[sflag:s23] =	ssyncset.done $0x0;
	(pc) =	sbr.rel @p0 .LBB2_4-.Ltmp1, $4  }
0x58: {  	[sflag:s23] =	ssyncadd.s32 $0xFFFFC000  }
0x59: {  	[spmem:s2] =	stream.indirect.scatter.add.f32 [tilespmem:s18], [sflag:$0x2], $0x80, s21, s22, $0xb8;
	[tilespmem:$0x18100] =	vst v63  }
0x5a: {  	_ =	swait.ge [sflag:s19], $0x4000  }
0x5b: {  	s26 =	smov.u32 s30;
	[sflag:s19] =	ssyncset.done $0x0  }
0x5c: {  	s26 =	sadd.s32 s25, s17;
	[sflag:s19] =	ssyncadd.s32 $0xFFFFC000  }
0x5d: {  	[tilespmem:s20], [sflag:$0x2] =	stream.linear.gather [hbm4b:s26+s3], $0x80, $0x38;
	[tilespmem:$0x18100] =	vst v63  }
0x5e: {  	_ =	swait.ge [sflag:s19], $0x80  }
0x5f: {  	[sflag:s19] =	ssyncset.done $0x0  }
0x60: {  	s31 =	sadd.s32 s25, s16;
	[sflag:s19] =	ssyncadd.s32 $0xFFFFFF80  }
0x61: {  	[tilespmem:s21], [sflag:$0x2] =	stream.linear.gather [hbm4b:s31+s3], $0x80, $0x38;
	[tilespmem:$0x18100] =	vst v63  }
0x62: {  	_ =	swait.ge [sflag:s19], $0x80  }
0x63: {  	[sflag:s19] =	ssyncset.done $0x0  }
0x64: {  	[sflag:s19] =	ssyncadd.s32 $0xFFFFFF80  }
0x65: {  	[tilespmem:s18], [sflag:$0x1] =	stream.indirect.gather [hbm4b:s4+s22], $0x80, s20, s22, $0xb8;
	[tilespmem:$0x18100] =	vst v63  }
0x66: {  	_ =	swait.ge [sflag:s23], $0x4000  }
0x67: {  	[sflag:s23] =	ssyncset.done $0x0  }
0x68: {  	[sflag:s23] =	ssyncadd.s32 $0xFFFFC000  }
0x69: {  	[spmem:s2] =	stream.indirect.scatter.add.f32 [tilespmem:s18], [sflag:$0x2], $0x80, s21, s22, $0xb8;
	[tilespmem:$0x18100] =	vst v63  }
0x6a: {  	_ =	swait.ge [sflag:s19], $0x4000  }
0x6b: {  	[sflag:s19] =	ssyncset.done $0x0  }
0x6c: {  	[sflag:s19] =	ssyncadd.s32 $0xFFFFC000  }
0x6d: {  	[bflag:$0x0] =	sbarrier.arrive $0xFFFF  }
0x6e: {  	[tilespmem:s18], [sflag:$0x2] =	stream.linear.gather [spmem:s5], $0x4000, $0x38;
	[tilespmem:$0x18100] =	vst v63  }
0x6f: {  	_ =	swait.ge [sflag:s19], $0x4000  }
0x70: {  	[sflag:s19] =	ssyncset.done $0x0  }
0x71: {  	[sflag:s19] =	ssyncadd.s32 $0xFFFFC000  }
0x72: {  	[hbm4b:s10+s3] =	stream.linear.scatter [tilespmem:s18], [sflag:$0x2], $0x4000, $0x38;
	[tilespmem:$0x18100] =	vst v63  }
0x73: {  	_ =	swait.ge [sflag:s19], $0x4000  }
0x74: {  	[sflag:s19] =	ssyncset.done $0x0  }
0x75: {  	[sflag:s19] =	ssyncadd.s32 $0xFFFFC000  }
0x76: {  	[tilespmem:s18], [sflag:$0x2] =	stream.linear.gather [spmem:s6], $0x4000, $0x38;
	[tilespmem:$0x18100] =	vst v63  }
0x77: {  	_ =	swait.ge [sflag:s19], $0x4000  }
0x78: {  	[sflag:s19] =	ssyncset.done $0x0  }
0x79: {  	[sflag:s19] =	ssyncadd.s32 $0xFFFFC000  }
0x7a: {  	[hbm4b:s11+s3] =	stream.linear.scatter [tilespmem:s18], [sflag:$0x2], $0x4000, $0x38;
	[tilespmem:$0x18100] =	vst v63  }
0x7b: {  	_ =	swait.ge [sflag:s19], $0x4000  }
0x7c: {  	[sflag:s19] =	ssyncset.done $0x0  }
0x7d: {  	[sflag:s19] =	ssyncadd.s32 $0xFFFFC000  }
0x7e: {  	[tilespmem:s18], [sflag:$0x2] =	stream.linear.gather [spmem:s7], $0x4000, $0x38;
	[tilespmem:$0x18100] =	vst v63  }
0x7f: {  	_ =	swait.ge [sflag:s19], $0x4000  }
0x80: {  	[sflag:s19] =	ssyncset.done $0x0  }
0x81: {  	[sflag:s19] =	ssyncadd.s32 $0xFFFFC000  }
0x82: {  	[hbm4b:s12+s3] =	stream.linear.scatter [tilespmem:s18], [sflag:$0x2], $0x4000, $0x38;
	[tilespmem:$0x18100] =	vst v63  }
0x83: {  	_ =	swait.ge [sflag:s19], $0x4000  }
0x84: {  	[sflag:s19] =	ssyncset.done $0x0  }
0x85: {  	[sflag:s19] =	ssyncadd.s32 $0xFFFFC000  }
0x86: {  	[tilespmem:s18], [sflag:$0x2] =	stream.linear.gather [spmem:s8], $0x4000, $0x38;
	[tilespmem:$0x18100] =	vst v63  }
0x87: {  	_ =	swait.ge [sflag:s19], $0x4000  }
0x88: {  	[sflag:s19] =	ssyncset.done $0x0  }
0x89: {  	[sflag:s19] =	ssyncadd.s32 $0xFFFFC000  }
0x8a: {  	[hbm4b:s13+s3] =	stream.linear.scatter [tilespmem:s18], [sflag:$0x2], $0x4000, $0x38;
	[tilespmem:$0x18100] =	vst v63  }
0x8b: {  	_ =	swait.ge [sflag:s19], $0x4000  }
0x8c: {  	[sflag:s19] =	ssyncset.done $0x0  }
0x8d: {  	[sflag:s19] =	ssyncadd.s32 $0xFFFFC000  }
0x8e: {  	[tilespmem:s18], [sflag:$0x2] =	stream.linear.gather [spmem:s9], $0x4000, $0x38;
	[tilespmem:$0x18100] =	vst v63  }
0x8f: {  	s24 =	sadd.s32 $0x1, s24;
	_ =	swait.ge [sflag:s19], $0x4000  }
0x90: {  	p0 =	sne.s32 s24, s15;
	[sflag:s19] =	ssyncset.done $0x0  }
.Ltmp2:
0x91: {  	[sflag:s19] =	ssyncadd.s32 $0xFFFFC000;
	(pc) =	sbr.rel @p0 .LBB2_1-.Ltmp2, $4  }
0x92: {  	[hbm4b:s14+s3] =	stream.linear.scatter [tilespmem:s18], [sflag:$0x2], $0x4000, $0x38;
	[tilespmem:$0x18100] =	vst v63  }
0x93: {  	_ =	swait.ge [sflag:s19], $0x4000  }
0x94: {  	[sflag:s19] =	ssyncset.done $0x0  }
0x95: {  	[sflag:s19] =	ssyncadd.s32 $0xFFFFC000  }
0x96: {  	_ =	sfence.sel $0x180000  }
0x97: {  	[bflag:$0x0] =	sbarrier.arrive $0xFFFF  }
0x98: {  	p0 =	sne.s32 s1, $0x0;
	_ =	strace $0x9000004D  }
0x99: {  	s0 =	sadd.s32 @!p0 $0x100000, s0;
	[bflag:$0x2] =	sbarrier.arrive $0xFFFF  }
0x9a: {  	[sflag:s0] =	ssyncadd.tile.s32 @!p0 $0x1;
	_ =	shalt  }
.Lfunc_end2:
_tile_overlayer_lowered:
.L_overlay_start_2:
0x9b: {  	(tag) =	ssettag $0x2  }
0x9c: {  	s0 =	rddreg [dreg:$0x0];
	s2 =	stileid.u32  }
0x9d: {  	s1 =	rddreg [dreg:$0x1];
	p0 =	sne.s32 s2, $0x0  }
0x9e: {  	s3 =	rddreg [dreg:$0x2];
	[bflag:$0x3] =	sbarrier.arrive $0xFFFF;
	s2 =	simm.s32 @!p0 $0x1C02  }
0x9f: {  	[timem:s3], [sflag:s2] =	dma.local @!p0 [hbm:s0], s1  }
0xa0: {  	s0 =	simm.s32 @!p0 $0x2  }
0xa1: {  	_ =	swait.ge @!p0 [sflag:s0], s1  }
0xa2: {  	s1 =	ssub.s32 @!p0 $0x0, s1;
	[sflag:s0] =	ssyncset.done @!p0 $0x0  }
0xa3: {  	[sflag:s0] =	ssyncadd.s32 @!p0 s1  }
0xa4: {  	[bflag:$0x3] =	sbarrier.arrive $0xFFFF  }
0xa5: {  	_ =	shalt  }

// kernel: kernel.21.cloned.1.call-start
scs
__scs_entry_jumppad:
0x0: {  	(pc) =	sbr.rel $0x88, $3  }
0x1: {  	(tag) =	ssettag $0x0;
	lr =	simm.s32 $0x1  }
0x2: {  	[smem:$0x3F96] =	sst lr;
	_ =	strace $0xD0000000  }
0x3: {  	_ = 	snop  }
0x4: {  	_ = 	snop  }
0x5: {  	_ = 	snop  }
0x6: {  	_ = 	snop  }
0x7: {  	_ = 	snop  }
__scs_overlays_trampoline_lowered:
0x8: {  	[smem:$0x3FA5] =	sst s0  }
0x9: {  	[smem:$0x3FA6] =	sst s1  }
0xa: {  	[smem:$0x3FA7] =	sst s2  }
0xb: {  	[smem:$0x3FA8] =	sst s3  }
0xc: {  	[smem:$0x3FA9] =	sst s4  }
0xd: {  	[smem:$0x3FAA] =	sst s5  }
0xe: {  	[smem:$0x3FAB] =	sst s6  }
0xf: {  	[smem:$0x3FAC] =	sst s7  }
0x10: {  	[smem:$0x3FAD] =	sst s8  }
0x11: {  	[smem:$0x3FAE] =	sst s9;
	s0 =	simm.s32 @!p0 $0x0  }
0x12: {  	s1 =	sld [smem:$0x3F94];
	s0 =	simm.s32 @p0 $0x1  }
0x13: {  	[smem:$0x3FAF] =	sst s0;
	s0 =	simm.s32 @!p1 $0x0  }
0x14: {  	s2 =	sld [smem:$0x3F93];
	s0 =	simm.s32 @p1 $0x1  }
0x15: {  	[smem:$0x3FB0] =	sst s0;
	s0 =	simm.s32 @!p2 $0x0  }
0x16: {  	s3 =	sld [smem:$0x3FDB];
	s0 =	simm.s32 @p2 $0x1  }
0x17: {  	s4 =	simm.s32 $0x1BF5;
	[smem:$0x3FB2] =	sst s0  }
0x18: {  	s0 =	sld [smem:$0x3F95];
	_ =	swait.ge [sflag:s4], $0x0  }
0x19: {  	s7 =	sld [smem:$0x3F96]  }
0x1a: {  	s8 =	sadd.s32 $0xFFFFE003, lr  }
0x1b: {  	s9 =	sadd.s32 $0xFFFFFEF7, lr;
	s5 =	simm.s32 $0xFFFFFFFF;
	p2 =	slt.u32 s8, $0xFFFFF086  }
0x1c: {  	p1 =	slt.u32 s9, $0xF7A;
	s5 =	simm.s32 @!p2 $0x0  }
0x1d: {  	s5 =	simm.s32 @p1 $0x1;
	p0 =	seq.s32 s7, s2  }
0x1e: {  	s7 =	smul.u32 @!p0 $0xF7A, s2;
	p2 =	seq.s32 @!p0 s5, $0x0  }
0x1f: {  	s9 =	smul.u32 $0xF7A, s1;
	s8 =	simm.s32 @!p0 $0x1BF5;
	p2 =	por !p2, p0  }
0x20: {  	[sflag:s8] =	ssyncset.s32 @!p0 $0xFFFFF086;
	s6 =	sadd.s32 @!p0 s3, s7;
	s7 =	simm.s32 @!p0 $0x108  }
0x21: {  	s3 =	sadd.s32 s3, s9;
	s6 =	sadd.s32 @!p0 $0x88, s6;
	s7 =	simm.s32 @p2 $0x1082  }
0x22: {  	[simem:s7], [sflag:s8] =	dma.local @!p0 [hbm:s6], $0xF7A  }
0x23: {  	s9 =	sor.u32 $0xD0000000, s2;
	s6 =	simm.s32 $0x108;
	_ =	swait.ge @!p0 [sflag:s8], $0x0  }
0x24: {  	s3 =	sadd.s32 $0x88, s3;
	s6 =	simm.s32 @!p1 $0x1082;
	[sflag:s4] =	ssyncset.s32 $0xFFFFF086  }
0x25: {  	[simem:s6], [sflag:s4] =	dma.local [hbm:s3], $0xF7A  }
0x26: {  	[smem:$0x3F96] =	sst s1;
	(tag) =	ssettag s2;
	_ =	strace s9  }
0x27: {  	s1 =	sld [smem:$0x3FA6]  }
0x28: {  	s2 =	sld [smem:$0x3FA7]  }
0x29: {  	s4 =	sld [smem:$0x3FA9]  }
0x2a: {  	p0 =	seq.s32 s5, $0x0;
	s5 =	sld [smem:$0x3FAA]  }
0x2b: {  	s6 =	sld [smem:$0x3FAB]  }
0x2c: {  	s7 =	sld [smem:$0x3FAC]  }
0x2d: {  	s3 =	simm.s32 $0x108;
	s8 =	sld [smem:$0x3FAD]  }
0x2e: {  	s3 =	simm.s32 @!p0 $0x1082;
	s9 =	sld [smem:$0x3FAE]  }
0x2f: {  	lr =	sadd.s32 s0, s3;
	s0 =	sld [smem:$0x3FA5]  }
0x30: {  	s3 =	sld [smem:$0x3FA8]  }
0x31: {  	[smem:$0x3FB1] =	sst s10  }
0x32: {  	s10 =	sld [smem:$0x3FAF];
	_ =	sdelay $0x3  }
0x33: {  	p0 =	seq.s32 s10, $0x1;
	s10 =	sld [smem:$0x3FB1];
	_ =	sdelay $0x3  }
0x34: {  	[smem:$0x3FB1] =	sst s10  }
0x35: {  	s10 =	sld [smem:$0x3FB0];
	_ =	sdelay $0x3  }
0x36: {  	p1 =	seq.s32 s10, $0x1;
	s10 =	sld [smem:$0x3FB1];
	_ =	sdelay $0x3  }
0x37: {  	[smem:$0x3FB1] =	sst s10  }
0x38: {  	s10 =	sld [smem:$0x3FB2]  }
0x39: {  	_ = 	snop;
	(pc) =	sbr.ind lr, $3  }
0x3a: {  	_ = 	snop  }
0x3b: {  	_ = 	snop  }
0x3c: {  	p2 =	seq.s32 s10, $0x1;
	s10 =	sld [smem:$0x3FB1]  }
0x3d: {  	_ =	shalt  }
0x3e: {  	_ =	shalt  }
0x3f: {  	_ =	shalt  }
0x40: {  	_ =	shalt  }
0x41: {  	_ =	shalt  }
0x42: {  	_ =	shalt  }
0x43: {  	_ =	shalt  }
0x44: {  	_ =	shalt  }
0x45: {  	_ =	shalt  }
0x46: {  	_ =	shalt  }
0x47: {  	_ =	shalt  }
0x48: {  	_ =	shalt  }
0x49: {  	_ =	shalt  }
0x4a: {  	_ =	shalt  }
0x4b: {  	_ =	shalt  }
0x4c: {  	_ =	shalt  }
0x4d: {  	_ =	shalt  }
0x4e: {  	_ =	shalt  }
0x4f: {  	_ =	shalt  }
0x50: {  	_ =	shalt  }
0x51: {  	_ =	shalt  }
0x52: {  	_ =	shalt  }
0x53: {  	_ =	shalt  }
0x54: {  	_ =	shalt  }
0x55: {  	_ =	shalt  }
0x56: {  	_ =	shalt  }
0x57: {  	_ =	shalt  }
0x58: {  	_ =	shalt  }
0x59: {  	_ =	shalt  }
0x5a: {  	_ =	shalt  }
0x5b: {  	_ =	shalt  }
0x5c: {  	_ =	shalt  }
0x5d: {  	_ =	shalt  }
0x5e: {  	_ =	shalt  }
0x5f: {  	_ =	shalt  }
0x60: {  	_ =	shalt  }
0x61: {  	_ =	shalt  }
0x62: {  	_ =	shalt  }
0x63: {  	_ =	shalt  }
0x64: {  	_ =	shalt  }
0x65: {  	_ =	shalt  }
0x66: {  	_ =	shalt  }
0x67: {  	_ =	shalt  }
0x68: {  	_ =	shalt  }
0x69: {  	_ =	shalt  }
0x6a: {  	_ =	shalt  }
0x6b: {  	_ =	shalt  }
0x6c: {  	_ =	shalt  }
0x6d: {  	_ =	shalt  }
0x6e: {  	_ =	shalt  }
0x6f: {  	_ =	shalt  }
0x70: {  	_ =	shalt  }
0x71: {  	_ =	shalt  }
0x72: {  	_ =	shalt  }
0x73: {  	_ =	shalt  }
0x74: {  	_ =	shalt  }
0x75: {  	_ =	shalt  }
0x76: {  	_ =	shalt  }
0x77: {  	_ =	shalt  }
0x78: {  	_ =	shalt  }
0x79: {  	_ =	shalt  }
0x7a: {  	_ =	shalt  }
0x7b: {  	_ =	shalt  }
0x7c: {  	_ =	shalt  }
0x7d: {  	_ =	shalt  }
0x7e: {  	_ =	shalt  }
0x7f: {  	_ =	shalt  }
0x80: {  	_ =	shalt  }
0x81: {  	_ =	shalt  }
0x82: {  	_ =	shalt  }
0x83: {  	_ =	shalt  }
0x84: {  	_ =	shalt  }
0x85: {  	_ =	shalt  }
0x86: {  	_ =	shalt  }
0x87: {  	_ =	shalt  }
.Lfunc_end0:
.L_simem_size_0:
called_computation.3_lowered:
.L_overlay_start_0:
0x88: {  	s2 =	sld [smem:$0x3FD9]  }
0x89: {  	s3 =	sld [smem:$0x3FFE];
	_ =	sdelay $0x1  }
0x8a: {  	s1 =	srdreg.scid  }
0x8b: {  	s0 =	sand.u32 $0x1, s1  }
0x8c: {  	s16 =	sshll.u32 s0, $0xA;
	s2 =	sadd.s32 s3, s2  }
0x8d: {  	s2 =	sadd.s32 s2, s16  }
0x8e: {  	[smem:$0x3FBD] =	sst s2  }
0x8f: {  	_ = 	snop  }
0x90: {  	(tm) =	ssettm $0x1  }
0x91: {  	s17 =	sld [smem:$0x3FFB];
	_ =	sdelay $0x3  }
0x92: {  	_ =	strace s17  }
0x93: {  	s2 =	sld [smem:$0x3FFC];
	_ =	sdelay $0x3  }
0x94: {  	_ =	strace s2  }
0x95: {  	s2 =	sld [smem:$0x3FFD];
	_ =	sdelay $0x3  }
0x96: {  	_ =	strace s2  }
0x97: {  	_ =	strace $0x8FFFFFFF  }
0x98: {  	s18 =	sld [smem:$0x3FDB];
	_ =	sdelay $0x1  }
0x99: {  	s19 =	simm.s32 $_scs_section_size  }
0x9a: {  	s4 =	simm.s32 $_size__tile_overlayer_lowered;
	s5 =	simm.s32 $_tile_overlayer_lowered  }
0x9b: {  	s22 =	simm.s32 $0x1BFF;
	s21 =	sshll.u32 s5, $0x1;
	s2 =	sadd.s32 s19, s18  }
0x9c: {  	s6 =	simm.s32 $0x0;
	s20 =	sshll.u32 s4, $0x1;
	s4 =	sadd.s32 s21, s2  }
0x9d: {  	[timem:s6], [sflag:s22] =	dma.local [hbm:s4], s20  }
0x9e: {  	_ =	swait.ge [sflag:s22], s20  }
0x9f: {  	s3 =	ssub.s32 $0x0, s20;
	[sflag:s22] =	ssyncset.done $0x0  }
0xa0: {  	[sflag:s22] =	ssyncadd.s32 s3;
	_ =	sdelay $0x1  }
0xa1: {  	s23 =	simm.s32 $0x1B8B  }
0xa2: {  	_ =	swait.ge [sflag:s23], $0x1  }
0xa3: {  	[sflag:s23] =	ssyncset.done $0x0  }
0xa4: {  	s25 =	simm.s32 $0x1B8E;
	s24 =	sld [smem:$0x3FFE];
	[sflag:s23] =	ssyncadd.s32 $0xFFFFFFFF  }
0xa5: {  	s26 =	simm.s32 $execute0_lowered;
	[smem:$0x3FD2] =	sst s25  }
0xa6: {  	s4 =	sshll.u32 s26, $0x1;
	_ =	strace $0x8000004F;
	[dreg:$0x1] =	wrdreg $0xFFFFFFFF  }
0xa7: {  	s28 =	simm.s32 $_size_execute0_lowered;
	s2 =	sadd.s32 s2, s4;
	[dreg:$0x0] =	wrdreg $0x0  }
0xa8: {  	s4 =	sshll.u32 s28, $0x1;
	[dreg:$0x2] =	wrdreg s2  }
0xa9: {  	[dreg:$0x3] =	wrdreg s4  }
0xaa: {  	[dreg:$0x4] =	wrdreg $0xC0  }
0xab: {  	_ =	task [dreg:s6], $0x5FFFF  }
0xac: {  	[dreg:$0x1] =	wrdreg $0xFFFFFFFF  }
0xad: {  	[dreg:$0x0] =	wrdreg $0x60  }
0xae: {  	[dreg:$0x2] =	wrdreg s24  }
0xaf: {  	[dreg:$0x3] =	wrdreg $0x0  }
0xb0: {  	[dreg:$0x4] =	wrdreg $0x9  }
0xb1: {  	_ =	task.clear_ibuf [dreg:s6], $0x5FFFF;
	_ =	strace $0x9000004F  }
0xb2: {  	s29 =	simm.s32 $0x9;
	_ =	strace $0x80000051  }
0xb3: {  	_ =	swait.ge [sflag:s29], $0x1  }
0xb4: {  	[sflag:s29] =	ssyncadd.s32 $0xFFFFFFFF  }
0xb5: {  	_ =	strace $0x90000051  }
0xb6: {  	_ =	sfence  }
0xb7: {  	s30 =	sld [smem:$0x0];
	_ =	sdelay $0x2  }
0xb8: {  	s31 =	sshll.u32 s1, $0xD;
	s1 =	sshrl.u32 s1, $0x2  }
0xb9: {  	s3 =	sand.u32 $0x4000, s31;
	s1 =	sadd.s32 s1, s30  }
0xba: {  	s0 =	sor.u32 s3, s0;
	s1 =	sshll.u32 s1, $0x11  }
0xbb: {  	s0 =	sor.u32 s1, s0  }
0xbc: {  	s0 =	sadd.s32 $0x8F2B, s0  }
0xbd: {  	[sflag:s0] =	ssyncadd.remote.s32 $0x1  }
0xbe: {  	_ =	sfence.sel $0xFFFF  }
0xbf: {  	[dreg:$0x0] =	wrdreg $0xFFFFFFFF;
	(pc) =	sbr.abs _section_cstart, $3  }
0xc0: {  	[dreg:$0x1] =	wrdreg $0xFFFFFFFF  }
0xc1: {  	_ =	task.clear_ibuf [dreg:s6], $0x2FFFF;
	_ =	strace $0x9FFFFFFF  }
0xc2: {  	(tm) =	ssettm $0x7FFFFFFF  }
0xc3: {  	_ =	shalt  }
tec
execute0_lowered:
.L_overlay_start_1:
0x0: {  	(tag) =	ssettag $0x1  }
0x1: {  	s5 =	rddreg [dreg:$0x0];
	s0 =	srdreg.scid  }
0x2: {  	s2 =	rddreg [dreg:$0x1];
	s1 =	stileid.u32  }
0x3: {  	s3 =	simm.s32 $0x0;
	s20 =	simm.s32 $0x14000;
	s21 =	simm.s32 $0x14080  }
0x4: {  	s22 =	simm.s32 $0x80;
	s23 =	simm.s32 $0x1;
	s6 =	smul.u32 $0x2800, s1  }
0x5: {  	s7 =	sand.u32 $0x1, s0;
	s0 =	rddreg [dreg:$0x2];
	s9 =	smul.u32 $0x280, s1  }
0x6: {  	[smem:$0x7FF] =	sst s3;
	s8 =	smul.u32 $0x50000, s1;
	s14 =	sadd.s32 $0x3FA00, s5  }
0x7: {  	s4 =	smul.u32 $0x28000, s7;
	_ =	strace $0x80000050;
	s24 =	ssub.s32 $0x2, s7  }
0x8: {  	s16 =	smul.u32 $0x2800, s7;
	s25 =	sshrl.u32 s24, $0x1;
	s8 =	sshrl.u32 s8, $0x2  }
0x9: {  	s10 =	sadd.s32 $0x80, s9;
	s12 =	sadd.s32 $0x100, s9;
	s13 =	sadd.s32 $0x180, s9  }
0xa: {  	s18 =	sadd.s32 $0x200, s9;
	s6 =	sadd.s32 s6, s4;
	s4 =	sadd.s32 $0x18800, s5  }
0xb: {  	s15 =	ssub.s32 s24, s25;
	s26 =	sshll.u32 s10, $0x7;
	s28 =	sshll.u32 s12, $0x7  }
0xc: {  	s11 =	sshll.u32 s13, $0x7;
	s29 =	sshll.u32 s18, $0x7;
	s19 =	sadd.s32 s9, s16  }
0xd: {  	s10 =	sadd.s32 s16, s10;
	s12 =	sadd.s32 s16, s12;
	s13 =	sadd.s32 s16, s13  }
0xe: {  	s16 =	sadd.s32 s16, s18;
	s18 =	simm.s32 $0x14100;
	s24 =	simm.s32 $0x0  }
0xf: {  	s6 =	sshrl.u32 s6, $0x3;
	s7 =	sadd.s32 s28, s2;
	s9 =	sadd.s32 s29, s2  }
0x10: {  	s30 =	sshll.u32 s19, $0x4;
	s31 =	sshll.u32 s10, $0x4;
	s12 =	sshll.u32 s12, $0x4  }
0x11: {  	s13 =	sshll.u32 s13, $0x4;
	s16 =	sshll.u32 s16, $0x4;
	s15 =	smax.u32 s15, $0x1  }
0x12: {  	s19 =	simm.s32 $0x2;
	s17 =	sadd.s32 s6, s5;
	s5 =	sadd.s32 s8, s2  }
0x13: {  	s6 =	sadd.s32 s26, s2;
	s8 =	sadd.s32 s11, s2;
	s10 =	sadd.s32 s14, s30  }
0x14: {  	s11 =	sadd.s32 s14, s31;
	s12 =	sadd.s32 s14, s12;
	s13 =	sadd.s32 s14, s13  }
0x15: {  	v0 =	vimm.f32 $0.0e+00;
	s14 =	sadd.s32 s14, s16;
	s16 =	sadd.s32 $0xE800, s17;
	s17 =	sadd.s32 $0x4800, s17  }
.LBB2_1:
0x16: {  	s25 =	simm.s32 $0x0;
	s26 =	simm.s32 $0x200  }
.LBB2_2:
0x17: {  	p0 =	sne.s32 s26, $0xFE00;
	[tilespmem:s25+$0x14170] =	vst v0  }
0x18: {  	[tilespmem:s25+$0x14100] =	vst v0  }
0x19: {  	[tilespmem:s25+$0x14110] =	vst v0  }
.Ltmp0:
0x1a: {  	[tilespmem:s25+$0x14120] =	vst v0;
	(pc) =	sbr.rel @p0 .LBB2_2-.Ltmp0, $4  }
0x1b: {  	[tilespmem:s25+$0x14130] =	vst v0  }
0x1c: {  	[tilespmem:s25+$0x14140] =	vst v0  }
0x1d: {  	[tilespmem:s25+$0x14150] =	vst v0  }
0x1e: {  	[tilespmem:s25+$0x14160] =	vst v0;
	s25 =	sshra.s32 s26, $0x2;
	s26 =	sadd.s32 $0x200, s26  }
0x1f: {  	[tilespmem:s25+$0x14170] =	vst v0  }
0x20: {  	[tilespmem:s25+$0x14100] =	vst v0  }
0x21: {  	[tilespmem:s25+$0x14110] =	vst v0  }
0x22: {  	[tilespmem:s25+$0x14120] =	vst v0  }
0x23: {  	[tilespmem:s25+$0x14130] =	vst v0  }
0x24: {  	[tilespmem:s25+$0x14140] =	vst v0  }
0x25: {  	[tilespmem:s25+$0x14150] =	vst v0  }
0x26: {  	[tilespmem:s25+$0x14160] =	vst v0  }
0x27: {  	[spmem:s5] =	stream.linear.scatter [tilespmem:s18], [sflag:$0x2], $0x4000, $0x38;
	[tilespmem:$0x18100] =	vst v63  }
0x28: {  	_ =	swait.ge [sflag:s19], $0x4000  }
0x29: {  	[sflag:s19] =	ssyncset.done $0x0  }
0x2a: {  	[sflag:s19] =	ssyncadd.s32 $0xFFFFC000  }
0x2b: {  	[spmem:s6] =	stream.linear.scatter [tilespmem:s18], [sflag:$0x2], $0x4000, $0x38;
	[tilespmem:$0x18100] =	vst v63  }
0x2c: {  	_ =	swait.ge [sflag:s19], $0x4000  }
0x2d: {  	[sflag:s19] =	ssyncset.done $0x0  }
0x2e: {  	[sflag:s19] =	ssyncadd.s32 $0xFFFFC000  }
0x2f: {  	[spmem:s7] =	stream.linear.scatter [tilespmem:s18], [sflag:$0x2], $0x4000, $0x38;
	[tilespmem:$0x18100] =	vst v63  }
0x30: {  	_ =	swait.ge [sflag:s19], $0x4000  }
0x31: {  	[sflag:s19] =	ssyncset.done $0x0  }
0x32: {  	[sflag:s19] =	ssyncadd.s32 $0xFFFFC000  }
0x33: {  	[spmem:s8] =	stream.linear.scatter [tilespmem:s18], [sflag:$0x2], $0x4000, $0x38;
	[tilespmem:$0x18100] =	vst v63  }
0x34: {  	_ =	swait.ge [sflag:s19], $0x4000  }
0x35: {  	[sflag:s19] =	ssyncset.done $0x0  }
0x36: {  	[sflag:s19] =	ssyncadd.s32 $0xFFFFC000  }
0x37: {  	[spmem:s9] =	stream.linear.scatter [tilespmem:s18], [sflag:$0x2], $0x4000, $0x38;
	[tilespmem:$0x18100] =	vst v63  }
0x38: {  	_ =	swait.ge [sflag:s19], $0x4000  }
0x39: {  	[sflag:s19] =	ssyncset.done $0x0  }
0x3a: {  	[sflag:s19] =	ssyncadd.s32 $0xFFFFC000  }
0x3b: {  	s30 =	sadd.s32 $0x0, s17;
	[bflag:$0x0] =	sbarrier.arrive $0xFFFF  }
0x3c: {  	[tilespmem:s20], [sflag:$0x2] =	stream.linear.gather [hbm4b:s30+s3], $0x80, $0x38;
	[tilespmem:$0x18100] =	vst v63  }
0x3d: {  	_ =	swait.ge [sflag:s19], $0x80  }
0x3e: {  	[sflag:s19] =	ssyncset.done $0x0  }
0x3f: {  	s31 =	sadd.s32 $0x0, s16;
	[sflag:s19] =	ssyncadd.s32 $0xFFFFFF80  }
0x40: {  	[tilespmem:s21], [sflag:$0x2] =	stream.linear.gather [hbm4b:s31+s3], $0x80, $0x38;
	[tilespmem:$0x18100] =	vst v63  }
0x41: {  	_ =	swait.ge [sflag:s19], $0x80  }
0x42: {  	[sflag:s19] =	ssyncset.done $0x0  }
0x43: {  	[sflag:s19] =	ssyncadd.s32 $0xFFFFFF80  }
0x44: {  	[tilespmem:s18], [sflag:$0x1] =	stream.indirect.gather [hbm4b:s4+s22], $0x80, s20, s22, $0xb8;
	[tilespmem:$0x18100] =	vst v63  }
0x45: {  	_ =	swait.ge [sflag:s23], $0x4000  }
0x46: {  	[sflag:s23] =	ssyncset.done $0x0  }
0x47: {  	[sflag:s23] =	ssyncadd.s32 $0xFFFFC000  }
0x48: {  	[spmem:s2] =	stream.indirect.scatter.add.f32 [tilespmem:s18], [sflag:$0x2], $0x80, s21, s22, $0xb8;
	[tilespmem:$0x18100] =	vst v63  }
0x49: {  	_ =	swait.ge [sflag:s19], $0x4000  }
0x4a: {  	s25 =	simm.s32 $0x10;
	s26 =	simm.s32 $0x20;
	[sflag:s19] =	ssyncset.done $0x0  }
.LBB2_4:
0x4b: {  	s28 =	sadd.s32 s25, s17  }
0x4c: {  	[sflag:s19] =	ssyncadd.s32 $0xFFFFC000;
	s29 =	smov.u32 s26;
	s30 =	sadd.s32 $0x10, s26  }
0x4d: {  	[tilespmem:s20], [sflag:$0x2] =	stream.linear.gather [hbm4b:s28+s3], $0x80, $0x38;
	[tilespmem:$0x18100] =	vst v63  }
0x4e: {  	p0 =	sne.s32 s26, $0x4F0;
	_ =	swait.ge [sflag:s19], $0x80  }
0x4f: {  	[sflag:s19] =	ssyncset.done $0x0  }
0x50: {  	s26 =	sadd.s32 s25, s16;
	s25 =	smov.u32 s29;
	[sflag:s19] =	ssyncadd.s32 $0xFFFFFF80  }
0x51: {  	[tilespmem:s21], [sflag:$0x2] =	stream.linear.gather [hbm4b:s26+s3], $0x80, $0x38;
	[tilespmem:$0x18100] =	vst v63  }
0x52: {  	_ =	swait.ge [sflag:s19], $0x80  }
0x53: {  	[sflag:s19] =	ssyncset.done $0x0  }
0x54: {  	[sflag:s19] =	ssyncadd.s32 $0xFFFFFF80  }
0x55: {  	[tilespmem:s18], [sflag:$0x1] =	stream.indirect.gather [hbm4b:s4+s22], $0x80, s20, s22, $0xb8;
	[tilespmem:$0x18100] =	vst v63  }
0x56: {  	_ =	swait.ge [sflag:s23], $0x4000  }
.Ltmp1:
0x57: {  	[sflag:s23] =	ssyncset.done $0x0;
	(pc) =	sbr.rel @p0 .LBB2_4-.Ltmp1, $4  }
0x58: {  	[sflag:s23] =	ssyncadd.s32 $0xFFFFC000  }
0x59: {  	[spmem:s2] =	stream.indirect.scatter.add.f32 [tilespmem:s18], [sflag:$0x2], $0x80, s21, s22, $0xb8;
	[tilespmem:$0x18100] =	vst v63  }
0x5a: {  	_ =	swait.ge [sflag:s19], $0x4000  }
0x5b: {  	s26 =	smov.u32 s30;
	[sflag:s19] =	ssyncset.done $0x0  }
0x5c: {  	s26 =	sadd.s32 s25, s17;
	[sflag:s19] =	ssyncadd.s32 $0xFFFFC000  }
0x5d: {  	[tilespmem:s20], [sflag:$0x2] =	stream.linear.gather [hbm4b:s26+s3], $0x80, $0x38;
	[tilespmem:$0x18100] =	vst v63  }
0x5e: {  	_ =	swait.ge [sflag:s19], $0x80  }
0x5f: {  	[sflag:s19] =	ssyncset.done $0x0  }
0x60: {  	s31 =	sadd.s32 s25, s16;
	[sflag:s19] =	ssyncadd.s32 $0xFFFFFF80  }
0x61: {  	[tilespmem:s21], [sflag:$0x2] =	stream.linear.gather [hbm4b:s31+s3], $0x80, $0x38;
	[tilespmem:$0x18100] =	vst v63  }
0x62: {  	_ =	swait.ge [sflag:s19], $0x80  }
0x63: {  	[sflag:s19] =	ssyncset.done $0x0  }
0x64: {  	[sflag:s19] =	ssyncadd.s32 $0xFFFFFF80  }
0x65: {  	[tilespmem:s18], [sflag:$0x1] =	stream.indirect.gather [hbm4b:s4+s22], $0x80, s20, s22, $0xb8;
	[tilespmem:$0x18100] =	vst v63  }
0x66: {  	_ =	swait.ge [sflag:s23], $0x4000  }
0x67: {  	[sflag:s23] =	ssyncset.done $0x0  }
0x68: {  	[sflag:s23] =	ssyncadd.s32 $0xFFFFC000  }
0x69: {  	[spmem:s2] =	stream.indirect.scatter.add.f32 [tilespmem:s18], [sflag:$0x2], $0x80, s21, s22, $0xb8;
	[tilespmem:$0x18100] =	vst v63  }
0x6a: {  	_ =	swait.ge [sflag:s19], $0x4000  }
0x6b: {  	[sflag:s19] =	ssyncset.done $0x0  }
0x6c: {  	[sflag:s19] =	ssyncadd.s32 $0xFFFFC000  }
0x6d: {  	[bflag:$0x0] =	sbarrier.arrive $0xFFFF  }
0x6e: {  	[tilespmem:s18], [sflag:$0x2] =	stream.linear.gather [spmem:s5], $0x4000, $0x38;
	[tilespmem:$0x18100] =	vst v63  }
0x6f: {  	_ =	swait.ge [sflag:s19], $0x4000  }
0x70: {  	[sflag:s19] =	ssyncset.done $0x0  }
0x71: {  	[sflag:s19] =	ssyncadd.s32 $0xFFFFC000  }
0x72: {  	[hbm4b:s10+s3] =	stream.linear.scatter [tilespmem:s18], [sflag:$0x2], $0x4000, $0x38;
	[tilespmem:$0x18100] =	vst v63  }
0x73: {  	_ =	swait.ge [sflag:s19], $0x4000  }
0x74: {  	[sflag:s19] =	ssyncset.done $0x0  }
0x75: {  	[sflag:s19] =	ssyncadd.s32 $0xFFFFC000  }
0x76: {  	[tilespmem:s18], [sflag:$0x2] =	stream.linear.gather [spmem:s6], $0x4000, $0x38;
	[tilespmem:$0x18100] =	vst v63  }
0x77: {  	_ =	swait.ge [sflag:s19], $0x4000  }
0x78: {  	[sflag:s19] =	ssyncset.done $0x0  }
0x79: {  	[sflag:s19] =	ssyncadd.s32 $0xFFFFC000  }
0x7a: {  	[hbm4b:s11+s3] =	stream.linear.scatter [tilespmem:s18], [sflag:$0x2], $0x4000, $0x38;
	[tilespmem:$0x18100] =	vst v63  }
0x7b: {  	_ =	swait.ge [sflag:s19], $0x4000  }
0x7c: {  	[sflag:s19] =	ssyncset.done $0x0  }
0x7d: {  	[sflag:s19] =	ssyncadd.s32 $0xFFFFC000  }
0x7e: {  	[tilespmem:s18], [sflag:$0x2] =	stream.linear.gather [spmem:s7], $0x4000, $0x38;
	[tilespmem:$0x18100] =	vst v63  }
0x7f: {  	_ =	swait.ge [sflag:s19], $0x4000  }
0x80: {  	[sflag:s19] =	ssyncset.done $0x0  }
0x81: {  	[sflag:s19] =	ssyncadd.s32 $0xFFFFC000  }
0x82: {  	[hbm4b:s12+s3] =	stream.linear.scatter [tilespmem:s18], [sflag:$0x2], $0x4000, $0x38;
	[tilespmem:$0x18100] =	vst v63  }
0x83: {  	_ =	swait.ge [sflag:s19], $0x4000  }
0x84: {  	[sflag:s19] =	ssyncset.done $0x0  }
0x85: {  	[sflag:s19] =	ssyncadd.s32 $0xFFFFC000  }
0x86: {  	[tilespmem:s18], [sflag:$0x2] =	stream.linear.gather [spmem:s8], $0x4000, $0x38;
	[tilespmem:$0x18100] =	vst v63  }
0x87: {  	_ =	swait.ge [sflag:s19], $0x4000  }
0x88: {  	[sflag:s19] =	ssyncset.done $0x0  }
0x89: {  	[sflag:s19] =	ssyncadd.s32 $0xFFFFC000  }
0x8a: {  	[hbm4b:s13+s3] =	stream.linear.scatter [tilespmem:s18], [sflag:$0x2], $0x4000, $0x38;
	[tilespmem:$0x18100] =	vst v63  }
0x8b: {  	_ =	swait.ge [sflag:s19], $0x4000  }
0x8c: {  	[sflag:s19] =	ssyncset.done $0x0  }
0x8d: {  	[sflag:s19] =	ssyncadd.s32 $0xFFFFC000  }
0x8e: {  	[tilespmem:s18], [sflag:$0x2] =	stream.linear.gather [spmem:s9], $0x4000, $0x38;
	[tilespmem:$0x18100] =	vst v63  }
0x8f: {  	s24 =	sadd.s32 $0x1, s24;
	_ =	swait.ge [sflag:s19], $0x4000  }
0x90: {  	p0 =	sne.s32 s24, s15;
	[sflag:s19] =	ssyncset.done $0x0  }
.Ltmp2:
0x91: {  	[sflag:s19] =	ssyncadd.s32 $0xFFFFC000;
	(pc) =	sbr.rel @p0 .LBB2_1-.Ltmp2, $4  }
0x92: {  	[hbm4b:s14+s3] =	stream.linear.scatter [tilespmem:s18], [sflag:$0x2], $0x4000, $0x38;
	[tilespmem:$0x18100] =	vst v63  }
0x93: {  	_ =	swait.ge [sflag:s19], $0x4000  }
0x94: {  	[sflag:s19] =	ssyncset.done $0x0  }
0x95: {  	[sflag:s19] =	ssyncadd.s32 $0xFFFFC000  }
0x96: {  	_ =	sfence.sel $0x180000  }
0x97: {  	[bflag:$0x0] =	sbarrier.arrive $0xFFFF  }
0x98: {  	p0 =	sne.s32 s1, $0x0;
	_ =	strace $0x90000050  }
0x99: {  	s0 =	sadd.s32 @!p0 $0x100000, s0;
	[bflag:$0x2] =	sbarrier.arrive $0xFFFF  }
0x9a: {  	[sflag:s0] =	ssyncadd.tile.s32 @!p0 $0x1;
	_ =	shalt  }
.Lfunc_end2:
_tile_overlayer_lowered:
.L_overlay_start_2:
0x9b: {  	(tag) =	ssettag $0x2  }
0x9c: {  	s0 =	rddreg [dreg:$0x0];
	s2 =	stileid.u32  }
0x9d: {  	s1 =	rddreg [dreg:$0x1];
	p0 =	sne.s32 s2, $0x0  }
0x9e: {  	s3 =	rddreg [dreg:$0x2];
	[bflag:$0x3] =	sbarrier.arrive $0xFFFF;
	s2 =	simm.s32 @!p0 $0x1C02  }
0x9f: {  	[timem:s3], [sflag:s2] =	dma.local @!p0 [hbm:s0], s1  }
0xa0: {  	s0 =	simm.s32 @!p0 $0x2  }
0xa1: {  	_ =	swait.ge @!p0 [sflag:s0], s1  }
0xa2: {  	s1 =	ssub.s32 @!p0 $0x0, s1;
	[sflag:s0] =	ssyncset.done @!p0 $0x0  }
0xa3: {  	[sflag:s0] =	ssyncadd.s32 @!p0 s1  }
0xa4: {  	[bflag:$0x3] =	sbarrier.arrive $0xFFFF  }
0xa5: {  	_ =	shalt  }

// kernel: kernel.24.cloned.1.call-start
scs
__scs_entry_jumppad:
0x0: {  	(pc) =	sbr.rel $0x88, $3  }
0x1: {  	(tag) =	ssettag $0x0;
	lr =	simm.s32 $0x1  }
0x2: {  	[smem:$0x3F96] =	sst lr;
	_ =	strace $0xD0000000  }
0x3: {  	_ = 	snop  }
0x4: {  	_ = 	snop  }
0x5: {  	_ = 	snop  }
0x6: {  	_ = 	snop  }
0x7: {  	_ = 	snop  }
__scs_overlays_trampoline_lowered:
0x8: {  	[smem:$0x3FA5] =	sst s0  }
0x9: {  	[smem:$0x3FA6] =	sst s1  }
0xa: {  	[smem:$0x3FA7] =	sst s2  }
0xb: {  	[smem:$0x3FA8] =	sst s3  }
0xc: {  	[smem:$0x3FA9] =	sst s4  }
0xd: {  	[smem:$0x3FAA] =	sst s5  }
0xe: {  	[smem:$0x3FAB] =	sst s6  }
0xf: {  	[smem:$0x3FAC] =	sst s7  }
0x10: {  	[smem:$0x3FAD] =	sst s8  }
0x11: {  	[smem:$0x3FAE] =	sst s9;
	s0 =	simm.s32 @!p0 $0x0  }
0x12: {  	s1 =	sld [smem:$0x3F94];
	s0 =	simm.s32 @p0 $0x1  }
0x13: {  	[smem:$0x3FAF] =	sst s0;
	s0 =	simm.s32 @!p1 $0x0  }
0x14: {  	s2 =	sld [smem:$0x3F93];
	s0 =	simm.s32 @p1 $0x1  }
0x15: {  	[smem:$0x3FB0] =	sst s0;
	s0 =	simm.s32 @!p2 $0x0  }
0x16: {  	s3 =	sld [smem:$0x3FDB];
	s0 =	simm.s32 @p2 $0x1  }
0x17: {  	s4 =	simm.s32 $0x1BF5;
	[smem:$0x3FB2] =	sst s0  }
0x18: {  	s0 =	sld [smem:$0x3F95];
	_ =	swait.ge [sflag:s4], $0x0  }
0x19: {  	s7 =	sld [smem:$0x3F96]  }
0x1a: {  	s8 =	sadd.s32 $0xFFFFE003, lr  }
0x1b: {  	s9 =	sadd.s32 $0xFFFFFEF7, lr;
	s5 =	simm.s32 $0xFFFFFFFF;
	p2 =	slt.u32 s8, $0xFFFFF086  }
0x1c: {  	p1 =	slt.u32 s9, $0xF7A;
	s5 =	simm.s32 @!p2 $0x0  }
0x1d: {  	s5 =	simm.s32 @p1 $0x1;
	p0 =	seq.s32 s7, s2  }
0x1e: {  	s7 =	smul.u32 @!p0 $0xF7A, s2;
	p2 =	seq.s32 @!p0 s5, $0x0  }
0x1f: {  	s9 =	smul.u32 $0xF7A, s1;
	s8 =	simm.s32 @!p0 $0x1BF5;
	p2 =	por !p2, p0  }
0x20: {  	[sflag:s8] =	ssyncset.s32 @!p0 $0xFFFFF086;
	s6 =	sadd.s32 @!p0 s3, s7;
	s7 =	simm.s32 @!p0 $0x108  }
0x21: {  	s3 =	sadd.s32 s3, s9;
	s6 =	sadd.s32 @!p0 $0x88, s6;
	s7 =	simm.s32 @p2 $0x1082  }
0x22: {  	[simem:s7], [sflag:s8] =	dma.local @!p0 [hbm:s6], $0xF7A  }
0x23: {  	s9 =	sor.u32 $0xD0000000, s2;
	s6 =	simm.s32 $0x108;
	_ =	swait.ge @!p0 [sflag:s8], $0x0  }
0x24: {  	s3 =	sadd.s32 $0x88, s3;
	s6 =	simm.s32 @!p1 $0x1082;
	[sflag:s4] =	ssyncset.s32 $0xFFFFF086  }
0x25: {  	[simem:s6], [sflag:s4] =	dma.local [hbm:s3], $0xF7A  }
0x26: {  	[smem:$0x3F96] =	sst s1;
	(tag) =	ssettag s2;
	_ =	strace s9  }
0x27: {  	s1 =	sld [smem:$0x3FA6]  }
0x28: {  	s2 =	sld [smem:$0x3FA7]  }
0x29: {  	s4 =	sld [smem:$0x3FA9]  }
0x2a: {  	p0 =	seq.s32 s5, $0x0;
	s5 =	sld [smem:$0x3FAA]  }
0x2b: {  	s6 =	sld [smem:$0x3FAB]  }
0x2c: {  	s7 =	sld [smem:$0x3FAC]  }
0x2d: {  	s3 =	simm.s32 $0x108;
	s8 =	sld [smem:$0x3FAD]  }
0x2e: {  	s3 =	simm.s32 @!p0 $0x1082;
	s9 =	sld [smem:$0x3FAE]  }
0x2f: {  	lr =	sadd.s32 s0, s3;
	s0 =	sld [smem:$0x3FA5]  }
0x30: {  	s3 =	sld [smem:$0x3FA8]  }
0x31: {  	[smem:$0x3FB1] =	sst s10  }
0x32: {  	s10 =	sld [smem:$0x3FAF];
	_ =	sdelay $0x3  }
0x33: {  	p0 =	seq.s32 s10, $0x1;
	s10 =	sld [smem:$0x3FB1];
	_ =	sdelay $0x3  }
0x34: {  	[smem:$0x3FB1] =	sst s10  }
0x35: {  	s10 =	sld [smem:$0x3FB0];
	_ =	sdelay $0x3  }
0x36: {  	p1 =	seq.s32 s10, $0x1;
	s10 =	sld [smem:$0x3FB1];
	_ =	sdelay $0x3  }
0x37: {  	[smem:$0x3FB1] =	sst s10  }
0x38: {  	s10 =	sld [smem:$0x3FB2]  }
0x39: {  	_ = 	snop;
	(pc) =	sbr.ind lr, $3  }
0x3a: {  	_ = 	snop  }
0x3b: {  	_ = 	snop  }
0x3c: {  	p2 =	seq.s32 s10, $0x1;
	s10 =	sld [smem:$0x3FB1]  }
0x3d: {  	_ =	shalt  }
0x3e: {  	_ =	shalt  }
0x3f: {  	_ =	shalt  }
0x40: {  	_ =	shalt  }
0x41: {  	_ =	shalt  }
0x42: {  	_ =	shalt  }
0x43: {  	_ =	shalt  }
0x44: {  	_ =	shalt  }
0x45: {  	_ =	shalt  }
0x46: {  	_ =	shalt  }
0x47: {  	_ =	shalt  }
0x48: {  	_ =	shalt  }
0x49: {  	_ =	shalt  }
0x4a: {  	_ =	shalt  }
0x4b: {  	_ =	shalt  }
0x4c: {  	_ =	shalt  }
0x4d: {  	_ =	shalt  }
0x4e: {  	_ =	shalt  }
0x4f: {  	_ =	shalt  }
0x50: {  	_ =	shalt  }
0x51: {  	_ =	shalt  }
0x52: {  	_ =	shalt  }
0x53: {  	_ =	shalt  }
0x54: {  	_ =	shalt  }
0x55: {  	_ =	shalt  }
0x56: {  	_ =	shalt  }
0x57: {  	_ =	shalt  }
0x58: {  	_ =	shalt  }
0x59: {  	_ =	shalt  }
0x5a: {  	_ =	shalt  }
0x5b: {  	_ =	shalt  }
0x5c: {  	_ =	shalt  }
0x5d: {  	_ =	shalt  }
0x5e: {  	_ =	shalt  }
0x5f: {  	_ =	shalt  }
0x60: {  	_ =	shalt  }
0x61: {  	_ =	shalt  }
0x62: {  	_ =	shalt  }
0x63: {  	_ =	shalt  }
0x64: {  	_ =	shalt  }
0x65: {  	_ =	shalt  }
0x66: {  	_ =	shalt  }
0x67: {  	_ =	shalt  }
0x68: {  	_ =	shalt  }
0x69: {  	_ =	shalt  }
0x6a: {  	_ =	shalt  }
0x6b: {  	_ =	shalt  }
0x6c: {  	_ =	shalt  }
0x6d: {  	_ =	shalt  }
0x6e: {  	_ =	shalt  }
0x6f: {  	_ =	shalt  }
0x70: {  	_ =	shalt  }
0x71: {  	_ =	shalt  }
0x72: {  	_ =	shalt  }
0x73: {  	_ =	shalt  }
0x74: {  	_ =	shalt  }
0x75: {  	_ =	shalt  }
0x76: {  	_ =	shalt  }
0x77: {  	_ =	shalt  }
0x78: {  	_ =	shalt  }
0x79: {  	_ =	shalt  }
0x7a: {  	_ =	shalt  }
0x7b: {  	_ =	shalt  }
0x7c: {  	_ =	shalt  }
0x7d: {  	_ =	shalt  }
0x7e: {  	_ =	shalt  }
0x7f: {  	_ =	shalt  }
0x80: {  	_ =	shalt  }
0x81: {  	_ =	shalt  }
0x82: {  	_ =	shalt  }
0x83: {  	_ =	shalt  }
0x84: {  	_ =	shalt  }
0x85: {  	_ =	shalt  }
0x86: {  	_ =	shalt  }
0x87: {  	_ =	shalt  }
.Lfunc_end0:
.L_simem_size_0:
called_computation.4_lowered:
.L_overlay_start_0:
0x88: {  	s2 =	sld [smem:$0x3FD9]  }
0x89: {  	s3 =	sld [smem:$0x3FFE];
	_ =	sdelay $0x1  }
0x8a: {  	s1 =	srdreg.scid  }
0x8b: {  	s0 =	sand.u32 $0x1, s1  }
0x8c: {  	s16 =	sshll.u32 s0, $0xA;
	s2 =	sadd.s32 s3, s2  }
0x8d: {  	s2 =	sadd.s32 s2, s16  }
0x8e: {  	[smem:$0x3FBD] =	sst s2  }
0x8f: {  	_ = 	snop  }
0x90: {  	(tm) =	ssettm $0x1  }
0x91: {  	s17 =	sld [smem:$0x3FFB];
	_ =	sdelay $0x3  }
0x92: {  	_ =	strace s17  }
0x93: {  	s2 =	sld [smem:$0x3FFC];
	_ =	sdelay $0x3  }
0x94: {  	_ =	strace s2  }
0x95: {  	s2 =	sld [smem:$0x3FFD];
	_ =	sdelay $0x3  }
0x96: {  	_ =	strace s2  }
0x97: {  	_ =	strace $0x8FFFFFFF  }
0x98: {  	s18 =	sld [smem:$0x3FDB];
	_ =	sdelay $0x1  }
0x99: {  	s19 =	simm.s32 $_scs_section_size  }
0x9a: {  	s4 =	simm.s32 $_size__tile_overlayer_lowered;
	s5 =	simm.s32 $_tile_overlayer_lowered  }
0x9b: {  	s22 =	simm.s32 $0x1BFF;
	s21 =	sshll.u32 s5, $0x1;
	s2 =	sadd.s32 s19, s18  }
0x9c: {  	s6 =	simm.s32 $0x0;
	s20 =	sshll.u32 s4, $0x1;
	s4 =	sadd.s32 s21, s2  }
0x9d: {  	[timem:s6], [sflag:s22] =	dma.local [hbm:s4], s20  }
0x9e: {  	_ =	swait.ge [sflag:s22], s20  }
0x9f: {  	s3 =	ssub.s32 $0x0, s20;
	[sflag:s22] =	ssyncset.done $0x0  }
0xa0: {  	[sflag:s22] =	ssyncadd.s32 s3;
	_ =	sdelay $0x1  }
0xa1: {  	s23 =	simm.s32 $0x1B8B  }
0xa2: {  	_ =	swait.ge [sflag:s23], $0x1  }
0xa3: {  	[sflag:s23] =	ssyncset.done $0x0  }
0xa4: {  	s25 =	simm.s32 $0x1B8E;
	s24 =	sld [smem:$0x3FFE];
	[sflag:s23] =	ssyncadd.s32 $0xFFFFFFFF  }
0xa5: {  	s26 =	simm.s32 $execute0_lowered;
	[smem:$0x3FD2] =	sst s25  }
0xa6: {  	s4 =	sshll.u32 s26, $0x1;
	_ =	strace $0x80000052;
	[dreg:$0x1] =	wrdreg $0xFFFFFFFF  }
0xa7: {  	s28 =	simm.s32 $_size_execute0_lowered;
	s2 =	sadd.s32 s2, s4;
	[dreg:$0x0] =	wrdreg $0x0  }
0xa8: {  	s4 =	sshll.u32 s28, $0x1;
	[dreg:$0x2] =	wrdreg s2  }
0xa9: {  	[dreg:$0x3] =	wrdreg s4  }
0xaa: {  	[dreg:$0x4] =	wrdreg $0xC0  }
0xab: {  	_ =	task [dreg:s6], $0x5FFFF  }
0xac: {  	[dreg:$0x1] =	wrdreg $0xFFFFFFFF  }
0xad: {  	[dreg:$0x0] =	wrdreg $0x60  }
0xae: {  	[dreg:$0x2] =	wrdreg s24  }
0xaf: {  	[dreg:$0x3] =	wrdreg $0x0  }
0xb0: {  	[dreg:$0x4] =	wrdreg $0x9  }
0xb1: {  	_ =	task.clear_ibuf [dreg:s6], $0x5FFFF;
	_ =	strace $0x90000052  }
0xb2: {  	s29 =	simm.s32 $0x9;
	_ =	strace $0x80000054  }
0xb3: {  	_ =	swait.ge [sflag:s29], $0x1  }
0xb4: {  	[sflag:s29] =	ssyncadd.s32 $0xFFFFFFFF  }
0xb5: {  	_ =	strace $0x90000054  }
0xb6: {  	_ =	sfence  }
0xb7: {  	s30 =	sld [smem:$0x0];
	_ =	sdelay $0x2  }
0xb8: {  	s31 =	sshll.u32 s1, $0xD;
	s1 =	sshrl.u32 s1, $0x2  }
0xb9: {  	s3 =	sand.u32 $0x4000, s31;
	s1 =	sadd.s32 s1, s30  }
0xba: {  	s0 =	sor.u32 s3, s0;
	s1 =	sshll.u32 s1, $0x11  }
0xbb: {  	s0 =	sor.u32 s1, s0  }
0xbc: {  	s0 =	sadd.s32 $0x8F2B, s0  }
0xbd: {  	[sflag:s0] =	ssyncadd.remote.s32 $0x1  }
0xbe: {  	_ =	sfence.sel $0xFFFF  }
0xbf: {  	[dreg:$0x0] =	wrdreg $0xFFFFFFFF;
	(pc) =	sbr.abs _section_cstart, $3  }
0xc0: {  	[dreg:$0x1] =	wrdreg $0xFFFFFFFF  }
0xc1: {  	_ =	task.clear_ibuf [dreg:s6], $0x2FFFF;
	_ =	strace $0x9FFFFFFF  }
0xc2: {  	(tm) =	ssettm $0x7FFFFFFF  }
0xc3: {  	_ =	shalt  }
tec
execute0_lowered:
.L_overlay_start_1:
0x0: {  	(tag) =	ssettag $0x1  }
0x1: {  	s5 =	rddreg [dreg:$0x0];
	s0 =	srdreg.scid  }
0x2: {  	s2 =	rddreg [dreg:$0x1];
	s1 =	stileid.u32  }
0x3: {  	s3 =	simm.s32 $0x0;
	s20 =	simm.s32 $0x14000;
	s21 =	simm.s32 $0x14080  }
0x4: {  	s22 =	simm.s32 $0x80;
	s23 =	simm.s32 $0x1;
	s6 =	smul.u32 $0x2800, s1  }
0x5: {  	s7 =	sand.u32 $0x1, s0;
	s0 =	rddreg [dreg:$0x2];
	s9 =	smul.u32 $0x280, s1  }
0x6: {  	[smem:$0x7FF] =	sst s3;
	s8 =	smul.u32 $0x50000, s1;
	s14 =	sadd.s32 $0x3FA00, s5  }
0x7: {  	s4 =	smul.u32 $0x28000, s7;
	_ =	strace $0x80000053;
	s24 =	ssub.s32 $0x2, s7  }
0x8: {  	s16 =	smul.u32 $0x2800, s7;
	s25 =	sshrl.u32 s24, $0x1;
	s8 =	sshrl.u32 s8, $0x2  }
0x9: {  	s10 =	sadd.s32 $0x80, s9;
	s12 =	sadd.s32 $0x100, s9;
	s13 =	sadd.s32 $0x180, s9  }
0xa: {  	s18 =	sadd.s32 $0x200, s9;
	s6 =	sadd.s32 s6, s4;
	s4 =	sadd.s32 $0x18800, s5  }
0xb: {  	s15 =	ssub.s32 s24, s25;
	s26 =	sshll.u32 s10, $0x7;
	s28 =	sshll.u32 s12, $0x7  }
0xc: {  	s11 =	sshll.u32 s13, $0x7;
	s29 =	sshll.u32 s18, $0x7;
	s19 =	sadd.s32 s9, s16  }
0xd: {  	s10 =	sadd.s32 s16, s10;
	s12 =	sadd.s32 s16, s12;
	s13 =	sadd.s32 s16, s13  }
0xe: {  	s16 =	sadd.s32 s16, s18;
	s18 =	simm.s32 $0x14100;
	s24 =	simm.s32 $0x0  }
0xf: {  	s6 =	sshrl.u32 s6, $0x3;
	s7 =	sadd.s32 s28, s2;
	s9 =	sadd.s32 s29, s2  }
0x10: {  	s30 =	sshll.u32 s19, $0x4;
	s31 =	sshll.u32 s10, $0x4;
	s12 =	sshll.u32 s12, $0x4  }
0x11: {  	s13 =	sshll.u32 s13, $0x4;
	s16 =	sshll.u32 s16, $0x4;
	s15 =	smax.u32 s15, $0x1  }
0x12: {  	s19 =	simm.s32 $0x2;
	s17 =	sadd.s32 s6, s5;
	s5 =	sadd.s32 s8, s2  }
0x13: {  	s6 =	sadd.s32 s26, s2;
	s8 =	sadd.s32 s11, s2;
	s10 =	sadd.s32 s14, s30  }
0x14: {  	s11 =	sadd.s32 s14, s31;
	s12 =	sadd.s32 s14, s12;
	s13 =	sadd.s32 s14, s13  }
0x15: {  	v0 =	vimm.f32 $0.0e+00;
	s14 =	sadd.s32 s14, s16;
	s16 =	sadd.s32 $0xE800, s17;
	s17 =	sadd.s32 $0x4800, s17  }
.LBB2_1:
0x16: {  	s25 =	simm.s32 $0x0;
	s26 =	simm.s32 $0x200  }
.LBB2_2:
0x17: {  	p0 =	sne.s32 s26, $0xFE00;
	[tilespmem:s25+$0x14170] =	vst v0  }
0x18: {  	[tilespmem:s25+$0x14100] =	vst v0  }
0x19: {  	[tilespmem:s25+$0x14110] =	vst v0  }
.Ltmp0:
0x1a: {  	[tilespmem:s25+$0x14120] =	vst v0;
	(pc) =	sbr.rel @p0 .LBB2_2-.Ltmp0, $4  }
0x1b: {  	[tilespmem:s25+$0x14130] =	vst v0  }
0x1c: {  	[tilespmem:s25+$0x14140] =	vst v0  }
0x1d: {  	[tilespmem:s25+$0x14150] =	vst v0  }
0x1e: {  	[tilespmem:s25+$0x14160] =	vst v0;
	s25 =	sshra.s32 s26, $0x2;
	s26 =	sadd.s32 $0x200, s26  }
0x1f: {  	[tilespmem:s25+$0x14170] =	vst v0  }
0x20: {  	[tilespmem:s25+$0x14100] =	vst v0  }
0x21: {  	[tilespmem:s25+$0x14110] =	vst v0  }
0x22: {  	[tilespmem:s25+$0x14120] =	vst v0  }
0x23: {  	[tilespmem:s25+$0x14130] =	vst v0  }
0x24: {  	[tilespmem:s25+$0x14140] =	vst v0  }
0x25: {  	[tilespmem:s25+$0x14150] =	vst v0  }
0x26: {  	[tilespmem:s25+$0x14160] =	vst v0  }
0x27: {  	[spmem:s5] =	stream.linear.scatter [tilespmem:s18], [sflag:$0x2], $0x4000, $0x38;
	[tilespmem:$0x18100] =	vst v63  }
0x28: {  	_ =	swait.ge [sflag:s19], $0x4000  }
0x29: {  	[sflag:s19] =	ssyncset.done $0x0  }
0x2a: {  	[sflag:s19] =	ssyncadd.s32 $0xFFFFC000  }
0x2b: {  	[spmem:s6] =	stream.linear.scatter [tilespmem:s18], [sflag:$0x2], $0x4000, $0x38;
	[tilespmem:$0x18100] =	vst v63  }
0x2c: {  	_ =	swait.ge [sflag:s19], $0x4000  }
0x2d: {  	[sflag:s19] =	ssyncset.done $0x0  }
0x2e: {  	[sflag:s19] =	ssyncadd.s32 $0xFFFFC000  }
0x2f: {  	[spmem:s7] =	stream.linear.scatter [tilespmem:s18], [sflag:$0x2], $0x4000, $0x38;
	[tilespmem:$0x18100] =	vst v63  }
0x30: {  	_ =	swait.ge [sflag:s19], $0x4000  }
0x31: {  	[sflag:s19] =	ssyncset.done $0x0  }
0x32: {  	[sflag:s19] =	ssyncadd.s32 $0xFFFFC000  }
0x33: {  	[spmem:s8] =	stream.linear.scatter [tilespmem:s18], [sflag:$0x2], $0x4000, $0x38;
	[tilespmem:$0x18100] =	vst v63  }
0x34: {  	_ =	swait.ge [sflag:s19], $0x4000  }
0x35: {  	[sflag:s19] =	ssyncset.done $0x0  }
0x36: {  	[sflag:s19] =	ssyncadd.s32 $0xFFFFC000  }
0x37: {  	[spmem:s9] =	stream.linear.scatter [tilespmem:s18], [sflag:$0x2], $0x4000, $0x38;
	[tilespmem:$0x18100] =	vst v63  }
0x38: {  	_ =	swait.ge [sflag:s19], $0x4000  }
0x39: {  	[sflag:s19] =	ssyncset.done $0x0  }
0x3a: {  	[sflag:s19] =	ssyncadd.s32 $0xFFFFC000  }
0x3b: {  	s30 =	sadd.s32 $0x0, s17;
	[bflag:$0x0] =	sbarrier.arrive $0xFFFF  }
0x3c: {  	[tilespmem:s20], [sflag:$0x2] =	stream.linear.gather [hbm4b:s30+s3], $0x80, $0x38;
	[tilespmem:$0x18100] =	vst v63  }
0x3d: {  	_ =	swait.ge [sflag:s19], $0x80  }
0x3e: {  	[sflag:s19] =	ssyncset.done $0x0  }
0x3f: {  	s31 =	sadd.s32 $0x0, s16;
	[sflag:s19] =	ssyncadd.s32 $0xFFFFFF80  }
0x40: {  	[tilespmem:s21], [sflag:$0x2] =	stream.linear.gather [hbm4b:s31+s3], $0x80, $0x38;
	[tilespmem:$0x18100] =	vst v63  }
0x41: {  	_ =	swait.ge [sflag:s19], $0x80  }
0x42: {  	[sflag:s19] =	ssyncset.done $0x0  }
0x43: {  	[sflag:s19] =	ssyncadd.s32 $0xFFFFFF80  }
0x44: {  	[tilespmem:s18], [sflag:$0x1] =	stream.indirect.gather [hbm4b:s4+s22], $0x80, s20, s22, $0xb8;
	[tilespmem:$0x18100] =	vst v63  }
0x45: {  	_ =	swait.ge [sflag:s23], $0x4000  }
0x46: {  	[sflag:s23] =	ssyncset.done $0x0  }
0x47: {  	[sflag:s23] =	ssyncadd.s32 $0xFFFFC000  }
0x48: {  	[spmem:s2] =	stream.indirect.scatter.add.f32 [tilespmem:s18], [sflag:$0x2], $0x80, s21, s22, $0xb8;
	[tilespmem:$0x18100] =	vst v63  }
0x49: {  	_ =	swait.ge [sflag:s19], $0x4000  }
0x4a: {  	s25 =	simm.s32 $0x10;
	s26 =	simm.s32 $0x20;
	[sflag:s19] =	ssyncset.done $0x0  }
.LBB2_4:
0x4b: {  	s28 =	sadd.s32 s25, s17  }
0x4c: {  	[sflag:s19] =	ssyncadd.s32 $0xFFFFC000;
	s29 =	smov.u32 s26;
	s30 =	sadd.s32 $0x10, s26  }
0x4d: {  	[tilespmem:s20], [sflag:$0x2] =	stream.linear.gather [hbm4b:s28+s3], $0x80, $0x38;
	[tilespmem:$0x18100] =	vst v63  }
0x4e: {  	p0 =	sne.s32 s26, $0x4F0;
	_ =	swait.ge [sflag:s19], $0x80  }
0x4f: {  	[sflag:s19] =	ssyncset.done $0x0  }
0x50: {  	s26 =	sadd.s32 s25, s16;
	s25 =	smov.u32 s29;
	[sflag:s19] =	ssyncadd.s32 $0xFFFFFF80  }
0x51: {  	[tilespmem:s21], [sflag:$0x2] =	stream.linear.gather [hbm4b:s26+s3], $0x80, $0x38;
	[tilespmem:$0x18100] =	vst v63  }
0x52: {  	_ =	swait.ge [sflag:s19], $0x80  }
0x53: {  	[sflag:s19] =	ssyncset.done $0x0  }
0x54: {  	[sflag:s19] =	ssyncadd.s32 $0xFFFFFF80  }
0x55: {  	[tilespmem:s18], [sflag:$0x1] =	stream.indirect.gather [hbm4b:s4+s22], $0x80, s20, s22, $0xb8;
	[tilespmem:$0x18100] =	vst v63  }
0x56: {  	_ =	swait.ge [sflag:s23], $0x4000  }
.Ltmp1:
0x57: {  	[sflag:s23] =	ssyncset.done $0x0;
	(pc) =	sbr.rel @p0 .LBB2_4-.Ltmp1, $4  }
0x58: {  	[sflag:s23] =	ssyncadd.s32 $0xFFFFC000  }
0x59: {  	[spmem:s2] =	stream.indirect.scatter.add.f32 [tilespmem:s18], [sflag:$0x2], $0x80, s21, s22, $0xb8;
	[tilespmem:$0x18100] =	vst v63  }
0x5a: {  	_ =	swait.ge [sflag:s19], $0x4000  }
0x5b: {  	s26 =	smov.u32 s30;
	[sflag:s19] =	ssyncset.done $0x0  }
0x5c: {  	s26 =	sadd.s32 s25, s17;
	[sflag:s19] =	ssyncadd.s32 $0xFFFFC000  }
0x5d: {  	[tilespmem:s20], [sflag:$0x2] =	stream.linear.gather [hbm4b:s26+s3], $0x80, $0x38;
	[tilespmem:$0x18100] =	vst v63  }
0x5e: {  	_ =	swait.ge [sflag:s19], $0x80  }
0x5f: {  	[sflag:s19] =	ssyncset.done $0x0  }
0x60: {  	s31 =	sadd.s32 s25, s16;
	[sflag:s19] =	ssyncadd.s32 $0xFFFFFF80  }
0x61: {  	[tilespmem:s21], [sflag:$0x2] =	stream.linear.gather [hbm4b:s31+s3], $0x80, $0x38;
	[tilespmem:$0x18100] =	vst v63  }
0x62: {  	_ =	swait.ge [sflag:s19], $0x80  }
0x63: {  	[sflag:s19] =	ssyncset.done $0x0  }
0x64: {  	[sflag:s19] =	ssyncadd.s32 $0xFFFFFF80  }
0x65: {  	[tilespmem:s18], [sflag:$0x1] =	stream.indirect.gather [hbm4b:s4+s22], $0x80, s20, s22, $0xb8;
	[tilespmem:$0x18100] =	vst v63  }
0x66: {  	_ =	swait.ge [sflag:s23], $0x4000  }
0x67: {  	[sflag:s23] =	ssyncset.done $0x0  }
0x68: {  	[sflag:s23] =	ssyncadd.s32 $0xFFFFC000  }
0x69: {  	[spmem:s2] =	stream.indirect.scatter.add.f32 [tilespmem:s18], [sflag:$0x2], $0x80, s21, s22, $0xb8;
	[tilespmem:$0x18100] =	vst v63  }
0x6a: {  	_ =	swait.ge [sflag:s19], $0x4000  }
0x6b: {  	[sflag:s19] =	ssyncset.done $0x0  }
0x6c: {  	[sflag:s19] =	ssyncadd.s32 $0xFFFFC000  }
0x6d: {  	[bflag:$0x0] =	sbarrier.arrive $0xFFFF  }
0x6e: {  	[tilespmem:s18], [sflag:$0x2] =	stream.linear.gather [spmem:s5], $0x4000, $0x38;
	[tilespmem:$0x18100] =	vst v63  }
0x6f: {  	_ =	swait.ge [sflag:s19], $0x4000  }
0x70: {  	[sflag:s19] =	ssyncset.done $0x0  }
0x71: {  	[sflag:s19] =	ssyncadd.s32 $0xFFFFC000  }
0x72: {  	[hbm4b:s10+s3] =	stream.linear.scatter [tilespmem:s18], [sflag:$0x2], $0x4000, $0x38;
	[tilespmem:$0x18100] =	vst v63  }
0x73: {  	_ =	swait.ge [sflag:s19], $0x4000  }
0x74: {  	[sflag:s19] =	ssyncset.done $0x0  }
0x75: {  	[sflag:s19] =	ssyncadd.s32 $0xFFFFC000  }
0x76: {  	[tilespmem:s18], [sflag:$0x2] =	stream.linear.gather [spmem:s6], $0x4000, $0x38;
	[tilespmem:$0x18100] =	vst v63  }
0x77: {  	_ =	swait.ge [sflag:s19], $0x4000  }
0x78: {  	[sflag:s19] =	ssyncset.done $0x0  }
0x79: {  	[sflag:s19] =	ssyncadd.s32 $0xFFFFC000  }
0x7a: {  	[hbm4b:s11+s3] =	stream.linear.scatter [tilespmem:s18], [sflag:$0x2], $0x4000, $0x38;
	[tilespmem:$0x18100] =	vst v63  }
0x7b: {  	_ =	swait.ge [sflag:s19], $0x4000  }
0x7c: {  	[sflag:s19] =	ssyncset.done $0x0  }
0x7d: {  	[sflag:s19] =	ssyncadd.s32 $0xFFFFC000  }
0x7e: {  	[tilespmem:s18], [sflag:$0x2] =	stream.linear.gather [spmem:s7], $0x4000, $0x38;
	[tilespmem:$0x18100] =	vst v63  }
0x7f: {  	_ =	swait.ge [sflag:s19], $0x4000  }
0x80: {  	[sflag:s19] =	ssyncset.done $0x0  }
0x81: {  	[sflag:s19] =	ssyncadd.s32 $0xFFFFC000  }
0x82: {  	[hbm4b:s12+s3] =	stream.linear.scatter [tilespmem:s18], [sflag:$0x2], $0x4000, $0x38;
	[tilespmem:$0x18100] =	vst v63  }
0x83: {  	_ =	swait.ge [sflag:s19], $0x4000  }
0x84: {  	[sflag:s19] =	ssyncset.done $0x0  }
0x85: {  	[sflag:s19] =	ssyncadd.s32 $0xFFFFC000  }
0x86: {  	[tilespmem:s18], [sflag:$0x2] =	stream.linear.gather [spmem:s8], $0x4000, $0x38;
	[tilespmem:$0x18100] =	vst v63  }
0x87: {  	_ =	swait.ge [sflag:s19], $0x4000  }
0x88: {  	[sflag:s19] =	ssyncset.done $0x0  }
0x89: {  	[sflag:s19] =	ssyncadd.s32 $0xFFFFC000  }
0x8a: {  	[hbm4b:s13+s3] =	stream.linear.scatter [tilespmem:s18], [sflag:$0x2], $0x4000, $0x38;
	[tilespmem:$0x18100] =	vst v63  }
0x8b: {  	_ =	swait.ge [sflag:s19], $0x4000  }
0x8c: {  	[sflag:s19] =	ssyncset.done $0x0  }
0x8d: {  	[sflag:s19] =	ssyncadd.s32 $0xFFFFC000  }
0x8e: {  	[tilespmem:s18], [sflag:$0x2] =	stream.linear.gather [spmem:s9], $0x4000, $0x38;
	[tilespmem:$0x18100] =	vst v63  }
0x8f: {  	s24 =	sadd.s32 $0x1, s24;
	_ =	swait.ge [sflag:s19], $0x4000  }
0x90: {  	p0 =	sne.s32 s24, s15;
	[sflag:s19] =	ssyncset.done $0x0  }
.Ltmp2:
0x91: {  	[sflag:s19] =	ssyncadd.s32 $0xFFFFC000;
	(pc) =	sbr.rel @p0 .LBB2_1-.Ltmp2, $4  }
0x92: {  	[hbm4b:s14+s3] =	stream.linear.scatter [tilespmem:s18], [sflag:$0x2], $0x4000, $0x38;
	[tilespmem:$0x18100] =	vst v63  }
0x93: {  	_ =	swait.ge [sflag:s19], $0x4000  }
0x94: {  	[sflag:s19] =	ssyncset.done $0x0  }
0x95: {  	[sflag:s19] =	ssyncadd.s32 $0xFFFFC000  }
0x96: {  	_ =	sfence.sel $0x180000  }
0x97: {  	[bflag:$0x0] =	sbarrier.arrive $0xFFFF  }
0x98: {  	p0 =	sne.s32 s1, $0x0;
	_ =	strace $0x90000053  }
0x99: {  	s0 =	sadd.s32 @!p0 $0x100000, s0;
	[bflag:$0x2] =	sbarrier.arrive $0xFFFF  }
0x9a: {  	[sflag:s0] =	ssyncadd.tile.s32 @!p0 $0x1;
	_ =	shalt  }
.Lfunc_end2:
_tile_overlayer_lowered:
.L_overlay_start_2:
0x9b: {  	(tag) =	ssettag $0x2  }
0x9c: {  	s0 =	rddreg [dreg:$0x0];
	s2 =	stileid.u32  }
0x9d: {  	s1 =	rddreg [dreg:$0x1];
	p0 =	sne.s32 s2, $0x0  }
0x9e: {  	s3 =	rddreg [dreg:$0x2];
	[bflag:$0x3] =	sbarrier.arrive $0xFFFF;
	s2 =	simm.s32 @!p0 $0x1C02  }
0x9f: {  	[timem:s3], [sflag:s2] =	dma.local @!p0 [hbm:s0], s1  }
0xa0: {  	s0 =	simm.s32 @!p0 $0x2  }
0xa1: {  	_ =	swait.ge @!p0 [sflag:s0], s1  }
0xa2: {  	s1 =	ssub.s32 @!p0 $0x0, s1;
	[sflag:s0] =	ssyncset.done @!p0 $0x0  }
0xa3: {  	[sflag:s0] =	ssyncadd.s32 @!p0 s1  }
0xa4: {  	[bflag:$0x3] =	sbarrier.arrive $0xFFFF  }
0xa5: {  	_ =	shalt  }

</sc_bundles>
